<compile_context>
chip_gen: v7x
topology: tpu7x:2x2x1
jax: 0.10.2.dev20260603
libtpu: 0.0.44.dev20260713+nightly
codegen_flags: <defaults>
</compile_context>

<pallas_src>
import dataclasses
import functools

import jax
import jax.numpy as jnp
from jax import lax
from jax.experimental import pallas as pl
from jax.experimental.pallas import tpu as pltpu
from jax.experimental.pallas import tpu_sc as plsc

D = 128
B = 128
NC = 2
NS = 16
NW = NC * NS

_mesh = functools.partial(
    plsc.VectorSubcoreMesh, core_axis_name="c", subcore_axis_name="s"
)


def _no_layout_params():
    cp = pltpu.CompilerParams()
    if "needs_layout_passes" in pltpu.CompilerParams.__dataclass_fields__:
        cp = dataclasses.replace(cp, needs_layout_passes=False)
    return cp


def _deg_call(n, bpt, npt, last):
    HR = -(-(n + 1) // (128 * 8)) * 8

    @functools.partial(
        pl.kernel,
        mesh=_mesh(),
        compiler_params=_no_layout_params(),
        out_type=jax.ShapeDtypeStruct((NC, HR, 128), jnp.float32),
        scratch_types=[
            pltpu.VMEM((bpt * B,), jnp.int32),
            pltpu.VMEM((HR, 128), jnp.float32),
            pltpu.VMEM((8, 128), jnp.float32),
            pltpu.VMEM((8, 128), jnp.float32),
            pltpu.VMEM_SHARED((NS, HR, 128), jnp.float32),
        ],
    )
    def deg_kernel(dst_hbm, out_hbm, dst_v, hist, tmp, accv, stage):
        cid = lax.axis_index("c")
        sid = lax.axis_index("s")
        wid = cid * NS + sid
        pltpu.sync_copy(dst_hbm.at[pl.ds(wid * bpt * B, bpt * B)], dst_v)

        zero16 = jnp.zeros((16,), jnp.float32)
        one16 = jnp.ones((16,), jnp.float32)

        @pl.loop(0, HR)
        def _(r):
            for c in range(8):
                hist[r, pl.ds(c * 16, 16)] = zero16

        @pl.loop(0, bpt * B // 16)
        def _(k):
            idx = dst_v[pl.ds(k * 16, 16)]
            plsc.addupdate_scatter(
                hist, [jnp.right_shift(idx, 7), jnp.bitwise_and(idx, 127)],
                one16)

        pltpu.sync_copy(hist, stage.at[sid])
        plsc.subcore_barrier()

        @pl.when(sid < HR // 8)
        def _():
            for r in range(8):
                for c in range(8):
                    accv[r, pl.ds(c * 16, 16)] = zero16

            @pl.loop(0, NS)
            def _(t):
                pltpu.sync_copy(stage.at[t, pl.ds(sid * 8, 8)], tmp)
                for r in range(8):
                    for c in range(8):
                        sl = (r, pl.ds(c * 16, 16))
                        accv[sl] = accv[sl] + tmp[sl]

            pltpu.sync_copy(accv, out_hbm.at[cid, pl.ds(sid * 8, 8)])

    return deg_kernel


def _expand_call(n, bpt, npt, last, e_pad):

    @functools.partial(
        pl.kernel,
        mesh=_mesh(),
        out_type=jax.ShapeDtypeStruct((e_pad, D), jnp.float32),
        scratch_types=[
            pltpu.VMEM((bpt * B,), jnp.int32),
            pltpu.VMEM((B, D), jnp.float32),
            pltpu.VMEM((B, D), jnp.float32),
            pltpu.SemaphoreType.DMA,
            pltpu.SemaphoreType.DMA,
            pltpu.SemaphoreType.DMA,
            pltpu.SemaphoreType.DMA,
            pltpu.VMEM_SHARED((n, D), jnp.float32),
        ],
    )
    def expand_kernel(g_hbm, src_hbm, out_hbm, src_v, r0, r1,
                      s0, s1, w0, w1, tab):
        rr = [(r0, s0, w0), (r1, s1, w1)]
        cid = lax.axis_index("c")
        sid = lax.axis_index("s")
        wid = cid * NS + sid
        pltpu.sync_copy(src_hbm.at[pl.ds(wid * bpt * B, bpt * B)], src_v)

        @pl.when(sid < NS - 1)
        def _():
            pltpu.sync_copy(g_hbm.at[pl.ds(sid * npt, npt)],
                            tab.at[pl.ds(sid * npt, npt)])

        @pl.when(sid == NS - 1)
        def _():
            pltpu.sync_copy(g_hbm.at[pl.ds(sid * npt, last)],
                            tab.at[pl.ds(sid * npt, last)])

        plsc.subcore_barrier()

        def gfire(t, r, s):
            pltpu.async_copy(tab.at[src_v.at[pl.ds(t * B, B)]], r, s)

        gfire(0, r0, s0)

        @pl.loop(0, bpt, step=2)
        def _(c):
            for jj in range(2):
                t = c + jj
                r, s, w = rr[jj]
                rn, sn, wn = rr[1 - jj]
                pltpu.make_async_copy(g_hbm.at[pl.ds(0, B)], r, s).wait()
                if jj == 0:
                    @pl.when(t > 0)
                    def _():
                        pltpu.make_async_copy(g_hbm.at[pl.ds(0, B)],
                                              rn, wn).wait()
                else:
                    pltpu.make_async_copy(g_hbm.at[pl.ds(0, B)],
                                          rn, wn).wait()
                if jj == 1:
                    @pl.when(t + 1 < bpt)
                    def _():
                        gfire(t + 1, rn, sn)
                else:
                    gfire(t + 1, rn, sn)
                pltpu.async_copy(
                    r, out_hbm.at[pl.ds((wid * bpt + t) * B, B)], w)

        pltpu.make_async_copy(g_hbm.at[pl.ds(0, B)], r1, w1).wait()

    return expand_kernel


def _reduce_call(n, bpt, npt, last, e_pad):

    @functools.partial(
        pl.kernel,
        mesh=_mesh(),
        out_type=jax.ShapeDtypeStruct((NC, n, D), jnp.float32),
        scratch_types=[
            pltpu.VMEM((bpt, B), jnp.int32),
            pltpu.VMEM((B, D), jnp.float32),
            pltpu.VMEM((B, D), jnp.float32),
            pltpu.SemaphoreType.DMA,
            pltpu.SemaphoreType.DMA,
            pltpu.VMEM_SHARED((NS * npt, D), jnp.float32),
        ],
    )
    def reduce_kernel(msgs_hbm, dst_hbm, zeros_hbm, out_hbm,
                      dst_v, r0, r1, s0, s1, acc):
        cid = lax.axis_index("c")
        sid = lax.axis_index("s")
        wid = cid * NS + sid
        pltpu.sync_copy(dst_hbm.at[pl.ds(wid * bpt, bpt)], dst_v)

        @pl.when(sid < NS - 1)
        def _():
            pltpu.sync_copy(zeros_hbm, acc.at[pl.ds(sid * npt, npt)])

        @pl.when(sid == NS - 1)
        def _():
            pltpu.sync_copy(zeros_hbm.at[pl.ds(0, last)],
                            acc.at[pl.ds(sid * npt, last)])

        plsc.subcore_barrier()

        def rfire(t, r, s):
            pltpu.async_copy(
                msgs_hbm.at[pl.ds((wid * bpt + t) * B, B)], r, s)

        rfire(0, r0, s0)

        @pl.loop(0, bpt, step=2)
        def _(c):
            for jj in range(2):
                t = c + jj
                r, s = (r0, s0) if jj == 0 else (r1, s1)
                rn, sn = (r1, s1) if jj == 0 else (r0, s0)
                pltpu.make_async_copy(msgs_hbm.at[pl.ds(0, B)], r, s).wait()
                if jj == 1:
                    @pl.when(t + 1 < bpt)
                    def _():
                        rfire(t + 1, rn, sn)
                else:
                    rfire(t + 1, rn, sn)
                pltpu.sync_copy(r, acc.at[dst_v.at[t]], add=True)

        plsc.subcore_barrier()

        @pl.when(sid < NS - 1)
        def _():
            pltpu.sync_copy(acc.at[pl.ds(sid * npt, npt)],
                            out_hbm.at[cid, pl.ds(sid * npt, npt)])

        @pl.when(sid == NS - 1)
        def _():
            pltpu.sync_copy(acc.at[pl.ds(sid * npt, last)],
                            out_hbm.at[cid, pl.ds(sid * npt, last)])

    return reduce_kernel


def _dinv_from(dcol):
    return lax.rsqrt(dcol + 1.0)


def _mm_scale_body(x_ref, w_ref, dcol_ref, o_ref):
    o_ref[...] = jnp.dot(x_ref[...], w_ref[...],
                         preferred_element_type=jnp.float32) * _dinv_from(
                             dcol_ref[...])


def _layer2_body(aggp_ref, g1_ref, dcol_ref, b1_ref, w2_ref, o_ref):
    dinv = _dinv_from(dcol_ref[...])
    a = aggp_ref[...]
    t = dinv * (a[0] + a[1] + g1_ref[...]) + b1_ref[...]
    t = jnp.maximum(t, 0.0)
    o_ref[...] = jnp.dot(t, w2_ref[...],
                         preferred_element_type=jnp.float32) * dinv


def _final_body(aggp_ref, g2_ref, dcol_ref, b2_ref, o_ref):
    dinv = _dinv_from(dcol_ref[...])
    a = aggp_ref[...]
    o_ref[...] = dinv * (a[0] + a[1] + g2_ref[...]) + b2_ref[...]


def _row_spec(bm, w):
    return pl.BlockSpec((bm, w), lambda i: (i, 0))


def _part_spec(bm, w):
    return pl.BlockSpec((NC, bm, w), lambda i: (0, i, 0))


def _full_spec(r, c):
    return pl.BlockSpec((r, c), lambda i: (0, 0))


def kernel(x, edge_index, W1, b1, W2, b2):
    n = x.shape[0]
    e = edge_index.shape[1]
    bpt = -(-e // (NW * B))
    bpt = -(-bpt // 8) * 8
    e_pad = NW * bpt * B
    npt = -(-(-(-n // NS)) // 8) * 8
    last = n - (NS - 1) * npt
    assert 0 < last <= npt and NS * npt > n

    src = edge_index[0]
    dst = edge_index[1]
    pad = e_pad - e
    src_p = jnp.concatenate([src, jnp.zeros((pad,), src.dtype)])
    dst_p = jnp.concatenate([dst, jnp.full((pad,), n, dst.dtype)])
    dst_p = dst_p.reshape(NW * bpt, B)

    zeros_nd = jnp.zeros((npt, D), jnp.float32)
    assert last % 8 == 0

    bm = 2000
    assert n % bm == 0
    grid = (n // bm,)

    mm_scale = pl.pallas_call(
        _mm_scale_body,
        grid=grid,
        in_specs=[_row_spec(bm, D), _full_spec(D, D), _row_spec(bm, 1)],
        out_specs=_row_spec(bm, D),
        out_shape=jax.ShapeDtypeStruct((n, D), jnp.float32),
    )
    layer2 = pl.pallas_call(
        _layer2_body,
        grid=grid,
        in_specs=[_part_spec(bm, D), _row_spec(bm, D), _row_spec(bm, 1),
                  _full_spec(1, D), _full_spec(D, D)],
        out_specs=_row_spec(bm, D),
        out_shape=jax.ShapeDtypeStruct((n, D), jnp.float32),
    )
    final = pl.pallas_call(
        _final_body,
        grid=grid,
        in_specs=[_part_spec(bm, D), _row_spec(bm, D), _row_spec(bm, 1),
                  _full_spec(1, D)],
        out_specs=_row_spec(bm, D),
        out_shape=jax.ShapeDtypeStruct((n, D), jnp.float32),
    )

    deg = _deg_call(n, bpt, npt, last)
    expand = _expand_call(n, bpt, npt, last, e_pad)
    reduce_ = _reduce_call(n, bpt, npt, last, e_pad)

    def agg(g):
        return reduce_(expand(g, src_p), dst_p, zeros_nd)

    dst_flat = dst_p.reshape(-1)
    degp = deg(dst_flat)
    dcol = (degp[0] + degp[1]).reshape(-1)[:n, None]
    g1 = mm_scale(x, W1, dcol)
    a1 = agg(g1)
    g2 = layer2(a1, g1, dcol, b1.reshape(1, D), W2)
    a2 = agg(g2)
    out = final(a2, g2, dcol, b2.reshape(1, D))
    return out

# --- scband reference (transcript-rebuilt; emitter-appended) ---
"""Pipeline reference for scband-gcnspatial-53601191854857 (READ-ONLY COPY).

The authoritative reference and input builder live on the scoring server;
editing this copy changes nothing except your own understanding.
"""

import jax, jax.numpy as jnp
import numpy as np

N = 10000
E = 320000
D_IN = 128
D_OUT = 128


def gcn_conv(x, edge_index, W, b):
    n = x.shape[0]
    src = edge_index[0]
    dst = edge_index[1]
    loop = jnp.arange(n, dtype=src.dtype)
    src = jnp.concatenate([src, loop])
    dst = jnp.concatenate([dst, loop])
    ones = jnp.ones(src.shape[0], dtype=x.dtype)
    deg = jnp.zeros(n, dtype=x.dtype).at[dst].add(ones)
    deg_inv_sqrt = jnp.where(deg > 0, deg ** -0.5, 0.0)
    norm = deg_inv_sqrt[src] * deg_inv_sqrt[dst]
    h = x @ W
    msg = h[src] * norm[:, None]
    out = jnp.zeros((n, W.shape[1]), dtype=x.dtype).at[dst].add(msg)
    return out + b


def setup_inputs(seed: int = 0) -> dict:
    key = jax.random.key(seed)
    k1, k2, k3, k4, k5, k6 = jax.random.split(key, 6)
    x = jax.random.normal(k1, (N, D_IN), dtype=jnp.float32)
    edge_index = jax.random.randint(k2, (2, E), 0, N)
    W1 = jax.random.normal(k3, (D_IN, D_OUT), dtype=jnp.float32) * (1.0 / np.sqrt(D_IN))
    b1 = jnp.zeros((D_OUT,), dtype=jnp.float32)
    W2 = jax.random.normal(k4, (D_OUT, D_OUT), dtype=jnp.float32) * (1.0 / np.sqrt(D_OUT))
    b2 = jnp.zeros((D_OUT,), dtype=jnp.float32)
    return {"x": x, "edge_index": edge_index, "W1": W1, "b1": b1, "W2": W2, "b2": b2}


def reference(x, edge_index, W1, b1, W2, b2):
    h = jax.nn.relu(gcn_conv(x, edge_index, W1, b1))
    out = gcn_conv(h, edge_index, W2, b2)
    return out

if __name__ == "__main__":
    import jax
    _d = setup_inputs()
    print(jax.jit(kernel)(*tuple(_d.values())))

</pallas_src>

<mosaic_0001>
#map = affine_map<(d0, d1) -> (0)>
#map1 = affine_map<(d0, d1) -> (0, 0, 0)>
module attributes {stable_mosaic.version = 14 : i64} {
  func.func @deg_kernel(%arg0: i32, %arg1: i32, %arg2: memref<327680xi32, #tpu.memory_space<hbm>>, %arg3: memref<2x80x128xf32, #tpu.memory_space<hbm>>, %arg4: memref<10240xi32, #tpu.memory_space<vmem>>, %arg5: memref<80x128xf32, #tpu.memory_space<vmem>>, %arg6: memref<8x128xf32, #tpu.memory_space<vmem>>, %arg7: memref<8x128xf32, #tpu.memory_space<vmem>>, %arg8: memref<16x80x128xf32, #tpu.memory_space<vmem_shared>>) attributes {dimension_semantics = [#tpu.dimension_semantics<core_parallel>, #tpu.dimension_semantics<subcore_parallel>], iteration_bounds = array<i64: 2, 16>, scalar_prefetch = 0 : i64, scratch_operands = 5 : i64, tpu.core_type = #tpu.core_type<sc_vector_subcore>, window_params = [{transform_indices = #map}, {transform_indices = #map1}]} {
    %mul3A = arith.constant 16 : i32
    %mul3A_0 = arith.muli %arg0, %mul3A : i32
    %add3A = arith.addi %mul3A_0, %arg1 : i32
    %mul3A_1 = arith.constant 80 : i32
    %mul3A_2 = arith.muli %add3A, %mul3A_1 : i32
    %mul3A_3 = arith.constant 128 : i32
    %mul3A_4 = arith.muli %mul3A_2, %mul3A_3 : i32
    "tpu.region"() ({
      %run_scoped3A = tpu.sem_alloc : memref<!tpu.dma_semaphore, #tpu.memory_space<semaphore_mem>>
      %dma_start3A = tpu.memref_slice %arg2[%mul3A_4] : memref<327680xi32, #tpu.memory_space<hbm>> -> memref<10240xi32, #tpu.memory_space<hbm>>
      %dma_start3A_19 = tpu.memref_slice %arg2[%mul3A_4] : memref<327680xi32, #tpu.memory_space<hbm>> -> memref<10240xi32, #tpu.memory_space<hbm>>
      tpu.enqueue_dma source(%dma_start3A_19 : memref<10240xi32, #tpu.memory_space<hbm>>) target(%arg4 : memref<10240xi32, #tpu.memory_space<vmem>>) target_semaphore(%run_scoped3A : memref<!tpu.dma_semaphore, #tpu.memory_space<semaphore_mem>>)
      %dma_wait3A = tpu.memref_slice %arg2[%mul3A_4] : memref<327680xi32, #tpu.memory_space<hbm>> -> memref<10240xi32, #tpu.memory_space<hbm>>
      %dma_wait3A_20 = tpu.memref_slice %arg2[%mul3A_4] : memref<327680xi32, #tpu.memory_space<hbm>> -> memref<10240xi32, #tpu.memory_space<hbm>>
      tpu.wait_dma2 semaphore(%run_scoped3A : memref<!tpu.dma_semaphore, #tpu.memory_space<semaphore_mem>>) src(%dma_wait3A_20 : memref<10240xi32, #tpu.memory_space<hbm>>) dst(%arg4 : memref<10240xi32, #tpu.memory_space<vmem>>)
      tpu.yield
    }) : () -> ()
    %broadcast_in_dim3A = arith.constant 0.000000e+00 : f32
    %broadcast_in_dim3A_5 = vector.broadcast %broadcast_in_dim3A : f32 to vector<16xf32>
    %broadcast_in_dim3A_6 = arith.constant 1.000000e+00 : f32
    %broadcast_in_dim3A_7 = vector.broadcast %broadcast_in_dim3A_6 : f32 to vector<16xf32>
    %scan3A = arith.constant 0 : i32
    %scan3A_8 = arith.constant 80 : i32
    %scan3A_9 = arith.addi %scan3A, %scan3A_8 : i32
    %scan3A_10 = arith.constant 1 : i32
    scf.for %scan3A_19 = %scan3A to %scan3A_9 step %scan3A_10  : i32 {
      %mul3A_20 = arith.constant 1 : i32
      %mul3A_21 = arith.muli %scan3A_19, %mul3A_20 : i32
      %add3A_22 = arith.constant 0 : i32
      %add3A_23 = arith.addi %add3A_22, %mul3A_21 : i32
      %swap3A = arith.index_cast %add3A_23 : i32 to index
      %swap3A_24 = arith.constant 0 : index
      %swap3A_25 = tpu.vector_load %arg5[%swap3A, %swap3A_24] {strides = array<i32>} : memref<80x128xf32, #tpu.memory_space<vmem>>, vector<16xf32>,
      tpu.vector_store %arg5[%swap3A, %swap3A_24], %broadcast_in_dim3A_5 {strides = array<i32>} : memref<80x128xf32, #tpu.memory_space<vmem>>, vector<16xf32>,
      %swap3A_26 = arith.index_cast %add3A_23 : i32 to index
      %swap3A_27 = arith.constant 16 : index
      %swap3A_28 = tpu.vector_load %arg5[%swap3A_26, %swap3A_27] {strides = array<i32>} : memref<80x128xf32, #tpu.memory_space<vmem>>, vector<16xf32>,
      tpu.vector_store %arg5[%swap3A_26, %swap3A_27], %broadcast_in_dim3A_5 {strides = array<i32>} : memref<80x128xf32, #tpu.memory_space<vmem>>, vector<16xf32>,
      %swap3A_29 = arith.index_cast %add3A_23 : i32 to index
      %swap3A_30 = arith.constant 32 : index
      %swap3A_31 = tpu.vector_load %arg5[%swap3A_29, %swap3A_30] {strides = array<i32>} : memref<80x128xf32, #tpu.memory_space<vmem>>, vector<16xf32>,
      tpu.vector_store %arg5[%swap3A_29, %swap3A_30], %broadcast_in_dim3A_5 {strides = array<i32>} : memref<80x128xf32, #tpu.memory_space<vmem>>, vector<16xf32>,
      %swap3A_32 = arith.index_cast %add3A_23 : i32 to index
      %swap3A_33 = arith.constant 48 : index
      %swap3A_34 = tpu.vector_load %arg5[%swap3A_32, %swap3A_33] {strides = array<i32>} : memref<80x128xf32, #tpu.memory_space<vmem>>, vector<16xf32>,
      tpu.vector_store %arg5[%swap3A_32, %swap3A_33], %broadcast_in_dim3A_5 {strides = array<i32>} : memref<80x128xf32, #tpu.memory_space<vmem>>, vector<16xf32>,
      %swap3A_35 = arith.index_cast %add3A_23 : i32 to index
      %swap3A_36 = arith.constant 64 : index
      %swap3A_37 = tpu.vector_load %arg5[%swap3A_35, %swap3A_36] {strides = array<i32>} : memref<80x128xf32, #tpu.memory_space<vmem>>, vector<16xf32>,
      tpu.vector_store %arg5[%swap3A_35, %swap3A_36], %broadcast_in_dim3A_5 {strides = array<i32>} : memref<80x128xf32, #tpu.memory_space<vmem>>, vector<16xf32>,
      %swap3A_38 = arith.index_cast %add3A_23 : i32 to index
      %swap3A_39 = arith.constant 80 : index
      %swap3A_40 = tpu.vector_load %arg5[%swap3A_38, %swap3A_39] {strides = array<i32>} : memref<80x128xf32, #tpu.memory_space<vmem>>, vector<16xf32>,
      tpu.vector_store %arg5[%swap3A_38, %swap3A_39], %broadcast_in_dim3A_5 {strides = array<i32>} : memref<80x128xf32, #tpu.memory_space<vmem>>, vector<16xf32>,
      %swap3A_41 = arith.index_cast %add3A_23 : i32 to index
      %swap3A_42 = arith.constant 96 : index
      %swap3A_43 = tpu.vector_load %arg5[%swap3A_41, %swap3A_42] {strides = array<i32>} : memref<80x128xf32, #tpu.memory_space<vmem>>, vector<16xf32>,
      tpu.vector_store %arg5[%swap3A_41, %swap3A_42], %broadcast_in_dim3A_5 {strides = array<i32>} : memref<80x128xf32, #tpu.memory_space<vmem>>, vector<16xf32>,
      %swap3A_44 = arith.index_cast %add3A_23 : i32 to index
      %swap3A_45 = arith.constant 112 : index
      %swap3A_46 = tpu.vector_load %arg5[%swap3A_44, %swap3A_45] {strides = array<i32>} : memref<80x128xf32, #tpu.memory_space<vmem>>, vector<16xf32>,
      tpu.vector_store %arg5[%swap3A_44, %swap3A_45], %broadcast_in_dim3A_5 {strides = array<i32>} : memref<80x128xf32, #tpu.memory_space<vmem>>, vector<16xf32>,
    }
    %scan3A_11 = arith.constant 80 : i32
    %scan3A_12 = arith.constant 0 : i32
    %scan3A_13 = arith.constant 640 : i32
    %scan3A_14 = arith.addi %scan3A_12, %scan3A_13 : i32
    %scan3A_15 = arith.constant 1 : i32
    scf.for %scan3A_19 = %scan3A_12 to %scan3A_14 step %scan3A_15  : i32 {
      %mul3A_20 = arith.constant 1 : i32
      %mul3A_21 = arith.muli %scan3A_19, %mul3A_20 : i32
      %add3A_22 = arith.constant 0 : i32
      %add3A_23 = arith.addi %add3A_22, %mul3A_21 : i32
      %mul3A_24 = arith.constant 16 : i32
      %mul3A_25 = arith.muli %add3A_23, %mul3A_24 : i32
      %get3A = arith.index_cast %mul3A_25 : i32 to index
      %get3A_26 = tpu.vector_load %arg4[%get3A] {strides = array<i32>} : memref<10240xi32, #tpu.memory_space<vmem>>, vector<16xi32>,
      %shift_right_arithmetic3A = arith.constant 7 : i32
      %shift_right_arithmetic3A_27 = vector.broadcast %shift_right_arithmetic3A : i32 to vector<16xi32>
      %shift_right_arithmetic3A_28 = arith.shrsi %get3A_26, %shift_right_arithmetic3A_27 : vector<16xi32>
      %and3A = arith.constant 127 : i32
      %and3A_29 = vector.broadcast %and3A : i32 to vector<16xi32>
      %and3A_30 = arith.andi %get3A_26, %and3A_29 : vector<16xi32>
      tpu.vector_store_idx %arg5[%shift_right_arithmetic3A_28, %and3A_30], %broadcast_in_dim3A_7 {add = true} : memref<80x128xf32, #tpu.memory_space<vmem>>[vector<16xi32>, vector<16xi32>], vector<16xf32>,
    }
    %scan3A_16 = arith.constant 640 : i32
    "tpu.region"() ({
      %run_scoped3A = tpu.sem_alloc : memref<!tpu.dma_semaphore, #tpu.memory_space<semaphore_mem>>
      %dma_start3A = arith.constant 0 : i32
      %dma_start3A_19 = arith.constant 0 : i32
      %dma_start3A_20 = tpu.memref_slice %arg8[%arg1, %dma_start3A, %dma_start3A_19] : memref<16x80x128xf32, #tpu.memory_space<vmem_shared>> -> memref<1x80x128xf32, #tpu.memory_space<vmem_shared>>
      %dma_start3A_21 = tpu.memref_squeeze %dma_start3A_20 : memref<1x80x128xf32, #tpu.memory_space<vmem_shared>> -> memref<80x128xf32, #tpu.memory_space<vmem_shared>>
      %dma_start3A_22 = arith.constant 0 : i32
      %dma_start3A_23 = arith.constant 0 : i32
      %dma_start3A_24 = tpu.memref_slice %arg8[%arg1, %dma_start3A_22, %dma_start3A_23] : memref<16x80x128xf32, #tpu.memory_space<vmem_shared>> -> memref<1x80x128xf32, #tpu.memory_space<vmem_shared>>
      %dma_start3A_25 = tpu.memref_squeeze %dma_start3A_24 : memref<1x80x128xf32, #tpu.memory_space<vmem_shared>> -> memref<80x128xf32, #tpu.memory_space<vmem_shared>>
      tpu.enqueue_dma source(%arg5 : memref<80x128xf32, #tpu.memory_space<vmem>>) target(%dma_start3A_25 : memref<80x128xf32, #tpu.memory_space<vmem_shared>>) target_semaphore(%run_scoped3A : memref<!tpu.dma_semaphore, #tpu.memory_space<semaphore_mem>>)
      %dma_wait3A = arith.constant 0 : i32
      %dma_wait3A_26 = arith.constant 0 : i32
      %dma_wait3A_27 = tpu.memref_slice %arg8[%arg1, %dma_wait3A, %dma_wait3A_26] : memref<16x80x128xf32, #tpu.memory_space<vmem_shared>> -> memref<1x80x128xf32, #tpu.memory_space<vmem_shared>>
      %dma_wait3A_28 = tpu.memref_squeeze %dma_wait3A_27 : memref<1x80x128xf32, #tpu.memory_space<vmem_shared>> -> memref<80x128xf32, #tpu.memory_space<vmem_shared>>
      %dma_wait3A_29 = arith.constant 0 : i32
      %dma_wait3A_30 = arith.constant 0 : i32
      %dma_wait3A_31 = tpu.memref_slice %arg8[%arg1, %dma_wait3A_29, %dma_wait3A_30] : memref<16x80x128xf32, #tpu.memory_space<vmem_shared>> -> memref<1x80x128xf32, #tpu.memory_space<vmem_shared>>
      %dma_wait3A_32 = tpu.memref_squeeze %dma_wait3A_31 : memref<1x80x128xf32, #tpu.memory_space<vmem_shared>> -> memref<80x128xf32, #tpu.memory_space<vmem_shared>>
      tpu.wait_dma2 semaphore(%run_scoped3A : memref<!tpu.dma_semaphore, #tpu.memory_space<semaphore_mem>>) src(%arg5 : memref<80x128xf32, #tpu.memory_space<vmem>>) dst(%dma_wait3A_32 : memref<80x128xf32, #tpu.memory_space<vmem_shared>>)
      tpu.yield
    }) : () -> ()
    %barrier3A = arith.constant 0 : index
    tpu.barrier barrier_id(%barrier3A)
    %lt3A = arith.constant 10 : i32
    %lt3A_17 = arith.cmpi slt, %arg1, %lt3A : i32
    %convert_element_type3A = arith.extui %lt3A_17 : i1 to i32
    %cond3A = arith.constant 0 : i32
    %cond3A_18 = arith.cmpi ne, %convert_element_type3A, %cond3A : i32
    scf.if %cond3A_18 {
      %swap3A = arith.constant 0 : i32
      %swap3A_19 = arith.index_cast %swap3A : i32 to index
      %swap3A_20 = arith.constant 0 : index
      %swap3A_21 = tpu.vector_load %arg7[%swap3A_19, %swap3A_20] {strides = array<i32>} : memref<8x128xf32, #tpu.memory_space<vmem>>, vector<16xf32>,
      tpu.vector_store %arg7[%swap3A_19, %swap3A_20], %broadcast_in_dim3A_5 {strides = array<i32>} : memref<8x128xf32, #tpu.memory_space<vmem>>, vector<16xf32>,
      %swap3A_22 = arith.constant 0 : i32
      %swap3A_23 = arith.index_cast %swap3A_22 : i32 to index
      %swap3A_24 = arith.constant 16 : index
      %swap3A_25 = tpu.vector_load %arg7[%swap3A_23, %swap3A_24] {strides = array<i32>} : memref<8x128xf32, #tpu.memory_space<vmem>>, vector<16xf32>,
      tpu.vector_store %arg7[%swap3A_23, %swap3A_24], %broadcast_in_dim3A_5 {strides = array<i32>} : memref<8x128xf32, #tpu.memory_space<vmem>>, vector<16xf32>,
      %swap3A_26 = arith.constant 0 : i32
      %swap3A_27 = arith.index_cast %swap3A_26 : i32 to index
      %swap3A_28 = arith.constant 32 : index
      %swap3A_29 = tpu.vector_load %arg7[%swap3A_27, %swap3A_28] {strides = array<i32>} : memref<8x128xf32, #tpu.memory_space<vmem>>, vector<16xf32>,
      tpu.vector_store %arg7[%swap3A_27, %swap3A_28], %broadcast_in_dim3A_5 {strides = array<i32>} : memref<8x128xf32, #tpu.memory_space<vmem>>, vector<16xf32>,
      %swap3A_30 = arith.constant 0 : i32
      %swap3A_31 = arith.index_cast %swap3A_30 : i32 to index
      %swap3A_32 = arith.constant 48 : index
      %swap3A_33 = tpu.vector_load %arg7[%swap3A_31, %swap3A_32] {strides = array<i32>} : memref<8x128xf32, #tpu.memory_space<vmem>>, vector<16xf32>,
      tpu.vector_store %arg7[%swap3A_31, %swap3A_32], %broadcast_in_dim3A_5 {strides = array<i32>} : memref<8x128xf32, #tpu.memory_space<vmem>>, vector<16xf32>,
      %swap3A_34 = arith.constant 0 : i32
      %swap3A_35 = arith.index_cast %swap3A_34 : i32 to index
      %swap3A_36 = arith.constant 64 : index
      %swap3A_37 = tpu.vector_load %arg7[%swap3A_35, %swap3A_36] {strides = array<i32>} : memref<8x128xf32, #tpu.memory_space<vmem>>, vector<16xf32>,
      tpu.vector_store %arg7[%swap3A_35, %swap3A_36], %broadcast_in_dim3A_5 {strides = array<i32>} : memref<8x128xf32, #tpu.memory_space<vmem>>, vector<16xf32>,
      %swap3A_38 = arith.constant 0 : i32
      %swap3A_39 = arith.index_cast %swap3A_38 : i32 to index
      %swap3A_40 = arith.constant 80 : index
      %swap3A_41 = tpu.vector_load %arg7[%swap3A_39, %swap3A_40] {strides = array<i32>} : memref<8x128xf32, #tpu.memory_space<vmem>>, vector<16xf32>,
      tpu.vector_store %arg7[%swap3A_39, %swap3A_40], %broadcast_in_dim3A_5 {strides = array<i32>} : memref<8x128xf32, #tpu.memory_space<vmem>>, vector<16xf32>,
      %swap3A_42 = arith.constant 0 : i32
      %swap3A_43 = arith.index_cast %swap3A_42 : i32 to index
      %swap3A_44 = arith.constant 96 : index
      %swap3A_45 = tpu.vector_load %arg7[%swap3A_43, %swap3A_44] {strides = array<i32>} : memref<8x128xf32, #tpu.memory_space<vmem>>, vector<16xf32>,
      tpu.vector_store %arg7[%swap3A_43, %swap3A_44], %broadcast_in_dim3A_5 {strides = array<i32>} : memref<8x128xf32, #tpu.memory_space<vmem>>, vector<16xf32>,
      %swap3A_46 = arith.constant 0 : i32
      %swap3A_47 = arith.index_cast %swap3A_46 : i32 to index
      %swap3A_48 = arith.constant 112 : index
      %swap3A_49 = tpu.vector_load %arg7[%swap3A_47, %swap3A_48] {strides = array<i32>} : memref<8x128xf32, #tpu.memory_space<vmem>>, vector<16xf32>,
      tpu.vector_store %arg7[%swap3A_47, %swap3A_48], %broadcast_in_dim3A_5 {strides = array<i32>} : memref<8x128xf32, #tpu.memory_space<vmem>>, vector<16xf32>,
      %swap3A_50 = arith.constant 1 : i32
      %swap3A_51 = arith.index_cast %swap3A_50 : i32 to index
      %swap3A_52 = arith.constant 0 : index
      %swap3A_53 = tpu.vector_load %arg7[%swap3A_51, %swap3A_52] {strides = array<i32>} : memref<8x128xf32, #tpu.memory_space<vmem>>, vector<16xf32>,
      tpu.vector_store %arg7[%swap3A_51, %swap3A_52], %broadcast_in_dim3A_5 {strides = array<i32>} : memref<8x128xf32, #tpu.memory_space<vmem>>, vector<16xf32>,
      %swap3A_54 = arith.constant 1 : i32
      %swap3A_55 = arith.index_cast %swap3A_54 : i32 to index
      %swap3A_56 = arith.constant 16 : index
      %swap3A_57 = tpu.vector_load %arg7[%swap3A_55, %swap3A_56] {strides = array<i32>} : memref<8x128xf32, #tpu.memory_space<vmem>>, vector<16xf32>,
      tpu.vector_store %arg7[%swap3A_55, %swap3A_56], %broadcast_in_dim3A_5 {strides = array<i32>} : memref<8x128xf32, #tpu.memory_space<vmem>>, vector<16xf32>,
      %swap3A_58 = arith.constant 1 : i32
      %swap3A_59 = arith.index_cast %swap3A_58 : i32 to index
      %swap3A_60 = arith.constant 32 : index
      %swap3A_61 = tpu.vector_load %arg7[%swap3A_59, %swap3A_60] {strides = array<i32>} : memref<8x128xf32, #tpu.memory_space<vmem>>, vector<16xf32>,
      tpu.vector_store %arg7[%swap3A_59, %swap3A_60], %broadcast_in_dim3A_5 {strides = array<i32>} : memref<8x128xf32, #tpu.memory_space<vmem>>, vector<16xf32>,
      %swap3A_62 = arith.constant 1 : i32
      %swap3A_63 = arith.index_cast %swap3A_62 : i32 to index
      %swap3A_64 = arith.constant 48 : index
      %swap3A_65 = tpu.vector_load %arg7[%swap3A_63, %swap3A_64] {strides = array<i32>} : memref<8x128xf32, #tpu.memory_space<vmem>>, vector<16xf32>,
      tpu.vector_store %arg7[%swap3A_63, %swap3A_64], %broadcast_in_dim3A_5 {strides = array<i32>} : memref<8x128xf32, #tpu.memory_space<vmem>>, vector<16xf32>,
      %swap3A_66 = arith.constant 1 : i32
      %swap3A_67 = arith.index_cast %swap3A_66 : i32 to index
      %swap3A_68 = arith.constant 64 : index
      %swap3A_69 = tpu.vector_load %arg7[%swap3A_67, %swap3A_68] {strides = array<i32>} : memref<8x128xf32, #tpu.memory_space<vmem>>, vector<16xf32>,
      tpu.vector_store %arg7[%swap3A_67, %swap3A_68], %broadcast_in_dim3A_5 {strides = array<i32>} : memref<8x128xf32, #tpu.memory_space<vmem>>, vector<16xf32>,
      %swap3A_70 = arith.constant 1 : i32
      %swap3A_71 = arith.index_cast %swap3A_70 : i32 to index
      %swap3A_72 = arith.constant 80 : index
      %swap3A_73 = tpu.vector_load %arg7[%swap3A_71, %swap3A_72] {strides = array<i32>} : memref<8x128xf32, #tpu.memory_space<vmem>>, vector<16xf32>,
      tpu.vector_store %arg7[%swap3A_71, %swap3A_72], %broadcast_in_dim3A_5 {strides = array<i32>} : memref<8x128xf32, #tpu.memory_space<vmem>>, vector<16xf32>,
      %swap3A_74 = arith.constant 1 : i32
      %swap3A_75 = arith.index_cast %swap3A_74 : i32 to index
      %swap3A_76 = arith.constant 96 : index
      %swap3A_77 = tpu.vector_load %arg7[%swap3A_75, %swap3A_76] {strides = array<i32>} : memref<8x128xf32, #tpu.memory_space<vmem>>, vector<16xf32>,
      tpu.vector_store %arg7[%swap3A_75, %swap3A_76], %broadcast_in_dim3A_5 {strides = array<i32>} : memref<8x128xf32, #tpu.memory_space<vmem>>, vector<16xf32>,
      %swap3A_78 = arith.constant 1 : i32
      %swap3A_79 = arith.index_cast %swap3A_78 : i32 to index
      %swap3A_80 = arith.constant 112 : index
      %swap3A_81 = tpu.vector_load %arg7[%swap3A_79, %swap3A_80] {strides = array<i32>} : memref<8x128xf32, #tpu.memory_space<vmem>>, vector<16xf32>,
      tpu.vector_store %arg7[%swap3A_79, %swap3A_80], %broadcast_in_dim3A_5 {strides = array<i32>} : memref<8x128xf32, #tpu.memory_space<vmem>>, vector<16xf32>,
      %swap3A_82 = arith.constant 2 : i32
      %swap3A_83 = arith.index_cast %swap3A_82 : i32 to index
      %swap3A_84 = arith.constant 0 : index
      %swap3A_85 = tpu.vector_load %arg7[%swap3A_83, %swap3A_84] {strides = array<i32>} : memref<8x128xf32, #tpu.memory_space<vmem>>, vector<16xf32>,
      tpu.vector_store %arg7[%swap3A_83, %swap3A_84], %broadcast_in_dim3A_5 {strides = array<i32>} : memref<8x128xf32, #tpu.memory_space<vmem>>, vector<16xf32>,
      %swap3A_86 = arith.constant 2 : i32
      %swap3A_87 = arith.index_cast %swap3A_86 : i32 to index
      %swap3A_88 = arith.constant 16 : index
      %swap3A_89 = tpu.vector_load %arg7[%swap3A_87, %swap3A_88] {strides = array<i32>} : memref<8x128xf32, #tpu.memory_space<vmem>>, vector<16xf32>,
      tpu.vector_store %arg7[%swap3A_87, %swap3A_88], %broadcast_in_dim3A_5 {strides = array<i32>} : memref<8x128xf32, #tpu.memory_space<vmem>>, vector<16xf32>,
      %swap3A_90 = arith.constant 2 : i32
      %swap3A_91 = arith.index_cast %swap3A_90 : i32 to index
      %swap3A_92 = arith.constant 32 : index
      %swap3A_93 = tpu.vector_load %arg7[%swap3A_91, %swap3A_92] {strides = array<i32>} : memref<8x128xf32, #tpu.memory_space<vmem>>, vector<16xf32>,
      tpu.vector_store %arg7[%swap3A_91, %swap3A_92], %broadcast_in_dim3A_5 {strides = array<i32>} : memref<8x128xf32, #tpu.memory_space<vmem>>, vector<16xf32>,
      %swap3A_94 = arith.constant 2 : i32
      %swap3A_95 = arith.index_cast %swap3A_94 : i32 to index
      %swap3A_96 = arith.constant 48 : index
      %swap3A_97 = tpu.vector_load %arg7[%swap3A_95, %swap3A_96] {strides = array<i32>} : memref<8x128xf32, #tpu.memory_space<vmem>>, vector<16xf32>,
      tpu.vector_store %arg7[%swap3A_95, %swap3A_96], %broadcast_in_dim3A_5 {strides = array<i32>} : memref<8x128xf32, #tpu.memory_space<vmem>>, vector<16xf32>,
      %swap3A_98 = arith.constant 2 : i32
      %swap3A_99 = arith.index_cast %swap3A_98 : i32 to index
      %swap3A_100 = arith.constant 64 : index
      %swap3A_101 = tpu.vector_load %arg7[%swap3A_99, %swap3A_100] {strides = array<i32>} : memref<8x128xf32, #tpu.memory_space<vmem>>, vector<16xf32>,
      tpu.vector_store %arg7[%swap3A_99, %swap3A_100], %broadcast_in_dim3A_5 {strides = array<i32>} : memref<8x128xf32, #tpu.memory_space<vmem>>, vector<16xf32>,
      %swap3A_102 = arith.constant 2 : i32
      %swap3A_103 = arith.index_cast %swap3A_102 : i32 to index
      %swap3A_104 = arith.constant 80 : index
      %swap3A_105 = tpu.vector_load %arg7[%swap3A_103, %swap3A_104] {strides = array<i32>} : memref<8x128xf32, #tpu.memory_space<vmem>>, vector<16xf32>,
      tpu.vector_store %arg7[%swap3A_103, %swap3A_104], %broadcast_in_dim3A_5 {strides = array<i32>} : memref<8x128xf32, #tpu.memory_space<vmem>>, vector<16xf32>,
      %swap3A_106 = arith.constant 2 : i32
      %swap3A_107 = arith.index_cast %swap3A_106 : i32 to index
      %swap3A_108 = arith.constant 96 : index
      %swap3A_109 = tpu.vector_load %arg7[%swap3A_107, %swap3A_108] {strides = array<i32>} : memref<8x128xf32, #tpu.memory_space<vmem>>, vector<16xf32>,
      tpu.vector_store %arg7[%swap3A_107, %swap3A_108], %broadcast_in_dim3A_5 {strides = array<i32>} : memref<8x128xf32, #tpu.memory_space<vmem>>, vector<16xf32>,
      %swap3A_110 = arith.constant 2 : i32
      %swap3A_111 = arith.index_cast %swap3A_110 : i32 to index
      %swap3A_112 = arith.constant 112 : index
      %swap3A_113 = tpu.vector_load %arg7[%swap3A_111, %swap3A_112] {strides = array<i32>} : memref<8x128xf32, #tpu.memory_space<vmem>>, vector<16xf32>,
      tpu.vector_store %arg7[%swap3A_111, %swap3A_112], %broadcast_in_dim3A_5 {strides = array<i32>} : memref<8x128xf32, #tpu.memory_space<vmem>>, vector<16xf32>,
      %swap3A_114 = arith.constant 3 : i32
      %swap3A_115 = arith.index_cast %swap3A_114 : i32 to index
      %swap3A_116 = arith.constant 0 : index
      %swap3A_117 = tpu.vector_load %arg7[%swap3A_115, %swap3A_116] {strides = array<i32>} : memref<8x128xf32, #tpu.memory_space<vmem>>, vector<16xf32>,
      tpu.vector_store %arg7[%swap3A_115, %swap3A_116], %broadcast_in_dim3A_5 {strides = array<i32>} : memref<8x128xf32, #tpu.memory_space<vmem>>, vector<16xf32>,
      %swap3A_118 = arith.constant 3 : i32
      %swap3A_119 = arith.index_cast %swap3A_118 : i32 to index
      %swap3A_120 = arith.constant 16 : index
      %swap3A_121 = tpu.vector_load %arg7[%swap3A_119, %swap3A_120] {strides = array<i32>} : memref<8x128xf32, #tpu.memory_space<vmem>>, vector<16xf32>,
      tpu.vector_store %arg7[%swap3A_119, %swap3A_120], %broadcast_in_dim3A_5 {strides = array<i32>} : memref<8x128xf32, #tpu.memory_space<vmem>>, vector<16xf32>,
      %swap3A_122 = arith.constant 3 : i32
      %swap3A_123 = arith.index_cast %swap3A_122 : i32 to index
      %swap3A_124 = arith.constant 32 : index
      %swap3A_125 = tpu.vector_load %arg7[%swap3A_123, %swap3A_124] {strides = array<i32>} : memref<8x128xf32, #tpu.memory_space<vmem>>, vector<16xf32>,
      tpu.vector_store %arg7[%swap3A_123, %swap3A_124], %broadcast_in_dim3A_5 {strides = array<i32>} : memref<8x128xf32, #tpu.memory_space<vmem>>, vector<16xf32>,
      %swap3A_126 = arith.constant 3 : i32
      %swap3A_127 = arith.index_cast %swap3A_126 : i32 to index
      %swap3A_128 = arith.constant 48 : index
      %swap3A_129 = tpu.vector_load %arg7[%swap3A_127, %swap3A_128] {strides = array<i32>} : memref<8x128xf32, #tpu.memory_space<vmem>>, vector<16xf32>,
      tpu.vector_store %arg7[%swap3A_127, %swap3A_128], %broadcast_in_dim3A_5 {strides = array<i32>} : memref<8x128xf32, #tpu.memory_space<vmem>>, vector<16xf32>,
      %swap3A_130 = arith.constant 3 : i32
      %swap3A_131 = arith.index_cast %swap3A_130 : i32 to index
      %swap3A_132 = arith.constant 64 : index
      %swap3A_133 = tpu.vector_load %arg7[%swap3A_131, %swap3A_132] {strides = array<i32>} : memref<8x128xf32, #tpu.memory_space<vmem>>, vector<16xf32>,
      tpu.vector_store %arg7[%swap3A_131, %swap3A_132], %broadcast_in_dim3A_5 {strides = array<i32>} : memref<8x128xf32, #tpu.memory_space<vmem>>, vector<16xf32>,
      %swap3A_134 = arith.constant 3 : i32
      %swap3A_135 = arith.index_cast %swap3A_134 : i32 to index
      %swap3A_136 = arith.constant 80 : index
      %swap3A_137 = tpu.vector_load %arg7[%swap3A_135, %swap3A_136] {strides = array<i32>} : memref<8x128xf32, #tpu.memory_space<vmem>>, vector<16xf32>,
      tpu.vector_store %arg7[%swap3A_135, %swap3A_136], %broadcast_in_dim3A_5 {strides = array<i32>} : memref<8x128xf32, #tpu.memory_space<vmem>>, vector<16xf32>,
      %swap3A_138 = arith.constant 3 : i32
      %swap3A_139 = arith.index_cast %swap3A_138 : i32 to index
      %swap3A_140 = arith.constant 96 : index
      %swap3A_141 = tpu.vector_load %arg7[%swap3A_139, %swap3A_140] {strides = array<i32>} : memref<8x128xf32, #tpu.memory_space<vmem>>, vector<16xf32>,
      tpu.vector_store %arg7[%swap3A_139, %swap3A_140], %broadcast_in_dim3A_5 {strides = array<i32>} : memref<8x128xf32, #tpu.memory_space<vmem>>, vector<16xf32>,
      %swap3A_142 = arith.constant 3 : i32
      %swap3A_143 = arith.index_cast %swap3A_142 : i32 to index
      %swap3A_144 = arith.constant 112 : index
      %swap3A_145 = tpu.vector_load %arg7[%swap3A_143, %swap3A_144] {strides = array<i32>} : memref<8x128xf32, #tpu.memory_space<vmem>>, vector<16xf32>,
      tpu.vector_store %arg7[%swap3A_143, %swap3A_144], %broadcast_in_dim3A_5 {strides = array<i32>} : memref<8x128xf32, #tpu.memory_space<vmem>>, vector<16xf32>,
      %swap3A_146 = arith.constant 4 : i32
      %swap3A_147 = arith.index_cast %swap3A_146 : i32 to index
      %swap3A_148 = arith.constant 0 : index
      %swap3A_149 = tpu.vector_load %arg7[%swap3A_147, %swap3A_148] {strides = array<i32>} : memref<8x128xf32, #tpu.memory_space<vmem>>, vector<16xf32>,
      tpu.vector_store %arg7[%swap3A_147, %swap3A_148], %broadcast_in_dim3A_5 {strides = array<i32>} : memref<8x128xf32, #tpu.memory_space<vmem>>, vector<16xf32>,
      %swap3A_150 = arith.constant 4 : i32
      %swap3A_151 = arith.index_cast %swap3A_150 : i32 to index
      %swap3A_152 = arith.constant 16 : index
      %swap3A_153 = tpu.vector_load %arg7[%swap3A_151, %swap3A_152] {strides = array<i32>} : memref<8x128xf32, #tpu.memory_space<vmem>>, vector<16xf32>,
      tpu.vector_store %arg7[%swap3A_151, %swap3A_152], %broadcast_in_dim3A_5 {strides = array<i32>} : memref<8x128xf32, #tpu.memory_space<vmem>>, vector<16xf32>,
      %swap3A_154 = arith.constant 4 : i32
      %swap3A_155 = arith.index_cast %swap3A_154 : i32 to index
      %swap3A_156 = arith.constant 32 : index
      %swap3A_157 = tpu.vector_load %arg7[%swap3A_155, %swap3A_156] {strides = array<i32>} : memref<8x128xf32, #tpu.memory_space<vmem>>, vector<16xf32>,
      tpu.vector_store %arg7[%swap3A_155, %swap3A_156], %broadcast_in_dim3A_5 {strides = array<i32>} : memref<8x128xf32, #tpu.memory_space<vmem>>, vector<16xf32>,
      %swap3A_158 = arith.constant 4 : i32
      %swap3A_159 = arith.index_cast %swap3A_158 : i32 to index
      %swap3A_160 = arith.constant 48 : index
      %swap3A_161 = tpu.vector_load %arg7[%swap3A_159, %swap3A_160] {strides = array<i32>} : memref<8x128xf32, #tpu.memory_space<vmem>>, vector<16xf32>,
      tpu.vector_store %arg7[%swap3A_159, %swap3A_160], %broadcast_in_dim3A_5 {strides = array<i32>} : memref<8x128xf32, #tpu.memory_space<vmem>>, vector<16xf32>,
      %swap3A_162 = arith.constant 4 : i32
      %swap3A_163 = arith.index_cast %swap3A_162 : i32 to index
      %swap3A_164 = arith.constant 64 : index
      %swap3A_165 = tpu.vector_load %arg7[%swap3A_163, %swap3A_164] {strides = array<i32>} : memref<8x128xf32, #tpu.memory_space<vmem>>, vector<16xf32>,
      tpu.vector_store %arg7[%swap3A_163, %swap3A_164], %broadcast_in_dim3A_5 {strides = array<i32>} : memref<8x128xf32, #tpu.memory_space<vmem>>, vector<16xf32>,
      %swap3A_166 = arith.constant 4 : i32
      %swap3A_167 = arith.index_cast %swap3A_166 : i32 to index
      %swap3A_168 = arith.constant 80 : index
      %swap3A_169 = tpu.vector_load %arg7[%swap3A_167, %swap3A_168] {strides = array<i32>} : memref<8x128xf32, #tpu.memory_space<vmem>>, vector<16xf32>,
      tpu.vector_store %arg7[%swap3A_167, %swap3A_168], %broadcast_in_dim3A_5 {strides = array<i32>} : memref<8x128xf32, #tpu.memory_space<vmem>>, vector<16xf32>,
      %swap3A_170 = arith.constant 4 : i32
      %swap3A_171 = arith.index_cast %swap3A_170 : i32 to index
      %swap3A_172 = arith.constant 96 : index
      %swap3A_173 = tpu.vector_load %arg7[%swap3A_171, %swap3A_172] {strides = array<i32>} : memref<8x128xf32, #tpu.memory_space<vmem>>, vector<16xf32>,
      tpu.vector_store %arg7[%swap3A_171, %swap3A_172], %broadcast_in_dim3A_5 {strides = array<i32>} : memref<8x128xf32, #tpu.memory_space<vmem>>, vector<16xf32>,
      %swap3A_174 = arith.constant 4 : i32
      %swap3A_175 = arith.index_cast %swap3A_174 : i32 to index
      %swap3A_176 = arith.constant 112 : index
      %swap3A_177 = tpu.vector_load %arg7[%swap3A_175, %swap3A_176] {strides = array<i32>} : memref<8x128xf32, #tpu.memory_space<vmem>>, vector<16xf32>,
      tpu.vector_store %arg7[%swap3A_175, %swap3A_176], %broadcast_in_dim3A_5 {strides = array<i32>} : memref<8x128xf32, #tpu.memory_space<vmem>>, vector<16xf32>,
      %swap3A_178 = arith.constant 5 : i32
      %swap3A_179 = arith.index_cast %swap3A_178 : i32 to index
      %swap3A_180 = arith.constant 0 : index
      %swap3A_181 = tpu.vector_load %arg7[%swap3A_179, %swap3A_180] {strides = array<i32>} : memref<8x128xf32, #tpu.memory_space<vmem>>, vector<16xf32>,
      tpu.vector_store %arg7[%swap3A_179, %swap3A_180], %broadcast_in_dim3A_5 {strides = array<i32>} : memref<8x128xf32, #tpu.memory_space<vmem>>, vector<16xf32>,
      %swap3A_182 = arith.constant 5 : i32
      %swap3A_183 = arith.index_cast %swap3A_182 : i32 to index
      %swap3A_184 = arith.constant 16 : index
      %swap3A_185 = tpu.vector_load %arg7[%swap3A_183, %swap3A_184] {strides = array<i32>} : memref<8x128xf32, #tpu.memory_space<vmem>>, vector<16xf32>,
      tpu.vector_store %arg7[%swap3A_183, %swap3A_184], %broadcast_in_dim3A_5 {strides = array<i32>} : memref<8x128xf32, #tpu.memory_space<vmem>>, vector<16xf32>,
      %swap3A_186 = arith.constant 5 : i32
      %swap3A_187 = arith.index_cast %swap3A_186 : i32 to index
      %swap3A_188 = arith.constant 32 : index
      %swap3A_189 = tpu.vector_load %arg7[%swap3A_187, %swap3A_188] {strides = array<i32>} : memref<8x128xf32, #tpu.memory_space<vmem>>, vector<16xf32>,
      tpu.vector_store %arg7[%swap3A_187, %swap3A_188], %broadcast_in_dim3A_5 {strides = array<i32>} : memref<8x128xf32, #tpu.memory_space<vmem>>, vector<16xf32>,
      %swap3A_190 = arith.constant 5 : i32
      %swap3A_191 = arith.index_cast %swap3A_190 : i32 to index
      %swap3A_192 = arith.constant 48 : index
      %swap3A_193 = tpu.vector_load %arg7[%swap3A_191, %swap3A_192] {strides = array<i32>} : memref<8x128xf32, #tpu.memory_space<vmem>>, vector<16xf32>,
      tpu.vector_store %arg7[%swap3A_191, %swap3A_192], %broadcast_in_dim3A_5 {strides = array<i32>} : memref<8x128xf32, #tpu.memory_space<vmem>>, vector<16xf32>,
      %swap3A_194 = arith.constant 5 : i32
      %swap3A_195 = arith.index_cast %swap3A_194 : i32 to index
      %swap3A_196 = arith.constant 64 : index
      %swap3A_197 = tpu.vector_load %arg7[%swap3A_195, %swap3A_196] {strides = array<i32>} : memref<8x128xf32, #tpu.memory_space<vmem>>, vector<16xf32>,
      tpu.vector_store %arg7[%swap3A_195, %swap3A_196], %broadcast_in_dim3A_5 {strides = array<i32>} : memref<8x128xf32, #tpu.memory_space<vmem>>, vector<16xf32>,
      %swap3A_198 = arith.constant 5 : i32
      %swap3A_199 = arith.index_cast %swap3A_198 : i32 to index
      %swap3A_200 = arith.constant 80 : index
      %swap3A_201 = tpu.vector_load %arg7[%swap3A_199, %swap3A_200] {strides = array<i32>} : memref<8x128xf32, #tpu.memory_space<vmem>>, vector<16xf32>,
      tpu.vector_store %arg7[%swap3A_199, %swap3A_200], %broadcast_in_dim3A_5 {strides = array<i32>} : memref<8x128xf32, #tpu.memory_space<vmem>>, vector<16xf32>,
      %swap3A_202 = arith.constant 5 : i32
      %swap3A_203 = arith.index_cast %swap3A_202 : i32 to index
      %swap3A_204 = arith.constant 96 : index
      %swap3A_205 = tpu.vector_load %arg7[%swap3A_203, %swap3A_204] {strides = array<i32>} : memref<8x128xf32, #tpu.memory_space<vmem>>, vector<16xf32>,
      tpu.vector_store %arg7[%swap3A_203, %swap3A_204], %broadcast_in_dim3A_5 {strides = array<i32>} : memref<8x128xf32, #tpu.memory_space<vmem>>, vector<16xf32>,
      %swap3A_206 = arith.constant 5 : i32
      %swap3A_207 = arith.index_cast %swap3A_206 : i32 to index
      %swap3A_208 = arith.constant 112 : index
      %swap3A_209 = tpu.vector_load %arg7[%swap3A_207, %swap3A_208] {strides = array<i32>} : memref<8x128xf32, #tpu.memory_space<vmem>>, vector<16xf32>,
      tpu.vector_store %arg7[%swap3A_207, %swap3A_208], %broadcast_in_dim3A_5 {strides = array<i32>} : memref<8x128xf32, #tpu.memory_space<vmem>>, vector<16xf32>,
      %swap3A_210 = arith.constant 6 : i32
      %swap3A_211 = arith.index_cast %swap3A_210 : i32 to index
      %swap3A_212 = arith.constant 0 : index
      %swap3A_213 = tpu.vector_load %arg7[%swap3A_211, %swap3A_212] {strides = array<i32>} : memref<8x128xf32, #tpu.memory_space<vmem>>, vector<16xf32>,
      tpu.vector_store %arg7[%swap3A_211, %swap3A_212], %broadcast_in_dim3A_5 {strides = array<i32>} : memref<8x128xf32, #tpu.memory_space<vmem>>, vector<16xf32>,
      %swap3A_214 = arith.constant 6 : i32
      %swap3A_215 = arith.index_cast %swap3A_214 : i32 to index
      %swap3A_216 = arith.constant 16 : index
      %swap3A_217 = tpu.vector_load %arg7[%swap3A_215, %swap3A_216] {strides = array<i32>} : memref<8x128xf32, #tpu.memory_space<vmem>>, vector<16xf32>,
      tpu.vector_store %arg7[%swap3A_215, %swap3A_216], %broadcast_in_dim3A_5 {strides = array<i32>} : memref<8x128xf32, #tpu.memory_space<vmem>>, vector<16xf32>,
      %swap3A_218 = arith.constant 6 : i32
      %swap3A_219 = arith.index_cast %swap3A_218 : i32 to index
      %swap3A_220 = arith.constant 32 : index
      %swap3A_221 = tpu.vector_load %arg7[%swap3A_219, %swap3A_220] {strides = array<i32>} : memref<8x128xf32, #tpu.memory_space<vmem>>, vector<16xf32>,
      tpu.vector_store %arg7[%swap3A_219, %swap3A_220], %broadcast_in_dim3A_5 {strides = array<i32>} : memref<8x128xf32, #tpu.memory_space<vmem>>, vector<16xf32>,
      %swap3A_222 = arith.constant 6 : i32
      %swap3A_223 = arith.index_cast %swap3A_222 : i32 to index
      %swap3A_224 = arith.constant 48 : index
      %swap3A_225 = tpu.vector_load %arg7[%swap3A_223, %swap3A_224] {strides = array<i32>} : memref<8x128xf32, #tpu.memory_space<vmem>>, vector<16xf32>,
      tpu.vector_store %arg7[%swap3A_223, %swap3A_224], %broadcast_in_dim3A_5 {strides = array<i32>} : memref<8x128xf32, #tpu.memory_space<vmem>>, vector<16xf32>,
      %swap3A_226 = arith.constant 6 : i32
      %swap3A_227 = arith.index_cast %swap3A_226 : i32 to index
      %swap3A_228 = arith.constant 64 : index
      %swap3A_229 = tpu.vector_load %arg7[%swap3A_227, %swap3A_228] {strides = array<i32>} : memref<8x128xf32, #tpu.memory_space<vmem>>, vector<16xf32>,
      tpu.vector_store %arg7[%swap3A_227, %swap3A_228], %broadcast_in_dim3A_5 {strides = array<i32>} : memref<8x128xf32, #tpu.memory_space<vmem>>, vector<16xf32>,
      %swap3A_230 = arith.constant 6 : i32
      %swap3A_231 = arith.index_cast %swap3A_230 : i32 to index
      %swap3A_232 = arith.constant 80 : index
      %swap3A_233 = tpu.vector_load %arg7[%swap3A_231, %swap3A_232] {strides = array<i32>} : memref<8x128xf32, #tpu.memory_space<vmem>>, vector<16xf32>,
      tpu.vector_store %arg7[%swap3A_231, %swap3A_232], %broadcast_in_dim3A_5 {strides = array<i32>} : memref<8x128xf32, #tpu.memory_space<vmem>>, vector<16xf32>,
      %swap3A_234 = arith.constant 6 : i32
      %swap3A_235 = arith.index_cast %swap3A_234 : i32 to index
      %swap3A_236 = arith.constant 96 : index
      %swap3A_237 = tpu.vector_load %arg7[%swap3A_235, %swap3A_236] {strides = array<i32>} : memref<8x128xf32, #tpu.memory_space<vmem>>, vector<16xf32>,
      tpu.vector_store %arg7[%swap3A_235, %swap3A_236], %broadcast_in_dim3A_5 {strides = array<i32>} : memref<8x128xf32, #tpu.memory_space<vmem>>, vector<16xf32>,
      %swap3A_238 = arith.constant 6 : i32
      %swap3A_239 = arith.index_cast %swap3A_238 : i32 to index
      %swap3A_240 = arith.constant 112 : index
      %swap3A_241 = tpu.vector_load %arg7[%swap3A_239, %swap3A_240] {strides = array<i32>} : memref<8x128xf32, #tpu.memory_space<vmem>>, vector<16xf32>,
      tpu.vector_store %arg7[%swap3A_239, %swap3A_240], %broadcast_in_dim3A_5 {strides = array<i32>} : memref<8x128xf32, #tpu.memory_space<vmem>>, vector<16xf32>,
      %swap3A_242 = arith.constant 7 : i32
      %swap3A_243 = arith.index_cast %swap3A_242 : i32 to index
      %swap3A_244 = arith.constant 0 : index
      %swap3A_245 = tpu.vector_load %arg7[%swap3A_243, %swap3A_244] {strides = array<i32>} : memref<8x128xf32, #tpu.memory_space<vmem>>, vector<16xf32>,
      tpu.vector_store %arg7[%swap3A_243, %swap3A_244], %broadcast_in_dim3A_5 {strides = array<i32>} : memref<8x128xf32, #tpu.memory_space<vmem>>, vector<16xf32>,
      %swap3A_246 = arith.constant 7 : i32
      %swap3A_247 = arith.index_cast %swap3A_246 : i32 to index
      %swap3A_248 = arith.constant 16 : index
      %swap3A_249 = tpu.vector_load %arg7[%swap3A_247, %swap3A_248] {strides = array<i32>} : memref<8x128xf32, #tpu.memory_space<vmem>>, vector<16xf32>,
      tpu.vector_store %arg7[%swap3A_247, %swap3A_248], %broadcast_in_dim3A_5 {strides = array<i32>} : memref<8x128xf32, #tpu.memory_space<vmem>>, vector<16xf32>,
      %swap3A_250 = arith.constant 7 : i32
      %swap3A_251 = arith.index_cast %swap3A_250 : i32 to index
      %swap3A_252 = arith.constant 32 : index
      %swap3A_253 = tpu.vector_load %arg7[%swap3A_251, %swap3A_252] {strides = array<i32>} : memref<8x128xf32, #tpu.memory_space<vmem>>, vector<16xf32>,
      tpu.vector_store %arg7[%swap3A_251, %swap3A_252], %broadcast_in_dim3A_5 {strides = array<i32>} : memref<8x128xf32, #tpu.memory_space<vmem>>, vector<16xf32>,
      %swap3A_254 = arith.constant 7 : i32
      %swap3A_255 = arith.index_cast %swap3A_254 : i32 to index
      %swap3A_256 = arith.constant 48 : index
      %swap3A_257 = tpu.vector_load %arg7[%swap3A_255, %swap3A_256] {strides = array<i32>} : memref<8x128xf32, #tpu.memory_space<vmem>>, vector<16xf32>,
      tpu.vector_store %arg7[%swap3A_255, %swap3A_256], %broadcast_in_dim3A_5 {strides = array<i32>} : memref<8x128xf32, #tpu.memory_space<vmem>>, vector<16xf32>,
      %swap3A_258 = arith.constant 7 : i32
      %swap3A_259 = arith.index_cast %swap3A_258 : i32 to index
      %swap3A_260 = arith.constant 64 : index
      %swap3A_261 = tpu.vector_load %arg7[%swap3A_259, %swap3A_260] {strides = array<i32>} : memref<8x128xf32, #tpu.memory_space<vmem>>, vector<16xf32>,
      tpu.vector_store %arg7[%swap3A_259, %swap3A_260], %broadcast_in_dim3A_5 {strides = array<i32>} : memref<8x128xf32, #tpu.memory_space<vmem>>, vector<16xf32>,
      %swap3A_262 = arith.constant 7 : i32
      %swap3A_263 = arith.index_cast %swap3A_262 : i32 to index
      %swap3A_264 = arith.constant 80 : index
      %swap3A_265 = tpu.vector_load %arg7[%swap3A_263, %swap3A_264] {strides = array<i32>} : memref<8x128xf32, #tpu.memory_space<vmem>>, vector<16xf32>,
      tpu.vector_store %arg7[%swap3A_263, %swap3A_264], %broadcast_in_dim3A_5 {strides = array<i32>} : memref<8x128xf32, #tpu.memory_space<vmem>>, vector<16xf32>,
      %swap3A_266 = arith.constant 7 : i32
      %swap3A_267 = arith.index_cast %swap3A_266 : i32 to index
      %swap3A_268 = arith.constant 96 : index
      %swap3A_269 = tpu.vector_load %arg7[%swap3A_267, %swap3A_268] {strides = array<i32>} : memref<8x128xf32, #tpu.memory_space<vmem>>, vector<16xf32>,
      tpu.vector_store %arg7[%swap3A_267, %swap3A_268], %broadcast_in_dim3A_5 {strides = array<i32>} : memref<8x128xf32, #tpu.memory_space<vmem>>, vector<16xf32>,
      %swap3A_270 = arith.constant 7 : i32
      %swap3A_271 = arith.index_cast %swap3A_270 : i32 to index
      %swap3A_272 = arith.constant 112 : index
      %swap3A_273 = tpu.vector_load %arg7[%swap3A_271, %swap3A_272] {strides = array<i32>} : memref<8x128xf32, #tpu.memory_space<vmem>>, vector<16xf32>,
      tpu.vector_store %arg7[%swap3A_271, %swap3A_272], %broadcast_in_dim3A_5 {strides = array<i32>} : memref<8x128xf32, #tpu.memory_space<vmem>>, vector<16xf32>,
      %scan3A_274 = arith.constant 0 : i32
      %scan3A_275 = arith.constant 16 : i32
      %scan3A_276 = arith.addi %scan3A_274, %scan3A_275 : i32
      %scan3A_277 = arith.constant 1 : i32
      scf.for %scan3A_281 = %scan3A_274 to %scan3A_276 step %scan3A_277  : i32 {
        %mul3A_282 = arith.constant 1 : i32
        %mul3A_283 = arith.muli %scan3A_281, %mul3A_282 : i32
        %add3A_284 = arith.constant 0 : i32
        %add3A_285 = arith.addi %add3A_284, %mul3A_283 : i32
        %mul3A_286 = arith.constant 8 : i32
        %mul3A_287 = arith.muli %arg1, %mul3A_286 : i32
        "tpu.region"() ({
          %run_scoped3A = tpu.sem_alloc : memref<!tpu.dma_semaphore, #tpu.memory_space<semaphore_mem>>
          %dma_start3A = arith.constant 0 : i32
          %dma_start3A_1119 = tpu.memref_slice %arg8[%add3A_285, %mul3A_287, %dma_start3A] : memref<16x80x128xf32, #tpu.memory_space<vmem_shared>> -> memref<1x8x128xf32, #tpu.memory_space<vmem_shared>>
          %dma_start3A_1120 = tpu.memref_squeeze %dma_start3A_1119 : memref<1x8x128xf32, #tpu.memory_space<vmem_shared>> -> memref<8x128xf32, #tpu.memory_space<vmem_shared>>
          %dma_start3A_1121 = arith.constant 0 : i32
          %dma_start3A_1122 = tpu.memref_slice %arg8[%add3A_285, %mul3A_287, %dma_start3A_1121] : memref<16x80x128xf32, #tpu.memory_space<vmem_shared>> -> memref<1x8x128xf32, #tpu.memory_space<vmem_shared>>
          %dma_start3A_1123 = tpu.memref_squeeze %dma_start3A_1122 : memref<1x8x128xf32, #tpu.memory_space<vmem_shared>> -> memref<8x128xf32, #tpu.memory_space<vmem_shared>>
          tpu.enqueue_dma source(%dma_start3A_1123 : memref<8x128xf32, #tpu.memory_space<vmem_shared>>) target(%arg6 : memref<8x128xf32, #tpu.memory_space<vmem>>) target_semaphore(%run_scoped3A : memref<!tpu.dma_semaphore, #tpu.memory_space<semaphore_mem>>)
          %dma_wait3A = arith.constant 0 : i32
          %dma_wait3A_1124 = tpu.memref_slice %arg8[%add3A_285, %mul3A_287, %dma_wait3A] : memref<16x80x128xf32, #tpu.memory_space<vmem_shared>> -> memref<1x8x128xf32, #tpu.memory_space<vmem_shared>>
          %dma_wait3A_1125 = tpu.memref_squeeze %dma_wait3A_1124 : memref<1x8x128xf32, #tpu.memory_space<vmem_shared>> -> memref<8x128xf32, #tpu.memory_space<vmem_shared>>
          %dma_wait3A_1126 = arith.constant 0 : i32
          %dma_wait3A_1127 = tpu.memref_slice %arg8[%add3A_285, %mul3A_287, %dma_wait3A_1126] : memref<16x80x128xf32, #tpu.memory_space<vmem_shared>> -> memref<1x8x128xf32, #tpu.memory_space<vmem_shared>>
          %dma_wait3A_1128 = tpu.memref_squeeze %dma_wait3A_1127 : memref<1x8x128xf32, #tpu.memory_space<vmem_shared>> -> memref<8x128xf32, #tpu.memory_space<vmem_shared>>
          tpu.wait_dma2 semaphore(%run_scoped3A : memref<!tpu.dma_semaphore, #tpu.memory_space<semaphore_mem>>) src(%dma_wait3A_1128 : memref<8x128xf32, #tpu.memory_space<vmem_shared>>) dst(%arg6 : memref<8x128xf32, #tpu.memory_space<vmem>>)
          tpu.yield
        }) : () -> ()
        %get3A = arith.constant 0 : i32
        %get3A_288 = arith.index_cast %get3A : i32 to index
        %get3A_289 = arith.constant 0 : index
        %get3A_290 = tpu.vector_load %arg7[%get3A_288, %get3A_289] {strides = array<i32>} : memref<8x128xf32, #tpu.memory_space<vmem>>, vector<16xf32>,
        %get3A_291 = arith.constant 0 : i32
        %get3A_292 = arith.index_cast %get3A_291 : i32 to index
        %get3A_293 = arith.constant 0 : index
        %get3A_294 = tpu.vector_load %arg6[%get3A_292, %get3A_293] {strides = array<i32>} : memref<8x128xf32, #tpu.memory_space<vmem>>, vector<16xf32>,
        %add3A_295 = arith.addf %get3A_290, %get3A_294 : vector<16xf32>
        %swap3A_296 = arith.constant 0 : i32
        %swap3A_297 = arith.index_cast %swap3A_296 : i32 to index
        %swap3A_298 = arith.constant 0 : index
        %swap3A_299 = tpu.vector_load %arg7[%swap3A_297, %swap3A_298] {strides = array<i32>} : memref<8x128xf32, #tpu.memory_space<vmem>>, vector<16xf32>,
        tpu.vector_store %arg7[%swap3A_297, %swap3A_298], %add3A_295 {strides = array<i32>} : memref<8x128xf32, #tpu.memory_space<vmem>>, vector<16xf32>,
        %get3A_300 = arith.constant 0 : i32
        %get3A_301 = arith.index_cast %get3A_300 : i32 to index
        %get3A_302 = arith.constant 16 : index
        %get3A_303 = tpu.vector_load %arg7[%get3A_301, %get3A_302] {strides = array<i32>} : memref<8x128xf32, #tpu.memory_space<vmem>>, vector<16xf32>,
        %get3A_304 = arith.constant 0 : i32
        %get3A_305 = arith.index_cast %get3A_304 : i32 to index
        %get3A_306 = arith.constant 16 : index
        %get3A_307 = tpu.vector_load %arg6[%get3A_305, %get3A_306] {strides = array<i32>} : memref<8x128xf32, #tpu.memory_space<vmem>>, vector<16xf32>,
        %add3A_308 = arith.addf %get3A_303, %get3A_307 : vector<16xf32>
        %swap3A_309 = arith.constant 0 : i32
        %swap3A_310 = arith.index_cast %swap3A_309 : i32 to index
        %swap3A_311 = arith.constant 16 : index
        %swap3A_312 = tpu.vector_load %arg7[%swap3A_310, %swap3A_311] {strides = array<i32>} : memref<8x128xf32, #tpu.memory_space<vmem>>, vector<16xf32>,
        tpu.vector_store %arg7[%swap3A_310, %swap3A_311], %add3A_308 {strides = array<i32>} : memref<8x128xf32, #tpu.memory_space<vmem>>, vector<16xf32>,
        %get3A_313 = arith.constant 0 : i32
        %get3A_314 = arith.index_cast %get3A_313 : i32 to index
        %get3A_315 = arith.constant 32 : index
        %get3A_316 = tpu.vector_load %arg7[%get3A_314, %get3A_315] {strides = array<i32>} : memref<8x128xf32, #tpu.memory_space<vmem>>, vector<16xf32>,
        %get3A_317 = arith.constant 0 : i32
        %get3A_318 = arith.index_cast %get3A_317 : i32 to index
        %get3A_319 = arith.constant 32 : index
        %get3A_320 = tpu.vector_load %arg6[%get3A_318, %get3A_319] {strides = array<i32>} : memref<8x128xf32, #tpu.memory_space<vmem>>, vector<16xf32>,
        %add3A_321 = arith.addf %get3A_316, %get3A_320 : vector<16xf32>
        %swap3A_322 = arith.constant 0 : i32
        %swap3A_323 = arith.index_cast %swap3A_322 : i32 to index
        %swap3A_324 = arith.constant 32 : index
        %swap3A_325 = tpu.vector_load %arg7[%swap3A_323, %swap3A_324] {strides = array<i32>} : memref<8x128xf32, #tpu.memory_space<vmem>>, vector<16xf32>,
        tpu.vector_store %arg7[%swap3A_323, %swap3A_324], %add3A_321 {strides = array<i32>} : memref<8x128xf32, #tpu.memory_space<vmem>>, vector<16xf32>,
        %get3A_326 = arith.constant 0 : i32
        %get3A_327 = arith.index_cast %get3A_326 : i32 to index
        %get3A_328 = arith.constant 48 : index
        %get3A_329 = tpu.vector_load %arg7[%get3A_327, %get3A_328] {strides = array<i32>} : memref<8x128xf32, #tpu.memory_space<vmem>>, vector<16xf32>,
        %get3A_330 = arith.constant 0 : i32
        %get3A_331 = arith.index_cast %get3A_330 : i32 to index
        %get3A_332 = arith.constant 48 : index
        %get3A_333 = tpu.vector_load %arg6[%get3A_331, %get3A_332] {strides = array<i32>} : memref<8x128xf32, #tpu.memory_space<vmem>>, vector<16xf32>,
        %add3A_334 = arith.addf %get3A_329, %get3A_333 : vector<16xf32>
        %swap3A_335 = arith.constant 0 : i32
        %swap3A_336 = arith.index_cast %swap3A_335 : i32 to index
        %swap3A_337 = arith.constant 48 : index
        %swap3A_338 = tpu.vector_load %arg7[%swap3A_336, %swap3A_337] {strides = array<i32>} : memref<8x128xf32, #tpu.memory_space<vmem>>, vector<16xf32>,
        tpu.vector_store %arg7[%swap3A_336, %swap3A_337], %add3A_334 {strides = array<i32>} : memref<8x128xf32, #tpu.memory_space<vmem>>, vector<16xf32>,
        %get3A_339 = arith.constant 0 : i32
        %get3A_340 = arith.index_cast %get3A_339 : i32 to index
        %get3A_341 = arith.constant 64 : index
        %get3A_342 = tpu.vector_load %arg7[%get3A_340, %get3A_341] {strides = array<i32>} : memref<8x128xf32, #tpu.memory_space<vmem>>, vector<16xf32>,
        %get3A_343 = arith.constant 0 : i32
        %get3A_344 = arith.index_cast %get3A_343 : i32 to index
        %get3A_345 = arith.constant 64 : index
        %get3A_346 = tpu.vector_load %arg6[%get3A_344, %get3A_345] {strides = array<i32>} : memref<8x128xf32, #tpu.memory_space<vmem>>, vector<16xf32>,
        %add3A_347 = arith.addf %get3A_342, %get3A_346 : vector<16xf32>
        %swap3A_348 = arith.constant 0 : i32
        %swap3A_349 = arith.index_cast %swap3A_348 : i32 to index
        %swap3A_350 = arith.constant 64 : index
        %swap3A_351 = tpu.vector_load %arg7[%swap3A_349, %swap3A_350] {strides = array<i32>} : memref<8x128xf32, #tpu.memory_space<vmem>>, vector<16xf32>,
        tpu.vector_store %arg7[%swap3A_349, %swap3A_350], %add3A_347 {strides = array<i32>} : memref<8x128xf32, #tpu.memory_space<vmem>>, vector<16xf32>,
        %get3A_352 = arith.constant 0 : i32
        %get3A_353 = arith.index_cast %get3A_352 : i32 to index
        %get3A_354 = arith.constant 80 : index
        %get3A_355 = tpu.vector_load %arg7[%get3A_353, %get3A_354] {strides = array<i32>} : memref<8x128xf32, #tpu.memory_space<vmem>>, vector<16xf32>,
        %get3A_356 = arith.constant 0 : i32
        %get3A_357 = arith.index_cast %get3A_356 : i32 to index
        %get3A_358 = arith.constant 80 : index
        %get3A_359 = tpu.vector_load %arg6[%get3A_357, %get3A_358] {strides = array<i32>} : memref<8x128xf32, #tpu.memory_space<vmem>>, vector<16xf32>,
        %add3A_360 = arith.addf %get3A_355, %get3A_359 : vector<16xf32>
        %swap3A_361 = arith.constant 0 : i32
        %swap3A_362 = arith.index_cast %swap3A_361 : i32 to index
        %swap3A_363 = arith.constant 80 : index
        %swap3A_364 = tpu.vector_load %arg7[%swap3A_362, %swap3A_363] {strides = array<i32>} : memref<8x128xf32, #tpu.memory_space<vmem>>, vector<16xf32>,
        tpu.vector_store %arg7[%swap3A_362, %swap3A_363], %add3A_360 {strides = array<i32>} : memref<8x128xf32, #tpu.memory_space<vmem>>, vector<16xf32>,
        %get3A_365 = arith.constant 0 : i32
        %get3A_366 = arith.index_cast %get3A_365 : i32 to index
        %get3A_367 = arith.constant 96 : index
        %get3A_368 = tpu.vector_load %arg7[%get3A_366, %get3A_367] {strides = array<i32>} : memref<8x128xf32, #tpu.memory_space<vmem>>, vector<16xf32>,
        %get3A_369 = arith.constant 0 : i32
        %get3A_370 = arith.index_cast %get3A_369 : i32 to index
        %get3A_371 = arith.constant 96 : index
        %get3A_372 = tpu.vector_load %arg6[%get3A_370, %get3A_371] {strides = array<i32>} : memref<8x128xf32, #tpu.memory_space<vmem>>, vector<16xf32>,
        %add3A_373 = arith.addf %get3A_368, %get3A_372 : vector<16xf32>
        %swap3A_374 = arith.constant 0 : i32
        %swap3A_375 = arith.index_cast %swap3A_374 : i32 to index
        %swap3A_376 = arith.constant 96 : index
        %swap3A_377 = tpu.vector_load %arg7[%swap3A_375, %swap3A_376] {strides = array<i32>} : memref<8x128xf32, #tpu.memory_space<vmem>>, vector<16xf32>,
        tpu.vector_store %arg7[%swap3A_375, %swap3A_376], %add3A_373 {strides = array<i32>} : memref<8x128xf32, #tpu.memory_space<vmem>>, vector<16xf32>,
        %get3A_378 = arith.constant 0 : i32
        %get3A_379 = arith.index_cast %get3A_378 : i32 to index
        %get3A_380 = arith.constant 112 : index
        %get3A_381 = tpu.vector_load %arg7[%get3A_379, %get3A_380] {strides = array<i32>} : memref<8x128xf32, #tpu.memory_space<vmem>>, vector<16xf32>,
        %get3A_382 = arith.constant 0 : i32
        %get3A_383 = arith.index_cast %get3A_382 : i32 to index
        %get3A_384 = arith.constant 112 : index
        %get3A_385 = tpu.vector_load %arg6[%get3A_383, %get3A_384] {strides = array<i32>} : memref<8x128xf32, #tpu.memory_space<vmem>>, vector<16xf32>,
        %add3A_386 = arith.addf %get3A_381, %get3A_385 : vector<16xf32>
        %swap3A_387 = arith.constant 0 : i32
        %swap3A_388 = arith.index_cast %swap3A_387 : i32 to index
        %swap3A_389 = arith.constant 112 : index
        %swap3A_390 = tpu.vector_load %arg7[%swap3A_388, %swap3A_389] {strides = array<i32>} : memref<8x128xf32, #tpu.memory_space<vmem>>, vector<16xf32>,
        tpu.vector_store %arg7[%swap3A_388, %swap3A_389], %add3A_386 {strides = array<i32>} : memref<8x128xf32, #tpu.memory_space<vmem>>, vector<16xf32>,
        %get3A_391 = arith.constant 1 : i32
        %get3A_392 = arith.index_cast %get3A_391 : i32 to index
        %get3A_393 = arith.constant 0 : index
        %get3A_394 = tpu.vector_load %arg7[%get3A_392, %get3A_393] {strides = array<i32>} : memref<8x128xf32, #tpu.memory_space<vmem>>, vector<16xf32>,
        %get3A_395 = arith.constant 1 : i32
        %get3A_396 = arith.index_cast %get3A_395 : i32 to index
        %get3A_397 = arith.constant 0 : index
        %get3A_398 = tpu.vector_load %arg6[%get3A_396, %get3A_397] {strides = array<i32>} : memref<8x128xf32, #tpu.memory_space<vmem>>, vector<16xf32>,
        %add3A_399 = arith.addf %get3A_394, %get3A_398 : vector<16xf32>
        %swap3A_400 = arith.constant 1 : i32
        %swap3A_401 = arith.index_cast %swap3A_400 : i32 to index
        %swap3A_402 = arith.constant 0 : index
        %swap3A_403 = tpu.vector_load %arg7[%swap3A_401, %swap3A_402] {strides = array<i32>} : memref<8x128xf32, #tpu.memory_space<vmem>>, vector<16xf32>,
        tpu.vector_store %arg7[%swap3A_401, %swap3A_402], %add3A_399 {strides = array<i32>} : memref<8x128xf32, #tpu.memory_space<vmem>>, vector<16xf32>,
        %get3A_404 = arith.constant 1 : i32
        %get3A_405 = arith.index_cast %get3A_404 : i32 to index
        %get3A_406 = arith.constant 16 : index
        %get3A_407 = tpu.vector_load %arg7[%get3A_405, %get3A_406] {strides = array<i32>} : memref<8x128xf32, #tpu.memory_space<vmem>>, vector<16xf32>,
        %get3A_408 = arith.constant 1 : i32
        %get3A_409 = arith.index_cast %get3A_408 : i32 to index
        %get3A_410 = arith.constant 16 : index
        %get3A_411 = tpu.vector_load %arg6[%get3A_409, %get3A_410] {strides = array<i32>} : memref<8x128xf32, #tpu.memory_space<vmem>>, vector<16xf32>,
        %add3A_412 = arith.addf %get3A_407, %get3A_411 : vector<16xf32>
        %swap3A_413 = arith.constant 1 : i32
        %swap3A_414 = arith.index_cast %swap3A_413 : i32 to index
        %swap3A_415 = arith.constant 16 : index
        %swap3A_416 = tpu.vector_load %arg7[%swap3A_414, %swap3A_415] {strides = array<i32>} : memref<8x128xf32, #tpu.memory_space<vmem>>, vector<16xf32>,
        tpu.vector_store %arg7[%swap3A_414, %swap3A_415], %add3A_412 {strides = array<i32>} : memref<8x128xf32, #tpu.memory_space<vmem>>, vector<16xf32>,
        %get3A_417 = arith.constant 1 : i32
        %get3A_418 = arith.index_cast %get3A_417 : i32 to index
        %get3A_419 = arith.constant 32 : index
        %get3A_420 = tpu.vector_load %arg7[%get3A_418, %get3A_419] {strides = array<i32>} : memref<8x128xf32, #tpu.memory_space<vmem>>, vector<16xf32>,
        %get3A_421 = arith.constant 1 : i32
        %get3A_422 = arith.index_cast %get3A_421 : i32 to index
        %get3A_423 = arith.constant 32 : index
        %get3A_424 = tpu.vector_load %arg6[%get3A_422, %get3A_423] {strides = array<i32>} : memref<8x128xf32, #tpu.memory_space<vmem>>, vector<16xf32>,
        %add3A_425 = arith.addf %get3A_420, %get3A_424 : vector<16xf32>
        %swap3A_426 = arith.constant 1 : i32
        %swap3A_427 = arith.index_cast %swap3A_426 : i32 to index
        %swap3A_428 = arith.constant 32 : index
        %swap3A_429 = tpu.vector_load %arg7[%swap3A_427, %swap3A_428] {strides = array<i32>} : memref<8x128xf32, #tpu.memory_space<vmem>>, vector<16xf32>,
        tpu.vector_store %arg7[%swap3A_427, %swap3A_428], %add3A_425 {strides = array<i32>} : memref<8x128xf32, #tpu.memory_space<vmem>>, vector<16xf32>,
        %get3A_430 = arith.constant 1 : i32
        %get3A_431 = arith.index_cast %get3A_430 : i32 to index
        %get3A_432 = arith.constant 48 : index
        %get3A_433 = tpu.vector_load %arg7[%get3A_431, %get3A_432] {strides = array<i32>} : memref<8x128xf32, #tpu.memory_space<vmem>>, vector<16xf32>,
        %get3A_434 = arith.constant 1 : i32
        %get3A_435 = arith.index_cast %get3A_434 : i32 to index
        %get3A_436 = arith.constant 48 : index
        %get3A_437 = tpu.vector_load %arg6[%get3A_435, %get3A_436] {strides = array<i32>} : memref<8x128xf32, #tpu.memory_space<vmem>>, vector<16xf32>,
        %add3A_438 = arith.addf %get3A_433, %get3A_437 : vector<16xf32>
        %swap3A_439 = arith.constant 1 : i32
        %swap3A_440 = arith.index_cast %swap3A_439 : i32 to index
        %swap3A_441 = arith.constant 48 : index
        %swap3A_442 = tpu.vector_load %arg7[%swap3A_440, %swap3A_441] {strides = array<i32>} : memref<8x128xf32, #tpu.memory_space<vmem>>, vector<16xf32>,
        tpu.vector_store %arg7[%swap3A_440, %swap3A_441], %add3A_438 {strides = array<i32>} : memref<8x128xf32, #tpu.memory_space<vmem>>, vector<16xf32>,
        %get3A_443 = arith.constant 1 : i32
        %get3A_444 = arith.index_cast %get3A_443 : i32 to index
        %get3A_445 = arith.constant 64 : index
        %get3A_446 = tpu.vector_load %arg7[%get3A_444, %get3A_445] {strides = array<i32>} : memref<8x128xf32, #tpu.memory_space<vmem>>, vector<16xf32>,
        %get3A_447 = arith.constant 1 : i32
        %get3A_448 = arith.index_cast %get3A_447 : i32 to index
        %get3A_449 = arith.constant 64 : index
        %get3A_450 = tpu.vector_load %arg6[%get3A_448, %get3A_449] {strides = array<i32>} : memref<8x128xf32, #tpu.memory_space<vmem>>, vector<16xf32>,
        %add3A_451 = arith.addf %get3A_446, %get3A_450 : vector<16xf32>
        %swap3A_452 = arith.constant 1 : i32
        %swap3A_453 = arith.index_cast %swap3A_452 : i32 to index
        %swap3A_454 = arith.constant 64 : index
        %swap3A_455 = tpu.vector_load %arg7[%swap3A_453, %swap3A_454] {strides = array<i32>} : memref<8x128xf32, #tpu.memory_space<vmem>>, vector<16xf32>,
        tpu.vector_store %arg7[%swap3A_453, %swap3A_454], %add3A_451 {strides = array<i32>} : memref<8x128xf32, #tpu.memory_space<vmem>>, vector<16xf32>,
        %get3A_456 = arith.constant 1 : i32
        %get3A_457 = arith.index_cast %get3A_456 : i32 to index
        %get3A_458 = arith.constant 80 : index
        %get3A_459 = tpu.vector_load %arg7[%get3A_457, %get3A_458] {strides = array<i32>} : memref<8x128xf32, #tpu.memory_space<vmem>>, vector<16xf32>,
        %get3A_460 = arith.constant 1 : i32
        %get3A_461 = arith.index_cast %get3A_460 : i32 to index
        %get3A_462 = arith.constant 80 : index
        %get3A_463 = tpu.vector_load %arg6[%get3A_461, %get3A_462] {strides = array<i32>} : memref<8x128xf32, #tpu.memory_space<vmem>>, vector<16xf32>,
        %add3A_464 = arith.addf %get3A_459, %get3A_463 : vector<16xf32>
        %swap3A_465 = arith.constant 1 : i32
        %swap3A_466 = arith.index_cast %swap3A_465 : i32 to index
        %swap3A_467 = arith.constant 80 : index
        %swap3A_468 = tpu.vector_load %arg7[%swap3A_466, %swap3A_467] {strides = array<i32>} : memref<8x128xf32, #tpu.memory_space<vmem>>, vector<16xf32>,
        tpu.vector_store %arg7[%swap3A_466, %swap3A_467], %add3A_464 {strides = array<i32>} : memref<8x128xf32, #tpu.memory_space<vmem>>, vector<16xf32>,
        %get3A_469 = arith.constant 1 : i32
        %get3A_470 = arith.index_cast %get3A_469 : i32 to index
        %get3A_471 = arith.constant 96 : index
        %get3A_472 = tpu.vector_load %arg7[%get3A_470, %get3A_471] {strides = array<i32>} : memref<8x128xf32, #tpu.memory_space<vmem>>, vector<16xf32>,
        %get3A_473 = arith.constant 1 : i32
        %get3A_474 = arith.index_cast %get3A_473 : i32 to index
        %get3A_475 = arith.constant 96 : index
        %get3A_476 = tpu.vector_load %arg6[%get3A_474, %get3A_475] {strides = array<i32>} : memref<8x128xf32, #tpu.memory_space<vmem>>, vector<16xf32>,
        %add3A_477 = arith.addf %get3A_472, %get3A_476 : vector<16xf32>
        %swap3A_478 = arith.constant 1 : i32
        %swap3A_479 = arith.index_cast %swap3A_478 : i32 to index
        %swap3A_480 = arith.constant 96 : index
        %swap3A_481 = tpu.vector_load %arg7[%swap3A_479, %swap3A_480] {strides = array<i32>} : memref<8x128xf32, #tpu.memory_space<vmem>>, vector<16xf32>,
        tpu.vector_store %arg7[%swap3A_479, %swap3A_480], %add3A_477 {strides = array<i32>} : memref<8x128xf32, #tpu.memory_space<vmem>>, vector<16xf32>,
        %get3A_482 = arith.constant 1 : i32
        %get3A_483 = arith.index_cast %get3A_482 : i32 to index
        %get3A_484 = arith.constant 112 : index
        %get3A_485 = tpu.vector_load %arg7[%get3A_483, %get3A_484] {strides = array<i32>} : memref<8x128xf32, #tpu.memory_space<vmem>>, vector<16xf32>,
        %get3A_486 = arith.constant 1 : i32
        %get3A_487 = arith.index_cast %get3A_486 : i32 to index
        %get3A_488 = arith.constant 112 : index
        %get3A_489 = tpu.vector_load %arg6[%get3A_487, %get3A_488] {strides = array<i32>} : memref<8x128xf32, #tpu.memory_space<vmem>>, vector<16xf32>,
        %add3A_490 = arith.addf %get3A_485, %get3A_489 : vector<16xf32>
        %swap3A_491 = arith.constant 1 : i32
        %swap3A_492 = arith.index_cast %swap3A_491 : i32 to index
        %swap3A_493 = arith.constant 112 : index
        %swap3A_494 = tpu.vector_load %arg7[%swap3A_492, %swap3A_493] {strides = array<i32>} : memref<8x128xf32, #tpu.memory_space<vmem>>, vector<16xf32>,
        tpu.vector_store %arg7[%swap3A_492, %swap3A_493], %add3A_490 {strides = array<i32>} : memref<8x128xf32, #tpu.memory_space<vmem>>, vector<16xf32>,
        %get3A_495 = arith.constant 2 : i32
        %get3A_496 = arith.index_cast %get3A_495 : i32 to index
        %get3A_497 = arith.constant 0 : index
        %get3A_498 = tpu.vector_load %arg7[%get3A_496, %get3A_497] {strides = array<i32>} : memref<8x128xf32, #tpu.memory_space<vmem>>, vector<16xf32>,
        %get3A_499 = arith.constant 2 : i32
        %get3A_500 = arith.index_cast %get3A_499 : i32 to index
        %get3A_501 = arith.constant 0 : index
        %get3A_502 = tpu.vector_load %arg6[%get3A_500, %get3A_501] {strides = array<i32>} : memref<8x128xf32, #tpu.memory_space<vmem>>, vector<16xf32>,
        %add3A_503 = arith.addf %get3A_498, %get3A_502 : vector<16xf32>
        %swap3A_504 = arith.constant 2 : i32
        %swap3A_505 = arith.index_cast %swap3A_504 : i32 to index
        %swap3A_506 = arith.constant 0 : index
        %swap3A_507 = tpu.vector_load %arg7[%swap3A_505, %swap3A_506] {strides = array<i32>} : memref<8x128xf32, #tpu.memory_space<vmem>>, vector<16xf32>,
        tpu.vector_store %arg7[%swap3A_505, %swap3A_506], %add3A_503 {strides = array<i32>} : memref<8x128xf32, #tpu.memory_space<vmem>>, vector<16xf32>,
        %get3A_508 = arith.constant 2 : i32
        %get3A_509 = arith.index_cast %get3A_508 : i32 to index
        %get3A_510 = arith.constant 16 : index
        %get3A_511 = tpu.vector_load %arg7[%get3A_509, %get3A_510] {strides = array<i32>} : memref<8x128xf32, #tpu.memory_space<vmem>>, vector<16xf32>,
        %get3A_512 = arith.constant 2 : i32
        %get3A_513 = arith.index_cast %get3A_512 : i32 to index
        %get3A_514 = arith.constant 16 : index
        %get3A_515 = tpu.vector_load %arg6[%get3A_513, %get3A_514] {strides = array<i32>} : memref<8x128xf32, #tpu.memory_space<vmem>>, vector<16xf32>,
        %add3A_516 = arith.addf %get3A_511, %get3A_515 : vector<16xf32>
        %swap3A_517 = arith.constant 2 : i32
        %swap3A_518 = arith.index_cast %swap3A_517 : i32 to index
        %swap3A_519 = arith.constant 16 : index
        %swap3A_520 = tpu.vector_load %arg7[%swap3A_518, %swap3A_519] {strides = array<i32>} : memref<8x128xf32, #tpu.memory_space<vmem>>, vector<16xf32>,
        tpu.vector_store %arg7[%swap3A_518, %swap3A_519], %add3A_516 {strides = array<i32>} : memref<8x128xf32, #tpu.memory_space<vmem>>, vector<16xf32>,
        %get3A_521 = arith.constant 2 : i32
        %get3A_522 = arith.index_cast %get3A_521 : i32 to index
        %get3A_523 = arith.constant 32 : index
        %get3A_524 = tpu.vector_load %arg7[%get3A_522, %get3A_523] {strides = array<i32>} : memref<8x128xf32, #tpu.memory_space<vmem>>, vector<16xf32>,
        %get3A_525 = arith.constant 2 : i32
        %get3A_526 = arith.index_cast %get3A_525 : i32 to index
        %get3A_527 = arith.constant 32 : index
        %get3A_528 = tpu.vector_load %arg6[%get3A_526, %get3A_527] {strides = array<i32>} : memref<8x128xf32, #tpu.memory_space<vmem>>, vector<16xf32>,
        %add3A_529 = arith.addf %get3A_524, %get3A_528 : vector<16xf32>
        %swap3A_530 = arith.constant 2 : i32
        %swap3A_531 = arith.index_cast %swap3A_530 : i32 to index
        %swap3A_532 = arith.constant 32 : index
        %swap3A_533 = tpu.vector_load %arg7[%swap3A_531, %swap3A_532] {strides = array<i32>} : memref<8x128xf32, #tpu.memory_space<vmem>>, vector<16xf32>,
        tpu.vector_store %arg7[%swap3A_531, %swap3A_532], %add3A_529 {strides = array<i32>} : memref<8x128xf32, #tpu.memory_space<vmem>>, vector<16xf32>,
        %get3A_534 = arith.constant 2 : i32
        %get3A_535 = arith.index_cast %get3A_534 : i32 to index
        %get3A_536 = arith.constant 48 : index
        %get3A_537 = tpu.vector_load %arg7[%get3A_535, %get3A_536] {strides = array<i32>} : memref<8x128xf32, #tpu.memory_space<vmem>>, vector<16xf32>,
        %get3A_538 = arith.constant 2 : i32
        %get3A_539 = arith.index_cast %get3A_538 : i32 to index
        %get3A_540 = arith.constant 48 : index
        %get3A_541 = tpu.vector_load %arg6[%get3A_539, %get3A_540] {strides = array<i32>} : memref<8x128xf32, #tpu.memory_space<vmem>>, vector<16xf32>,
        %add3A_542 = arith.addf %get3A_537, %get3A_541 : vector<16xf32>
        %swap3A_543 = arith.constant 2 : i32
        %swap3A_544 = arith.index_cast %swap3A_543 : i32 to index
        %swap3A_545 = arith.constant 48 : index
        %swap3A_546 = tpu.vector_load %arg7[%swap3A_544, %swap3A_545] {strides = array<i32>} : memref<8x128xf32, #tpu.memory_space<vmem>>, vector<16xf32>,
        tpu.vector_store %arg7[%swap3A_544, %swap3A_545], %add3A_542 {strides = array<i32>} : memref<8x128xf32, #tpu.memory_space<vmem>>, vector<16xf32>,
        %get3A_547 = arith.constant 2 : i32
        %get3A_548 = arith.index_cast %get3A_547 : i32 to index
        %get3A_549 = arith.constant 64 : index
        %get3A_550 = tpu.vector_load %arg7[%get3A_548, %get3A_549] {strides = array<i32>} : memref<8x128xf32, #tpu.memory_space<vmem>>, vector<16xf32>,
        %get3A_551 = arith.constant 2 : i32
        %get3A_552 = arith.index_cast %get3A_551 : i32 to index
        %get3A_553 = arith.constant 64 : index
        %get3A_554 = tpu.vector_load %arg6[%get3A_552, %get3A_553] {strides = array<i32>} : memref<8x128xf32, #tpu.memory_space<vmem>>, vector<16xf32>,
        %add3A_555 = arith.addf %get3A_550, %get3A_554 : vector<16xf32>
        %swap3A_556 = arith.constant 2 : i32
        %swap3A_557 = arith.index_cast %swap3A_556 : i32 to index
        %swap3A_558 = arith.constant 64 : index
        %swap3A_559 = tpu.vector_load %arg7[%swap3A_557, %swap3A_558] {strides = array<i32>} : memref<8x128xf32, #tpu.memory_space<vmem>>, vector<16xf32>,
        tpu.vector_store %arg7[%swap3A_557, %swap3A_558], %add3A_555 {strides = array<i32>} : memref<8x128xf32, #tpu.memory_space<vmem>>, vector<16xf32>,
        %get3A_560 = arith.constant 2 : i32
        %get3A_561 = arith.index_cast %get3A_560 : i32 to index
        %get3A_562 = arith.constant 80 : index
        %get3A_563 = tpu.vector_load %arg7[%get3A_561, %get3A_562] {strides = array<i32>} : memref<8x128xf32, #tpu.memory_space<vmem>>, vector<16xf32>,
        %get3A_564 = arith.constant 2 : i32
        %get3A_565 = arith.index_cast %get3A_564 : i32 to index
        %get3A_566 = arith.constant 80 : index
        %get3A_567 = tpu.vector_load %arg6[%get3A_565, %get3A_566] {strides = array<i32>} : memref<8x128xf32, #tpu.memory_space<vmem>>, vector<16xf32>,
        %add3A_568 = arith.addf %get3A_563, %get3A_567 : vector<16xf32>
        %swap3A_569 = arith.constant 2 : i32
        %swap3A_570 = arith.index_cast %swap3A_569 : i32 to index
        %swap3A_571 = arith.constant 80 : index
        %swap3A_572 = tpu.vector_load %arg7[%swap3A_570, %swap3A_571] {strides = array<i32>} : memref<8x128xf32, #tpu.memory_space<vmem>>, vector<16xf32>,
        tpu.vector_store %arg7[%swap3A_570, %swap3A_571], %add3A_568 {strides = array<i32>} : memref<8x128xf32, #tpu.memory_space<vmem>>, vector<16xf32>,
        %get3A_573 = arith.constant 2 : i32
        %get3A_574 = arith.index_cast %get3A_573 : i32 to index
        %get3A_575 = arith.constant 96 : index
        %get3A_576 = tpu.vector_load %arg7[%get3A_574, %get3A_575] {strides = array<i32>} : memref<8x128xf32, #tpu.memory_space<vmem>>, vector<16xf32>,
        %get3A_577 = arith.constant 2 : i32
        %get3A_578 = arith.index_cast %get3A_577 : i32 to index
        %get3A_579 = arith.constant 96 : index
        %get3A_580 = tpu.vector_load %arg6[%get3A_578, %get3A_579] {strides = array<i32>} : memref<8x128xf32, #tpu.memory_space<vmem>>, vector<16xf32>,
        %add3A_581 = arith.addf %get3A_576, %get3A_580 : vector<16xf32>
        %swap3A_582 = arith.constant 2 : i32
        %swap3A_583 = arith.index_cast %swap3A_582 : i32 to index
        %swap3A_584 = arith.constant 96 : index
        %swap3A_585 = tpu.vector_load %arg7[%swap3A_583, %swap3A_584] {strides = array<i32>} : memref<8x128xf32, #tpu.memory_space<vmem>>, vector<16xf32>,
        tpu.vector_store %arg7[%swap3A_583, %swap3A_584], %add3A_581 {strides = array<i32>} : memref<8x128xf32, #tpu.memory_space<vmem>>, vector<16xf32>,
        %get3A_586 = arith.constant 2 : i32
        %get3A_587 = arith.index_cast %get3A_586 : i32 to index
        %get3A_588 = arith.constant 112 : index
        %get3A_589 = tpu.vector_load %arg7[%get3A_587, %get3A_588] {strides = array<i32>} : memref<8x128xf32, #tpu.memory_space<vmem>>, vector<16xf32>,
        %get3A_590 = arith.constant 2 : i32
        %get3A_591 = arith.index_cast %get3A_590 : i32 to index
        %get3A_592 = arith.constant 112 : index
        %get3A_593 = tpu.vector_load %arg6[%get3A_591, %get3A_592] {strides = array<i32>} : memref<8x128xf32, #tpu.memory_space<vmem>>, vector<16xf32>,
        %add3A_594 = arith.addf %get3A_589, %get3A_593 : vector<16xf32>
        %swap3A_595 = arith.constant 2 : i32
        %swap3A_596 = arith.index_cast %swap3A_595 : i32 to index
        %swap3A_597 = arith.constant 112 : index
        %swap3A_598 = tpu.vector_load %arg7[%swap3A_596, %swap3A_597] {strides = array<i32>} : memref<8x128xf32, #tpu.memory_space<vmem>>, vector<16xf32>,
        tpu.vector_store %arg7[%swap3A_596, %swap3A_597], %add3A_594 {strides = array<i32>} : memref<8x128xf32, #tpu.memory_space<vmem>>, vector<16xf32>,
        %get3A_599 = arith.constant 3 : i32
        %get3A_600 = arith.index_cast %get3A_599 : i32 to index
        %get3A_601 = arith.constant 0 : index
        %get3A_602 = tpu.vector_load %arg7[%get3A_600, %get3A_601] {strides = array<i32>} : memref<8x128xf32, #tpu.memory_space<vmem>>, vector<16xf32>,
        %get3A_603 = arith.constant 3 : i32
        %get3A_604 = arith.index_cast %get3A_603 : i32 to index
        %get3A_605 = arith.constant 0 : index
        %get3A_606 = tpu.vector_load %arg6[%get3A_604, %get3A_605] {strides = array<i32>} : memref<8x128xf32, #tpu.memory_space<vmem>>, vector<16xf32>,
        %add3A_607 = arith.addf %get3A_602, %get3A_606 : vector<16xf32>
        %swap3A_608 = arith.constant 3 : i32
        %swap3A_609 = arith.index_cast %swap3A_608 : i32 to index
        %swap3A_610 = arith.constant 0 : index
        %swap3A_611 = tpu.vector_load %arg7[%swap3A_609, %swap3A_610] {strides = array<i32>} : memref<8x128xf32, #tpu.memory_space<vmem>>, vector<16xf32>,
        tpu.vector_store %arg7[%swap3A_609, %swap3A_610], %add3A_607 {strides = array<i32>} : memref<8x128xf32, #tpu.memory_space<vmem>>, vector<16xf32>,
        %get3A_612 = arith.constant 3 : i32
        %get3A_613 = arith.index_cast %get3A_612 : i32 to index
        %get3A_614 = arith.constant 16 : index
        %get3A_615 = tpu.vector_load %arg7[%get3A_613, %get3A_614] {strides = array<i32>} : memref<8x128xf32, #tpu.memory_space<vmem>>, vector<16xf32>,
        %get3A_616 = arith.constant 3 : i32
        %get3A_617 = arith.index_cast %get3A_616 : i32 to index
        %get3A_618 = arith.constant 16 : index
        %get3A_619 = tpu.vector_load %arg6[%get3A_617, %get3A_618] {strides = array<i32>} : memref<8x128xf32, #tpu.memory_space<vmem>>, vector<16xf32>,
        %add3A_620 = arith.addf %get3A_615, %get3A_619 : vector<16xf32>
        %swap3A_621 = arith.constant 3 : i32
        %swap3A_622 = arith.index_cast %swap3A_621 : i32 to index
        %swap3A_623 = arith.constant 16 : index
        %swap3A_624 = tpu.vector_load %arg7[%swap3A_622, %swap3A_623] {strides = array<i32>} : memref<8x128xf32, #tpu.memory_space<vmem>>, vector<16xf32>,
        tpu.vector_store %arg7[%swap3A_622, %swap3A_623], %add3A_620 {strides = array<i32>} : memref<8x128xf32, #tpu.memory_space<vmem>>, vector<16xf32>,
        %get3A_625 = arith.constant 3 : i32
        %get3A_626 = arith.index_cast %get3A_625 : i32 to index
        %get3A_627 = arith.constant 32 : index
        %get3A_628 = tpu.vector_load %arg7[%get3A_626, %get3A_627] {strides = array<i32>} : memref<8x128xf32, #tpu.memory_space<vmem>>, vector<16xf32>,
        %get3A_629 = arith.constant 3 : i32
        %get3A_630 = arith.index_cast %get3A_629 : i32 to index
        %get3A_631 = arith.constant 32 : index
        %get3A_632 = tpu.vector_load %arg6[%get3A_630, %get3A_631] {strides = array<i32>} : memref<8x128xf32, #tpu.memory_space<vmem>>, vector<16xf32>,
        %add3A_633 = arith.addf %get3A_628, %get3A_632 : vector<16xf32>
        %swap3A_634 = arith.constant 3 : i32
        %swap3A_635 = arith.index_cast %swap3A_634 : i32 to index
        %swap3A_636 = arith.constant 32 : index
        %swap3A_637 = tpu.vector_load %arg7[%swap3A_635, %swap3A_636] {strides = array<i32>} : memref<8x128xf32, #tpu.memory_space<vmem>>, vector<16xf32>,
        tpu.vector_store %arg7[%swap3A_635, %swap3A_636], %add3A_633 {strides = array<i32>} : memref<8x128xf32, #tpu.memory_space<vmem>>, vector<16xf32>,
        %get3A_638 = arith.constant 3 : i32
        %get3A_639 = arith.index_cast %get3A_638 : i32 to index
        %get3A_640 = arith.constant 48 : index
        %get3A_641 = tpu.vector_load %arg7[%get3A_639, %get3A_640] {strides = array<i32>} : memref<8x128xf32, #tpu.memory_space<vmem>>, vector<16xf32>,
        %get3A_642 = arith.constant 3 : i32
        %get3A_643 = arith.index_cast %get3A_642 : i32 to index
        %get3A_644 = arith.constant 48 : index
        %get3A_645 = tpu.vector_load %arg6[%get3A_643, %get3A_644] {strides = array<i32>} : memref<8x128xf32, #tpu.memory_space<vmem>>, vector<16xf32>,
        %add3A_646 = arith.addf %get3A_641, %get3A_645 : vector<16xf32>
        %swap3A_647 = arith.constant 3 : i32
        %swap3A_648 = arith.index_cast %swap3A_647 : i32 to index
        %swap3A_649 = arith.constant 48 : index
        %swap3A_650 = tpu.vector_load %arg7[%swap3A_648, %swap3A_649] {strides = array<i32>} : memref<8x128xf32, #tpu.memory_space<vmem>>, vector<16xf32>,
        tpu.vector_store %arg7[%swap3A_648, %swap3A_649], %add3A_646 {strides = array<i32>} : memref<8x128xf32, #tpu.memory_space<vmem>>, vector<16xf32>,
        %get3A_651 = arith.constant 3 : i32
        %get3A_652 = arith.index_cast %get3A_651 : i32 to index
        %get3A_653 = arith.constant 64 : index
        %get3A_654 = tpu.vector_load %arg7[%get3A_652, %get3A_653] {strides = array<i32>} : memref<8x128xf32, #tpu.memory_space<vmem>>, vector<16xf32>,
        %get3A_655 = arith.constant 3 : i32
        %get3A_656 = arith.index_cast %get3A_655 : i32 to index
        %get3A_657 = arith.constant 64 : index
        %get3A_658 = tpu.vector_load %arg6[%get3A_656, %get3A_657] {strides = array<i32>} : memref<8x128xf32, #tpu.memory_space<vmem>>, vector<16xf32>,
        %add3A_659 = arith.addf %get3A_654, %get3A_658 : vector<16xf32>
        %swap3A_660 = arith.constant 3 : i32
        %swap3A_661 = arith.index_cast %swap3A_660 : i32 to index
        %swap3A_662 = arith.constant 64 : index
        %swap3A_663 = tpu.vector_load %arg7[%swap3A_661, %swap3A_662] {strides = array<i32>} : memref<8x128xf32, #tpu.memory_space<vmem>>, vector<16xf32>,
        tpu.vector_store %arg7[%swap3A_661, %swap3A_662], %add3A_659 {strides = array<i32>} : memref<8x128xf32, #tpu.memory_space<vmem>>, vector<16xf32>,
        %get3A_664 = arith.constant 3 : i32
        %get3A_665 = arith.index_cast %get3A_664 : i32 to index
        %get3A_666 = arith.constant 80 : index
        %get3A_667 = tpu.vector_load %arg7[%get3A_665, %get3A_666] {strides = array<i32>} : memref<8x128xf32, #tpu.memory_space<vmem>>, vector<16xf32>,
        %get3A_668 = arith.constant 3 : i32
        %get3A_669 = arith.index_cast %get3A_668 : i32 to index
        %get3A_670 = arith.constant 80 : index
        %get3A_671 = tpu.vector_load %arg6[%get3A_669, %get3A_670] {strides = array<i32>} : memref<8x128xf32, #tpu.memory_space<vmem>>, vector<16xf32>,
        %add3A_672 = arith.addf %get3A_667, %get3A_671 : vector<16xf32>
        %swap3A_673 = arith.constant 3 : i32
        %swap3A_674 = arith.index_cast %swap3A_673 : i32 to index
        %swap3A_675 = arith.constant 80 : index
        %swap3A_676 = tpu.vector_load %arg7[%swap3A_674, %swap3A_675] {strides = array<i32>} : memref<8x128xf32, #tpu.memory_space<vmem>>, vector<16xf32>,
        tpu.vector_store %arg7[%swap3A_674, %swap3A_675], %add3A_672 {strides = array<i32>} : memref<8x128xf32, #tpu.memory_space<vmem>>, vector<16xf32>,
        %get3A_677 = arith.constant 3 : i32
        %get3A_678 = arith.index_cast %get3A_677 : i32 to index
        %get3A_679 = arith.constant 96 : index
        %get3A_680 = tpu.vector_load %arg7[%get3A_678, %get3A_679] {strides = array<i32>} : memref<8x128xf32, #tpu.memory_space<vmem>>, vector<16xf32>,
        %get3A_681 = arith.constant 3 : i32
        %get3A_682 = arith.index_cast %get3A_681 : i32 to index
        %get3A_683 = arith.constant 96 : index
        %get3A_684 = tpu.vector_load %arg6[%get3A_682, %get3A_683] {strides = array<i32>} : memref<8x128xf32, #tpu.memory_space<vmem>>, vector<16xf32>,
        %add3A_685 = arith.addf %get3A_680, %get3A_684 : vector<16xf32>
        %swap3A_686 = arith.constant 3 : i32
        %swap3A_687 = arith.index_cast %swap3A_686 : i32 to index
        %swap3A_688 = arith.constant 96 : index
        %swap3A_689 = tpu.vector_load %arg7[%swap3A_687, %swap3A_688] {strides = array<i32>} : memref<8x128xf32, #tpu.memory_space<vmem>>, vector<16xf32>,
        tpu.vector_store %arg7[%swap3A_687, %swap3A_688], %add3A_685 {strides = array<i32>} : memref<8x128xf32, #tpu.memory_space<vmem>>, vector<16xf32>,
        %get3A_690 = arith.constant 3 : i32
        %get3A_691 = arith.index_cast %get3A_690 : i32 to index
        %get3A_692 = arith.constant 112 : index
        %get3A_693 = tpu.vector_load %arg7[%get3A_691, %get3A_692] {strides = array<i32>} : memref<8x128xf32, #tpu.memory_space<vmem>>, vector<16xf32>,
        %get3A_694 = arith.constant 3 : i32
        %get3A_695 = arith.index_cast %get3A_694 : i32 to index
        %get3A_696 = arith.constant 112 : index
        %get3A_697 = tpu.vector_load %arg6[%get3A_695, %get3A_696] {strides = array<i32>} : memref<8x128xf32, #tpu.memory_space<vmem>>, vector<16xf32>,
        %add3A_698 = arith.addf %get3A_693, %get3A_697 : vector<16xf32>
        %swap3A_699 = arith.constant 3 : i32
        %swap3A_700 = arith.index_cast %swap3A_699 : i32 to index
        %swap3A_701 = arith.constant 112 : index
        %swap3A_702 = tpu.vector_load %arg7[%swap3A_700, %swap3A_701] {strides = array<i32>} : memref<8x128xf32, #tpu.memory_space<vmem>>, vector<16xf32>,
        tpu.vector_store %arg7[%swap3A_700, %swap3A_701], %add3A_698 {strides = array<i32>} : memref<8x128xf32, #tpu.memory_space<vmem>>, vector<16xf32>,
        %get3A_703 = arith.constant 4 : i32
        %get3A_704 = arith.index_cast %get3A_703 : i32 to index
        %get3A_705 = arith.constant 0 : index
        %get3A_706 = tpu.vector_load %arg7[%get3A_704, %get3A_705] {strides = array<i32>} : memref<8x128xf32, #tpu.memory_space<vmem>>, vector<16xf32>,
        %get3A_707 = arith.constant 4 : i32
        %get3A_708 = arith.index_cast %get3A_707 : i32 to index
        %get3A_709 = arith.constant 0 : index
        %get3A_710 = tpu.vector_load %arg6[%get3A_708, %get3A_709] {strides = array<i32>} : memref<8x128xf32, #tpu.memory_space<vmem>>, vector<16xf32>,
        %add3A_711 = arith.addf %get3A_706, %get3A_710 : vector<16xf32>
        %swap3A_712 = arith.constant 4 : i32
        %swap3A_713 = arith.index_cast %swap3A_712 : i32 to index
        %swap3A_714 = arith.constant 0 : index
        %swap3A_715 = tpu.vector_load %arg7[%swap3A_713, %swap3A_714] {strides = array<i32>} : memref<8x128xf32, #tpu.memory_space<vmem>>, vector<16xf32>,
        tpu.vector_store %arg7[%swap3A_713, %swap3A_714], %add3A_711 {strides = array<i32>} : memref<8x128xf32, #tpu.memory_space<vmem>>, vector<16xf32>,
        %get3A_716 = arith.constant 4 : i32
        %get3A_717 = arith.index_cast %get3A_716 : i32 to index
        %get3A_718 = arith.constant 16 : index
        %get3A_719 = tpu.vector_load %arg7[%get3A_717, %get3A_718] {strides = array<i32>} : memref<8x128xf32, #tpu.memory_space<vmem>>, vector<16xf32>,
        %get3A_720 = arith.constant 4 : i32
        %get3A_721 = arith.index_cast %get3A_720 : i32 to index
        %get3A_722 = arith.constant 16 : index
        %get3A_723 = tpu.vector_load %arg6[%get3A_721, %get3A_722] {strides = array<i32>} : memref<8x128xf32, #tpu.memory_space<vmem>>, vector<16xf32>,
        %add3A_724 = arith.addf %get3A_719, %get3A_723 : vector<16xf32>
        %swap3A_725 = arith.constant 4 : i32
        %swap3A_726 = arith.index_cast %swap3A_725 : i32 to index
        %swap3A_727 = arith.constant 16 : index
        %swap3A_728 = tpu.vector_load %arg7[%swap3A_726, %swap3A_727] {strides = array<i32>} : memref<8x128xf32, #tpu.memory_space<vmem>>, vector<16xf32>,
        tpu.vector_store %arg7[%swap3A_726, %swap3A_727], %add3A_724 {strides = array<i32>} : memref<8x128xf32, #tpu.memory_space<vmem>>, vector<16xf32>,
        %get3A_729 = arith.constant 4 : i32
        %get3A_730 = arith.index_cast %get3A_729 : i32 to index
        %get3A_731 = arith.constant 32 : index
        %get3A_732 = tpu.vector_load %arg7[%get3A_730, %get3A_731] {strides = array<i32>} : memref<8x128xf32, #tpu.memory_space<vmem>>, vector<16xf32>,
        %get3A_733 = arith.constant 4 : i32
        %get3A_734 = arith.index_cast %get3A_733 : i32 to index
        %get3A_735 = arith.constant 32 : index
        %get3A_736 = tpu.vector_load %arg6[%get3A_734, %get3A_735] {strides = array<i32>} : memref<8x128xf32, #tpu.memory_space<vmem>>, vector<16xf32>,
        %add3A_737 = arith.addf %get3A_732, %get3A_736 : vector<16xf32>
        %swap3A_738 = arith.constant 4 : i32
        %swap3A_739 = arith.index_cast %swap3A_738 : i32 to index
        %swap3A_740 = arith.constant 32 : index
        %swap3A_741 = tpu.vector_load %arg7[%swap3A_739, %swap3A_740] {strides = array<i32>} : memref<8x128xf32, #tpu.memory_space<vmem>>, vector<16xf32>,
        tpu.vector_store %arg7[%swap3A_739, %swap3A_740], %add3A_737 {strides = array<i32>} : memref<8x128xf32, #tpu.memory_space<vmem>>, vector<16xf32>,
        %get3A_742 = arith.constant 4 : i32
        %get3A_743 = arith.index_cast %get3A_742 : i32 to index
        %get3A_744 = arith.constant 48 : index
        %get3A_745 = tpu.vector_load %arg7[%get3A_743, %get3A_744] {strides = array<i32>} : memref<8x128xf32, #tpu.memory_space<vmem>>, vector<16xf32>,
        %get3A_746 = arith.constant 4 : i32
        %get3A_747 = arith.index_cast %get3A_746 : i32 to index
        %get3A_748 = arith.constant 48 : index
        %get3A_749 = tpu.vector_load %arg6[%get3A_747, %get3A_748] {strides = array<i32>} : memref<8x128xf32, #tpu.memory_space<vmem>>, vector<16xf32>,
        %add3A_750 = arith.addf %get3A_745, %get3A_749 : vector<16xf32>
        %swap3A_751 = arith.constant 4 : i32
        %swap3A_752 = arith.index_cast %swap3A_751 : i32 to index
        %swap3A_753 = arith.constant 48 : index
        %swap3A_754 = tpu.vector_load %arg7[%swap3A_752, %swap3A_753] {strides = array<i32>} : memref<8x128xf32, #tpu.memory_space<vmem>>, vector<16xf32>,
        tpu.vector_store %arg7[%swap3A_752, %swap3A_753], %add3A_750 {strides = array<i32>} : memref<8x128xf32, #tpu.memory_space<vmem>>, vector<16xf32>,
        %get3A_755 = arith.constant 4 : i32
        %get3A_756 = arith.index_cast %get3A_755 : i32 to index
        %get3A_757 = arith.constant 64 : index
        %get3A_758 = tpu.vector_load %arg7[%get3A_756, %get3A_757] {strides = array<i32>} : memref<8x128xf32, #tpu.memory_space<vmem>>, vector<16xf32>,
        %get3A_759 = arith.constant 4 : i32
        %get3A_760 = arith.index_cast %get3A_759 : i32 to index
        %get3A_761 = arith.constant 64 : index
        %get3A_762 = tpu.vector_load %arg6[%get3A_760, %get3A_761] {strides = array<i32>} : memref<8x128xf32, #tpu.memory_space<vmem>>, vector<16xf32>,
        %add3A_763 = arith.addf %get3A_758, %get3A_762 : vector<16xf32>
        %swap3A_764 = arith.constant 4 : i32
        %swap3A_765 = arith.index_cast %swap3A_764 : i32 to index
        %swap3A_766 = arith.constant 64 : index
        %swap3A_767 = tpu.vector_load %arg7[%swap3A_765, %swap3A_766] {strides = array<i32>} : memref<8x128xf32, #tpu.memory_space<vmem>>, vector<16xf32>,
        tpu.vector_store %arg7[%swap3A_765, %swap3A_766], %add3A_763 {strides = array<i32>} : memref<8x128xf32, #tpu.memory_space<vmem>>, vector<16xf32>,
        %get3A_768 = arith.constant 4 : i32
        %get3A_769 = arith.index_cast %get3A_768 : i32 to index
        %get3A_770 = arith.constant 80 : index
        %get3A_771 = tpu.vector_load %arg7[%get3A_769, %get3A_770] {strides = array<i32>} : memref<8x128xf32, #tpu.memory_space<vmem>>, vector<16xf32>,
        %get3A_772 = arith.constant 4 : i32
        %get3A_773 = arith.index_cast %get3A_772 : i32 to index
        %get3A_774 = arith.constant 80 : index
        %get3A_775 = tpu.vector_load %arg6[%get3A_773, %get3A_774] {strides = array<i32>} : memref<8x128xf32, #tpu.memory_space<vmem>>, vector<16xf32>,
        %add3A_776 = arith.addf %get3A_771, %get3A_775 : vector<16xf32>
        %swap3A_777 = arith.constant 4 : i32
        %swap3A_778 = arith.index_cast %swap3A_777 : i32 to index
        %swap3A_779 = arith.constant 80 : index
        %swap3A_780 = tpu.vector_load %arg7[%swap3A_778, %swap3A_779] {strides = array<i32>} : memref<8x128xf32, #tpu.memory_space<vmem>>, vector<16xf32>,
        tpu.vector_store %arg7[%swap3A_778, %swap3A_779], %add3A_776 {strides = array<i32>} : memref<8x128xf32, #tpu.memory_space<vmem>>, vector<16xf32>,
        %get3A_781 = arith.constant 4 : i32
        %get3A_782 = arith.index_cast %get3A_781 : i32 to index
        %get3A_783 = arith.constant 96 : index
        %get3A_784 = tpu.vector_load %arg7[%get3A_782, %get3A_783] {strides = array<i32>} : memref<8x128xf32, #tpu.memory_space<vmem>>, vector<16xf32>,
        %get3A_785 = arith.constant 4 : i32
        %get3A_786 = arith.index_cast %get3A_785 : i32 to index
        %get3A_787 = arith.constant 96 : index
        %get3A_788 = tpu.vector_load %arg6[%get3A_786, %get3A_787] {strides = array<i32>} : memref<8x128xf32, #tpu.memory_space<vmem>>, vector<16xf32>,
        %add3A_789 = arith.addf %get3A_784, %get3A_788 : vector<16xf32>
        %swap3A_790 = arith.constant 4 : i32
        %swap3A_791 = arith.index_cast %swap3A_790 : i32 to index
        %swap3A_792 = arith.constant 96 : index
        %swap3A_793 = tpu.vector_load %arg7[%swap3A_791, %swap3A_792] {strides = array<i32>} : memref<8x128xf32, #tpu.memory_space<vmem>>, vector<16xf32>,
        tpu.vector_store %arg7[%swap3A_791, %swap3A_792], %add3A_789 {strides = array<i32>} : memref<8x128xf32, #tpu.memory_space<vmem>>, vector<16xf32>,
        %get3A_794 = arith.constant 4 : i32
        %get3A_795 = arith.index_cast %get3A_794 : i32 to index
        %get3A_796 = arith.constant 112 : index
        %get3A_797 = tpu.vector_load %arg7[%get3A_795, %get3A_796] {strides = array<i32>} : memref<8x128xf32, #tpu.memory_space<vmem>>, vector<16xf32>,
        %get3A_798 = arith.constant 4 : i32
        %get3A_799 = arith.index_cast %get3A_798 : i32 to index
        %get3A_800 = arith.constant 112 : index
        %get3A_801 = tpu.vector_load %arg6[%get3A_799, %get3A_800] {strides = array<i32>} : memref<8x128xf32, #tpu.memory_space<vmem>>, vector<16xf32>,
        %add3A_802 = arith.addf %get3A_797, %get3A_801 : vector<16xf32>
        %swap3A_803 = arith.constant 4 : i32
        %swap3A_804 = arith.index_cast %swap3A_803 : i32 to index
        %swap3A_805 = arith.constant 112 : index
        %swap3A_806 = tpu.vector_load %arg7[%swap3A_804, %swap3A_805] {strides = array<i32>} : memref<8x128xf32, #tpu.memory_space<vmem>>, vector<16xf32>,
        tpu.vector_store %arg7[%swap3A_804, %swap3A_805], %add3A_802 {strides = array<i32>} : memref<8x128xf32, #tpu.memory_space<vmem>>, vector<16xf32>,
        %get3A_807 = arith.constant 5 : i32
        %get3A_808 = arith.index_cast %get3A_807 : i32 to index
        %get3A_809 = arith.constant 0 : index
        %get3A_810 = tpu.vector_load %arg7[%get3A_808, %get3A_809] {strides = array<i32>} : memref<8x128xf32, #tpu.memory_space<vmem>>, vector<16xf32>,
        %get3A_811 = arith.constant 5 : i32
        %get3A_812 = arith.index_cast %get3A_811 : i32 to index
        %get3A_813 = arith.constant 0 : index
        %get3A_814 = tpu.vector_load %arg6[%get3A_812, %get3A_813] {strides = array<i32>} : memref<8x128xf32, #tpu.memory_space<vmem>>, vector<16xf32>,
        %add3A_815 = arith.addf %get3A_810, %get3A_814 : vector<16xf32>
        %swap3A_816 = arith.constant 5 : i32
        %swap3A_817 = arith.index_cast %swap3A_816 : i32 to index
        %swap3A_818 = arith.constant 0 : index
        %swap3A_819 = tpu.vector_load %arg7[%swap3A_817, %swap3A_818] {strides = array<i32>} : memref<8x128xf32, #tpu.memory_space<vmem>>, vector<16xf32>,
        tpu.vector_store %arg7[%swap3A_817, %swap3A_818], %add3A_815 {strides = array<i32>} : memref<8x128xf32, #tpu.memory_space<vmem>>, vector<16xf32>,
        %get3A_820 = arith.constant 5 : i32
        %get3A_821 = arith.index_cast %get3A_820 : i32 to index
        %get3A_822 = arith.constant 16 : index
        %get3A_823 = tpu.vector_load %arg7[%get3A_821, %get3A_822] {strides = array<i32>} : memref<8x128xf32, #tpu.memory_space<vmem>>, vector<16xf32>,
        %get3A_824 = arith.constant 5 : i32
        %get3A_825 = arith.index_cast %get3A_824 : i32 to index
        %get3A_826 = arith.constant 16 : index
        %get3A_827 = tpu.vector_load %arg6[%get3A_825, %get3A_826] {strides = array<i32>} : memref<8x128xf32, #tpu.memory_space<vmem>>, vector<16xf32>,
        %add3A_828 = arith.addf %get3A_823, %get3A_827 : vector<16xf32>
        %swap3A_829 = arith.constant 5 : i32
        %swap3A_830 = arith.index_cast %swap3A_829 : i32 to index
        %swap3A_831 = arith.constant 16 : index
        %swap3A_832 = tpu.vector_load %arg7[%swap3A_830, %swap3A_831] {strides = array<i32>} : memref<8x128xf32, #tpu.memory_space<vmem>>, vector<16xf32>,
        tpu.vector_store %arg7[%swap3A_830, %swap3A_831], %add3A_828 {strides = array<i32>} : memref<8x128xf32, #tpu.memory_space<vmem>>, vector<16xf32>,
        %get3A_833 = arith.constant 5 : i32
        %get3A_834 = arith.index_cast %get3A_833 : i32 to index
        %get3A_835 = arith.constant 32 : index
        %get3A_836 = tpu.vector_load %arg7[%get3A_834, %get3A_835] {strides = array<i32>} : memref<8x128xf32, #tpu.memory_space<vmem>>, vector<16xf32>,
        %get3A_837 = arith.constant 5 : i32
        %get3A_838 = arith.index_cast %get3A_837 : i32 to index
        %get3A_839 = arith.constant 32 : index
        %get3A_840 = tpu.vector_load %arg6[%get3A_838, %get3A_839] {strides = array<i32>} : memref<8x128xf32, #tpu.memory_space<vmem>>, vector<16xf32>,
        %add3A_841 = arith.addf %get3A_836, %get3A_840 : vector<16xf32>
        %swap3A_842 = arith.constant 5 : i32
        %swap3A_843 = arith.index_cast %swap3A_842 : i32 to index
        %swap3A_844 = arith.constant 32 : index
        %swap3A_845 = tpu.vector_load %arg7[%swap3A_843, %swap3A_844] {strides = array<i32>} : memref<8x128xf32, #tpu.memory_space<vmem>>, vector<16xf32>,
        tpu.vector_store %arg7[%swap3A_843, %swap3A_844], %add3A_841 {strides = array<i32>} : memref<8x128xf32, #tpu.memory_space<vmem>>, vector<16xf32>,
        %get3A_846 = arith.constant 5 : i32
        %get3A_847 = arith.index_cast %get3A_846 : i32 to index
        %get3A_848 = arith.constant 48 : index
        %get3A_849 = tpu.vector_load %arg7[%get3A_847, %get3A_848] {strides = array<i32>} : memref<8x128xf32, #tpu.memory_space<vmem>>, vector<16xf32>,
        %get3A_850 = arith.constant 5 : i32
        %get3A_851 = arith.index_cast %get3A_850 : i32 to index
        %get3A_852 = arith.constant 48 : index
        %get3A_853 = tpu.vector_load %arg6[%get3A_851, %get3A_852] {strides = array<i32>} : memref<8x128xf32, #tpu.memory_space<vmem>>, vector<16xf32>,
        %add3A_854 = arith.addf %get3A_849, %get3A_853 : vector<16xf32>
        %swap3A_855 = arith.constant 5 : i32
        %swap3A_856 = arith.index_cast %swap3A_855 : i32 to index
        %swap3A_857 = arith.constant 48 : index
        %swap3A_858 = tpu.vector_load %arg7[%swap3A_856, %swap3A_857] {strides = array<i32>} : memref<8x128xf32, #tpu.memory_space<vmem>>, vector<16xf32>,
        tpu.vector_store %arg7[%swap3A_856, %swap3A_857], %add3A_854 {strides = array<i32>} : memref<8x128xf32, #tpu.memory_space<vmem>>, vector<16xf32>,
        %get3A_859 = arith.constant 5 : i32
        %get3A_860 = arith.index_cast %get3A_859 : i32 to index
        %get3A_861 = arith.constant 64 : index
        %get3A_862 = tpu.vector_load %arg7[%get3A_860, %get3A_861] {strides = array<i32>} : memref<8x128xf32, #tpu.memory_space<vmem>>, vector<16xf32>,
        %get3A_863 = arith.constant 5 : i32
        %get3A_864 = arith.index_cast %get3A_863 : i32 to index
        %get3A_865 = arith.constant 64 : index
        %get3A_866 = tpu.vector_load %arg6[%get3A_864, %get3A_865] {strides = array<i32>} : memref<8x128xf32, #tpu.memory_space<vmem>>, vector<16xf32>,
        %add3A_867 = arith.addf %get3A_862, %get3A_866 : vector<16xf32>
        %swap3A_868 = arith.constant 5 : i32
        %swap3A_869 = arith.index_cast %swap3A_868 : i32 to index
        %swap3A_870 = arith.constant 64 : index
        %swap3A_871 = tpu.vector_load %arg7[%swap3A_869, %swap3A_870] {strides = array<i32>} : memref<8x128xf32, #tpu.memory_space<vmem>>, vector<16xf32>,
        tpu.vector_store %arg7[%swap3A_869, %swap3A_870], %add3A_867 {strides = array<i32>} : memref<8x128xf32, #tpu.memory_space<vmem>>, vector<16xf32>,
        %get3A_872 = arith.constant 5 : i32
        %get3A_873 = arith.index_cast %get3A_872 : i32 to index
        %get3A_874 = arith.constant 80 : index
        %get3A_875 = tpu.vector_load %arg7[%get3A_873, %get3A_874] {strides = array<i32>} : memref<8x128xf32, #tpu.memory_space<vmem>>, vector<16xf32>,
        %get3A_876 = arith.constant 5 : i32
        %get3A_877 = arith.index_cast %get3A_876 : i32 to index
        %get3A_878 = arith.constant 80 : index
        %get3A_879 = tpu.vector_load %arg6[%get3A_877, %get3A_878] {strides = array<i32>} : memref<8x128xf32, #tpu.memory_space<vmem>>, vector<16xf32>,
        %add3A_880 = arith.addf %get3A_875, %get3A_879 : vector<16xf32>
        %swap3A_881 = arith.constant 5 : i32
        %swap3A_882 = arith.index_cast %swap3A_881 : i32 to index
        %swap3A_883 = arith.constant 80 : index
        %swap3A_884 = tpu.vector_load %arg7[%swap3A_882, %swap3A_883] {strides = array<i32>} : memref<8x128xf32, #tpu.memory_space<vmem>>, vector<16xf32>,
        tpu.vector_store %arg7[%swap3A_882, %swap3A_883], %add3A_880 {strides = array<i32>} : memref<8x128xf32, #tpu.memory_space<vmem>>, vector<16xf32>,
        %get3A_885 = arith.constant 5 : i32
        %get3A_886 = arith.index_cast %get3A_885 : i32 to index
        %get3A_887 = arith.constant 96 : index
        %get3A_888 = tpu.vector_load %arg7[%get3A_886, %get3A_887] {strides = array<i32>} : memref<8x128xf32, #tpu.memory_space<vmem>>, vector<16xf32>,
        %get3A_889 = arith.constant 5 : i32
        %get3A_890 = arith.index_cast %get3A_889 : i32 to index
        %get3A_891 = arith.constant 96 : index
        %get3A_892 = tpu.vector_load %arg6[%get3A_890, %get3A_891] {strides = array<i32>} : memref<8x128xf32, #tpu.memory_space<vmem>>, vector<16xf32>,
        %add3A_893 = arith.addf %get3A_888, %get3A_892 : vector<16xf32>
        %swap3A_894 = arith.constant 5 : i32
        %swap3A_895 = arith.index_cast %swap3A_894 : i32 to index
        %swap3A_896 = arith.constant 96 : index
        %swap3A_897 = tpu.vector_load %arg7[%swap3A_895, %swap3A_896] {strides = array<i32>} : memref<8x128xf32, #tpu.memory_space<vmem>>, vector<16xf32>,
        tpu.vector_store %arg7[%swap3A_895, %swap3A_896], %add3A_893 {strides = array<i32>} : memref<8x128xf32, #tpu.memory_space<vmem>>, vector<16xf32>,
        %get3A_898 = arith.constant 5 : i32
        %get3A_899 = arith.index_cast %get3A_898 : i32 to index
        %get3A_900 = arith.constant 112 : index
        %get3A_901 = tpu.vector_load %arg7[%get3A_899, %get3A_900] {strides = array<i32>} : memref<8x128xf32, #tpu.memory_space<vmem>>, vector<16xf32>,
        %get3A_902 = arith.constant 5 : i32
        %get3A_903 = arith.index_cast %get3A_902 : i32 to index
        %get3A_904 = arith.constant 112 : index
        %get3A_905 = tpu.vector_load %arg6[%get3A_903, %get3A_904] {strides = array<i32>} : memref<8x128xf32, #tpu.memory_space<vmem>>, vector<16xf32>,
        %add3A_906 = arith.addf %get3A_901, %get3A_905 : vector<16xf32>
        %swap3A_907 = arith.constant 5 : i32
        %swap3A_908 = arith.index_cast %swap3A_907 : i32 to index
        %swap3A_909 = arith.constant 112 : index
        %swap3A_910 = tpu.vector_load %arg7[%swap3A_908, %swap3A_909] {strides = array<i32>} : memref<8x128xf32, #tpu.memory_space<vmem>>, vector<16xf32>,
        tpu.vector_store %arg7[%swap3A_908, %swap3A_909], %add3A_906 {strides = array<i32>} : memref<8x128xf32, #tpu.memory_space<vmem>>, vector<16xf32>,
        %get3A_911 = arith.constant 6 : i32
        %get3A_912 = arith.index_cast %get3A_911 : i32 to index
        %get3A_913 = arith.constant 0 : index
        %get3A_914 = tpu.vector_load %arg7[%get3A_912, %get3A_913] {strides = array<i32>} : memref<8x128xf32, #tpu.memory_space<vmem>>, vector<16xf32>,
        %get3A_915 = arith.constant 6 : i32
        %get3A_916 = arith.index_cast %get3A_915 : i32 to index
        %get3A_917 = arith.constant 0 : index
        %get3A_918 = tpu.vector_load %arg6[%get3A_916, %get3A_917] {strides = array<i32>} : memref<8x128xf32, #tpu.memory_space<vmem>>, vector<16xf32>,
        %add3A_919 = arith.addf %get3A_914, %get3A_918 : vector<16xf32>
        %swap3A_920 = arith.constant 6 : i32
        %swap3A_921 = arith.index_cast %swap3A_920 : i32 to index
        %swap3A_922 = arith.constant 0 : index
        %swap3A_923 = tpu.vector_load %arg7[%swap3A_921, %swap3A_922] {strides = array<i32>} : memref<8x128xf32, #tpu.memory_space<vmem>>, vector<16xf32>,
        tpu.vector_store %arg7[%swap3A_921, %swap3A_922], %add3A_919 {strides = array<i32>} : memref<8x128xf32, #tpu.memory_space<vmem>>, vector<16xf32>,
        %get3A_924 = arith.constant 6 : i32
        %get3A_925 = arith.index_cast %get3A_924 : i32 to index
        %get3A_926 = arith.constant 16 : index
        %get3A_927 = tpu.vector_load %arg7[%get3A_925, %get3A_926] {strides = array<i32>} : memref<8x128xf32, #tpu.memory_space<vmem>>, vector<16xf32>,
        %get3A_928 = arith.constant 6 : i32
        %get3A_929 = arith.index_cast %get3A_928 : i32 to index
        %get3A_930 = arith.constant 16 : index
        %get3A_931 = tpu.vector_load %arg6[%get3A_929, %get3A_930] {strides = array<i32>} : memref<8x128xf32, #tpu.memory_space<vmem>>, vector<16xf32>,
        %add3A_932 = arith.addf %get3A_927, %get3A_931 : vector<16xf32>
        %swap3A_933 = arith.constant 6 : i32
        %swap3A_934 = arith.index_cast %swap3A_933 : i32 to index
        %swap3A_935 = arith.constant 16 : index
        %swap3A_936 = tpu.vector_load %arg7[%swap3A_934, %swap3A_935] {strides = array<i32>} : memref<8x128xf32, #tpu.memory_space<vmem>>, vector<16xf32>,
        tpu.vector_store %arg7[%swap3A_934, %swap3A_935], %add3A_932 {strides = array<i32>} : memref<8x128xf32, #tpu.memory_space<vmem>>, vector<16xf32>,
        %get3A_937 = arith.constant 6 : i32
        %get3A_938 = arith.index_cast %get3A_937 : i32 to index
        %get3A_939 = arith.constant 32 : index
        %get3A_940 = tpu.vector_load %arg7[%get3A_938, %get3A_939] {strides = array<i32>} : memref<8x128xf32, #tpu.memory_space<vmem>>, vector<16xf32>,
        %get3A_941 = arith.constant 6 : i32
        %get3A_942 = arith.index_cast %get3A_941 : i32 to index
        %get3A_943 = arith.constant 32 : index
        %get3A_944 = tpu.vector_load %arg6[%get3A_942, %get3A_943] {strides = array<i32>} : memref<8x128xf32, #tpu.memory_space<vmem>>, vector<16xf32>,
        %add3A_945 = arith.addf %get3A_940, %get3A_944 : vector<16xf32>
        %swap3A_946 = arith.constant 6 : i32
        %swap3A_947 = arith.index_cast %swap3A_946 : i32 to index
        %swap3A_948 = arith.constant 32 : index
        %swap3A_949 = tpu.vector_load %arg7[%swap3A_947, %swap3A_948] {strides = array<i32>} : memref<8x128xf32, #tpu.memory_space<vmem>>, vector<16xf32>,
        tpu.vector_store %arg7[%swap3A_947, %swap3A_948], %add3A_945 {strides = array<i32>} : memref<8x128xf32, #tpu.memory_space<vmem>>, vector<16xf32>,
        %get3A_950 = arith.constant 6 : i32
        %get3A_951 = arith.index_cast %get3A_950 : i32 to index
        %get3A_952 = arith.constant 48 : index
        %get3A_953 = tpu.vector_load %arg7[%get3A_951, %get3A_952] {strides = array<i32>} : memref<8x128xf32, #tpu.memory_space<vmem>>, vector<16xf32>,
        %get3A_954 = arith.constant 6 : i32
        %get3A_955 = arith.index_cast %get3A_954 : i32 to index
        %get3A_956 = arith.constant 48 : index
        %get3A_957 = tpu.vector_load %arg6[%get3A_955, %get3A_956] {strides = array<i32>} : memref<8x128xf32, #tpu.memory_space<vmem>>, vector<16xf32>,
        %add3A_958 = arith.addf %get3A_953, %get3A_957 : vector<16xf32>
        %swap3A_959 = arith.constant 6 : i32
        %swap3A_960 = arith.index_cast %swap3A_959 : i32 to index
        %swap3A_961 = arith.constant 48 : index
        %swap3A_962 = tpu.vector_load %arg7[%swap3A_960, %swap3A_961] {strides = array<i32>} : memref<8x128xf32, #tpu.memory_space<vmem>>, vector<16xf32>,
        tpu.vector_store %arg7[%swap3A_960, %swap3A_961], %add3A_958 {strides = array<i32>} : memref<8x128xf32, #tpu.memory_space<vmem>>, vector<16xf32>,
        %get3A_963 = arith.constant 6 : i32
        %get3A_964 = arith.index_cast %get3A_963 : i32 to index
        %get3A_965 = arith.constant 64 : index
        %get3A_966 = tpu.vector_load %arg7[%get3A_964, %get3A_965] {strides = array<i32>} : memref<8x128xf32, #tpu.memory_space<vmem>>, vector<16xf32>,
        %get3A_967 = arith.constant 6 : i32
        %get3A_968 = arith.index_cast %get3A_967 : i32 to index
        %get3A_969 = arith.constant 64 : index
        %get3A_970 = tpu.vector_load %arg6[%get3A_968, %get3A_969] {strides = array<i32>} : memref<8x128xf32, #tpu.memory_space<vmem>>, vector<16xf32>,
        %add3A_971 = arith.addf %get3A_966, %get3A_970 : vector<16xf32>
        %swap3A_972 = arith.constant 6 : i32
        %swap3A_973 = arith.index_cast %swap3A_972 : i32 to index
        %swap3A_974 = arith.constant 64 : index
        %swap3A_975 = tpu.vector_load %arg7[%swap3A_973, %swap3A_974] {strides = array<i32>} : memref<8x128xf32, #tpu.memory_space<vmem>>, vector<16xf32>,
        tpu.vector_store %arg7[%swap3A_973, %swap3A_974], %add3A_971 {strides = array<i32>} : memref<8x128xf32, #tpu.memory_space<vmem>>, vector<16xf32>,
        %get3A_976 = arith.constant 6 : i32
        %get3A_977 = arith.index_cast %get3A_976 : i32 to index
        %get3A_978 = arith.constant 80 : index
        %get3A_979 = tpu.vector_load %arg7[%get3A_977, %get3A_978] {strides = array<i32>} : memref<8x128xf32, #tpu.memory_space<vmem>>, vector<16xf32>,
        %get3A_980 = arith.constant 6 : i32
        %get3A_981 = arith.index_cast %get3A_980 : i32 to index
        %get3A_982 = arith.constant 80 : index
        %get3A_983 = tpu.vector_load %arg6[%get3A_981, %get3A_982] {strides = array<i32>} : memref<8x128xf32, #tpu.memory_space<vmem>>, vector<16xf32>,
        %add3A_984 = arith.addf %get3A_979, %get3A_983 : vector<16xf32>
        %swap3A_985 = arith.constant 6 : i32
        %swap3A_986 = arith.index_cast %swap3A_985 : i32 to index
        %swap3A_987 = arith.constant 80 : index
        %swap3A_988 = tpu.vector_load %arg7[%swap3A_986, %swap3A_987] {strides = array<i32>} : memref<8x128xf32, #tpu.memory_space<vmem>>, vector<16xf32>,
        tpu.vector_store %arg7[%swap3A_986, %swap3A_987], %add3A_984 {strides = array<i32>} : memref<8x128xf32, #tpu.memory_space<vmem>>, vector<16xf32>,
        %get3A_989 = arith.constant 6 : i32
        %get3A_990 = arith.index_cast %get3A_989 : i32 to index
        %get3A_991 = arith.constant 96 : index
        %get3A_992 = tpu.vector_load %arg7[%get3A_990, %get3A_991] {strides = array<i32>} : memref<8x128xf32, #tpu.memory_space<vmem>>, vector<16xf32>,
        %get3A_993 = arith.constant 6 : i32
        %get3A_994 = arith.index_cast %get3A_993 : i32 to index
        %get3A_995 = arith.constant 96 : index
        %get3A_996 = tpu.vector_load %arg6[%get3A_994, %get3A_995] {strides = array<i32>} : memref<8x128xf32, #tpu.memory_space<vmem>>, vector<16xf32>,
        %add3A_997 = arith.addf %get3A_992, %get3A_996 : vector<16xf32>
        %swap3A_998 = arith.constant 6 : i32
        %swap3A_999 = arith.index_cast %swap3A_998 : i32 to index
        %swap3A_1000 = arith.constant 96 : index
        %swap3A_1001 = tpu.vector_load %arg7[%swap3A_999, %swap3A_1000] {strides = array<i32>} : memref<8x128xf32, #tpu.memory_space<vmem>>, vector<16xf32>,
        tpu.vector_store %arg7[%swap3A_999, %swap3A_1000], %add3A_997 {strides = array<i32>} : memref<8x128xf32, #tpu.memory_space<vmem>>, vector<16xf32>,
        %get3A_1002 = arith.constant 6 : i32
        %get3A_1003 = arith.index_cast %get3A_1002 : i32 to index
        %get3A_1004 = arith.constant 112 : index
        %get3A_1005 = tpu.vector_load %arg7[%get3A_1003, %get3A_1004] {strides = array<i32>} : memref<8x128xf32, #tpu.memory_space<vmem>>, vector<16xf32>,
        %get3A_1006 = arith.constant 6 : i32
        %get3A_1007 = arith.index_cast %get3A_1006 : i32 to index
        %get3A_1008 = arith.constant 112 : index
        %get3A_1009 = tpu.vector_load %arg6[%get3A_1007, %get3A_1008] {strides = array<i32>} : memref<8x128xf32, #tpu.memory_space<vmem>>, vector<16xf32>,
        %add3A_1010 = arith.addf %get3A_1005, %get3A_1009 : vector<16xf32>
        %swap3A_1011 = arith.constant 6 : i32
        %swap3A_1012 = arith.index_cast %swap3A_1011 : i32 to index
        %swap3A_1013 = arith.constant 112 : index
        %swap3A_1014 = tpu.vector_load %arg7[%swap3A_1012, %swap3A_1013] {strides = array<i32>} : memref<8x128xf32, #tpu.memory_space<vmem>>, vector<16xf32>,
        tpu.vector_store %arg7[%swap3A_1012, %swap3A_1013], %add3A_1010 {strides = array<i32>} : memref<8x128xf32, #tpu.memory_space<vmem>>, vector<16xf32>,
        %get3A_1015 = arith.constant 7 : i32
        %get3A_1016 = arith.index_cast %get3A_1015 : i32 to index
        %get3A_1017 = arith.constant 0 : index
        %get3A_1018 = tpu.vector_load %arg7[%get3A_1016, %get3A_1017] {strides = array<i32>} : memref<8x128xf32, #tpu.memory_space<vmem>>, vector<16xf32>,
        %get3A_1019 = arith.constant 7 : i32
        %get3A_1020 = arith.index_cast %get3A_1019 : i32 to index
        %get3A_1021 = arith.constant 0 : index
        %get3A_1022 = tpu.vector_load %arg6[%get3A_1020, %get3A_1021] {strides = array<i32>} : memref<8x128xf32, #tpu.memory_space<vmem>>, vector<16xf32>,
        %add3A_1023 = arith.addf %get3A_1018, %get3A_1022 : vector<16xf32>
        %swap3A_1024 = arith.constant 7 : i32
        %swap3A_1025 = arith.index_cast %swap3A_1024 : i32 to index
        %swap3A_1026 = arith.constant 0 : index
        %swap3A_1027 = tpu.vector_load %arg7[%swap3A_1025, %swap3A_1026] {strides = array<i32>} : memref<8x128xf32, #tpu.memory_space<vmem>>, vector<16xf32>,
        tpu.vector_store %arg7[%swap3A_1025, %swap3A_1026], %add3A_1023 {strides = array<i32>} : memref<8x128xf32, #tpu.memory_space<vmem>>, vector<16xf32>,
        %get3A_1028 = arith.constant 7 : i32
        %get3A_1029 = arith.index_cast %get3A_1028 : i32 to index
        %get3A_1030 = arith.constant 16 : index
        %get3A_1031 = tpu.vector_load %arg7[%get3A_1029, %get3A_1030] {strides = array<i32>} : memref<8x128xf32, #tpu.memory_space<vmem>>, vector<16xf32>,
        %get3A_1032 = arith.constant 7 : i32
        %get3A_1033 = arith.index_cast %get3A_1032 : i32 to index
        %get3A_1034 = arith.constant 16 : index
        %get3A_1035 = tpu.vector_load %arg6[%get3A_1033, %get3A_1034] {strides = array<i32>} : memref<8x128xf32, #tpu.memory_space<vmem>>, vector<16xf32>,
        %add3A_1036 = arith.addf %get3A_1031, %get3A_1035 : vector<16xf32>
        %swap3A_1037 = arith.constant 7 : i32
        %swap3A_1038 = arith.index_cast %swap3A_1037 : i32 to index
        %swap3A_1039 = arith.constant 16 : index
        %swap3A_1040 = tpu.vector_load %arg7[%swap3A_1038, %swap3A_1039] {strides = array<i32>} : memref<8x128xf32, #tpu.memory_space<vmem>>, vector<16xf32>,
        tpu.vector_store %arg7[%swap3A_1038, %swap3A_1039], %add3A_1036 {strides = array<i32>} : memref<8x128xf32, #tpu.memory_space<vmem>>, vector<16xf32>,
        %get3A_1041 = arith.constant 7 : i32
        %get3A_1042 = arith.index_cast %get3A_1041 : i32 to index
        %get3A_1043 = arith.constant 32 : index
        %get3A_1044 = tpu.vector_load %arg7[%get3A_1042, %get3A_1043] {strides = array<i32>} : memref<8x128xf32, #tpu.memory_space<vmem>>, vector<16xf32>,
        %get3A_1045 = arith.constant 7 : i32
        %get3A_1046 = arith.index_cast %get3A_1045 : i32 to index
        %get3A_1047 = arith.constant 32 : index
        %get3A_1048 = tpu.vector_load %arg6[%get3A_1046, %get3A_1047] {strides = array<i32>} : memref<8x128xf32, #tpu.memory_space<vmem>>, vector<16xf32>,
        %add3A_1049 = arith.addf %get3A_1044, %get3A_1048 : vector<16xf32>
        %swap3A_1050 = arith.constant 7 : i32
        %swap3A_1051 = arith.index_cast %swap3A_1050 : i32 to index
        %swap3A_1052 = arith.constant 32 : index
        %swap3A_1053 = tpu.vector_load %arg7[%swap3A_1051, %swap3A_1052] {strides = array<i32>} : memref<8x128xf32, #tpu.memory_space<vmem>>, vector<16xf32>,
        tpu.vector_store %arg7[%swap3A_1051, %swap3A_1052], %add3A_1049 {strides = array<i32>} : memref<8x128xf32, #tpu.memory_space<vmem>>, vector<16xf32>,
        %get3A_1054 = arith.constant 7 : i32
        %get3A_1055 = arith.index_cast %get3A_1054 : i32 to index
        %get3A_1056 = arith.constant 48 : index
        %get3A_1057 = tpu.vector_load %arg7[%get3A_1055, %get3A_1056] {strides = array<i32>} : memref<8x128xf32, #tpu.memory_space<vmem>>, vector<16xf32>,
        %get3A_1058 = arith.constant 7 : i32
        %get3A_1059 = arith.index_cast %get3A_1058 : i32 to index
        %get3A_1060 = arith.constant 48 : index
        %get3A_1061 = tpu.vector_load %arg6[%get3A_1059, %get3A_1060] {strides = array<i32>} : memref<8x128xf32, #tpu.memory_space<vmem>>, vector<16xf32>,
        %add3A_1062 = arith.addf %get3A_1057, %get3A_1061 : vector<16xf32>
        %swap3A_1063 = arith.constant 7 : i32
        %swap3A_1064 = arith.index_cast %swap3A_1063 : i32 to index
        %swap3A_1065 = arith.constant 48 : index
        %swap3A_1066 = tpu.vector_load %arg7[%swap3A_1064, %swap3A_1065] {strides = array<i32>} : memref<8x128xf32, #tpu.memory_space<vmem>>, vector<16xf32>,
        tpu.vector_store %arg7[%swap3A_1064, %swap3A_1065], %add3A_1062 {strides = array<i32>} : memref<8x128xf32, #tpu.memory_space<vmem>>, vector<16xf32>,
        %get3A_1067 = arith.constant 7 : i32
        %get3A_1068 = arith.index_cast %get3A_1067 : i32 to index
        %get3A_1069 = arith.constant 64 : index
        %get3A_1070 = tpu.vector_load %arg7[%get3A_1068, %get3A_1069] {strides = array<i32>} : memref<8x128xf32, #tpu.memory_space<vmem>>, vector<16xf32>,
        %get3A_1071 = arith.constant 7 : i32
        %get3A_1072 = arith.index_cast %get3A_1071 : i32 to index
        %get3A_1073 = arith.constant 64 : index
        %get3A_1074 = tpu.vector_load %arg6[%get3A_1072, %get3A_1073] {strides = array<i32>} : memref<8x128xf32, #tpu.memory_space<vmem>>, vector<16xf32>,
        %add3A_1075 = arith.addf %get3A_1070, %get3A_1074 : vector<16xf32>
        %swap3A_1076 = arith.constant 7 : i32
        %swap3A_1077 = arith.index_cast %swap3A_1076 : i32 to index
        %swap3A_1078 = arith.constant 64 : index
        %swap3A_1079 = tpu.vector_load %arg7[%swap3A_1077, %swap3A_1078] {strides = array<i32>} : memref<8x128xf32, #tpu.memory_space<vmem>>, vector<16xf32>,
        tpu.vector_store %arg7[%swap3A_1077, %swap3A_1078], %add3A_1075 {strides = array<i32>} : memref<8x128xf32, #tpu.memory_space<vmem>>, vector<16xf32>,
        %get3A_1080 = arith.constant 7 : i32
        %get3A_1081 = arith.index_cast %get3A_1080 : i32 to index
        %get3A_1082 = arith.constant 80 : index
        %get3A_1083 = tpu.vector_load %arg7[%get3A_1081, %get3A_1082] {strides = array<i32>} : memref<8x128xf32, #tpu.memory_space<vmem>>, vector<16xf32>,
        %get3A_1084 = arith.constant 7 : i32
        %get3A_1085 = arith.index_cast %get3A_1084 : i32 to index
        %get3A_1086 = arith.constant 80 : index
        %get3A_1087 = tpu.vector_load %arg6[%get3A_1085, %get3A_1086] {strides = array<i32>} : memref<8x128xf32, #tpu.memory_space<vmem>>, vector<16xf32>,
        %add3A_1088 = arith.addf %get3A_1083, %get3A_1087 : vector<16xf32>
        %swap3A_1089 = arith.constant 7 : i32
        %swap3A_1090 = arith.index_cast %swap3A_1089 : i32 to index
        %swap3A_1091 = arith.constant 80 : index
        %swap3A_1092 = tpu.vector_load %arg7[%swap3A_1090, %swap3A_1091] {strides = array<i32>} : memref<8x128xf32, #tpu.memory_space<vmem>>, vector<16xf32>,
        tpu.vector_store %arg7[%swap3A_1090, %swap3A_1091], %add3A_1088 {strides = array<i32>} : memref<8x128xf32, #tpu.memory_space<vmem>>, vector<16xf32>,
        %get3A_1093 = arith.constant 7 : i32
        %get3A_1094 = arith.index_cast %get3A_1093 : i32 to index
        %get3A_1095 = arith.constant 96 : index
        %get3A_1096 = tpu.vector_load %arg7[%get3A_1094, %get3A_1095] {strides = array<i32>} : memref<8x128xf32, #tpu.memory_space<vmem>>, vector<16xf32>,
        %get3A_1097 = arith.constant 7 : i32
        %get3A_1098 = arith.index_cast %get3A_1097 : i32 to index
        %get3A_1099 = arith.constant 96 : index
        %get3A_1100 = tpu.vector_load %arg6[%get3A_1098, %get3A_1099] {strides = array<i32>} : memref<8x128xf32, #tpu.memory_space<vmem>>, vector<16xf32>,
        %add3A_1101 = arith.addf %get3A_1096, %get3A_1100 : vector<16xf32>
        %swap3A_1102 = arith.constant 7 : i32
        %swap3A_1103 = arith.index_cast %swap3A_1102 : i32 to index
        %swap3A_1104 = arith.constant 96 : index
        %swap3A_1105 = tpu.vector_load %arg7[%swap3A_1103, %swap3A_1104] {strides = array<i32>} : memref<8x128xf32, #tpu.memory_space<vmem>>, vector<16xf32>,
        tpu.vector_store %arg7[%swap3A_1103, %swap3A_1104], %add3A_1101 {strides = array<i32>} : memref<8x128xf32, #tpu.memory_space<vmem>>, vector<16xf32>,
        %get3A_1106 = arith.constant 7 : i32
        %get3A_1107 = arith.index_cast %get3A_1106 : i32 to index
        %get3A_1108 = arith.constant 112 : index
        %get3A_1109 = tpu.vector_load %arg7[%get3A_1107, %get3A_1108] {strides = array<i32>} : memref<8x128xf32, #tpu.memory_space<vmem>>, vector<16xf32>,
        %get3A_1110 = arith.constant 7 : i32
        %get3A_1111 = arith.index_cast %get3A_1110 : i32 to index
        %get3A_1112 = arith.constant 112 : index
        %get3A_1113 = tpu.vector_load %arg6[%get3A_1111, %get3A_1112] {strides = array<i32>} : memref<8x128xf32, #tpu.memory_space<vmem>>, vector<16xf32>,
        %add3A_1114 = arith.addf %get3A_1109, %get3A_1113 : vector<16xf32>
        %swap3A_1115 = arith.constant 7 : i32
        %swap3A_1116 = arith.index_cast %swap3A_1115 : i32 to index
        %swap3A_1117 = arith.constant 112 : index
        %swap3A_1118 = tpu.vector_load %arg7[%swap3A_1116, %swap3A_1117] {strides = array<i32>} : memref<8x128xf32, #tpu.memory_space<vmem>>, vector<16xf32>,
        tpu.vector_store %arg7[%swap3A_1116, %swap3A_1117], %add3A_1114 {strides = array<i32>} : memref<8x128xf32, #tpu.memory_space<vmem>>, vector<16xf32>,
      }
      %scan3A_278 = arith.constant 16 : i32
      %mul3A_279 = arith.constant 8 : i32
      %mul3A_280 = arith.muli %arg1, %mul3A_279 : i32
      "tpu.region"() ({
        %run_scoped3A = tpu.sem_alloc : memref<!tpu.dma_semaphore, #tpu.memory_space<semaphore_mem>>
        %dma_start3A = arith.constant 0 : i32
        %dma_start3A_281 = tpu.memref_slice %arg3[%arg0, %mul3A_280, %dma_start3A] : memref<2x80x128xf32, #tpu.memory_space<hbm>> -> memref<1x8x128xf32, #tpu.memory_space<hbm>>
        %dma_start3A_282 = tpu.memref_squeeze %dma_start3A_281 : memref<1x8x128xf32, #tpu.memory_space<hbm>> -> memref<8x128xf32, #tpu.memory_space<hbm>>
        %dma_start3A_283 = arith.constant 0 : i32
        %dma_start3A_284 = tpu.memref_slice %arg3[%arg0, %mul3A_280, %dma_start3A_283] : memref<2x80x128xf32, #tpu.memory_space<hbm>> -> memref<1x8x128xf32, #tpu.memory_space<hbm>>
        %dma_start3A_285 = tpu.memref_squeeze %dma_start3A_284 : memref<1x8x128xf32, #tpu.memory_space<hbm>> -> memref<8x128xf32, #tpu.memory_space<hbm>>
        tpu.enqueue_dma source(%arg7 : memref<8x128xf32, #tpu.memory_space<vmem>>) target(%dma_start3A_285 : memref<8x128xf32, #tpu.memory_space<hbm>>) target_semaphore(%run_scoped3A : memref<!tpu.dma_semaphore, #tpu.memory_space<semaphore_mem>>)
        %dma_wait3A = arith.constant 0 : i32
        %dma_wait3A_286 = tpu.memref_slice %arg3[%arg0, %mul3A_280, %dma_wait3A] : memref<2x80x128xf32, #tpu.memory_space<hbm>> -> memref<1x8x128xf32, #tpu.memory_space<hbm>>
        %dma_wait3A_287 = tpu.memref_squeeze %dma_wait3A_286 : memref<1x8x128xf32, #tpu.memory_space<hbm>> -> memref<8x128xf32, #tpu.memory_space<hbm>>
        %dma_wait3A_288 = arith.constant 0 : i32
        %dma_wait3A_289 = tpu.memref_slice %arg3[%arg0, %mul3A_280, %dma_wait3A_288] : memref<2x80x128xf32, #tpu.memory_space<hbm>> -> memref<1x8x128xf32, #tpu.memory_space<hbm>>
        %dma_wait3A_290 = tpu.memref_squeeze %dma_wait3A_289 : memref<1x8x128xf32, #tpu.memory_space<hbm>> -> memref<8x128xf32, #tpu.memory_space<hbm>>
        tpu.wait_dma2 semaphore(%run_scoped3A : memref<!tpu.dma_semaphore, #tpu.memory_space<semaphore_mem>>) src(%arg7 : memref<8x128xf32, #tpu.memory_space<vmem>>) dst(%dma_wait3A_290 : memref<8x128xf32, #tpu.memory_space<hbm>>)
        tpu.yield
      }) : () -> ()
    } else {
    }
    return
  }
}

#map = affine_map<(d0, d1) -> (0, 0)>
#map1 = affine_map<(d0, d1) -> (0, 0, 0)>
module attributes {stable_mosaic.version = 14 : i64} {
  func.func @reduce_kernel(%arg0: i32, %arg1: i32, %arg2: memref<327680x128xf32, #tpu.memory_space<hbm>>, %arg3: memref<2560x128xi32, #tpu.memory_space<hbm>>, %arg4: memref<632x128xf32, #tpu.memory_space<hbm>>, %arg5: memref<2x10000x128xf32, #tpu.memory_space<hbm>>, %arg6: memref<80x128xi32, #tpu.memory_space<vmem>>, %arg7: memref<128x128xf32, #tpu.memory_space<vmem>>, %arg8: memref<128x128xf32, #tpu.memory_space<vmem>>, %arg9: memref<!tpu.dma_semaphore, #tpu.memory_space<semaphore_mem>>, %arg10: memref<!tpu.dma_semaphore, #tpu.memory_space<semaphore_mem>>, %arg11: memref<10112x128xf32, #tpu.memory_space<vmem_shared>>) attributes {dimension_semantics = [#tpu.dimension_semantics<core_parallel>, #tpu.dimension_semantics<subcore_parallel>], iteration_bounds = array<i64: 2, 16>, scalar_prefetch = 0 : i64, scratch_operands = 6 : i64, tpu.core_type = #tpu.core_type<sc_vector_subcore>, window_params = [{transform_indices = #map}, {transform_indices = #map}, {transform_indices = #map}, {transform_indices = #map1}]} {
    %mul3A = arith.constant 16 : i32
    %mul3A_0 = arith.muli %arg0, %mul3A : i32
    %add3A = arith.addi %mul3A_0, %arg1 : i32
    %mul3A_1 = arith.constant 80 : i32
    %mul3A_2 = arith.muli %add3A, %mul3A_1 : i32
    "tpu.region"() ({
      %run_scoped3A = tpu.sem_alloc : memref<!tpu.dma_semaphore, #tpu.memory_space<semaphore_mem>>
      %dma_start3A_33 = arith.constant 0 : i32
      %dma_start3A_34 = tpu.memref_slice %arg3[%mul3A_2, %dma_start3A_33] : memref<2560x128xi32, #tpu.memory_space<hbm>> -> memref<80x128xi32, #tpu.memory_space<hbm>>
      %dma_start3A_35 = arith.constant 0 : i32
      %dma_start3A_36 = tpu.memref_slice %arg3[%mul3A_2, %dma_start3A_35] : memref<2560x128xi32, #tpu.memory_space<hbm>> -> memref<80x128xi32, #tpu.memory_space<hbm>>
      tpu.enqueue_dma source(%dma_start3A_36 : memref<80x128xi32, #tpu.memory_space<hbm>>) target(%arg6 : memref<80x128xi32, #tpu.memory_space<vmem>>) target_semaphore(%run_scoped3A : memref<!tpu.dma_semaphore, #tpu.memory_space<semaphore_mem>>)
      %dma_wait3A = arith.constant 0 : i32
      %dma_wait3A_37 = tpu.memref_slice %arg3[%mul3A_2, %dma_wait3A] : memref<2560x128xi32, #tpu.memory_space<hbm>> -> memref<80x128xi32, #tpu.memory_space<hbm>>
      %dma_wait3A_38 = arith.constant 0 : i32
      %dma_wait3A_39 = tpu.memref_slice %arg3[%mul3A_2, %dma_wait3A_38] : memref<2560x128xi32, #tpu.memory_space<hbm>> -> memref<80x128xi32, #tpu.memory_space<hbm>>
      tpu.wait_dma2 semaphore(%run_scoped3A : memref<!tpu.dma_semaphore, #tpu.memory_space<semaphore_mem>>) src(%dma_wait3A_39 : memref<80x128xi32, #tpu.memory_space<hbm>>) dst(%arg6 : memref<80x128xi32, #tpu.memory_space<vmem>>)
      tpu.yield
    }) : () -> ()
    %lt3A = arith.constant 15 : i32
    %lt3A_3 = arith.cmpi slt, %arg1, %lt3A : i32
    %convert_element_type3A = arith.extui %lt3A_3 : i1 to i32
    %cond3A = arith.constant 0 : i32
    %cond3A_4 = arith.cmpi ne, %convert_element_type3A, %cond3A : i32
    scf.if %cond3A_4 {
      %mul3A_33 = arith.constant 632 : i32
      %mul3A_34 = arith.muli %arg1, %mul3A_33 : i32
      "tpu.region"() ({
        %run_scoped3A = tpu.sem_alloc : memref<!tpu.dma_semaphore, #tpu.memory_space<semaphore_mem>>
        %dma_start3A_35 = arith.constant 0 : i32
        %dma_start3A_36 = tpu.memref_slice %arg11[%mul3A_34, %dma_start3A_35] : memref<10112x128xf32, #tpu.memory_space<vmem_shared>> -> memref<632x128xf32, #tpu.memory_space<vmem_shared>>
        tpu.enqueue_dma source(%arg4 : memref<632x128xf32, #tpu.memory_space<hbm>>) target(%dma_start3A_36 : memref<632x128xf32, #tpu.memory_space<vmem_shared>>) target_semaphore(%run_scoped3A : memref<!tpu.dma_semaphore, #tpu.memory_space<semaphore_mem>>)
        %dma_wait3A = arith.constant 0 : i32
        %dma_wait3A_37 = tpu.memref_slice %arg11[%mul3A_34, %dma_wait3A] : memref<10112x128xf32, #tpu.memory_space<vmem_shared>> -> memref<632x128xf32, #tpu.memory_space<vmem_shared>>
        tpu.wait_dma2 semaphore(%run_scoped3A : memref<!tpu.dma_semaphore, #tpu.memory_space<semaphore_mem>>) src(%arg4 : memref<632x128xf32, #tpu.memory_space<hbm>>) dst(%dma_wait3A_37 : memref<632x128xf32, #tpu.memory_space<vmem_shared>>)
        tpu.yield
      }) : () -> ()
    } else {
    }
    %eq3A = arith.constant 15 : i32
    %eq3A_5 = arith.cmpi eq, %arg1, %eq3A : i32
    %convert_element_type3A_6 = arith.extui %eq3A_5 : i1 to i32
    %cond3A_7 = arith.constant 0 : i32
    %cond3A_8 = arith.cmpi ne, %convert_element_type3A_6, %cond3A_7 : i32
    scf.if %cond3A_8 {
      %mul3A_33 = arith.constant 632 : i32
      %mul3A_34 = arith.muli %arg1, %mul3A_33 : i32
      "tpu.region"() ({
        %run_scoped3A = tpu.sem_alloc : memref<!tpu.dma_semaphore, #tpu.memory_space<semaphore_mem>>
        %dma_start3A_35 = arith.constant 0 : i32
        %dma_start3A_36 = tpu.memref_slice %arg11[%mul3A_34, %dma_start3A_35] : memref<10112x128xf32, #tpu.memory_space<vmem_shared>> -> memref<520x128xf32, #tpu.memory_space<vmem_shared>>
        %dma_start3A_37 = arith.constant 0 : i32
        %dma_start3A_38 = arith.constant 0 : i32
        %dma_start3A_39 = tpu.memref_slice %arg4[%dma_start3A_37, %dma_start3A_38] : memref<632x128xf32, #tpu.memory_space<hbm>> -> memref<520x128xf32, #tpu.memory_space<hbm>>
        tpu.enqueue_dma source(%dma_start3A_39 : memref<520x128xf32, #tpu.memory_space<hbm>>) target(%dma_start3A_36 : memref<520x128xf32, #tpu.memory_space<vmem_shared>>) target_semaphore(%run_scoped3A : memref<!tpu.dma_semaphore, #tpu.memory_space<semaphore_mem>>)
        %dma_wait3A = arith.constant 0 : i32
        %dma_wait3A_40 = tpu.memref_slice %arg11[%mul3A_34, %dma_wait3A] : memref<10112x128xf32, #tpu.memory_space<vmem_shared>> -> memref<520x128xf32, #tpu.memory_space<vmem_shared>>
        %dma_wait3A_41 = arith.constant 0 : i32
        %dma_wait3A_42 = arith.constant 0 : i32
        %dma_wait3A_43 = tpu.memref_slice %arg4[%dma_wait3A_41, %dma_wait3A_42] : memref<632x128xf32, #tpu.memory_space<hbm>> -> memref<520x128xf32, #tpu.memory_space<hbm>>
        tpu.wait_dma2 semaphore(%run_scoped3A : memref<!tpu.dma_semaphore, #tpu.memory_space<semaphore_mem>>) src(%dma_wait3A_43 : memref<520x128xf32, #tpu.memory_space<hbm>>) dst(%dma_wait3A_40 : memref<520x128xf32, #tpu.memory_space<vmem_shared>>)
        tpu.yield
      }) : () -> ()
    } else {
    }
    %barrier3A = arith.constant 0 : index
    tpu.barrier barrier_id(%barrier3A)
    %mul3A_9 = arith.constant 80 : i32
    %mul3A_10 = arith.muli %add3A, %mul3A_9 : i32
    %add3A_11 = arith.constant 0 : i32
    %add3A_12 = arith.addi %mul3A_10, %add3A_11 : i32
    %mul3A_13 = arith.constant 128 : i32
    %mul3A_14 = arith.muli %add3A_12, %mul3A_13 : i32
    %dma_start3A = arith.constant 0 : i32
    %dma_start3A_15 = tpu.memref_slice %arg2[%mul3A_14, %dma_start3A] : memref<327680x128xf32, #tpu.memory_space<hbm>> -> memref<128x128xf32, #tpu.memory_space<hbm>>
    %dma_start3A_16 = arith.constant 0 : i32
    %dma_start3A_17 = tpu.memref_slice %arg2[%mul3A_14, %dma_start3A_16] : memref<327680x128xf32, #tpu.memory_space<hbm>> -> memref<128x128xf32, #tpu.memory_space<hbm>>
    tpu.enqueue_dma source(%dma_start3A_17 : memref<128x128xf32, #tpu.memory_space<hbm>>) target(%arg7 : memref<128x128xf32, #tpu.memory_space<vmem>>) target_semaphore(%arg9 : memref<!tpu.dma_semaphore, #tpu.memory_space<semaphore_mem>>)
    %scan3A = arith.constant 0 : i32
    %scan3A_18 = arith.constant 40 : i32
    %scan3A_19 = arith.addi %scan3A, %scan3A_18 : i32
    %scan3A_20 = arith.constant 1 : i32
    scf.for %scan3A_33 = %scan3A to %scan3A_19 step %scan3A_20  : i32 {
      %mul3A_34 = arith.constant 2 : i32
      %mul3A_35 = arith.muli %scan3A_33, %mul3A_34 : i32
      %add3A_36 = arith.constant 0 : i32
      %add3A_37 = arith.addi %add3A_36, %mul3A_35 : i32
      %add3A_38 = arith.constant 0 : i32
      %add3A_39 = arith.addi %add3A_37, %add3A_38 : i32
      %dma_wait3A = arith.constant 0 : i32
      %dma_wait3A_40 = arith.constant 0 : i32
      %dma_wait3A_41 = tpu.memref_slice %arg2[%dma_wait3A, %dma_wait3A_40] : memref<327680x128xf32, #tpu.memory_space<hbm>> -> memref<128x128xf32, #tpu.memory_space<hbm>>
      %dma_wait3A_42 = arith.constant 0 : i32
      %dma_wait3A_43 = arith.constant 0 : i32
      %dma_wait3A_44 = tpu.memref_slice %arg2[%dma_wait3A_42, %dma_wait3A_43] : memref<327680x128xf32, #tpu.memory_space<hbm>> -> memref<128x128xf32, #tpu.memory_space<hbm>>
      tpu.wait_dma2 semaphore(%arg9 : memref<!tpu.dma_semaphore, #tpu.memory_space<semaphore_mem>>) src(%dma_wait3A_44 : memref<128x128xf32, #tpu.memory_space<hbm>>) dst(%arg7 : memref<128x128xf32, #tpu.memory_space<vmem>>)
      %add3A_45 = arith.constant 1 : i32
      %add3A_46 = arith.addi %add3A_39, %add3A_45 : i32
      %mul3A_47 = arith.constant 80 : i32
      %mul3A_48 = arith.muli %add3A, %mul3A_47 : i32
      %add3A_49 = arith.addi %mul3A_48, %add3A_46 : i32
      %mul3A_50 = arith.constant 128 : i32
      %mul3A_51 = arith.muli %add3A_49, %mul3A_50 : i32
      %dma_start3A_52 = arith.constant 0 : i32
      %dma_start3A_53 = tpu.memref_slice %arg2[%mul3A_51, %dma_start3A_52] : memref<327680x128xf32, #tpu.memory_space<hbm>> -> memref<128x128xf32, #tpu.memory_space<hbm>>
      %dma_start3A_54 = arith.constant 0 : i32
      %dma_start3A_55 = tpu.memref_slice %arg2[%mul3A_51, %dma_start3A_54] : memref<327680x128xf32, #tpu.memory_space<hbm>> -> memref<128x128xf32, #tpu.memory_space<hbm>>
      tpu.enqueue_dma source(%dma_start3A_55 : memref<128x128xf32, #tpu.memory_space<hbm>>) target(%arg8 : memref<128x128xf32, #tpu.memory_space<vmem>>) target_semaphore(%arg10 : memref<!tpu.dma_semaphore, #tpu.memory_space<semaphore_mem>>)
      "tpu.region"() ({
        %run_scoped3A = tpu.sem_alloc : memref<!tpu.dma_semaphore, #tpu.memory_space<semaphore_mem>>
        %dma_start3A_71 = arith.constant 0 : i32
        %dma_start3A_72 = tpu.memref_slice %arg6[%add3A_39, %dma_start3A_71] : memref<80x128xi32, #tpu.memory_space<vmem>> -> memref<1x128xi32, #tpu.memory_space<vmem>>
        %dma_start3A_73 = tpu.memref_squeeze %dma_start3A_72 : memref<1x128xi32, #tpu.memory_space<vmem>> -> memref<128xi32, #tpu.memory_space<vmem>>
        %dma_start3A_74 = arith.constant 0 : i32
        %dma_start3A_75 = arith.constant 0 : i32
        %dma_start3A_76 = tpu.memref_slice %arg11[%dma_start3A_74, %dma_start3A_75] : memref<10112x128xf32, #tpu.memory_space<vmem_shared>> -> memref<10112x128xf32, #tpu.memory_space<vmem_shared>>
        tpu.enqueue_indirect_dma source(%arg7 : memref<128x128xf32, #tpu.memory_space<vmem>>) target(%dma_start3A_76 : memref<10112x128xf32, #tpu.memory_space<vmem_shared>>) offsets(%dma_start3A_73 : memref<128xi32, #tpu.memory_space<vmem>>) semaphore(%run_scoped3A : memref<!tpu.dma_semaphore, #tpu.memory_space<semaphore_mem>>) {add = true}
        %dma_wait3A_77 = arith.constant 0 : i32
        %dma_wait3A_78 = tpu.memref_slice %arg6[%add3A_39, %dma_wait3A_77] : memref<80x128xi32, #tpu.memory_space<vmem>> -> memref<1x128xi32, #tpu.memory_space<vmem>>
        %dma_wait3A_79 = tpu.memref_squeeze %dma_wait3A_78 : memref<1x128xi32, #tpu.memory_space<vmem>> -> memref<128xi32, #tpu.memory_space<vmem>>
        %dma_wait3A_80 = arith.constant 0 : i32
        %dma_wait3A_81 = arith.constant 0 : i32
        %dma_wait3A_82 = tpu.memref_slice %arg11[%dma_wait3A_80, %dma_wait3A_81] : memref<10112x128xf32, #tpu.memory_space<vmem_shared>> -> memref<10112x128xf32, #tpu.memory_space<vmem_shared>>
        tpu.wait_indirect_dma semaphore(%run_scoped3A : memref<!tpu.dma_semaphore, #tpu.memory_space<semaphore_mem>>) src(%arg7 : memref<128x128xf32, #tpu.memory_space<vmem>>) dst(%dma_wait3A_82 : memref<10112x128xf32, #tpu.memory_space<vmem_shared>>)
        tpu.yield
      }) : () -> ()
      %add3A_56 = arith.constant 1 : i32
      %add3A_57 = arith.addi %add3A_37, %add3A_56 : i32
      %dma_wait3A_58 = arith.constant 0 : i32
      %dma_wait3A_59 = arith.constant 0 : i32
      %dma_wait3A_60 = tpu.memref_slice %arg2[%dma_wait3A_58, %dma_wait3A_59] : memref<327680x128xf32, #tpu.memory_space<hbm>> -> memref<128x128xf32, #tpu.memory_space<hbm>>
      %dma_wait3A_61 = arith.constant 0 : i32
      %dma_wait3A_62 = arith.constant 0 : i32
      %dma_wait3A_63 = tpu.memref_slice %arg2[%dma_wait3A_61, %dma_wait3A_62] : memref<327680x128xf32, #tpu.memory_space<hbm>> -> memref<128x128xf32, #tpu.memory_space<hbm>>
      tpu.wait_dma2 semaphore(%arg10 : memref<!tpu.dma_semaphore, #tpu.memory_space<semaphore_mem>>) src(%dma_wait3A_63 : memref<128x128xf32, #tpu.memory_space<hbm>>) dst(%arg8 : memref<128x128xf32, #tpu.memory_space<vmem>>)
      %add3A_64 = arith.constant 1 : i32
      %add3A_65 = arith.addi %add3A_57, %add3A_64 : i32
      %lt3A_66 = arith.constant 80 : i32
      %lt3A_67 = arith.cmpi slt, %add3A_65, %lt3A_66 : i32
      %convert_element_type3A_68 = arith.extui %lt3A_67 : i1 to i32
      %cond3A_69 = arith.constant 0 : i32
      %cond3A_70 = arith.cmpi ne, %convert_element_type3A_68, %cond3A_69 : i32
      scf.if %cond3A_70 {
        %add3A_71 = arith.constant 1 : i32
        %add3A_72 = arith.addi %add3A_57, %add3A_71 : i32
        %mul3A_73 = arith.constant 80 : i32
        %mul3A_74 = arith.muli %add3A, %mul3A_73 : i32
        %add3A_75 = arith.addi %mul3A_74, %add3A_72 : i32
        %mul3A_76 = arith.constant 128 : i32
        %mul3A_77 = arith.muli %add3A_75, %mul3A_76 : i32
        %dma_start3A_78 = arith.constant 0 : i32
        %dma_start3A_79 = tpu.memref_slice %arg2[%mul3A_77, %dma_start3A_78] : memref<327680x128xf32, #tpu.memory_space<hbm>> -> memref<128x128xf32, #tpu.memory_space<hbm>>
        %dma_start3A_80 = arith.constant 0 : i32
        %dma_start3A_81 = tpu.memref_slice %arg2[%mul3A_77, %dma_start3A_80] : memref<327680x128xf32, #tpu.memory_space<hbm>> -> memref<128x128xf32, #tpu.memory_space<hbm>>
        tpu.enqueue_dma source(%dma_start3A_81 : memref<128x128xf32, #tpu.memory_space<hbm>>) target(%arg7 : memref<128x128xf32, #tpu.memory_space<vmem>>) target_semaphore(%arg9 : memref<!tpu.dma_semaphore, #tpu.memory_space<semaphore_mem>>)
      } else {
      }
      "tpu.region"() ({
        %run_scoped3A = tpu.sem_alloc : memref<!tpu.dma_semaphore, #tpu.memory_space<semaphore_mem>>
        %dma_start3A_71 = arith.constant 0 : i32
        %dma_start3A_72 = tpu.memref_slice %arg6[%add3A_57, %dma_start3A_71] : memref<80x128xi32, #tpu.memory_space<vmem>> -> memref<1x128xi32, #tpu.memory_space<vmem>>
        %dma_start3A_73 = tpu.memref_squeeze %dma_start3A_72 : memref<1x128xi32, #tpu.memory_space<vmem>> -> memref<128xi32, #tpu.memory_space<vmem>>
        %dma_start3A_74 = arith.constant 0 : i32
        %dma_start3A_75 = arith.constant 0 : i32
        %dma_start3A_76 = tpu.memref_slice %arg11[%dma_start3A_74, %dma_start3A_75] : memref<10112x128xf32, #tpu.memory_space<vmem_shared>> -> memref<10112x128xf32, #tpu.memory_space<vmem_shared>>
        tpu.enqueue_indirect_dma source(%arg8 : memref<128x128xf32, #tpu.memory_space<vmem>>) target(%dma_start3A_76 : memref<10112x128xf32, #tpu.memory_space<vmem_shared>>) offsets(%dma_start3A_73 : memref<128xi32, #tpu.memory_space<vmem>>) semaphore(%run_scoped3A : memref<!tpu.dma_semaphore, #tpu.memory_space<semaphore_mem>>) {add = true}
        %dma_wait3A_77 = arith.constant 0 : i32
        %dma_wait3A_78 = tpu.memref_slice %arg6[%add3A_57, %dma_wait3A_77] : memref<80x128xi32, #tpu.memory_space<vmem>> -> memref<1x128xi32, #tpu.memory_space<vmem>>
        %dma_wait3A_79 = tpu.memref_squeeze %dma_wait3A_78 : memref<1x128xi32, #tpu.memory_space<vmem>> -> memref<128xi32, #tpu.memory_space<vmem>>
        %dma_wait3A_80 = arith.constant 0 : i32
        %dma_wait3A_81 = arith.constant 0 : i32
        %dma_wait3A_82 = tpu.memref_slice %arg11[%dma_wait3A_80, %dma_wait3A_81] : memref<10112x128xf32, #tpu.memory_space<vmem_shared>> -> memref<10112x128xf32, #tpu.memory_space<vmem_shared>>
        tpu.wait_indirect_dma semaphore(%run_scoped3A : memref<!tpu.dma_semaphore, #tpu.memory_space<semaphore_mem>>) src(%arg8 : memref<128x128xf32, #tpu.memory_space<vmem>>) dst(%dma_wait3A_82 : memref<10112x128xf32, #tpu.memory_space<vmem_shared>>)
        tpu.yield
      }) : () -> ()
    }
    %scan3A_21 = arith.constant 40 : i32
    %barrier3A_22 = arith.constant 0 : index
    tpu.barrier barrier_id(%barrier3A_22)
    %lt3A_23 = arith.constant 15 : i32
    %lt3A_24 = arith.cmpi slt, %arg1, %lt3A_23 : i32
    %convert_element_type3A_25 = arith.extui %lt3A_24 : i1 to i32
    %cond3A_26 = arith.constant 0 : i32
    %cond3A_27 = arith.cmpi ne, %convert_element_type3A_25, %cond3A_26 : i32
    scf.if %cond3A_27 {
      %mul3A_33 = arith.constant 632 : i32
      %mul3A_34 = arith.muli %arg1, %mul3A_33 : i32
      %mul3A_35 = arith.constant 632 : i32
      %mul3A_36 = arith.muli %arg1, %mul3A_35 : i32
      "tpu.region"() ({
        %run_scoped3A = tpu.sem_alloc : memref<!tpu.dma_semaphore, #tpu.memory_space<semaphore_mem>>
        %dma_start3A_37 = arith.constant 0 : i32
        %dma_start3A_38 = tpu.memref_slice %arg5[%arg0, %mul3A_36, %dma_start3A_37] : memref<2x10000x128xf32, #tpu.memory_space<hbm>> -> memref<1x632x128xf32, #tpu.memory_space<hbm>>
        %dma_start3A_39 = tpu.memref_squeeze %dma_start3A_38 : memref<1x632x128xf32, #tpu.memory_space<hbm>> -> memref<632x128xf32, #tpu.memory_space<hbm>>
        %dma_start3A_40 = arith.constant 0 : i32
        %dma_start3A_41 = tpu.memref_slice %arg11[%mul3A_34, %dma_start3A_40] : memref<10112x128xf32, #tpu.memory_space<vmem_shared>> -> memref<632x128xf32, #tpu.memory_space<vmem_shared>>
        tpu.enqueue_dma source(%dma_start3A_41 : memref<632x128xf32, #tpu.memory_space<vmem_shared>>) target(%dma_start3A_39 : memref<632x128xf32, #tpu.memory_space<hbm>>) target_semaphore(%run_scoped3A : memref<!tpu.dma_semaphore, #tpu.memory_space<semaphore_mem>>)
        %dma_wait3A = arith.constant 0 : i32
        %dma_wait3A_42 = tpu.memref_slice %arg5[%arg0, %mul3A_36, %dma_wait3A] : memref<2x10000x128xf32, #tpu.memory_space<hbm>> -> memref<1x632x128xf32, #tpu.memory_space<hbm>>
        %dma_wait3A_43 = tpu.memref_squeeze %dma_wait3A_42 : memref<1x632x128xf32, #tpu.memory_space<hbm>> -> memref<632x128xf32, #tpu.memory_space<hbm>>
        %dma_wait3A_44 = arith.constant 0 : i32
        %dma_wait3A_45 = tpu.memref_slice %arg11[%mul3A_34, %dma_wait3A_44] : memref<10112x128xf32, #tpu.memory_space<vmem_shared>> -> memref<632x128xf32, #tpu.memory_space<vmem_shared>>
        tpu.wait_dma2 semaphore(%run_scoped3A : memref<!tpu.dma_semaphore, #tpu.memory_space<semaphore_mem>>) src(%dma_wait3A_45 : memref<632x128xf32, #tpu.memory_space<vmem_shared>>) dst(%dma_wait3A_43 : memref<632x128xf32, #tpu.memory_space<hbm>>)
        tpu.yield
      }) : () -> ()
    } else {
    }
    %eq3A_28 = arith.constant 15 : i32
    %eq3A_29 = arith.cmpi eq, %arg1, %eq3A_28 : i32
    %convert_element_type3A_30 = arith.extui %eq3A_29 : i1 to i32
    %cond3A_31 = arith.constant 0 : i32
    %cond3A_32 = arith.cmpi ne, %convert_element_type3A_30, %cond3A_31 : i32
    scf.if %cond3A_32 {
      %mul3A_33 = arith.constant 632 : i32
      %mul3A_34 = arith.muli %arg1, %mul3A_33 : i32
      %mul3A_35 = arith.constant 632 : i32
      %mul3A_36 = arith.muli %arg1, %mul3A_35 : i32
      "tpu.region"() ({
        %run_scoped3A = tpu.sem_alloc : memref<!tpu.dma_semaphore, #tpu.memory_space<semaphore_mem>>
        %dma_start3A_37 = arith.constant 0 : i32
        %dma_start3A_38 = tpu.memref_slice %arg5[%arg0, %mul3A_36, %dma_start3A_37] : memref<2x10000x128xf32, #tpu.memory_space<hbm>> -> memref<1x520x128xf32, #tpu.memory_space<hbm>>
        %dma_start3A_39 = tpu.memref_squeeze %dma_start3A_38 : memref<1x520x128xf32, #tpu.memory_space<hbm>> -> memref<520x128xf32, #tpu.memory_space<hbm>>
        %dma_start3A_40 = arith.constant 0 : i32
        %dma_start3A_41 = tpu.memref_slice %arg11[%mul3A_34, %dma_start3A_40] : memref<10112x128xf32, #tpu.memory_space<vmem_shared>> -> memref<520x128xf32, #tpu.memory_space<vmem_shared>>
        tpu.enqueue_dma source(%dma_start3A_41 : memref<520x128xf32, #tpu.memory_space<vmem_shared>>) target(%dma_start3A_39 : memref<520x128xf32, #tpu.memory_space<hbm>>) target_semaphore(%run_scoped3A : memref<!tpu.dma_semaphore, #tpu.memory_space<semaphore_mem>>)
        %dma_wait3A = arith.constant 0 : i32
        %dma_wait3A_42 = tpu.memref_slice %arg5[%arg0, %mul3A_36, %dma_wait3A] : memref<2x10000x128xf32, #tpu.memory_space<hbm>> -> memref<1x520x128xf32, #tpu.memory_space<hbm>>
        %dma_wait3A_43 = tpu.memref_squeeze %dma_wait3A_42 : memref<1x520x128xf32, #tpu.memory_space<hbm>> -> memref<520x128xf32, #tpu.memory_space<hbm>>
        %dma_wait3A_44 = arith.constant 0 : i32
        %dma_wait3A_45 = tpu.memref_slice %arg11[%mul3A_34, %dma_wait3A_44] : memref<10112x128xf32, #tpu.memory_space<vmem_shared>> -> memref<520x128xf32, #tpu.memory_space<vmem_shared>>
        tpu.wait_dma2 semaphore(%run_scoped3A : memref<!tpu.dma_semaphore, #tpu.memory_space<semaphore_mem>>) src(%dma_wait3A_45 : memref<520x128xf32, #tpu.memory_space<vmem_shared>>) dst(%dma_wait3A_43 : memref<520x128xf32, #tpu.memory_space<hbm>>)
        tpu.yield
      }) : () -> ()
    } else {
    }
    return
  }
}

#map = affine_map<(d0, d1) -> (0, 0)>
#map1 = affine_map<(d0, d1) -> (0)>
module attributes {stable_mosaic.version = 14 : i64} {
  func.func @expand_kernel(%arg0: i32, %arg1: i32, %arg2: memref<10000x128xf32, #tpu.memory_space<hbm>>, %arg3: memref<327680xi32, #tpu.memory_space<hbm>>, %arg4: memref<327680x128xf32, #tpu.memory_space<hbm>>, %arg5: memref<10240xi32, #tpu.memory_space<vmem>>, %arg6: memref<128x128xf32, #tpu.memory_space<vmem>>, %arg7: memref<128x128xf32, #tpu.memory_space<vmem>>, %arg8: memref<!tpu.dma_semaphore, #tpu.memory_space<semaphore_mem>>, %arg9: memref<!tpu.dma_semaphore, #tpu.memory_space<semaphore_mem>>, %arg10: memref<!tpu.dma_semaphore, #tpu.memory_space<semaphore_mem>>, %arg11: memref<!tpu.dma_semaphore, #tpu.memory_space<semaphore_mem>>, %arg12: memref<10000x128xf32, #tpu.memory_space<vmem_shared>>) attributes {dimension_semantics = [#tpu.dimension_semantics<core_parallel>, #tpu.dimension_semantics<subcore_parallel>], iteration_bounds = array<i64: 2, 16>, scalar_prefetch = 0 : i64, scratch_operands = 8 : i64, tpu.core_type = #tpu.core_type<sc_vector_subcore>, window_params = [{transform_indices = #map}, {transform_indices = #map1}, {transform_indices = #map}]} {
    %mul3A = arith.constant 16 : i32
    %mul3A_0 = arith.muli %arg0, %mul3A : i32
    %add3A = arith.addi %mul3A_0, %arg1 : i32
    %mul3A_1 = arith.constant 80 : i32
    %mul3A_2 = arith.muli %add3A, %mul3A_1 : i32
    %mul3A_3 = arith.constant 128 : i32
    %mul3A_4 = arith.muli %mul3A_2, %mul3A_3 : i32
    "tpu.region"() ({
      %run_scoped3A = tpu.sem_alloc : memref<!tpu.dma_semaphore, #tpu.memory_space<semaphore_mem>>
      %dma_start3A_24 = tpu.memref_slice %arg3[%mul3A_4] : memref<327680xi32, #tpu.memory_space<hbm>> -> memref<10240xi32, #tpu.memory_space<hbm>>
      %dma_start3A_25 = tpu.memref_slice %arg3[%mul3A_4] : memref<327680xi32, #tpu.memory_space<hbm>> -> memref<10240xi32, #tpu.memory_space<hbm>>
      tpu.enqueue_dma source(%dma_start3A_25 : memref<10240xi32, #tpu.memory_space<hbm>>) target(%arg5 : memref<10240xi32, #tpu.memory_space<vmem>>) target_semaphore(%run_scoped3A : memref<!tpu.dma_semaphore, #tpu.memory_space<semaphore_mem>>)
      %dma_wait3A_26 = tpu.memref_slice %arg3[%mul3A_4] : memref<327680xi32, #tpu.memory_space<hbm>> -> memref<10240xi32, #tpu.memory_space<hbm>>
      %dma_wait3A_27 = tpu.memref_slice %arg3[%mul3A_4] : memref<327680xi32, #tpu.memory_space<hbm>> -> memref<10240xi32, #tpu.memory_space<hbm>>
      tpu.wait_dma2 semaphore(%run_scoped3A : memref<!tpu.dma_semaphore, #tpu.memory_space<semaphore_mem>>) src(%dma_wait3A_27 : memref<10240xi32, #tpu.memory_space<hbm>>) dst(%arg5 : memref<10240xi32, #tpu.memory_space<vmem>>)
      tpu.yield
    }) : () -> ()
    %lt3A = arith.constant 15 : i32
    %lt3A_5 = arith.cmpi slt, %arg1, %lt3A : i32
    %convert_element_type3A = arith.extui %lt3A_5 : i1 to i32
    %cond3A = arith.constant 0 : i32
    %cond3A_6 = arith.cmpi ne, %convert_element_type3A, %cond3A : i32
    scf.if %cond3A_6 {
      %mul3A_24 = arith.constant 632 : i32
      %mul3A_25 = arith.muli %arg1, %mul3A_24 : i32
      %mul3A_26 = arith.constant 632 : i32
      %mul3A_27 = arith.muli %arg1, %mul3A_26 : i32
      "tpu.region"() ({
        %run_scoped3A = tpu.sem_alloc : memref<!tpu.dma_semaphore, #tpu.memory_space<semaphore_mem>>
        %dma_start3A_28 = arith.constant 0 : i32
        %dma_start3A_29 = tpu.memref_slice %arg12[%mul3A_27, %dma_start3A_28] : memref<10000x128xf32, #tpu.memory_space<vmem_shared>> -> memref<632x128xf32, #tpu.memory_space<vmem_shared>>
        %dma_start3A_30 = arith.constant 0 : i32
        %dma_start3A_31 = tpu.memref_slice %arg2[%mul3A_25, %dma_start3A_30] : memref<10000x128xf32, #tpu.memory_space<hbm>> -> memref<632x128xf32, #tpu.memory_space<hbm>>
        tpu.enqueue_dma source(%dma_start3A_31 : memref<632x128xf32, #tpu.memory_space<hbm>>) target(%dma_start3A_29 : memref<632x128xf32, #tpu.memory_space<vmem_shared>>) target_semaphore(%run_scoped3A : memref<!tpu.dma_semaphore, #tpu.memory_space<semaphore_mem>>)
        %dma_wait3A_32 = arith.constant 0 : i32
        %dma_wait3A_33 = tpu.memref_slice %arg12[%mul3A_27, %dma_wait3A_32] : memref<10000x128xf32, #tpu.memory_space<vmem_shared>> -> memref<632x128xf32, #tpu.memory_space<vmem_shared>>
        %dma_wait3A_34 = arith.constant 0 : i32
        %dma_wait3A_35 = tpu.memref_slice %arg2[%mul3A_25, %dma_wait3A_34] : memref<10000x128xf32, #tpu.memory_space<hbm>> -> memref<632x128xf32, #tpu.memory_space<hbm>>
        tpu.wait_dma2 semaphore(%run_scoped3A : memref<!tpu.dma_semaphore, #tpu.memory_space<semaphore_mem>>) src(%dma_wait3A_35 : memref<632x128xf32, #tpu.memory_space<hbm>>) dst(%dma_wait3A_33 : memref<632x128xf32, #tpu.memory_space<vmem_shared>>)
        tpu.yield
      }) : () -> ()
    } else {
    }
    %eq3A = arith.constant 15 : i32
    %eq3A_7 = arith.cmpi eq, %arg1, %eq3A : i32
    %convert_element_type3A_8 = arith.extui %eq3A_7 : i1 to i32
    %cond3A_9 = arith.constant 0 : i32
    %cond3A_10 = arith.cmpi ne, %convert_element_type3A_8, %cond3A_9 : i32
    scf.if %cond3A_10 {
      %mul3A_24 = arith.constant 632 : i32
      %mul3A_25 = arith.muli %arg1, %mul3A_24 : i32
      %mul3A_26 = arith.constant 632 : i32
      %mul3A_27 = arith.muli %arg1, %mul3A_26 : i32
      "tpu.region"() ({
        %run_scoped3A = tpu.sem_alloc : memref<!tpu.dma_semaphore, #tpu.memory_space<semaphore_mem>>
        %dma_start3A_28 = arith.constant 0 : i32
        %dma_start3A_29 = tpu.memref_slice %arg12[%mul3A_27, %dma_start3A_28] : memref<10000x128xf32, #tpu.memory_space<vmem_shared>> -> memref<520x128xf32, #tpu.memory_space<vmem_shared>>
        %dma_start3A_30 = arith.constant 0 : i32
        %dma_start3A_31 = tpu.memref_slice %arg2[%mul3A_25, %dma_start3A_30] : memref<10000x128xf32, #tpu.memory_space<hbm>> -> memref<520x128xf32, #tpu.memory_space<hbm>>
        tpu.enqueue_dma source(%dma_start3A_31 : memref<520x128xf32, #tpu.memory_space<hbm>>) target(%dma_start3A_29 : memref<520x128xf32, #tpu.memory_space<vmem_shared>>) target_semaphore(%run_scoped3A : memref<!tpu.dma_semaphore, #tpu.memory_space<semaphore_mem>>)
        %dma_wait3A_32 = arith.constant 0 : i32
        %dma_wait3A_33 = tpu.memref_slice %arg12[%mul3A_27, %dma_wait3A_32] : memref<10000x128xf32, #tpu.memory_space<vmem_shared>> -> memref<520x128xf32, #tpu.memory_space<vmem_shared>>
        %dma_wait3A_34 = arith.constant 0 : i32
        %dma_wait3A_35 = tpu.memref_slice %arg2[%mul3A_25, %dma_wait3A_34] : memref<10000x128xf32, #tpu.memory_space<hbm>> -> memref<520x128xf32, #tpu.memory_space<hbm>>
        tpu.wait_dma2 semaphore(%run_scoped3A : memref<!tpu.dma_semaphore, #tpu.memory_space<semaphore_mem>>) src(%dma_wait3A_35 : memref<520x128xf32, #tpu.memory_space<hbm>>) dst(%dma_wait3A_33 : memref<520x128xf32, #tpu.memory_space<vmem_shared>>)
        tpu.yield
      }) : () -> ()
    } else {
    }
    %barrier3A = arith.constant 0 : index
    tpu.barrier barrier_id(%barrier3A)
    %dma_start3A = arith.constant 0 : i32
    %dma_start3A_11 = tpu.memref_slice %arg5[%dma_start3A] : memref<10240xi32, #tpu.memory_space<vmem>> -> memref<128xi32, #tpu.memory_space<vmem>>
    %dma_start3A_12 = arith.constant 0 : i32
    %dma_start3A_13 = arith.constant 0 : i32
    %dma_start3A_14 = tpu.memref_slice %arg12[%dma_start3A_12, %dma_start3A_13] : memref<10000x128xf32, #tpu.memory_space<vmem_shared>> -> memref<10000x128xf32, #tpu.memory_space<vmem_shared>>
    tpu.enqueue_indirect_dma source(%dma_start3A_14 : memref<10000x128xf32, #tpu.memory_space<vmem_shared>>) target(%arg6 : memref<128x128xf32, #tpu.memory_space<vmem>>) offsets(%dma_start3A_11 : memref<128xi32, #tpu.memory_space<vmem>>) semaphore(%arg8 : memref<!tpu.dma_semaphore, #tpu.memory_space<semaphore_mem>>)
    %scan3A = arith.constant 0 : i32
    %scan3A_15 = arith.constant 40 : i32
    %scan3A_16 = arith.addi %scan3A, %scan3A_15 : i32
    %scan3A_17 = arith.constant 1 : i32
    scf.for %scan3A_24 = %scan3A to %scan3A_16 step %scan3A_17  : i32 {
      %mul3A_25 = arith.constant 2 : i32
      %mul3A_26 = arith.muli %scan3A_24, %mul3A_25 : i32
      %add3A_27 = arith.constant 0 : i32
      %add3A_28 = arith.addi %add3A_27, %mul3A_26 : i32
      %add3A_29 = arith.constant 0 : i32
      %add3A_30 = arith.addi %add3A_28, %add3A_29 : i32
      %dma_wait3A_31 = arith.constant 0 : i32
      %dma_wait3A_32 = arith.constant 0 : i32
      %dma_wait3A_33 = tpu.memref_slice %arg2[%dma_wait3A_31, %dma_wait3A_32] : memref<10000x128xf32, #tpu.memory_space<hbm>> -> memref<128x128xf32, #tpu.memory_space<hbm>>
      %dma_wait3A_34 = arith.constant 0 : i32
      %dma_wait3A_35 = arith.constant 0 : i32
      %dma_wait3A_36 = tpu.memref_slice %arg2[%dma_wait3A_34, %dma_wait3A_35] : memref<10000x128xf32, #tpu.memory_space<hbm>> -> memref<128x128xf32, #tpu.memory_space<hbm>>
      tpu.wait_dma2 semaphore(%arg8 : memref<!tpu.dma_semaphore, #tpu.memory_space<semaphore_mem>>) src(%dma_wait3A_36 : memref<128x128xf32, #tpu.memory_space<hbm>>) dst(%arg6 : memref<128x128xf32, #tpu.memory_space<vmem>>)
      %gt3A = arith.constant 0 : i32
      %gt3A_37 = arith.cmpi sgt, %add3A_30, %gt3A : i32
      %convert_element_type3A_38 = arith.extui %gt3A_37 : i1 to i32
      %cond3A_39 = arith.constant 0 : i32
      %cond3A_40 = arith.cmpi ne, %convert_element_type3A_38, %cond3A_39 : i32
      scf.if %cond3A_40 {
        %dma_wait3A_88 = arith.constant 0 : i32
        %dma_wait3A_89 = arith.constant 0 : i32
        %dma_wait3A_90 = tpu.memref_slice %arg2[%dma_wait3A_88, %dma_wait3A_89] : memref<10000x128xf32, #tpu.memory_space<hbm>> -> memref<128x128xf32, #tpu.memory_space<hbm>>
        %dma_wait3A_91 = arith.constant 0 : i32
        %dma_wait3A_92 = arith.constant 0 : i32
        %dma_wait3A_93 = tpu.memref_slice %arg2[%dma_wait3A_91, %dma_wait3A_92] : memref<10000x128xf32, #tpu.memory_space<hbm>> -> memref<128x128xf32, #tpu.memory_space<hbm>>
        tpu.wait_dma2 semaphore(%arg11 : memref<!tpu.dma_semaphore, #tpu.memory_space<semaphore_mem>>) src(%dma_wait3A_93 : memref<128x128xf32, #tpu.memory_space<hbm>>) dst(%arg7 : memref<128x128xf32, #tpu.memory_space<vmem>>)
      } else {
      }
      %add3A_41 = arith.constant 1 : i32
      %add3A_42 = arith.addi %add3A_30, %add3A_41 : i32
      %mul3A_43 = arith.constant 128 : i32
      %mul3A_44 = arith.muli %add3A_42, %mul3A_43 : i32
      %dma_start3A_45 = tpu.memref_slice %arg5[%mul3A_44] : memref<10240xi32, #tpu.memory_space<vmem>> -> memref<128xi32, #tpu.memory_space<vmem>>
      %dma_start3A_46 = arith.constant 0 : i32
      %dma_start3A_47 = arith.constant 0 : i32
      %dma_start3A_48 = tpu.memref_slice %arg12[%dma_start3A_46, %dma_start3A_47] : memref<10000x128xf32, #tpu.memory_space<vmem_shared>> -> memref<10000x128xf32, #tpu.memory_space<vmem_shared>>
      tpu.enqueue_indirect_dma source(%dma_start3A_48 : memref<10000x128xf32, #tpu.memory_space<vmem_shared>>) target(%arg7 : memref<128x128xf32, #tpu.memory_space<vmem>>) offsets(%dma_start3A_45 : memref<128xi32, #tpu.memory_space<vmem>>) semaphore(%arg9 : memref<!tpu.dma_semaphore, #tpu.memory_space<semaphore_mem>>)
      %mul3A_49 = arith.constant 80 : i32
      %mul3A_50 = arith.muli %add3A, %mul3A_49 : i32
      %add3A_51 = arith.addi %mul3A_50, %add3A_30 : i32
      %mul3A_52 = arith.constant 128 : i32
      %mul3A_53 = arith.muli %add3A_51, %mul3A_52 : i32
      %dma_start3A_54 = arith.constant 0 : i32
      %dma_start3A_55 = tpu.memref_slice %arg4[%mul3A_53, %dma_start3A_54] : memref<327680x128xf32, #tpu.memory_space<hbm>> -> memref<128x128xf32, #tpu.memory_space<hbm>>
      %dma_start3A_56 = arith.constant 0 : i32
      %dma_start3A_57 = tpu.memref_slice %arg4[%mul3A_53, %dma_start3A_56] : memref<327680x128xf32, #tpu.memory_space<hbm>> -> memref<128x128xf32, #tpu.memory_space<hbm>>
      tpu.enqueue_dma source(%arg6 : memref<128x128xf32, #tpu.memory_space<vmem>>) target(%dma_start3A_57 : memref<128x128xf32, #tpu.memory_space<hbm>>) target_semaphore(%arg10 : memref<!tpu.dma_semaphore, #tpu.memory_space<semaphore_mem>>)
      %add3A_58 = arith.constant 1 : i32
      %add3A_59 = arith.addi %add3A_28, %add3A_58 : i32
      %dma_wait3A_60 = arith.constant 0 : i32
      %dma_wait3A_61 = arith.constant 0 : i32
      %dma_wait3A_62 = tpu.memref_slice %arg2[%dma_wait3A_60, %dma_wait3A_61] : memref<10000x128xf32, #tpu.memory_space<hbm>> -> memref<128x128xf32, #tpu.memory_space<hbm>>
      %dma_wait3A_63 = arith.constant 0 : i32
      %dma_wait3A_64 = arith.constant 0 : i32
      %dma_wait3A_65 = tpu.memref_slice %arg2[%dma_wait3A_63, %dma_wait3A_64] : memref<10000x128xf32, #tpu.memory_space<hbm>> -> memref<128x128xf32, #tpu.memory_space<hbm>>
      tpu.wait_dma2 semaphore(%arg9 : memref<!tpu.dma_semaphore, #tpu.memory_space<semaphore_mem>>) src(%dma_wait3A_65 : memref<128x128xf32, #tpu.memory_space<hbm>>) dst(%arg7 : memref<128x128xf32, #tpu.memory_space<vmem>>)
      %dma_wait3A_66 = arith.constant 0 : i32
      %dma_wait3A_67 = arith.constant 0 : i32
      %dma_wait3A_68 = tpu.memref_slice %arg2[%dma_wait3A_66, %dma_wait3A_67] : memref<10000x128xf32, #tpu.memory_space<hbm>> -> memref<128x128xf32, #tpu.memory_space<hbm>>
      %dma_wait3A_69 = arith.constant 0 : i32
      %dma_wait3A_70 = arith.constant 0 : i32
      %dma_wait3A_71 = tpu.memref_slice %arg2[%dma_wait3A_69, %dma_wait3A_70] : memref<10000x128xf32, #tpu.memory_space<hbm>> -> memref<128x128xf32, #tpu.memory_space<hbm>>
      tpu.wait_dma2 semaphore(%arg10 : memref<!tpu.dma_semaphore, #tpu.memory_space<semaphore_mem>>) src(%dma_wait3A_71 : memref<128x128xf32, #tpu.memory_space<hbm>>) dst(%arg6 : memref<128x128xf32, #tpu.memory_space<vmem>>)
      %add3A_72 = arith.constant 1 : i32
      %add3A_73 = arith.addi %add3A_59, %add3A_72 : i32
      %lt3A_74 = arith.constant 80 : i32
      %lt3A_75 = arith.cmpi slt, %add3A_73, %lt3A_74 : i32
      %convert_element_type3A_76 = arith.extui %lt3A_75 : i1 to i32
      %cond3A_77 = arith.constant 0 : i32
      %cond3A_78 = arith.cmpi ne, %convert_element_type3A_76, %cond3A_77 : i32
      scf.if %cond3A_78 {
        %add3A_88 = arith.constant 1 : i32
        %add3A_89 = arith.addi %add3A_59, %add3A_88 : i32
        %mul3A_90 = arith.constant 128 : i32
        %mul3A_91 = arith.muli %add3A_89, %mul3A_90 : i32
        %dma_start3A_92 = tpu.memref_slice %arg5[%mul3A_91] : memref<10240xi32, #tpu.memory_space<vmem>> -> memref<128xi32, #tpu.memory_space<vmem>>
        %dma_start3A_93 = arith.constant 0 : i32
        %dma_start3A_94 = arith.constant 0 : i32
        %dma_start3A_95 = tpu.memref_slice %arg12[%dma_start3A_93, %dma_start3A_94] : memref<10000x128xf32, #tpu.memory_space<vmem_shared>> -> memref<10000x128xf32, #tpu.memory_space<vmem_shared>>
        tpu.enqueue_indirect_dma source(%dma_start3A_95 : memref<10000x128xf32, #tpu.memory_space<vmem_shared>>) target(%arg6 : memref<128x128xf32, #tpu.memory_space<vmem>>) offsets(%dma_start3A_92 : memref<128xi32, #tpu.memory_space<vmem>>) semaphore(%arg8 : memref<!tpu.dma_semaphore, #tpu.memory_space<semaphore_mem>>)
      } else {
      }
      %mul3A_79 = arith.constant 80 : i32
      %mul3A_80 = arith.muli %add3A, %mul3A_79 : i32
      %add3A_81 = arith.addi %mul3A_80, %add3A_59 : i32
      %mul3A_82 = arith.constant 128 : i32
      %mul3A_83 = arith.muli %add3A_81, %mul3A_82 : i32
      %dma_start3A_84 = arith.constant 0 : i32
      %dma_start3A_85 = tpu.memref_slice %arg4[%mul3A_83, %dma_start3A_84] : memref<327680x128xf32, #tpu.memory_space<hbm>> -> memref<128x128xf32, #tpu.memory_space<hbm>>
      %dma_start3A_86 = arith.constant 0 : i32
      %dma_start3A_87 = tpu.memref_slice %arg4[%mul3A_83, %dma_start3A_86] : memref<327680x128xf32, #tpu.memory_space<hbm>> -> memref<128x128xf32, #tpu.memory_space<hbm>>
      tpu.enqueue_dma source(%arg7 : memref<128x128xf32, #tpu.memory_space<vmem>>) target(%dma_start3A_87 : memref<128x128xf32, #tpu.memory_space<hbm>>) target_semaphore(%arg11 : memref<!tpu.dma_semaphore, #tpu.memory_space<semaphore_mem>>)
    }
    %scan3A_18 = arith.constant 40 : i32
    %dma_wait3A = arith.constant 0 : i32
    %dma_wait3A_19 = arith.constant 0 : i32
    %dma_wait3A_20 = tpu.memref_slice %arg2[%dma_wait3A, %dma_wait3A_19] : memref<10000x128xf32, #tpu.memory_space<hbm>> -> memref<128x128xf32, #tpu.memory_space<hbm>>
    %dma_wait3A_21 = arith.constant 0 : i32
    %dma_wait3A_22 = arith.constant 0 : i32
    %dma_wait3A_23 = tpu.memref_slice %arg2[%dma_wait3A_21, %dma_wait3A_22] : memref<10000x128xf32, #tpu.memory_space<hbm>> -> memref<128x128xf32, #tpu.memory_space<hbm>>
    tpu.wait_dma2 semaphore(%arg11 : memref<!tpu.dma_semaphore, #tpu.memory_space<semaphore_mem>>) src(%dma_wait3A_23 : memref<128x128xf32, #tpu.memory_space<hbm>>) dst(%arg7 : memref<128x128xf32, #tpu.memory_space<vmem>>)
    return
  }
}

#map = affine_map<(d0, d1) -> (0, 0)>
#map1 = affine_map<(d0, d1) -> (0)>
module attributes {stable_mosaic.version = 14 : i64} {
  func.func @expand_kernel(%arg0: i32, %arg1: i32, %arg2: memref<10000x128xf32, #tpu.memory_space<hbm>>, %arg3: memref<327680xi32, #tpu.memory_space<hbm>>, %arg4: memref<327680x128xf32, #tpu.memory_space<hbm>>, %arg5: memref<10240xi32, #tpu.memory_space<vmem>>, %arg6: memref<128x128xf32, #tpu.memory_space<vmem>>, %arg7: memref<128x128xf32, #tpu.memory_space<vmem>>, %arg8: memref<!tpu.dma_semaphore, #tpu.memory_space<semaphore_mem>>, %arg9: memref<!tpu.dma_semaphore, #tpu.memory_space<semaphore_mem>>, %arg10: memref<!tpu.dma_semaphore, #tpu.memory_space<semaphore_mem>>, %arg11: memref<!tpu.dma_semaphore, #tpu.memory_space<semaphore_mem>>, %arg12: memref<10000x128xf32, #tpu.memory_space<vmem_shared>>) attributes {dimension_semantics = [#tpu.dimension_semantics<core_parallel>, #tpu.dimension_semantics<subcore_parallel>], iteration_bounds = array<i64: 2, 16>, scalar_prefetch = 0 : i64, scratch_operands = 8 : i64, tpu.core_type = #tpu.core_type<sc_vector_subcore>, window_params = [{transform_indices = #map}, {transform_indices = #map1}, {transform_indices = #map}]} {
    %mul3A = arith.constant 16 : i32
    %mul3A_0 = arith.muli %arg0, %mul3A : i32
    %add3A = arith.addi %mul3A_0, %arg1 : i32
    %mul3A_1 = arith.constant 80 : i32
    %mul3A_2 = arith.muli %add3A, %mul3A_1 : i32
    %mul3A_3 = arith.constant 128 : i32
    %mul3A_4 = arith.muli %mul3A_2, %mul3A_3 : i32
    "tpu.region"() ({
      %run_scoped3A = tpu.sem_alloc : memref<!tpu.dma_semaphore, #tpu.memory_space<semaphore_mem>>
      %dma_start3A_24 = tpu.memref_slice %arg3[%mul3A_4] : memref<327680xi32, #tpu.memory_space<hbm>> -> memref<10240xi32, #tpu.memory_space<hbm>>
      %dma_start3A_25 = tpu.memref_slice %arg3[%mul3A_4] : memref<327680xi32, #tpu.memory_space<hbm>> -> memref<10240xi32, #tpu.memory_space<hbm>>
      tpu.enqueue_dma source(%dma_start3A_25 : memref<10240xi32, #tpu.memory_space<hbm>>) target(%arg5 : memref<10240xi32, #tpu.memory_space<vmem>>) target_semaphore(%run_scoped3A : memref<!tpu.dma_semaphore, #tpu.memory_space<semaphore_mem>>)
      %dma_wait3A_26 = tpu.memref_slice %arg3[%mul3A_4] : memref<327680xi32, #tpu.memory_space<hbm>> -> memref<10240xi32, #tpu.memory_space<hbm>>
      %dma_wait3A_27 = tpu.memref_slice %arg3[%mul3A_4] : memref<327680xi32, #tpu.memory_space<hbm>> -> memref<10240xi32, #tpu.memory_space<hbm>>
      tpu.wait_dma2 semaphore(%run_scoped3A : memref<!tpu.dma_semaphore, #tpu.memory_space<semaphore_mem>>) src(%dma_wait3A_27 : memref<10240xi32, #tpu.memory_space<hbm>>) dst(%arg5 : memref<10240xi32, #tpu.memory_space<vmem>>)
      tpu.yield
    }) : () -> ()
    %lt3A = arith.constant 15 : i32
    %lt3A_5 = arith.cmpi slt, %arg1, %lt3A : i32
    %convert_element_type3A = arith.extui %lt3A_5 : i1 to i32
    %cond3A = arith.constant 0 : i32
    %cond3A_6 = arith.cmpi ne, %convert_element_type3A, %cond3A : i32
    scf.if %cond3A_6 {
      %mul3A_24 = arith.constant 632 : i32
      %mul3A_25 = arith.muli %arg1, %mul3A_24 : i32
      %mul3A_26 = arith.constant 632 : i32
      %mul3A_27 = arith.muli %arg1, %mul3A_26 : i32
      "tpu.region"() ({
        %run_scoped3A = tpu.sem_alloc : memref<!tpu.dma_semaphore, #tpu.memory_space<semaphore_mem>>
        %dma_start3A_28 = arith.constant 0 : i32
        %dma_start3A_29 = tpu.memref_slice %arg12[%mul3A_27, %dma_start3A_28] : memref<10000x128xf32, #tpu.memory_space<vmem_shared>> -> memref<632x128xf32, #tpu.memory_space<vmem_shared>>
        %dma_start3A_30 = arith.constant 0 : i32
        %dma_start3A_31 = tpu.memref_slice %arg2[%mul3A_25, %dma_start3A_30] : memref<10000x128xf32, #tpu.memory_space<hbm>> -> memref<632x128xf32, #tpu.memory_space<hbm>>
        tpu.enqueue_dma source(%dma_start3A_31 : memref<632x128xf32, #tpu.memory_space<hbm>>) target(%dma_start3A_29 : memref<632x128xf32, #tpu.memory_space<vmem_shared>>) target_semaphore(%run_scoped3A : memref<!tpu.dma_semaphore, #tpu.memory_space<semaphore_mem>>)
        %dma_wait3A_32 = arith.constant 0 : i32
        %dma_wait3A_33 = tpu.memref_slice %arg12[%mul3A_27, %dma_wait3A_32] : memref<10000x128xf32, #tpu.memory_space<vmem_shared>> -> memref<632x128xf32, #tpu.memory_space<vmem_shared>>
        %dma_wait3A_34 = arith.constant 0 : i32
        %dma_wait3A_35 = tpu.memref_slice %arg2[%mul3A_25, %dma_wait3A_34] : memref<10000x128xf32, #tpu.memory_space<hbm>> -> memref<632x128xf32, #tpu.memory_space<hbm>>
        tpu.wait_dma2 semaphore(%run_scoped3A : memref<!tpu.dma_semaphore, #tpu.memory_space<semaphore_mem>>) src(%dma_wait3A_35 : memref<632x128xf32, #tpu.memory_space<hbm>>) dst(%dma_wait3A_33 : memref<632x128xf32, #tpu.memory_space<vmem_shared>>)
        tpu.yield
      }) : () -> ()
    } else {
    }
    %eq3A = arith.constant 15 : i32
    %eq3A_7 = arith.cmpi eq, %arg1, %eq3A : i32
    %convert_element_type3A_8 = arith.extui %eq3A_7 : i1 to i32
    %cond3A_9 = arith.constant 0 : i32
    %cond3A_10 = arith.cmpi ne, %convert_element_type3A_8, %cond3A_9 : i32
    scf.if %cond3A_10 {
      %mul3A_24 = arith.constant 632 : i32
      %mul3A_25 = arith.muli %arg1, %mul3A_24 : i32
      %mul3A_26 = arith.constant 632 : i32
      %mul3A_27 = arith.muli %arg1, %mul3A_26 : i32
      "tpu.region"() ({
        %run_scoped3A = tpu.sem_alloc : memref<!tpu.dma_semaphore, #tpu.memory_space<semaphore_mem>>
        %dma_start3A_28 = arith.constant 0 : i32
        %dma_start3A_29 = tpu.memref_slice %arg12[%mul3A_27, %dma_start3A_28] : memref<10000x128xf32, #tpu.memory_space<vmem_shared>> -> memref<520x128xf32, #tpu.memory_space<vmem_shared>>
        %dma_start3A_30 = arith.constant 0 : i32
        %dma_start3A_31 = tpu.memref_slice %arg2[%mul3A_25, %dma_start3A_30] : memref<10000x128xf32, #tpu.memory_space<hbm>> -> memref<520x128xf32, #tpu.memory_space<hbm>>
        tpu.enqueue_dma source(%dma_start3A_31 : memref<520x128xf32, #tpu.memory_space<hbm>>) target(%dma_start3A_29 : memref<520x128xf32, #tpu.memory_space<vmem_shared>>) target_semaphore(%run_scoped3A : memref<!tpu.dma_semaphore, #tpu.memory_space<semaphore_mem>>)
        %dma_wait3A_32 = arith.constant 0 : i32
        %dma_wait3A_33 = tpu.memref_slice %arg12[%mul3A_27, %dma_wait3A_32] : memref<10000x128xf32, #tpu.memory_space<vmem_shared>> -> memref<520x128xf32, #tpu.memory_space<vmem_shared>>
        %dma_wait3A_34 = arith.constant 0 : i32
        %dma_wait3A_35 = tpu.memref_slice %arg2[%mul3A_25, %dma_wait3A_34] : memref<10000x128xf32, #tpu.memory_space<hbm>> -> memref<520x128xf32, #tpu.memory_space<hbm>>
        tpu.wait_dma2 semaphore(%run_scoped3A : memref<!tpu.dma_semaphore, #tpu.memory_space<semaphore_mem>>) src(%dma_wait3A_35 : memref<520x128xf32, #tpu.memory_space<hbm>>) dst(%dma_wait3A_33 : memref<520x128xf32, #tpu.memory_space<vmem_shared>>)
        tpu.yield
      }) : () -> ()
    } else {
    }
    %barrier3A = arith.constant 0 : index
    tpu.barrier barrier_id(%barrier3A)
    %dma_start3A = arith.constant 0 : i32
    %dma_start3A_11 = tpu.memref_slice %arg5[%dma_start3A] : memref<10240xi32, #tpu.memory_space<vmem>> -> memref<128xi32, #tpu.memory_space<vmem>>
    %dma_start3A_12 = arith.constant 0 : i32
    %dma_start3A_13 = arith.constant 0 : i32
    %dma_start3A_14 = tpu.memref_slice %arg12[%dma_start3A_12, %dma_start3A_13] : memref<10000x128xf32, #tpu.memory_space<vmem_shared>> -> memref<10000x128xf32, #tpu.memory_space<vmem_shared>>
    tpu.enqueue_indirect_dma source(%dma_start3A_14 : memref<10000x128xf32, #tpu.memory_space<vmem_shared>>) target(%arg6 : memref<128x128xf32, #tpu.memory_space<vmem>>) offsets(%dma_start3A_11 : memref<128xi32, #tpu.memory_space<vmem>>) semaphore(%arg8 : memref<!tpu.dma_semaphore, #tpu.memory_space<semaphore_mem>>)
    %scan3A = arith.constant 0 : i32
    %scan3A_15 = arith.constant 40 : i32
    %scan3A_16 = arith.addi %scan3A, %scan3A_15 : i32
    %scan3A_17 = arith.constant 1 : i32
    scf.for %scan3A_24 = %scan3A to %scan3A_16 step %scan3A_17  : i32 {
      %mul3A_25 = arith.constant 2 : i32
      %mul3A_26 = arith.muli %scan3A_24, %mul3A_25 : i32
      %add3A_27 = arith.constant 0 : i32
      %add3A_28 = arith.addi %add3A_27, %mul3A_26 : i32
      %add3A_29 = arith.constant 0 : i32
      %add3A_30 = arith.addi %add3A_28, %add3A_29 : i32
      %dma_wait3A_31 = arith.constant 0 : i32
      %dma_wait3A_32 = arith.constant 0 : i32
      %dma_wait3A_33 = tpu.memref_slice %arg2[%dma_wait3A_31, %dma_wait3A_32] : memref<10000x128xf32, #tpu.memory_space<hbm>> -> memref<128x128xf32, #tpu.memory_space<hbm>>
      %dma_wait3A_34 = arith.constant 0 : i32
      %dma_wait3A_35 = arith.constant 0 : i32
      %dma_wait3A_36 = tpu.memref_slice %arg2[%dma_wait3A_34, %dma_wait3A_35] : memref<10000x128xf32, #tpu.memory_space<hbm>> -> memref<128x128xf32, #tpu.memory_space<hbm>>
      tpu.wait_dma2 semaphore(%arg8 : memref<!tpu.dma_semaphore, #tpu.memory_space<semaphore_mem>>) src(%dma_wait3A_36 : memref<128x128xf32, #tpu.memory_space<hbm>>) dst(%arg6 : memref<128x128xf32, #tpu.memory_space<vmem>>)
      %gt3A = arith.constant 0 : i32
      %gt3A_37 = arith.cmpi sgt, %add3A_30, %gt3A : i32
      %convert_element_type3A_38 = arith.extui %gt3A_37 : i1 to i32
      %cond3A_39 = arith.constant 0 : i32
      %cond3A_40 = arith.cmpi ne, %convert_element_type3A_38, %cond3A_39 : i32
      scf.if %cond3A_40 {
        %dma_wait3A_88 = arith.constant 0 : i32
        %dma_wait3A_89 = arith.constant 0 : i32
        %dma_wait3A_90 = tpu.memref_slice %arg2[%dma_wait3A_88, %dma_wait3A_89] : memref<10000x128xf32, #tpu.memory_space<hbm>> -> memref<128x128xf32, #tpu.memory_space<hbm>>
        %dma_wait3A_91 = arith.constant 0 : i32
        %dma_wait3A_92 = arith.constant 0 : i32
        %dma_wait3A_93 = tpu.memref_slice %arg2[%dma_wait3A_91, %dma_wait3A_92] : memref<10000x128xf32, #tpu.memory_space<hbm>> -> memref<128x128xf32, #tpu.memory_space<hbm>>
        tpu.wait_dma2 semaphore(%arg11 : memref<!tpu.dma_semaphore, #tpu.memory_space<semaphore_mem>>) src(%dma_wait3A_93 : memref<128x128xf32, #tpu.memory_space<hbm>>) dst(%arg7 : memref<128x128xf32, #tpu.memory_space<vmem>>)
      } else {
      }
      %add3A_41 = arith.constant 1 : i32
      %add3A_42 = arith.addi %add3A_30, %add3A_41 : i32
      %mul3A_43 = arith.constant 128 : i32
      %mul3A_44 = arith.muli %add3A_42, %mul3A_43 : i32
      %dma_start3A_45 = tpu.memref_slice %arg5[%mul3A_44] : memref<10240xi32, #tpu.memory_space<vmem>> -> memref<128xi32, #tpu.memory_space<vmem>>
      %dma_start3A_46 = arith.constant 0 : i32
      %dma_start3A_47 = arith.constant 0 : i32
      %dma_start3A_48 = tpu.memref_slice %arg12[%dma_start3A_46, %dma_start3A_47] : memref<10000x128xf32, #tpu.memory_space<vmem_shared>> -> memref<10000x128xf32, #tpu.memory_space<vmem_shared>>
      tpu.enqueue_indirect_dma source(%dma_start3A_48 : memref<10000x128xf32, #tpu.memory_space<vmem_shared>>) target(%arg7 : memref<128x128xf32, #tpu.memory_space<vmem>>) offsets(%dma_start3A_45 : memref<128xi32, #tpu.memory_space<vmem>>) semaphore(%arg9 : memref<!tpu.dma_semaphore, #tpu.memory_space<semaphore_mem>>)
      %mul3A_49 = arith.constant 80 : i32
      %mul3A_50 = arith.muli %add3A, %mul3A_49 : i32
      %add3A_51 = arith.addi %mul3A_50, %add3A_30 : i32
      %mul3A_52 = arith.constant 128 : i32
      %mul3A_53 = arith.muli %add3A_51, %mul3A_52 : i32
      %dma_start3A_54 = arith.constant 0 : i32
      %dma_start3A_55 = tpu.memref_slice %arg4[%mul3A_53, %dma_start3A_54] : memref<327680x128xf32, #tpu.memory_space<hbm>> -> memref<128x128xf32, #tpu.memory_space<hbm>>
      %dma_start3A_56 = arith.constant 0 : i32
      %dma_start3A_57 = tpu.memref_slice %arg4[%mul3A_53, %dma_start3A_56] : memref<327680x128xf32, #tpu.memory_space<hbm>> -> memref<128x128xf32, #tpu.memory_space<hbm>>
      tpu.enqueue_dma source(%arg6 : memref<128x128xf32, #tpu.memory_space<vmem>>) target(%dma_start3A_57 : memref<128x128xf32, #tpu.memory_space<hbm>>) target_semaphore(%arg10 : memref<!tpu.dma_semaphore, #tpu.memory_space<semaphore_mem>>)
      %add3A_58 = arith.constant 1 : i32
      %add3A_59 = arith.addi %add3A_28, %add3A_58 : i32
      %dma_wait3A_60 = arith.constant 0 : i32
      %dma_wait3A_61 = arith.constant 0 : i32
      %dma_wait3A_62 = tpu.memref_slice %arg2[%dma_wait3A_60, %dma_wait3A_61] : memref<10000x128xf32, #tpu.memory_space<hbm>> -> memref<128x128xf32, #tpu.memory_space<hbm>>
      %dma_wait3A_63 = arith.constant 0 : i32
      %dma_wait3A_64 = arith.constant 0 : i32
      %dma_wait3A_65 = tpu.memref_slice %arg2[%dma_wait3A_63, %dma_wait3A_64] : memref<10000x128xf32, #tpu.memory_space<hbm>> -> memref<128x128xf32, #tpu.memory_space<hbm>>
      tpu.wait_dma2 semaphore(%arg9 : memref<!tpu.dma_semaphore, #tpu.memory_space<semaphore_mem>>) src(%dma_wait3A_65 : memref<128x128xf32, #tpu.memory_space<hbm>>) dst(%arg7 : memref<128x128xf32, #tpu.memory_space<vmem>>)
      %dma_wait3A_66 = arith.constant 0 : i32
      %dma_wait3A_67 = arith.constant 0 : i32
      %dma_wait3A_68 = tpu.memref_slice %arg2[%dma_wait3A_66, %dma_wait3A_67] : memref<10000x128xf32, #tpu.memory_space<hbm>> -> memref<128x128xf32, #tpu.memory_space<hbm>>
      %dma_wait3A_69 = arith.constant 0 : i32
      %dma_wait3A_70 = arith.constant 0 : i32
      %dma_wait3A_71 = tpu.memref_slice %arg2[%dma_wait3A_69, %dma_wait3A_70] : memref<10000x128xf32, #tpu.memory_space<hbm>> -> memref<128x128xf32, #tpu.memory_space<hbm>>
      tpu.wait_dma2 semaphore(%arg10 : memref<!tpu.dma_semaphore, #tpu.memory_space<semaphore_mem>>) src(%dma_wait3A_71 : memref<128x128xf32, #tpu.memory_space<hbm>>) dst(%arg6 : memref<128x128xf32, #tpu.memory_space<vmem>>)
      %add3A_72 = arith.constant 1 : i32
      %add3A_73 = arith.addi %add3A_59, %add3A_72 : i32
      %lt3A_74 = arith.constant 80 : i32
      %lt3A_75 = arith.cmpi slt, %add3A_73, %lt3A_74 : i32
      %convert_element_type3A_76 = arith.extui %lt3A_75 : i1 to i32
      %cond3A_77 = arith.constant 0 : i32
      %cond3A_78 = arith.cmpi ne, %convert_element_type3A_76, %cond3A_77 : i32
      scf.if %cond3A_78 {
        %add3A_88 = arith.constant 1 : i32
        %add3A_89 = arith.addi %add3A_59, %add3A_88 : i32
        %mul3A_90 = arith.constant 128 : i32
        %mul3A_91 = arith.muli %add3A_89, %mul3A_90 : i32
        %dma_start3A_92 = tpu.memref_slice %arg5[%mul3A_91] : memref<10240xi32, #tpu.memory_space<vmem>> -> memref<128xi32, #tpu.memory_space<vmem>>
        %dma_start3A_93 = arith.constant 0 : i32
        %dma_start3A_94 = arith.constant 0 : i32
        %dma_start3A_95 = tpu.memref_slice %arg12[%dma_start3A_93, %dma_start3A_94] : memref<10000x128xf32, #tpu.memory_space<vmem_shared>> -> memref<10000x128xf32, #tpu.memory_space<vmem_shared>>
        tpu.enqueue_indirect_dma source(%dma_start3A_95 : memref<10000x128xf32, #tpu.memory_space<vmem_shared>>) target(%arg6 : memref<128x128xf32, #tpu.memory_space<vmem>>) offsets(%dma_start3A_92 : memref<128xi32, #tpu.memory_space<vmem>>) semaphore(%arg8 : memref<!tpu.dma_semaphore, #tpu.memory_space<semaphore_mem>>)
      } else {
      }
      %mul3A_79 = arith.constant 80 : i32
      %mul3A_80 = arith.muli %add3A, %mul3A_79 : i32
      %add3A_81 = arith.addi %mul3A_80, %add3A_59 : i32
      %mul3A_82 = arith.constant 128 : i32
      %mul3A_83 = arith.muli %add3A_81, %mul3A_82 : i32
      %dma_start3A_84 = arith.constant 0 : i32
      %dma_start3A_85 = tpu.memref_slice %arg4[%mul3A_83, %dma_start3A_84] : memref<327680x128xf32, #tpu.memory_space<hbm>> -> memref<128x128xf32, #tpu.memory_space<hbm>>
      %dma_start3A_86 = arith.constant 0 : i32
      %dma_start3A_87 = tpu.memref_slice %arg4[%mul3A_83, %dma_start3A_86] : memref<327680x128xf32, #tpu.memory_space<hbm>> -> memref<128x128xf32, #tpu.memory_space<hbm>>
      tpu.enqueue_dma source(%arg7 : memref<128x128xf32, #tpu.memory_space<vmem>>) target(%dma_start3A_87 : memref<128x128xf32, #tpu.memory_space<hbm>>) target_semaphore(%arg11 : memref<!tpu.dma_semaphore, #tpu.memory_space<semaphore_mem>>)
    }
    %scan3A_18 = arith.constant 40 : i32
    %dma_wait3A = arith.constant 0 : i32
    %dma_wait3A_19 = arith.constant 0 : i32
    %dma_wait3A_20 = tpu.memref_slice %arg2[%dma_wait3A, %dma_wait3A_19] : memref<10000x128xf32, #tpu.memory_space<hbm>> -> memref<128x128xf32, #tpu.memory_space<hbm>>
    %dma_wait3A_21 = arith.constant 0 : i32
    %dma_wait3A_22 = arith.constant 0 : i32
    %dma_wait3A_23 = tpu.memref_slice %arg2[%dma_wait3A_21, %dma_wait3A_22] : memref<10000x128xf32, #tpu.memory_space<hbm>> -> memref<128x128xf32, #tpu.memory_space<hbm>>
    tpu.wait_dma2 semaphore(%arg11 : memref<!tpu.dma_semaphore, #tpu.memory_space<semaphore_mem>>) src(%dma_wait3A_23 : memref<128x128xf32, #tpu.memory_space<hbm>>) dst(%arg7 : memref<128x128xf32, #tpu.memory_space<vmem>>)
    return
  }
}

#map = affine_map<(d0, d1) -> (0, 0)>
#map1 = affine_map<(d0, d1) -> (0, 0, 0)>
module attributes {stable_mosaic.version = 14 : i64} {
  func.func @reduce_kernel(%arg0: i32, %arg1: i32, %arg2: memref<327680x128xf32, #tpu.memory_space<hbm>>, %arg3: memref<2560x128xi32, #tpu.memory_space<hbm>>, %arg4: memref<632x128xf32, #tpu.memory_space<hbm>>, %arg5: memref<2x10000x128xf32, #tpu.memory_space<hbm>>, %arg6: memref<80x128xi32, #tpu.memory_space<vmem>>, %arg7: memref<128x128xf32, #tpu.memory_space<vmem>>, %arg8: memref<128x128xf32, #tpu.memory_space<vmem>>, %arg9: memref<!tpu.dma_semaphore, #tpu.memory_space<semaphore_mem>>, %arg10: memref<!tpu.dma_semaphore, #tpu.memory_space<semaphore_mem>>, %arg11: memref<10112x128xf32, #tpu.memory_space<vmem_shared>>) attributes {dimension_semantics = [#tpu.dimension_semantics<core_parallel>, #tpu.dimension_semantics<subcore_parallel>], iteration_bounds = array<i64: 2, 16>, scalar_prefetch = 0 : i64, scratch_operands = 6 : i64, tpu.core_type = #tpu.core_type<sc_vector_subcore>, window_params = [{transform_indices = #map}, {transform_indices = #map}, {transform_indices = #map}, {transform_indices = #map1}]} {
    %mul3A = arith.constant 16 : i32
    %mul3A_0 = arith.muli %arg0, %mul3A : i32
    %add3A = arith.addi %mul3A_0, %arg1 : i32
    %mul3A_1 = arith.constant 80 : i32
    %mul3A_2 = arith.muli %add3A, %mul3A_1 : i32
    "tpu.region"() ({
      %run_scoped3A = tpu.sem_alloc : memref<!tpu.dma_semaphore, #tpu.memory_space<semaphore_mem>>
      %dma_start3A_33 = arith.constant 0 : i32
      %dma_start3A_34 = tpu.memref_slice %arg3[%mul3A_2, %dma_start3A_33] : memref<2560x128xi32, #tpu.memory_space<hbm>> -> memref<80x128xi32, #tpu.memory_space<hbm>>
      %dma_start3A_35 = arith.constant 0 : i32
      %dma_start3A_36 = tpu.memref_slice %arg3[%mul3A_2, %dma_start3A_35] : memref<2560x128xi32, #tpu.memory_space<hbm>> -> memref<80x128xi32, #tpu.memory_space<hbm>>
      tpu.enqueue_dma source(%dma_start3A_36 : memref<80x128xi32, #tpu.memory_space<hbm>>) target(%arg6 : memref<80x128xi32, #tpu.memory_space<vmem>>) target_semaphore(%run_scoped3A : memref<!tpu.dma_semaphore, #tpu.memory_space<semaphore_mem>>)
      %dma_wait3A = arith.constant 0 : i32
      %dma_wait3A_37 = tpu.memref_slice %arg3[%mul3A_2, %dma_wait3A] : memref<2560x128xi32, #tpu.memory_space<hbm>> -> memref<80x128xi32, #tpu.memory_space<hbm>>
      %dma_wait3A_38 = arith.constant 0 : i32
      %dma_wait3A_39 = tpu.memref_slice %arg3[%mul3A_2, %dma_wait3A_38] : memref<2560x128xi32, #tpu.memory_space<hbm>> -> memref<80x128xi32, #tpu.memory_space<hbm>>
      tpu.wait_dma2 semaphore(%run_scoped3A : memref<!tpu.dma_semaphore, #tpu.memory_space<semaphore_mem>>) src(%dma_wait3A_39 : memref<80x128xi32, #tpu.memory_space<hbm>>) dst(%arg6 : memref<80x128xi32, #tpu.memory_space<vmem>>)
      tpu.yield
    }) : () -> ()
    %lt3A = arith.constant 15 : i32
    %lt3A_3 = arith.cmpi slt, %arg1, %lt3A : i32
    %convert_element_type3A = arith.extui %lt3A_3 : i1 to i32
    %cond3A = arith.constant 0 : i32
    %cond3A_4 = arith.cmpi ne, %convert_element_type3A, %cond3A : i32
    scf.if %cond3A_4 {
      %mul3A_33 = arith.constant 632 : i32
      %mul3A_34 = arith.muli %arg1, %mul3A_33 : i32
      "tpu.region"() ({
        %run_scoped3A = tpu.sem_alloc : memref<!tpu.dma_semaphore, #tpu.memory_space<semaphore_mem>>
        %dma_start3A_35 = arith.constant 0 : i32
        %dma_start3A_36 = tpu.memref_slice %arg11[%mul3A_34, %dma_start3A_35] : memref<10112x128xf32, #tpu.memory_space<vmem_shared>> -> memref<632x128xf32, #tpu.memory_space<vmem_shared>>
        tpu.enqueue_dma source(%arg4 : memref<632x128xf32, #tpu.memory_space<hbm>>) target(%dma_start3A_36 : memref<632x128xf32, #tpu.memory_space<vmem_shared>>) target_semaphore(%run_scoped3A : memref<!tpu.dma_semaphore, #tpu.memory_space<semaphore_mem>>)
        %dma_wait3A = arith.constant 0 : i32
        %dma_wait3A_37 = tpu.memref_slice %arg11[%mul3A_34, %dma_wait3A] : memref<10112x128xf32, #tpu.memory_space<vmem_shared>> -> memref<632x128xf32, #tpu.memory_space<vmem_shared>>
        tpu.wait_dma2 semaphore(%run_scoped3A : memref<!tpu.dma_semaphore, #tpu.memory_space<semaphore_mem>>) src(%arg4 : memref<632x128xf32, #tpu.memory_space<hbm>>) dst(%dma_wait3A_37 : memref<632x128xf32, #tpu.memory_space<vmem_shared>>)
        tpu.yield
      }) : () -> ()
    } else {
    }
    %eq3A = arith.constant 15 : i32
    %eq3A_5 = arith.cmpi eq, %arg1, %eq3A : i32
    %convert_element_type3A_6 = arith.extui %eq3A_5 : i1 to i32
    %cond3A_7 = arith.constant 0 : i32
    %cond3A_8 = arith.cmpi ne, %convert_element_type3A_6, %cond3A_7 : i32
    scf.if %cond3A_8 {
      %mul3A_33 = arith.constant 632 : i32
      %mul3A_34 = arith.muli %arg1, %mul3A_33 : i32
      "tpu.region"() ({
        %run_scoped3A = tpu.sem_alloc : memref<!tpu.dma_semaphore, #tpu.memory_space<semaphore_mem>>
        %dma_start3A_35 = arith.constant 0 : i32
        %dma_start3A_36 = tpu.memref_slice %arg11[%mul3A_34, %dma_start3A_35] : memref<10112x128xf32, #tpu.memory_space<vmem_shared>> -> memref<520x128xf32, #tpu.memory_space<vmem_shared>>
        %dma_start3A_37 = arith.constant 0 : i32
        %dma_start3A_38 = arith.constant 0 : i32
        %dma_start3A_39 = tpu.memref_slice %arg4[%dma_start3A_37, %dma_start3A_38] : memref<632x128xf32, #tpu.memory_space<hbm>> -> memref<520x128xf32, #tpu.memory_space<hbm>>
        tpu.enqueue_dma source(%dma_start3A_39 : memref<520x128xf32, #tpu.memory_space<hbm>>) target(%dma_start3A_36 : memref<520x128xf32, #tpu.memory_space<vmem_shared>>) target_semaphore(%run_scoped3A : memref<!tpu.dma_semaphore, #tpu.memory_space<semaphore_mem>>)
        %dma_wait3A = arith.constant 0 : i32
        %dma_wait3A_40 = tpu.memref_slice %arg11[%mul3A_34, %dma_wait3A] : memref<10112x128xf32, #tpu.memory_space<vmem_shared>> -> memref<520x128xf32, #tpu.memory_space<vmem_shared>>
        %dma_wait3A_41 = arith.constant 0 : i32
        %dma_wait3A_42 = arith.constant 0 : i32
        %dma_wait3A_43 = tpu.memref_slice %arg4[%dma_wait3A_41, %dma_wait3A_42] : memref<632x128xf32, #tpu.memory_space<hbm>> -> memref<520x128xf32, #tpu.memory_space<hbm>>
        tpu.wait_dma2 semaphore(%run_scoped3A : memref<!tpu.dma_semaphore, #tpu.memory_space<semaphore_mem>>) src(%dma_wait3A_43 : memref<520x128xf32, #tpu.memory_space<hbm>>) dst(%dma_wait3A_40 : memref<520x128xf32, #tpu.memory_space<vmem_shared>>)
        tpu.yield
      }) : () -> ()
    } else {
    }
    %barrier3A = arith.constant 0 : index
    tpu.barrier barrier_id(%barrier3A)
    %mul3A_9 = arith.constant 80 : i32
    %mul3A_10 = arith.muli %add3A, %mul3A_9 : i32
    %add3A_11 = arith.constant 0 : i32
    %add3A_12 = arith.addi %mul3A_10, %add3A_11 : i32
    %mul3A_13 = arith.constant 128 : i32
    %mul3A_14 = arith.muli %add3A_12, %mul3A_13 : i32
    %dma_start3A = arith.constant 0 : i32
    %dma_start3A_15 = tpu.memref_slice %arg2[%mul3A_14, %dma_start3A] : memref<327680x128xf32, #tpu.memory_space<hbm>> -> memref<128x128xf32, #tpu.memory_space<hbm>>
    %dma_start3A_16 = arith.constant 0 : i32
    %dma_start3A_17 = tpu.memref_slice %arg2[%mul3A_14, %dma_start3A_16] : memref<327680x128xf32, #tpu.memory_space<hbm>> -> memref<128x128xf32, #tpu.memory_space<hbm>>
    tpu.enqueue_dma source(%dma_start3A_17 : memref<128x128xf32, #tpu.memory_space<hbm>>) target(%arg7 : memref<128x128xf32, #tpu.memory_space<vmem>>) target_semaphore(%arg9 : memref<!tpu.dma_semaphore, #tpu.memory_space<semaphore_mem>>)
    %scan3A = arith.constant 0 : i32
    %scan3A_18 = arith.constant 40 : i32
    %scan3A_19 = arith.addi %scan3A, %scan3A_18 : i32
    %scan3A_20 = arith.constant 1 : i32
    scf.for %scan3A_33 = %scan3A to %scan3A_19 step %scan3A_20  : i32 {
      %mul3A_34 = arith.constant 2 : i32
      %mul3A_35 = arith.muli %scan3A_33, %mul3A_34 : i32
      %add3A_36 = arith.constant 0 : i32
      %add3A_37 = arith.addi %add3A_36, %mul3A_35 : i32
      %add3A_38 = arith.constant 0 : i32
      %add3A_39 = arith.addi %add3A_37, %add3A_38 : i32
      %dma_wait3A = arith.constant 0 : i32
      %dma_wait3A_40 = arith.constant 0 : i32
      %dma_wait3A_41 = tpu.memref_slice %arg2[%dma_wait3A, %dma_wait3A_40] : memref<327680x128xf32, #tpu.memory_space<hbm>> -> memref<128x128xf32, #tpu.memory_space<hbm>>
      %dma_wait3A_42 = arith.constant 0 : i32
      %dma_wait3A_43 = arith.constant 0 : i32
      %dma_wait3A_44 = tpu.memref_slice %arg2[%dma_wait3A_42, %dma_wait3A_43] : memref<327680x128xf32, #tpu.memory_space<hbm>> -> memref<128x128xf32, #tpu.memory_space<hbm>>
      tpu.wait_dma2 semaphore(%arg9 : memref<!tpu.dma_semaphore, #tpu.memory_space<semaphore_mem>>) src(%dma_wait3A_44 : memref<128x128xf32, #tpu.memory_space<hbm>>) dst(%arg7 : memref<128x128xf32, #tpu.memory_space<vmem>>)
      %add3A_45 = arith.constant 1 : i32
      %add3A_46 = arith.addi %add3A_39, %add3A_45 : i32
      %mul3A_47 = arith.constant 80 : i32
      %mul3A_48 = arith.muli %add3A, %mul3A_47 : i32
      %add3A_49 = arith.addi %mul3A_48, %add3A_46 : i32
      %mul3A_50 = arith.constant 128 : i32
      %mul3A_51 = arith.muli %add3A_49, %mul3A_50 : i32
      %dma_start3A_52 = arith.constant 0 : i32
      %dma_start3A_53 = tpu.memref_slice %arg2[%mul3A_51, %dma_start3A_52] : memref<327680x128xf32, #tpu.memory_space<hbm>> -> memref<128x128xf32, #tpu.memory_space<hbm>>
      %dma_start3A_54 = arith.constant 0 : i32
      %dma_start3A_55 = tpu.memref_slice %arg2[%mul3A_51, %dma_start3A_54] : memref<327680x128xf32, #tpu.memory_space<hbm>> -> memref<128x128xf32, #tpu.memory_space<hbm>>
      tpu.enqueue_dma source(%dma_start3A_55 : memref<128x128xf32, #tpu.memory_space<hbm>>) target(%arg8 : memref<128x128xf32, #tpu.memory_space<vmem>>) target_semaphore(%arg10 : memref<!tpu.dma_semaphore, #tpu.memory_space<semaphore_mem>>)
      "tpu.region"() ({
        %run_scoped3A = tpu.sem_alloc : memref<!tpu.dma_semaphore, #tpu.memory_space<semaphore_mem>>
        %dma_start3A_71 = arith.constant 0 : i32
        %dma_start3A_72 = tpu.memref_slice %arg6[%add3A_39, %dma_start3A_71] : memref<80x128xi32, #tpu.memory_space<vmem>> -> memref<1x128xi32, #tpu.memory_space<vmem>>
        %dma_start3A_73 = tpu.memref_squeeze %dma_start3A_72 : memref<1x128xi32, #tpu.memory_space<vmem>> -> memref<128xi32, #tpu.memory_space<vmem>>
        %dma_start3A_74 = arith.constant 0 : i32
        %dma_start3A_75 = arith.constant 0 : i32
        %dma_start3A_76 = tpu.memref_slice %arg11[%dma_start3A_74, %dma_start3A_75] : memref<10112x128xf32, #tpu.memory_space<vmem_shared>> -> memref<10112x128xf32, #tpu.memory_space<vmem_shared>>
        tpu.enqueue_indirect_dma source(%arg7 : memref<128x128xf32, #tpu.memory_space<vmem>>) target(%dma_start3A_76 : memref<10112x128xf32, #tpu.memory_space<vmem_shared>>) offsets(%dma_start3A_73 : memref<128xi32, #tpu.memory_space<vmem>>) semaphore(%run_scoped3A : memref<!tpu.dma_semaphore, #tpu.memory_space<semaphore_mem>>) {add = true}
        %dma_wait3A_77 = arith.constant 0 : i32
        %dma_wait3A_78 = tpu.memref_slice %arg6[%add3A_39, %dma_wait3A_77] : memref<80x128xi32, #tpu.memory_space<vmem>> -> memref<1x128xi32, #tpu.memory_space<vmem>>
        %dma_wait3A_79 = tpu.memref_squeeze %dma_wait3A_78 : memref<1x128xi32, #tpu.memory_space<vmem>> -> memref<128xi32, #tpu.memory_space<vmem>>
        %dma_wait3A_80 = arith.constant 0 : i32
        %dma_wait3A_81 = arith.constant 0 : i32
        %dma_wait3A_82 = tpu.memref_slice %arg11[%dma_wait3A_80, %dma_wait3A_81] : memref<10112x128xf32, #tpu.memory_space<vmem_shared>> -> memref<10112x128xf32, #tpu.memory_space<vmem_shared>>
        tpu.wait_indirect_dma semaphore(%run_scoped3A : memref<!tpu.dma_semaphore, #tpu.memory_space<semaphore_mem>>) src(%arg7 : memref<128x128xf32, #tpu.memory_space<vmem>>) dst(%dma_wait3A_82 : memref<10112x128xf32, #tpu.memory_space<vmem_shared>>)
        tpu.yield
      }) : () -> ()
      %add3A_56 = arith.constant 1 : i32
      %add3A_57 = arith.addi %add3A_37, %add3A_56 : i32
      %dma_wait3A_58 = arith.constant 0 : i32
      %dma_wait3A_59 = arith.constant 0 : i32
      %dma_wait3A_60 = tpu.memref_slice %arg2[%dma_wait3A_58, %dma_wait3A_59] : memref<327680x128xf32, #tpu.memory_space<hbm>> -> memref<128x128xf32, #tpu.memory_space<hbm>>
      %dma_wait3A_61 = arith.constant 0 : i32
      %dma_wait3A_62 = arith.constant 0 : i32
      %dma_wait3A_63 = tpu.memref_slice %arg2[%dma_wait3A_61, %dma_wait3A_62] : memref<327680x128xf32, #tpu.memory_space<hbm>> -> memref<128x128xf32, #tpu.memory_space<hbm>>
      tpu.wait_dma2 semaphore(%arg10 : memref<!tpu.dma_semaphore, #tpu.memory_space<semaphore_mem>>) src(%dma_wait3A_63 : memref<128x128xf32, #tpu.memory_space<hbm>>) dst(%arg8 : memref<128x128xf32, #tpu.memory_space<vmem>>)
      %add3A_64 = arith.constant 1 : i32
      %add3A_65 = arith.addi %add3A_57, %add3A_64 : i32
      %lt3A_66 = arith.constant 80 : i32
      %lt3A_67 = arith.cmpi slt, %add3A_65, %lt3A_66 : i32
      %convert_element_type3A_68 = arith.extui %lt3A_67 : i1 to i32
      %cond3A_69 = arith.constant 0 : i32
      %cond3A_70 = arith.cmpi ne, %convert_element_type3A_68, %cond3A_69 : i32
      scf.if %cond3A_70 {
        %add3A_71 = arith.constant 1 : i32
        %add3A_72 = arith.addi %add3A_57, %add3A_71 : i32
        %mul3A_73 = arith.constant 80 : i32
        %mul3A_74 = arith.muli %add3A, %mul3A_73 : i32
        %add3A_75 = arith.addi %mul3A_74, %add3A_72 : i32
        %mul3A_76 = arith.constant 128 : i32
        %mul3A_77 = arith.muli %add3A_75, %mul3A_76 : i32
        %dma_start3A_78 = arith.constant 0 : i32
        %dma_start3A_79 = tpu.memref_slice %arg2[%mul3A_77, %dma_start3A_78] : memref<327680x128xf32, #tpu.memory_space<hbm>> -> memref<128x128xf32, #tpu.memory_space<hbm>>
        %dma_start3A_80 = arith.constant 0 : i32
        %dma_start3A_81 = tpu.memref_slice %arg2[%mul3A_77, %dma_start3A_80] : memref<327680x128xf32, #tpu.memory_space<hbm>> -> memref<128x128xf32, #tpu.memory_space<hbm>>
        tpu.enqueue_dma source(%dma_start3A_81 : memref<128x128xf32, #tpu.memory_space<hbm>>) target(%arg7 : memref<128x128xf32, #tpu.memory_space<vmem>>) target_semaphore(%arg9 : memref<!tpu.dma_semaphore, #tpu.memory_space<semaphore_mem>>)
      } else {
      }
      "tpu.region"() ({
        %run_scoped3A = tpu.sem_alloc : memref<!tpu.dma_semaphore, #tpu.memory_space<semaphore_mem>>
        %dma_start3A_71 = arith.constant 0 : i32
        %dma_start3A_72 = tpu.memref_slice %arg6[%add3A_57, %dma_start3A_71] : memref<80x128xi32, #tpu.memory_space<vmem>> -> memref<1x128xi32, #tpu.memory_space<vmem>>
        %dma_start3A_73 = tpu.memref_squeeze %dma_start3A_72 : memref<1x128xi32, #tpu.memory_space<vmem>> -> memref<128xi32, #tpu.memory_space<vmem>>
        %dma_start3A_74 = arith.constant 0 : i32
        %dma_start3A_75 = arith.constant 0 : i32
        %dma_start3A_76 = tpu.memref_slice %arg11[%dma_start3A_74, %dma_start3A_75] : memref<10112x128xf32, #tpu.memory_space<vmem_shared>> -> memref<10112x128xf32, #tpu.memory_space<vmem_shared>>
        tpu.enqueue_indirect_dma source(%arg8 : memref<128x128xf32, #tpu.memory_space<vmem>>) target(%dma_start3A_76 : memref<10112x128xf32, #tpu.memory_space<vmem_shared>>) offsets(%dma_start3A_73 : memref<128xi32, #tpu.memory_space<vmem>>) semaphore(%run_scoped3A : memref<!tpu.dma_semaphore, #tpu.memory_space<semaphore_mem>>) {add = true}
        %dma_wait3A_77 = arith.constant 0 : i32
        %dma_wait3A_78 = tpu.memref_slice %arg6[%add3A_57, %dma_wait3A_77] : memref<80x128xi32, #tpu.memory_space<vmem>> -> memref<1x128xi32, #tpu.memory_space<vmem>>
        %dma_wait3A_79 = tpu.memref_squeeze %dma_wait3A_78 : memref<1x128xi32, #tpu.memory_space<vmem>> -> memref<128xi32, #tpu.memory_space<vmem>>
        %dma_wait3A_80 = arith.constant 0 : i32
        %dma_wait3A_81 = arith.constant 0 : i32
        %dma_wait3A_82 = tpu.memref_slice %arg11[%dma_wait3A_80, %dma_wait3A_81] : memref<10112x128xf32, #tpu.memory_space<vmem_shared>> -> memref<10112x128xf32, #tpu.memory_space<vmem_shared>>
        tpu.wait_indirect_dma semaphore(%run_scoped3A : memref<!tpu.dma_semaphore, #tpu.memory_space<semaphore_mem>>) src(%arg8 : memref<128x128xf32, #tpu.memory_space<vmem>>) dst(%dma_wait3A_82 : memref<10112x128xf32, #tpu.memory_space<vmem_shared>>)
        tpu.yield
      }) : () -> ()
    }
    %scan3A_21 = arith.constant 40 : i32
    %barrier3A_22 = arith.constant 0 : index
    tpu.barrier barrier_id(%barrier3A_22)
    %lt3A_23 = arith.constant 15 : i32
    %lt3A_24 = arith.cmpi slt, %arg1, %lt3A_23 : i32
    %convert_element_type3A_25 = arith.extui %lt3A_24 : i1 to i32
    %cond3A_26 = arith.constant 0 : i32
    %cond3A_27 = arith.cmpi ne, %convert_element_type3A_25, %cond3A_26 : i32
    scf.if %cond3A_27 {
      %mul3A_33 = arith.constant 632 : i32
      %mul3A_34 = arith.muli %arg1, %mul3A_33 : i32
      %mul3A_35 = arith.constant 632 : i32
      %mul3A_36 = arith.muli %arg1, %mul3A_35 : i32
      "tpu.region"() ({
        %run_scoped3A = tpu.sem_alloc : memref<!tpu.dma_semaphore, #tpu.memory_space<semaphore_mem>>
        %dma_start3A_37 = arith.constant 0 : i32
        %dma_start3A_38 = tpu.memref_slice %arg5[%arg0, %mul3A_36, %dma_start3A_37] : memref<2x10000x128xf32, #tpu.memory_space<hbm>> -> memref<1x632x128xf32, #tpu.memory_space<hbm>>
        %dma_start3A_39 = tpu.memref_squeeze %dma_start3A_38 : memref<1x632x128xf32, #tpu.memory_space<hbm>> -> memref<632x128xf32, #tpu.memory_space<hbm>>
        %dma_start3A_40 = arith.constant 0 : i32
        %dma_start3A_41 = tpu.memref_slice %arg11[%mul3A_34, %dma_start3A_40] : memref<10112x128xf32, #tpu.memory_space<vmem_shared>> -> memref<632x128xf32, #tpu.memory_space<vmem_shared>>
        tpu.enqueue_dma source(%dma_start3A_41 : memref<632x128xf32, #tpu.memory_space<vmem_shared>>) target(%dma_start3A_39 : memref<632x128xf32, #tpu.memory_space<hbm>>) target_semaphore(%run_scoped3A : memref<!tpu.dma_semaphore, #tpu.memory_space<semaphore_mem>>)
        %dma_wait3A = arith.constant 0 : i32
        %dma_wait3A_42 = tpu.memref_slice %arg5[%arg0, %mul3A_36, %dma_wait3A] : memref<2x10000x128xf32, #tpu.memory_space<hbm>> -> memref<1x632x128xf32, #tpu.memory_space<hbm>>
        %dma_wait3A_43 = tpu.memref_squeeze %dma_wait3A_42 : memref<1x632x128xf32, #tpu.memory_space<hbm>> -> memref<632x128xf32, #tpu.memory_space<hbm>>
        %dma_wait3A_44 = arith.constant 0 : i32
        %dma_wait3A_45 = tpu.memref_slice %arg11[%mul3A_34, %dma_wait3A_44] : memref<10112x128xf32, #tpu.memory_space<vmem_shared>> -> memref<632x128xf32, #tpu.memory_space<vmem_shared>>
        tpu.wait_dma2 semaphore(%run_scoped3A : memref<!tpu.dma_semaphore, #tpu.memory_space<semaphore_mem>>) src(%dma_wait3A_45 : memref<632x128xf32, #tpu.memory_space<vmem_shared>>) dst(%dma_wait3A_43 : memref<632x128xf32, #tpu.memory_space<hbm>>)
        tpu.yield
      }) : () -> ()
    } else {
    }
    %eq3A_28 = arith.constant 15 : i32
    %eq3A_29 = arith.cmpi eq, %arg1, %eq3A_28 : i32
    %convert_element_type3A_30 = arith.extui %eq3A_29 : i1 to i32
    %cond3A_31 = arith.constant 0 : i32
    %cond3A_32 = arith.cmpi ne, %convert_element_type3A_30, %cond3A_31 : i32
    scf.if %cond3A_32 {
      %mul3A_33 = arith.constant 632 : i32
      %mul3A_34 = arith.muli %arg1, %mul3A_33 : i32
      %mul3A_35 = arith.constant 632 : i32
      %mul3A_36 = arith.muli %arg1, %mul3A_35 : i32
      "tpu.region"() ({
        %run_scoped3A = tpu.sem_alloc : memref<!tpu.dma_semaphore, #tpu.memory_space<semaphore_mem>>
        %dma_start3A_37 = arith.constant 0 : i32
        %dma_start3A_38 = tpu.memref_slice %arg5[%arg0, %mul3A_36, %dma_start3A_37] : memref<2x10000x128xf32, #tpu.memory_space<hbm>> -> memref<1x520x128xf32, #tpu.memory_space<hbm>>
        %dma_start3A_39 = tpu.memref_squeeze %dma_start3A_38 : memref<1x520x128xf32, #tpu.memory_space<hbm>> -> memref<520x128xf32, #tpu.memory_space<hbm>>
        %dma_start3A_40 = arith.constant 0 : i32
        %dma_start3A_41 = tpu.memref_slice %arg11[%mul3A_34, %dma_start3A_40] : memref<10112x128xf32, #tpu.memory_space<vmem_shared>> -> memref<520x128xf32, #tpu.memory_space<vmem_shared>>
        tpu.enqueue_dma source(%dma_start3A_41 : memref<520x128xf32, #tpu.memory_space<vmem_shared>>) target(%dma_start3A_39 : memref<520x128xf32, #tpu.memory_space<hbm>>) target_semaphore(%run_scoped3A : memref<!tpu.dma_semaphore, #tpu.memory_space<semaphore_mem>>)
        %dma_wait3A = arith.constant 0 : i32
        %dma_wait3A_42 = tpu.memref_slice %arg5[%arg0, %mul3A_36, %dma_wait3A] : memref<2x10000x128xf32, #tpu.memory_space<hbm>> -> memref<1x520x128xf32, #tpu.memory_space<hbm>>
        %dma_wait3A_43 = tpu.memref_squeeze %dma_wait3A_42 : memref<1x520x128xf32, #tpu.memory_space<hbm>> -> memref<520x128xf32, #tpu.memory_space<hbm>>
        %dma_wait3A_44 = arith.constant 0 : i32
        %dma_wait3A_45 = tpu.memref_slice %arg11[%mul3A_34, %dma_wait3A_44] : memref<10112x128xf32, #tpu.memory_space<vmem_shared>> -> memref<520x128xf32, #tpu.memory_space<vmem_shared>>
        tpu.wait_dma2 semaphore(%run_scoped3A : memref<!tpu.dma_semaphore, #tpu.memory_space<semaphore_mem>>) src(%dma_wait3A_45 : memref<520x128xf32, #tpu.memory_space<vmem_shared>>) dst(%dma_wait3A_43 : memref<520x128xf32, #tpu.memory_space<hbm>>)
        tpu.yield
      }) : () -> ()
    } else {
    }
    return
  }
}

module attributes {stable_mosaic.version = 14 : i64} {
  func.func @_mm_scale_body(%arg0: i32, %arg1: memref<2000x128xf32, #tpu.memory_space<vmem>>, %arg2: memref<128x128xf32, #tpu.memory_space<vmem>>, %arg3: memref<2000x1xf32, #tpu.memory_space<vmem>>, %arg4: memref<2000x128xf32, #tpu.memory_space<vmem>>) attributes {dimension_semantics = [#tpu.dimension_semantics<arbitrary>], iteration_bounds = array<i64: 5>, scalar_prefetch = 0 : i64, scratch_operands = 0 : i64, tpu.core_type = #tpu.core_type<tc>, window_params = [{transform_indices = @transform_0, window_bounds = array<i64: 2000, 128>}, {pipeline_mode = #tpu.pipeline_mode<synchronous>, transform_indices = @transform_1, window_bounds = array<i64: 128, 128>}, {transform_indices = @transform_2, window_bounds = array<i64: 2000, 1>}, {transform_indices = @transform_3, window_bounds = array<i64: 2000, 128>}]} {
    %get3A = arith.constant 0 : index
    %get3A_0 = arith.constant 0 : index
    %get3A_1 = vector.load %arg1[%get3A, %get3A_0] : memref<2000x128xf32, #tpu.memory_space<vmem>>, vector<2000x128xf32>
    %get3A_2 = arith.constant 0 : index
    %get3A_3 = arith.constant 0 : index
    %get3A_4 = vector.load %arg2[%get3A_2, %get3A_3] : memref<128x128xf32, #tpu.memory_space<vmem>>, vector<128x128xf32>
    %dot_general3A = arith.constant dense<0.000000e+00> : vector<2000x128xf32>
    %dot_general3A_5 = tpu.matmul %get3A_1, %get3A_4, %dot_general3A {dimension_numbers = #tpu.dot_dimension_numbers<[1], [0], [0], [1], [0, 0, 1, 1], [], []>, transpose_lhs_hint = false} : vector<2000x128xf32>, vector<128x128xf32>, vector<2000x128xf32> -> vector<2000x128xf32>
    %get3A_6 = arith.constant 0 : index
    %get3A_7 = arith.constant 0 : index
    %get3A_8 = vector.load %arg3[%get3A_6, %get3A_7] : memref<2000x1xf32, #tpu.memory_space<vmem>>, vector<2000x1xf32>
    %add3A = arith.constant 1.000000e+00 : f32
    %add3A_9 = vector.broadcast %add3A : f32 to vector<2000x1xf32>
    %add3A_10 = arith.addf %get3A_8, %add3A_9 : vector<2000x1xf32>
    %rsqrt3A = math.rsqrt %add3A_10 : vector<2000x1xf32>
    %mul3A = vector.broadcast %rsqrt3A : vector<2000x1xf32> to vector<2000x128xf32>
    %mul3A_11 = arith.mulf %dot_general3A_5, %mul3A : vector<2000x128xf32>
    %swap3A = arith.constant 0 : index
    %swap3A_12 = arith.constant 0 : index
    %swap3A_13 = vector.load %arg4[%swap3A, %swap3A_12] : memref<2000x128xf32, #tpu.memory_space<vmem>>, vector<2000x128xf32>
    tpu.vector_store %arg4[%swap3A, %swap3A_12], %mul3A_11 {strides = array<i32>} : memref<2000x128xf32, #tpu.memory_space<vmem>>, vector<2000x128xf32>,
    return
  }
  func.func @transform_0(%arg0: i32) -> (i32, i32) {
    %c0_i32 = arith.constant 0 : i32
    %c0_i32_0 = arith.constant 0 : i32
    return %arg0, %c0_i32 : i32, i32
  }
  func.func @transform_1(%arg0: i32) -> (i32, i32) {
    %c0_i32 = arith.constant 0 : i32
    %c0_i32_0 = arith.constant 0 : i32
    %c0_i32_1 = arith.constant 0 : i32
    return %c0_i32, %c0_i32_0 : i32, i32
  }
  func.func @transform_2(%arg0: i32) -> (i32, i32) {
    %c0_i32 = arith.constant 0 : i32
    %c0_i32_0 = arith.constant 0 : i32
    return %arg0, %c0_i32 : i32, i32
  }
  func.func @transform_3(%arg0: i32) -> (i32, i32) {
    %c0_i32 = arith.constant 0 : i32
    %c0_i32_0 = arith.constant 0 : i32
    return %arg0, %c0_i32 : i32, i32
  }
}

module attributes {stable_mosaic.version = 14 : i64} {
  func.func @_layer2_body(%arg0: i32, %arg1: memref<2x2000x128xf32, #tpu.memory_space<vmem>>, %arg2: memref<2000x128xf32, #tpu.memory_space<vmem>>, %arg3: memref<2000x1xf32, #tpu.memory_space<vmem>>, %arg4: memref<1x128xf32, #tpu.memory_space<vmem>>, %arg5: memref<128x128xf32, #tpu.memory_space<vmem>>, %arg6: memref<2000x128xf32, #tpu.memory_space<vmem>>) attributes {dimension_semantics = [#tpu.dimension_semantics<arbitrary>], iteration_bounds = array<i64: 5>, scalar_prefetch = 0 : i64, scratch_operands = 0 : i64, tpu.core_type = #tpu.core_type<tc>, window_params = [{transform_indices = @transform_0, window_bounds = array<i64: 2, 2000, 128>}, {transform_indices = @transform_1, window_bounds = array<i64: 2000, 128>}, {transform_indices = @transform_2, window_bounds = array<i64: 2000, 1>}, {pipeline_mode = #tpu.pipeline_mode<synchronous>, transform_indices = @transform_3, window_bounds = array<i64: 1, 128>}, {pipeline_mode = #tpu.pipeline_mode<synchronous>, transform_indices = @transform_4, window_bounds = array<i64: 128, 128>}, {transform_indices = @transform_5, window_bounds = array<i64: 2000, 128>}]} {
    %get3A = arith.constant 0 : index
    %get3A_0 = arith.constant 0 : index
    %get3A_1 = vector.load %arg3[%get3A, %get3A_0] : memref<2000x1xf32, #tpu.memory_space<vmem>>, vector<2000x1xf32>
    %add3A = arith.constant 1.000000e+00 : f32
    %add3A_2 = vector.broadcast %add3A : f32 to vector<2000x1xf32>
    %add3A_3 = arith.addf %get3A_1, %add3A_2 : vector<2000x1xf32>
    %rsqrt3A = math.rsqrt %add3A_3 : vector<2000x1xf32>
    %get3A_4 = arith.constant 0 : index
    %get3A_5 = arith.constant 0 : index
    %get3A_6 = arith.constant 0 : index
    %get3A_7 = vector.load %arg1[%get3A_4, %get3A_5, %get3A_6] : memref<2x2000x128xf32, #tpu.memory_space<vmem>>, vector<2x2000x128xf32>
    %slice3A = vector.extract_strided_slice %get3A_7 {offsets = [0, 0, 0], sizes = [1, 2000, 128], strides = [1, 1, 1]} : vector<2x2000x128xf32> to vector<1x2000x128xf32>
    %squeeze3A = vector.shape_cast %slice3A : vector<1x2000x128xf32> to vector<2000x128xf32>
    %slice3A_8 = vector.extract_strided_slice %get3A_7 {offsets = [1, 0, 0], sizes = [1, 2000, 128], strides = [1, 1, 1]} : vector<2x2000x128xf32> to vector<1x2000x128xf32>
    %squeeze3A_9 = vector.shape_cast %slice3A_8 : vector<1x2000x128xf32> to vector<2000x128xf32>
    %add3A_10 = arith.addf %squeeze3A, %squeeze3A_9 : vector<2000x128xf32>
    %get3A_11 = arith.constant 0 : index
    %get3A_12 = arith.constant 0 : index
    %get3A_13 = vector.load %arg2[%get3A_11, %get3A_12] : memref<2000x128xf32, #tpu.memory_space<vmem>>, vector<2000x128xf32>
    %add3A_14 = arith.addf %add3A_10, %get3A_13 : vector<2000x128xf32>
    %mul3A = vector.broadcast %rsqrt3A : vector<2000x1xf32> to vector<2000x128xf32>
    %mul3A_15 = arith.mulf %mul3A, %add3A_14 : vector<2000x128xf32>
    %get3A_16 = arith.constant 0 : index
    %get3A_17 = arith.constant 0 : index
    %get3A_18 = vector.load %arg4[%get3A_16, %get3A_17] : memref<1x128xf32, #tpu.memory_space<vmem>>, vector<1x128xf32>
    %add3A_19 = vector.broadcast %get3A_18 : vector<1x128xf32> to vector<2000x128xf32>
    %add3A_20 = arith.addf %mul3A_15, %add3A_19 : vector<2000x128xf32>
    %max3A = arith.constant 0.000000e+00 : f32
    %max3A_21 = vector.broadcast %max3A : f32 to vector<2000x128xf32>
    %max3A_22 = arith.maximumf %add3A_20, %max3A_21 : vector<2000x128xf32>
    %get3A_23 = arith.constant 0 : index
    %get3A_24 = arith.constant 0 : index
    %get3A_25 = vector.load %arg5[%get3A_23, %get3A_24] : memref<128x128xf32, #tpu.memory_space<vmem>>, vector<128x128xf32>
    %dot_general3A = arith.constant dense<0.000000e+00> : vector<2000x128xf32>
    %dot_general3A_26 = tpu.matmul %max3A_22, %get3A_25, %dot_general3A {dimension_numbers = #tpu.dot_dimension_numbers<[1], [0], [0], [1], [0, 0, 1, 1], [], []>, transpose_lhs_hint = false} : vector<2000x128xf32>, vector<128x128xf32>, vector<2000x128xf32> -> vector<2000x128xf32>
    %mul3A_27 = vector.broadcast %rsqrt3A : vector<2000x1xf32> to vector<2000x128xf32>
    %mul3A_28 = arith.mulf %dot_general3A_26, %mul3A_27 : vector<2000x128xf32>
    %swap3A = arith.constant 0 : index
    %swap3A_29 = arith.constant 0 : index
    %swap3A_30 = vector.load %arg6[%swap3A, %swap3A_29] : memref<2000x128xf32, #tpu.memory_space<vmem>>, vector<2000x128xf32>
    tpu.vector_store %arg6[%swap3A, %swap3A_29], %mul3A_28 {strides = array<i32>} : memref<2000x128xf32, #tpu.memory_space<vmem>>, vector<2000x128xf32>,
    return
  }
  func.func @transform_0(%arg0: i32) -> (i32, i32, i32) {
    %c0_i32 = arith.constant 0 : i32
    %c0_i32_0 = arith.constant 0 : i32
    %c0_i32_1 = arith.constant 0 : i32
    return %c0_i32, %arg0, %c0_i32_0 : i32, i32, i32
  }
  func.func @transform_1(%arg0: i32) -> (i32, i32) {
    %c0_i32 = arith.constant 0 : i32
    %c0_i32_0 = arith.constant 0 : i32
    return %arg0, %c0_i32 : i32, i32
  }
  func.func @transform_2(%arg0: i32) -> (i32, i32) {
    %c0_i32 = arith.constant 0 : i32
    %c0_i32_0 = arith.constant 0 : i32
    return %arg0, %c0_i32 : i32, i32
  }
  func.func @transform_3(%arg0: i32) -> (i32, i32) {
    %c0_i32 = arith.constant 0 : i32
    %c0_i32_0 = arith.constant 0 : i32
    %c0_i32_1 = arith.constant 0 : i32
    return %c0_i32, %c0_i32_0 : i32, i32
  }
  func.func @transform_4(%arg0: i32) -> (i32, i32) {
    %c0_i32 = arith.constant 0 : i32
    %c0_i32_0 = arith.constant 0 : i32
    %c0_i32_1 = arith.constant 0 : i32
    return %c0_i32, %c0_i32_0 : i32, i32
  }
  func.func @transform_5(%arg0: i32) -> (i32, i32) {
    %c0_i32 = arith.constant 0 : i32
    %c0_i32_0 = arith.constant 0 : i32
    return %arg0, %c0_i32 : i32, i32
  }
}

module attributes {stable_mosaic.version = 14 : i64} {
  func.func @_final_body(%arg0: i32, %arg1: memref<2x2000x128xf32, #tpu.memory_space<vmem>>, %arg2: memref<2000x128xf32, #tpu.memory_space<vmem>>, %arg3: memref<2000x1xf32, #tpu.memory_space<vmem>>, %arg4: memref<1x128xf32, #tpu.memory_space<vmem>>, %arg5: memref<2000x128xf32, #tpu.memory_space<vmem>>) attributes {dimension_semantics = [#tpu.dimension_semantics<arbitrary>], iteration_bounds = array<i64: 5>, scalar_prefetch = 0 : i64, scratch_operands = 0 : i64, tpu.core_type = #tpu.core_type<tc>, window_params = [{transform_indices = @transform_0, window_bounds = array<i64: 2, 2000, 128>}, {transform_indices = @transform_1, window_bounds = array<i64: 2000, 128>}, {transform_indices = @transform_2, window_bounds = array<i64: 2000, 1>}, {pipeline_mode = #tpu.pipeline_mode<synchronous>, transform_indices = @transform_3, window_bounds = array<i64: 1, 128>}, {transform_indices = @transform_4, window_bounds = array<i64: 2000, 128>}]} {
    %get3A = arith.constant 0 : index
    %get3A_0 = arith.constant 0 : index
    %get3A_1 = vector.load %arg3[%get3A, %get3A_0] : memref<2000x1xf32, #tpu.memory_space<vmem>>, vector<2000x1xf32>
    %add3A = arith.constant 1.000000e+00 : f32
    %add3A_2 = vector.broadcast %add3A : f32 to vector<2000x1xf32>
    %add3A_3 = arith.addf %get3A_1, %add3A_2 : vector<2000x1xf32>
    %rsqrt3A = math.rsqrt %add3A_3 : vector<2000x1xf32>
    %get3A_4 = arith.constant 0 : index
    %get3A_5 = arith.constant 0 : index
    %get3A_6 = arith.constant 0 : index
    %get3A_7 = vector.load %arg1[%get3A_4, %get3A_5, %get3A_6] : memref<2x2000x128xf32, #tpu.memory_space<vmem>>, vector<2x2000x128xf32>
    %slice3A = vector.extract_strided_slice %get3A_7 {offsets = [0, 0, 0], sizes = [1, 2000, 128], strides = [1, 1, 1]} : vector<2x2000x128xf32> to vector<1x2000x128xf32>
    %squeeze3A = vector.shape_cast %slice3A : vector<1x2000x128xf32> to vector<2000x128xf32>
    %slice3A_8 = vector.extract_strided_slice %get3A_7 {offsets = [1, 0, 0], sizes = [1, 2000, 128], strides = [1, 1, 1]} : vector<2x2000x128xf32> to vector<1x2000x128xf32>
    %squeeze3A_9 = vector.shape_cast %slice3A_8 : vector<1x2000x128xf32> to vector<2000x128xf32>
    %add3A_10 = arith.addf %squeeze3A, %squeeze3A_9 : vector<2000x128xf32>
    %get3A_11 = arith.constant 0 : index
    %get3A_12 = arith.constant 0 : index
    %get3A_13 = vector.load %arg2[%get3A_11, %get3A_12] : memref<2000x128xf32, #tpu.memory_space<vmem>>, vector<2000x128xf32>
    %add3A_14 = arith.addf %add3A_10, %get3A_13 : vector<2000x128xf32>
    %mul3A = vector.broadcast %rsqrt3A : vector<2000x1xf32> to vector<2000x128xf32>
    %mul3A_15 = arith.mulf %mul3A, %add3A_14 : vector<2000x128xf32>
    %get3A_16 = arith.constant 0 : index
    %get3A_17 = arith.constant 0 : index
    %get3A_18 = vector.load %arg4[%get3A_16, %get3A_17] : memref<1x128xf32, #tpu.memory_space<vmem>>, vector<1x128xf32>
    %add3A_19 = vector.broadcast %get3A_18 : vector<1x128xf32> to vector<2000x128xf32>
    %add3A_20 = arith.addf %mul3A_15, %add3A_19 : vector<2000x128xf32>
    %swap3A = arith.constant 0 : index
    %swap3A_21 = arith.constant 0 : index
    %swap3A_22 = vector.load %arg5[%swap3A, %swap3A_21] : memref<2000x128xf32, #tpu.memory_space<vmem>>, vector<2000x128xf32>
    tpu.vector_store %arg5[%swap3A, %swap3A_21], %add3A_20 {strides = array<i32>} : memref<2000x128xf32, #tpu.memory_space<vmem>>, vector<2000x128xf32>,
    return
  }
  func.func @transform_0(%arg0: i32) -> (i32, i32, i32) {
    %c0_i32 = arith.constant 0 : i32
    %c0_i32_0 = arith.constant 0 : i32
    %c0_i32_1 = arith.constant 0 : i32
    return %c0_i32, %arg0, %c0_i32_0 : i32, i32, i32
  }
  func.func @transform_1(%arg0: i32) -> (i32, i32) {
    %c0_i32 = arith.constant 0 : i32
    %c0_i32_0 = arith.constant 0 : i32
    return %arg0, %c0_i32 : i32, i32
  }
  func.func @transform_2(%arg0: i32) -> (i32, i32) {
    %c0_i32 = arith.constant 0 : i32
    %c0_i32_0 = arith.constant 0 : i32
    return %arg0, %c0_i32 : i32, i32
  }
  func.func @transform_3(%arg0: i32) -> (i32, i32) {
    %c0_i32 = arith.constant 0 : i32
    %c0_i32_0 = arith.constant 0 : i32
    %c0_i32_1 = arith.constant 0 : i32
    return %c0_i32, %c0_i32_0 : i32, i32
  }
  func.func @transform_4(%arg0: i32) -> (i32, i32) {
    %c0_i32 = arith.constant 0 : i32
    %c0_i32_0 = arith.constant 0 : i32
    return %arg0, %c0_i32 : i32, i32
  }
}

</mosaic_0001>

<sc_bundles>
// kernel: kernel.10.cloned.1.call-start
scs
__scs_entry_jumppad:
0x0: {  	(pc) =	sbr.rel $0x88, $3  }
0x1: {  	(tag) =	ssettag $0x0;
	lr =	simm.s32 $0x1  }
0x2: {  	[smem:$0x3F9B] =	sst lr;
	_ =	strace $0xD0000000  }
0x3: {  	_ = 	snop  }
0x4: {  	_ = 	snop  }
0x5: {  	_ = 	snop  }
0x6: {  	_ = 	snop  }
0x7: {  	_ = 	snop  }
__scs_overlays_trampoline_lowered:
0x8: {  	[smem:$0x3FAA] =	sst s0  }
0x9: {  	[smem:$0x3FAB] =	sst s1  }
0xa: {  	[smem:$0x3FAC] =	sst s2  }
0xb: {  	[smem:$0x3FAD] =	sst s3  }
0xc: {  	[smem:$0x3FAE] =	sst s4  }
0xd: {  	[smem:$0x3FAF] =	sst s5  }
0xe: {  	[smem:$0x3FB0] =	sst s6  }
0xf: {  	[smem:$0x3FB1] =	sst s7  }
0x10: {  	[smem:$0x3FB2] =	sst s8  }
0x11: {  	[smem:$0x3FB3] =	sst s9;
	s0 =	simm.s32 @!p0 $0x0  }
0x12: {  	s1 =	sld [smem:$0x3F99];
	s0 =	simm.s32 @p0 $0x1  }
0x13: {  	[smem:$0x3FB4] =	sst s0;
	s0 =	simm.s32 @!p1 $0x0  }
0x14: {  	s2 =	sld [smem:$0x3F98];
	s0 =	simm.s32 @p1 $0x1  }
0x15: {  	[smem:$0x3FB5] =	sst s0;
	s0 =	simm.s32 @!p2 $0x0  }
0x16: {  	s3 =	sld [smem:$0x3FDB];
	s0 =	simm.s32 @p2 $0x1  }
0x17: {  	s4 =	simm.s32 $0x1BF5;
	[smem:$0x3FB7] =	sst s0  }
0x18: {  	s0 =	sld [smem:$0x3F9A];
	_ =	swait.ge [sflag:s4], $0x0  }
0x19: {  	s7 =	sld [smem:$0x3F9B]  }
0x1a: {  	s8 =	sadd.s32 $0xFFFFE003, lr  }
0x1b: {  	s9 =	sadd.s32 $0xFFFFFEF7, lr;
	s5 =	simm.s32 $0xFFFFFFFF;
	p2 =	slt.u32 s8, $0xFFFFF086  }
0x1c: {  	p1 =	slt.u32 s9, $0xF7A;
	s5 =	simm.s32 @!p2 $0x0  }
0x1d: {  	s5 =	simm.s32 @p1 $0x1;
	p0 =	seq.s32 s7, s2  }
0x1e: {  	s7 =	smul.u32 @!p0 $0xF7A, s2;
	p2 =	seq.s32 @!p0 s5, $0x0  }
0x1f: {  	s9 =	smul.u32 $0xF7A, s1;
	s8 =	simm.s32 @!p0 $0x1BF5;
	p2 =	por !p2, p0  }
0x20: {  	[sflag:s8] =	ssyncset.s32 @!p0 $0xFFFFF086;
	s6 =	sadd.s32 @!p0 s3, s7;
	s7 =	simm.s32 @!p0 $0x108  }
0x21: {  	s3 =	sadd.s32 s3, s9;
	s6 =	sadd.s32 @!p0 $0x88, s6;
	s7 =	simm.s32 @p2 $0x1082  }
0x22: {  	[simem:s7], [sflag:s8] =	dma.local @!p0 [hbm:s6], $0xF7A  }
0x23: {  	s9 =	sor.u32 $0xD0000000, s2;
	s6 =	simm.s32 $0x108;
	_ =	swait.ge @!p0 [sflag:s8], $0x0  }
0x24: {  	s3 =	sadd.s32 $0x88, s3;
	s6 =	simm.s32 @!p1 $0x1082;
	[sflag:s4] =	ssyncset.s32 $0xFFFFF086  }
0x25: {  	[simem:s6], [sflag:s4] =	dma.local [hbm:s3], $0xF7A  }
0x26: {  	[smem:$0x3F9B] =	sst s1;
	(tag) =	ssettag s2;
	_ =	strace s9  }
0x27: {  	s1 =	sld [smem:$0x3FAB]  }
0x28: {  	s2 =	sld [smem:$0x3FAC]  }
0x29: {  	s4 =	sld [smem:$0x3FAE]  }
0x2a: {  	p0 =	seq.s32 s5, $0x0;
	s5 =	sld [smem:$0x3FAF]  }
0x2b: {  	s6 =	sld [smem:$0x3FB0]  }
0x2c: {  	s7 =	sld [smem:$0x3FB1]  }
0x2d: {  	s3 =	simm.s32 $0x108;
	s8 =	sld [smem:$0x3FB2]  }
0x2e: {  	s3 =	simm.s32 @!p0 $0x1082;
	s9 =	sld [smem:$0x3FB3]  }
0x2f: {  	lr =	sadd.s32 s0, s3;
	s0 =	sld [smem:$0x3FAA]  }
0x30: {  	s3 =	sld [smem:$0x3FAD]  }
0x31: {  	[smem:$0x3FB6] =	sst s10  }
0x32: {  	s10 =	sld [smem:$0x3FB4];
	_ =	sdelay $0x3  }
0x33: {  	p0 =	seq.s32 s10, $0x1;
	s10 =	sld [smem:$0x3FB6];
	_ =	sdelay $0x3  }
0x34: {  	[smem:$0x3FB6] =	sst s10  }
0x35: {  	s10 =	sld [smem:$0x3FB5];
	_ =	sdelay $0x3  }
0x36: {  	p1 =	seq.s32 s10, $0x1;
	s10 =	sld [smem:$0x3FB6];
	_ =	sdelay $0x3  }
0x37: {  	[smem:$0x3FB6] =	sst s10  }
0x38: {  	s10 =	sld [smem:$0x3FB7]  }
0x39: {  	_ = 	snop;
	(pc) =	sbr.ind lr, $3  }
0x3a: {  	_ = 	snop  }
0x3b: {  	_ = 	snop  }
0x3c: {  	p2 =	seq.s32 s10, $0x1;
	s10 =	sld [smem:$0x3FB6]  }
0x3d: {  	_ =	shalt  }
0x3e: {  	_ =	shalt  }
0x3f: {  	_ =	shalt  }
0x40: {  	_ =	shalt  }
0x41: {  	_ =	shalt  }
0x42: {  	_ =	shalt  }
0x43: {  	_ =	shalt  }
0x44: {  	_ =	shalt  }
0x45: {  	_ =	shalt  }
0x46: {  	_ =	shalt  }
0x47: {  	_ =	shalt  }
0x48: {  	_ =	shalt  }
0x49: {  	_ =	shalt  }
0x4a: {  	_ =	shalt  }
0x4b: {  	_ =	shalt  }
0x4c: {  	_ =	shalt  }
0x4d: {  	_ =	shalt  }
0x4e: {  	_ =	shalt  }
0x4f: {  	_ =	shalt  }
0x50: {  	_ =	shalt  }
0x51: {  	_ =	shalt  }
0x52: {  	_ =	shalt  }
0x53: {  	_ =	shalt  }
0x54: {  	_ =	shalt  }
0x55: {  	_ =	shalt  }
0x56: {  	_ =	shalt  }
0x57: {  	_ =	shalt  }
0x58: {  	_ =	shalt  }
0x59: {  	_ =	shalt  }
0x5a: {  	_ =	shalt  }
0x5b: {  	_ =	shalt  }
0x5c: {  	_ =	shalt  }
0x5d: {  	_ =	shalt  }
0x5e: {  	_ =	shalt  }
0x5f: {  	_ =	shalt  }
0x60: {  	_ =	shalt  }
0x61: {  	_ =	shalt  }
0x62: {  	_ =	shalt  }
0x63: {  	_ =	shalt  }
0x64: {  	_ =	shalt  }
0x65: {  	_ =	shalt  }
0x66: {  	_ =	shalt  }
0x67: {  	_ =	shalt  }
0x68: {  	_ =	shalt  }
0x69: {  	_ =	shalt  }
0x6a: {  	_ =	shalt  }
0x6b: {  	_ =	shalt  }
0x6c: {  	_ =	shalt  }
0x6d: {  	_ =	shalt  }
0x6e: {  	_ =	shalt  }
0x6f: {  	_ =	shalt  }
0x70: {  	_ =	shalt  }
0x71: {  	_ =	shalt  }
0x72: {  	_ =	shalt  }
0x73: {  	_ =	shalt  }
0x74: {  	_ =	shalt  }
0x75: {  	_ =	shalt  }
0x76: {  	_ =	shalt  }
0x77: {  	_ =	shalt  }
0x78: {  	_ =	shalt  }
0x79: {  	_ =	shalt  }
0x7a: {  	_ =	shalt  }
0x7b: {  	_ =	shalt  }
0x7c: {  	_ =	shalt  }
0x7d: {  	_ =	shalt  }
0x7e: {  	_ =	shalt  }
0x7f: {  	_ =	shalt  }
0x80: {  	_ =	shalt  }
0x81: {  	_ =	shalt  }
0x82: {  	_ =	shalt  }
0x83: {  	_ =	shalt  }
0x84: {  	_ =	shalt  }
0x85: {  	_ =	shalt  }
0x86: {  	_ =	shalt  }
0x87: {  	_ =	shalt  }
.Lfunc_end0:
.L_simem_size_0:
called_computation_lowered:
.L_overlay_start_0:
0x88: {  	s2 =	sld [smem:$0x3FD9]  }
0x89: {  	s3 =	sld [smem:$0x3FFE];
	_ =	sdelay $0x1  }
0x8a: {  	s1 =	srdreg.scid  }
0x8b: {  	s0 =	sand.u32 $0x1, s1  }
0x8c: {  	s17 =	sshll.u32 s0, $0xA;
	s2 =	sadd.s32 s3, s2  }
0x8d: {  	s2 =	sadd.s32 s2, s17  }
0x8e: {  	[smem:$0x3FC2] =	sst s2  }
0x8f: {  	_ = 	snop  }
0x90: {  	s2 =	sld [smem:$0x3FD0];
	(tm) =	ssettm $0x1  }
0x91: {  	s18 =	sld [smem:$0x3FFB];
	_ =	sdelay $0x3  }
0x92: {  	_ =	strace s18  }
0x93: {  	s3 =	sld [smem:$0x3FFC];
	_ =	sdelay $0x3  }
0x94: {  	_ =	strace s3  }
0x95: {  	s3 =	sld [smem:$0x3FFD];
	_ =	sdelay $0x3  }
0x96: {  	_ =	strace s3  }
0x97: {  	_ =	strace $0x8FFFFFFF  }
0x98: {  	s19 =	sld [smem:$0x3FDB];
	_ =	sdelay $0x1  }
0x99: {  	s4 =	simm.s32 $_scs_section_size  }
0x9a: {  	s5 =	simm.s32 $_size__tile_overlayer_lowered;
	s6 =	simm.s32 $_tile_overlayer_lowered  }
0x9b: {  	s22 =	simm.s32 $0x1BFF;
	s21 =	sshll.u32 s6, $0x1;
	s3 =	sadd.s32 s4, s19  }
0x9c: {  	s7 =	simm.s32 $0x0;
	s20 =	sshll.u32 s5, $0x1;
	s5 =	sadd.s32 s21, s3  }
0x9d: {  	[timem:s7], [sflag:s22] =	dma.local [hbm:s5], s20  }
0x9e: {  	_ =	swait.ge [sflag:s22], s20  }
0x9f: {  	s4 =	ssub.s32 $0x0, s20;
	[sflag:s22] =	ssyncset.done $0x0  }
0xa0: {  	[sflag:s22] =	ssyncadd.s32 s4;
	_ =	sdelay $0x1  }
0xa1: {  	s23 =	simm.s32 $0x1B8B  }
0xa2: {  	_ =	swait.ge [sflag:s23], $0x1  }
0xa3: {  	[sflag:s23] =	ssyncset.done $0x0  }
0xa4: {  	s25 =	simm.s32 $0x1B8E;
	s24 =	sld [smem:$0x3FFE];
	[sflag:s23] =	ssyncadd.s32 $0xFFFFFFFF  }
0xa5: {  	s26 =	simm.s32 $execute0_lowered;
	[smem:$0x3FD2] =	sst s25  }
0xa6: {  	s5 =	sshll.u32 s26, $0x1;
	_ =	strace $0x80000046;
	[dreg:$0x1] =	wrdreg $0xFFFFFFFF  }
0xa7: {  	s28 =	simm.s32 $_size_execute0_lowered;
	s3 =	sadd.s32 s3, s5;
	[dreg:$0x0] =	wrdreg $0x0  }
0xa8: {  	s5 =	sshll.u32 s28, $0x1;
	[dreg:$0x2] =	wrdreg s3  }
0xa9: {  	[dreg:$0x3] =	wrdreg s5  }
0xaa: {  	[dreg:$0x4] =	wrdreg $0xC0  }
0xab: {  	_ =	task [dreg:s7], $0x5FFFF  }
0xac: {  	[dreg:$0x1] =	wrdreg $0xFFFFFFFF  }
0xad: {  	[dreg:$0x0] =	wrdreg $0x60  }
0xae: {  	[dreg:$0x2] =	wrdreg s2  }
0xaf: {  	[dreg:$0x3] =	wrdreg s24  }
0xb0: {  	[dreg:$0x4] =	wrdreg $0x58000  }
0xb1: {  	[dreg:$0x5] =	wrdreg $0x9  }
0xb2: {  	_ =	task.clear_ibuf [dreg:s7], $0x6FFFF;
	_ =	strace $0x90000046  }
0xb3: {  	s29 =	simm.s32 $0x9;
	_ =	strace $0x80000048  }
0xb4: {  	_ =	swait.ge [sflag:s29], $0x1  }
0xb5: {  	[sflag:s29] =	ssyncadd.s32 $0xFFFFFFFF  }
0xb6: {  	_ =	strace $0x90000048  }
0xb7: {  	_ =	sfence  }
0xb8: {  	s30 =	sld [smem:$0x0];
	_ =	sdelay $0x2  }
0xb9: {  	s31 =	sshll.u32 s1, $0xD;
	s1 =	sshrl.u32 s1, $0x2  }
0xba: {  	s3 =	sand.u32 $0x4000, s31;
	s1 =	sadd.s32 s1, s30  }
0xbb: {  	s0 =	sor.u32 s3, s0;
	s1 =	sshll.u32 s1, $0x11  }
0xbc: {  	s0 =	sor.u32 s1, s0  }
0xbd: {  	s0 =	sadd.s32 $0x8F2B, s0  }
0xbe: {  	[sflag:s0] =	ssyncadd.remote.s32 $0x1  }
0xbf: {  	_ =	sfence.sel $0xFFFF  }
0xc0: {  	[dreg:$0x0] =	wrdreg $0xFFFFFFFF;
	(pc) =	sbr.abs _section_cstart, $3  }
0xc1: {  	[dreg:$0x1] =	wrdreg $0xFFFFFFFF  }
0xc2: {  	_ =	task.clear_ibuf [dreg:s7], $0x2FFFF;
	_ =	strace $0x9FFFFFFF  }
0xc3: {  	(tm) =	ssettm $0x7FFFFFFF  }
tec
execute0_lowered:
.L_overlay_start_1:
0x0: {  	(tag) =	ssettag $0x1  }
0x1: {  	s3 =	rddreg [dreg:$0x0]  }
0x2: {  	s4 =	rddreg [dreg:$0x1]  }
0x3: {  	s5 =	rddreg [dreg:$0x2]  }
0x4: {  	s0 =	rddreg [dreg:$0x3];
	s2 =	simm.s32 $0x0;
	s1 =	srdreg.scid  }
0x5: {  	[smem:$0x7FF] =	sst s2;
	s6 =	sand.u32 $0x1, s1  }
0x6: {  	s12 =	simm.s32 $0x0;
	s1 =	stileid.u32;
	s7 =	smul.u32 $0x2800, s6  }
0x7: {  	_ =	strace $0x80000047;
	s8 =	sshll.u32 s1, $0xA;
	s9 =	sshll.u32 s6, $0x4  }
0x8: {  	s10 =	smul.u32 $0xA000, s1;
	s6 =	ssub.s32 $0x2, s6;
	s9 =	sor.u32 s1, s9  }
0x9: {  	p0 =	sgt.u32 s1, $0x9;
	s7 =	sadd.s32 s8, s7;
	s9 =	smul.u32 $0x500, s9  }
.Ltmp0:
0xa: {  	s31 =	sshrl.u32 s6, $0x1;
	s7 =	sshrl.u32 s7, $0x3;
	(pc) =	sbr.rel .LBB2_1-.Ltmp0, $4  }
0xb: {  	s10 =	sshrl.u32 s10, $0x2;
	s11 =	ssub.s32 s6, s31;
	s7 =	sadd.s32 s7, s4  }
0xc: {  	s3 =	sadd.s32 s3, s9;
	s4 =	sadd.s32 s10, s5;
	s5 =	sadd.s32 s8, s5  }
0xd: {  	s8 =	simm.s32 $0x1;
	s9 =	simm.s32 $0x2800;
	s10 =	simm.s32 $0x5000  }
0xe: {  	v0 =	vimm.f32 $0.0e+00;
	v1 =	vimm.f32 $1.000000000e+00;
	s6 =	sadd.s32 $0xCE00, s7;
	s7 =	smax.u32 s11, $0x1;
	s11 =	simm.s32 $0x5400  }
.LBB2_8:
0xf: {  	[tilespmem:$0x57F0] =	vst v2  }
0x10: {  	[hbm4b:s6+s2] =	stream.linear.scatter [tilespmem:s11], [sflag:$0x1], $0x400, $0x38;
	[tilespmem:$0x8000] =	vst v63  }
0x11: {  	_ =	swait.ge [sflag:s8], $0x400  }
0x12: {  	[sflag:s8] =	ssyncset.done $0x0  }
0x13: {  	[sflag:s8] =	ssyncadd.s32 $0xFFFFFC00  }
.LBB2_9:
0x14: {  	s12 =	sadd.s32 $0x1, s12  }
0x15: {  	p1 =	sne.s32 s12, s7  }
.Ltmp1:
0x16: {  	_ = 	snop;
	(pc) =	sbr.rel @!p1 .LBB2_10-.Ltmp1, $1  }
0x17: {  	_ =	sdelay $0x3  }
.LBB2_1:
0x18: {  	[tilespmem:s2], [sflag:$0x1] =	stream.linear.gather [hbm4b:s3+s2], $0x2800, $0x38;
	[tilespmem:$0x8000] =	vst v63  }
0x19: {  	_ =	swait.ge [sflag:s8], $0x2800  }
0x1a: {  	[sflag:s8] =	ssyncset.done $0x0  }
0x1b: {  	s13 =	simm.s32 $0x0;
	s14 =	simm.s32 $0x200;
	[sflag:s8] =	ssyncadd.s32 $0xFFFFD800  }
.LBB2_2:
0x1c: {  	p1 =	sne.s32 s14, $0x9E00;
	[tilespmem:s13+$0x2870] =	vst v0  }
0x1d: {  	[tilespmem:s13+$0x2800] =	vst v0  }
0x1e: {  	[tilespmem:s13+$0x2810] =	vst v0  }
.Ltmp2:
0x1f: {  	[tilespmem:s13+$0x2820] =	vst v0;
	(pc) =	sbr.rel @p1 .LBB2_2-.Ltmp2, $4  }
0x20: {  	[tilespmem:s13+$0x2830] =	vst v0  }
0x21: {  	[tilespmem:s13+$0x2840] =	vst v0  }
0x22: {  	[tilespmem:s13+$0x2850] =	vst v0  }
0x23: {  	[tilespmem:s13+$0x2860] =	vst v0;
	s13 =	sshra.s32 s14, $0x2;
	s14 =	sadd.s32 $0x200, s14  }
0x24: {  	[tilespmem:s13+$0x2870] =	vst v0  }
0x25: {  	[tilespmem:s13+$0x2800] =	vst v0  }
0x26: {  	[tilespmem:s13+$0x2810] =	vst v0  }
0x27: {  	[tilespmem:s13+$0x2820] =	vst v0  }
0x28: {  	[tilespmem:s13+$0x2830] =	vst v0  }
0x29: {  	[tilespmem:s13+$0x2840] =	vst v0  }
0x2a: {  	[tilespmem:s13+$0x2850] =	vst v0  }
0x2b: {  	[tilespmem:s13+$0x2860] =	vst v0;
	s14 =	simm.s32 $0x0;
	s13 =	simm.s32 $0x40  }
.LBB2_4:
0x2c: {  	p1 =	sne.s32 s13, $0x9FC0;
	v2 =	vld [tilespmem:s14+$0x0];
	_ =	sdelay $0x3  }
.Ltmp3:
0x2d: {  	(pc) =	sbr.rel @p1 .LBB2_4-.Ltmp3, $2  }
0x2e: {  	_ =	sdelay $0x2  }
0x2f: {  	s14 =	sshra.s32 s13, $0x2;
	s13 =	sadd.s32 $0x40, s13;
	[tilespmem:v2+s9+$0x0] =	vst.idx.add.f32.msk $0xffff, v1  }
0x30: {  	v2 =	vld [tilespmem:s14+$0x0];
	_ =	sdelay $0x7  }
0x31: {  	[tilespmem:v2+s9+$0x0] =	vst.idx.add.f32.msk $0xffff, v1  }
0x32: {  	[spmem:s4] =	stream.linear.scatter [tilespmem:s9], [sflag:$0x1], $0x2800, $0x38;
	[tilespmem:$0x8000] =	vst v63  }
.Ltmp4:
0x33: {  	_ =	swait.ge [sflag:s8], $0x2800;
	(pc) =	sbr.rel @p0 .LBB2_9-.Ltmp4, $3  }
0x34: {  	[sflag:s8] =	ssyncset.done $0x0  }
0x35: {  	[sflag:s8] =	ssyncadd.s32 $0xFFFFD800  }
0x36: {  	[bflag:$0x0] =	sbarrier.arrive $0xFFFF;
	_ =	sdelay $0x1  }
0x37: {  	[tilespmem:$0x5400] =	vst v0  }
0x38: {  	[tilespmem:$0x5410] =	vst v0  }
0x39: {  	[tilespmem:$0x5420] =	vst v0  }
0x3a: {  	[tilespmem:$0x5430] =	vst v0  }
0x3b: {  	[tilespmem:$0x5440] =	vst v0  }
0x3c: {  	[tilespmem:$0x5450] =	vst v0  }
0x3d: {  	[tilespmem:$0x5460] =	vst v0  }
0x3e: {  	[tilespmem:$0x5470] =	vst v0  }
0x3f: {  	[tilespmem:$0x5480] =	vst v0  }
0x40: {  	[tilespmem:$0x5490] =	vst v0  }
0x41: {  	[tilespmem:$0x54A0] =	vst v0  }
0x42: {  	[tilespmem:$0x54B0] =	vst v0  }
0x43: {  	[tilespmem:$0x54C0] =	vst v0  }
0x44: {  	[tilespmem:$0x54D0] =	vst v0  }
0x45: {  	[tilespmem:$0x54E0] =	vst v0  }
0x46: {  	[tilespmem:$0x54F0] =	vst v0  }
0x47: {  	[tilespmem:$0x5500] =	vst v0  }
0x48: {  	[tilespmem:$0x5510] =	vst v0  }
0x49: {  	[tilespmem:$0x5520] =	vst v0  }
0x4a: {  	[tilespmem:$0x5530] =	vst v0  }
0x4b: {  	[tilespmem:$0x5540] =	vst v0  }
0x4c: {  	[tilespmem:$0x5550] =	vst v0  }
0x4d: {  	[tilespmem:$0x5560] =	vst v0  }
0x4e: {  	[tilespmem:$0x5570] =	vst v0  }
0x4f: {  	[tilespmem:$0x5580] =	vst v0  }
0x50: {  	[tilespmem:$0x5590] =	vst v0  }
0x51: {  	[tilespmem:$0x55A0] =	vst v0  }
0x52: {  	[tilespmem:$0x55B0] =	vst v0  }
0x53: {  	[tilespmem:$0x55C0] =	vst v0  }
0x54: {  	[tilespmem:$0x55D0] =	vst v0  }
0x55: {  	[tilespmem:$0x55E0] =	vst v0  }
0x56: {  	[tilespmem:$0x55F0] =	vst v0  }
0x57: {  	[tilespmem:$0x5600] =	vst v0  }
0x58: {  	[tilespmem:$0x5610] =	vst v0  }
0x59: {  	[tilespmem:$0x5620] =	vst v0  }
0x5a: {  	[tilespmem:$0x5630] =	vst v0  }
0x5b: {  	[tilespmem:$0x5640] =	vst v0  }
0x5c: {  	[tilespmem:$0x5650] =	vst v0  }
0x5d: {  	[tilespmem:$0x5660] =	vst v0  }
0x5e: {  	[tilespmem:$0x5670] =	vst v0  }
0x5f: {  	[tilespmem:$0x5680] =	vst v0  }
0x60: {  	[tilespmem:$0x5690] =	vst v0  }
0x61: {  	[tilespmem:$0x56A0] =	vst v0  }
0x62: {  	[tilespmem:$0x56B0] =	vst v0  }
0x63: {  	[tilespmem:$0x56C0] =	vst v0  }
0x64: {  	[tilespmem:$0x56D0] =	vst v0  }
0x65: {  	[tilespmem:$0x56E0] =	vst v0  }
0x66: {  	[tilespmem:$0x56F0] =	vst v0  }
0x67: {  	[tilespmem:$0x5700] =	vst v0  }
0x68: {  	[tilespmem:$0x5710] =	vst v0  }
0x69: {  	[tilespmem:$0x5720] =	vst v0  }
0x6a: {  	[tilespmem:$0x5730] =	vst v0  }
0x6b: {  	[tilespmem:$0x5740] =	vst v0  }
0x6c: {  	[tilespmem:$0x5750] =	vst v0  }
0x6d: {  	[tilespmem:$0x5760] =	vst v0  }
0x6e: {  	[tilespmem:$0x5770] =	vst v0  }
0x6f: {  	[tilespmem:$0x5780] =	vst v0  }
0x70: {  	[tilespmem:$0x5790] =	vst v0  }
0x71: {  	[tilespmem:$0x57A0] =	vst v0  }
0x72: {  	[tilespmem:$0x57B0] =	vst v0  }
0x73: {  	[tilespmem:$0x57C0] =	vst v0  }
0x74: {  	[tilespmem:$0x57D0] =	vst v0  }
0x75: {  	[tilespmem:$0x57E0] =	vst v0  }
0x76: {  	[tilespmem:$0x57F0] =	vst v0;
	s13 =	sadd.s32 $0x0, s5  }
0x77: {  	[tilespmem:s10], [sflag:$0x1] =	stream.linear.gather [spmem:s13], $0x400, $0x38;
	[tilespmem:$0x8000] =	vst v63  }
0x78: {  	_ =	swait.ge [sflag:s8], $0x400  }
0x79: {  	[sflag:s8] =	ssyncset.done $0x0  }
0x7a: {  	[sflag:s8] =	ssyncadd.s32 $0xFFFFFC00  }
0x7b: {  	v2 =	vld [tilespmem:$0x52B0]  }
0x7c: {  	v4 =	vld [tilespmem:$0x5410]  }
0x7d: {  	v5 =	vld [tilespmem:$0x5010]  }
0x7e: {  	v6 =	vld [tilespmem:$0x5420]  }
0x7f: {  	v7 =	vld [tilespmem:$0x5020]  }
0x80: {  	v8 =	vld [tilespmem:$0x5430]  }
0x81: {  	v9 =	vld [tilespmem:$0x5030]  }
0x82: {  	v10 =	vld [tilespmem:$0x5440]  }
0x83: {  	v11 =	vld [tilespmem:$0x5040]  }
0x84: {  	v12 =	vld [tilespmem:$0x5450]  }
0x85: {  	v13 =	vld [tilespmem:$0x5050]  }
0x86: {  	v14 =	vld [tilespmem:$0x5460]  }
0x87: {  	v15 =	vld [tilespmem:$0x5060]  }
0x88: {  	v16 =	vld [tilespmem:$0x5470]  }
0x89: {  	v17 =	vld [tilespmem:$0x5070]  }
0x8a: {  	v18 =	vld [tilespmem:$0x5480]  }
0x8b: {  	v19 =	vld [tilespmem:$0x5080]  }
0x8c: {  	v20 =	vld [tilespmem:$0x5490]  }
0x8d: {  	v21 =	vld [tilespmem:$0x5090]  }
0x8e: {  	v22 =	vld [tilespmem:$0x54A0]  }
0x8f: {  	v23 =	vld [tilespmem:$0x50A0]  }
0x90: {  	v24 =	vld [tilespmem:$0x54B0]  }
0x91: {  	v25 =	vld [tilespmem:$0x50B0]  }
0x92: {  	v26 =	vld [tilespmem:$0x54C0]  }
0x93: {  	v27 =	vld [tilespmem:$0x50C0]  }
0x94: {  	v28 =	vld [tilespmem:$0x54D0]  }
0x95: {  	v29 =	vld [tilespmem:$0x50D0]  }
0x96: {  	v30 =	vld [tilespmem:$0x54E0]  }
0x97: {  	v31 =	vld [tilespmem:$0x50E0]  }
0x98: {  	v32 =	vld [tilespmem:$0x54F0]  }
0x99: {  	v33 =	vld [tilespmem:$0x50F0]  }
0x9a: {  	v34 =	vld [tilespmem:$0x5500]  }
0x9b: {  	v35 =	vld [tilespmem:$0x5100]  }
0x9c: {  	v36 =	vld [tilespmem:$0x5510]  }
0x9d: {  	v37 =	vld [tilespmem:$0x5110]  }
0x9e: {  	v38 =	vld [tilespmem:$0x5520]  }
0x9f: {  	v39 =	vld [tilespmem:$0x5120]  }
0xa0: {  	v40 =	vld [tilespmem:$0x5530]  }
0xa1: {  	v41 =	vld [tilespmem:$0x5130]  }
0xa2: {  	v42 =	vld [tilespmem:$0x5540]  }
0xa3: {  	v43 =	vld [tilespmem:$0x5140]  }
0xa4: {  	v44 =	vld [tilespmem:$0x5550]  }
0xa5: {  	v45 =	vld [tilespmem:$0x5150]  }
0xa6: {  	v46 =	vld [tilespmem:$0x5560]  }
0xa7: {  	v47 =	vld [tilespmem:$0x5160]  }
0xa8: {  	v48 =	vld [tilespmem:$0x5570]  }
0xa9: {  	v49 =	vld [tilespmem:$0x5170]  }
0xaa: {  	v50 =	vld [tilespmem:$0x5580]  }
0xab: {  	v51 =	vld [tilespmem:$0x5180]  }
0xac: {  	v52 =	vld [tilespmem:$0x5590]  }
0xad: {  	v53 =	vld [tilespmem:$0x5190]  }
0xae: {  	v54 =	vld [tilespmem:$0x55A0]  }
0xaf: {  	v55 =	vld [tilespmem:$0x51A0]  }
0xb0: {  	v56 =	vld [tilespmem:$0x55B0]  }
0xb1: {  	v57 =	vld [tilespmem:$0x51B0]  }
0xb2: {  	v58 =	vld [tilespmem:$0x55C0]  }
0xb3: {  	v59 =	vld [tilespmem:$0x51C0]  }
0xb4: {  	v60 =	vld [tilespmem:$0x55D0]  }
0xb5: {  	v3 =	vld [tilespmem:$0x5600]  }
0xb6: {  	v61 =	vld [tilespmem:$0x51D0]  }
0xb7: {  	v62 =	vld [tilespmem:$0x55E0]  }
0xb8: {  	v63 =	vld [tilespmem:$0x51E0]  }
0xb9: {  	[tilespmem:$0x1FFE0] =	vst v2;
	v2 =	vld [tilespmem:$0x5000]  }
0xba: {  	[tilespmem:$0x1FFA0] =	vst v3;
	v3 =	vld [tilespmem:$0x5200]  }
0xbb: {  	v4 =	vadd.f32 v5, v4;
	v5 =	vld [tilespmem:$0x5620]  }
0xbc: {  	v6 =	vadd.f32 v7, v6;
	v7 =	vld [tilespmem:$0x5220]  }
0xbd: {  	v13 =	vadd.f32 v13, v12;
	v12 =	vld [tilespmem:$0x5650]  }
0xbe: {  	v17 =	vadd.f32 v17, v16;
	v16 =	vld [tilespmem:$0x5670]  }
0xbf: {  	v19 =	vadd.f32 v19, v18;
	v18 =	vld [tilespmem:$0x5680]  }
0xc0: {  	v21 =	vadd.f32 v21, v20;
	v20 =	vld [tilespmem:$0x5690]  }
0xc1: {  	v23 =	vadd.f32 v23, v22;
	v22 =	vld [tilespmem:$0x56A0]  }
0xc2: {  	v25 =	vadd.f32 v25, v24;
	v24 =	vld [tilespmem:$0x56B0]  }
0xc3: {  	v27 =	vadd.f32 v27, v26;
	v26 =	vld [tilespmem:$0x56C0]  }
0xc4: {  	v29 =	vadd.f32 v29, v28;
	v28 =	vld [tilespmem:$0x56D0];
	[tilespmem:$0x5410] =	vst v4  }
0xc5: {  	v31 =	vadd.f32 v31, v30;
	v33 =	vadd.f32 v33, v32;
	v30 =	vld [tilespmem:$0x56E0];
	[tilespmem:$0x5420] =	vst v6  }
0xc6: {  	v35 =	vadd.f32 v35, v34;
	v38 =	vadd.f32 v39, v38;
	v32 =	vld [tilespmem:$0x56F0];
	[tilespmem:$0x5450] =	vst v13  }
0xc7: {  	v39 =	vadd.f32 v41, v40;
	v40 =	vadd.f32 v43, v42;
	v34 =	vld [tilespmem:$0x5700];
	[tilespmem:$0x5470] =	vst v17  }
0xc8: {  	v41 =	vadd.f32 v45, v44;
	v45 =	vadd.f32 v53, v52;
	v53 =	vld [tilespmem:$0x5310];
	[tilespmem:$0x5480] =	vst v19  }
0xc9: {  	v42 =	vadd.f32 v47, v46;
	v46 =	vadd.f32 v55, v54;
	v55 =	vld [tilespmem:$0x5720];
	[tilespmem:$0x5490] =	vst v21  }
0xca: {  	v47 =	vadd.f32 v57, v56;
	v57 =	vld [tilespmem:$0x5320];
	[tilespmem:$0x54A0] =	vst v23  }
0xcb: {  	[tilespmem:$0x1FFB0] =	vst v3;
	v3 =	vld [tilespmem:$0x5610]  }
0xcc: {  	v43 =	vadd.f32 v49, v48;
	v48 =	vadd.f32 v59, v58;
	v58 =	vld [tilespmem:$0x5730];
	[tilespmem:$0x54B0] =	vst v25  }
0xcd: {  	v49 =	vadd.f32 v61, v60;
	v60 =	vld [tilespmem:$0x5330];
	[tilespmem:$0x54C0] =	vst v27  }
0xce: {  	v61 =	vld [tilespmem:$0x5740];
	[tilespmem:$0x54D0] =	vst v29  }
0xcf: {  	[tilespmem:$0x1FFF0] =	vst v2;
	v2 =	vld [tilespmem:$0x55F0]  }
0xd0: {  	[tilespmem:$0x1FFC0] =	vst v3;
	v3 =	vld [tilespmem:$0x5210]  }
0xd1: {  	v44 =	vadd.f32 v51, v50;
	v50 =	vadd.f32 v63, v62;
	v63 =	vld [tilespmem:$0x5340];
	[tilespmem:$0x54E0] =	vst v31  }
0xd2: {  	v51 =	vld [tilespmem:$0x1FFA0];
	[tilespmem:$0x54F0] =	vst v33  }
0xd3: {  	v4 =	vadd.f32 v9, v8;
	v8 =	vld [tilespmem:$0x5630];
	[tilespmem:$0x5500] =	vst v35  }
0xd4: {  	v37 =	vadd.f32 v37, v36;
	[tilespmem:$0x1FF90] =	vst v2;
	v2 =	vld [tilespmem:$0x51F0]  }
0xd5: {  	[tilespmem:$0x1FFD0] =	vst v3;
	v3 =	vld [tilespmem:$0x1FF90]  }
0xd6: {  	v9 =	vld [tilespmem:$0x5230];
	[tilespmem:$0x5510] =	vst v37  }
0xd7: {  	v6 =	vadd.f32 v11, v10;
	v10 =	vld [tilespmem:$0x5640];
	[tilespmem:$0x5520] =	vst v38  }
0xd8: {  	v11 =	vld [tilespmem:$0x5240];
	[tilespmem:$0x5530] =	vst v39  }
0xd9: {  	v13 =	vld [tilespmem:$0x5250];
	[tilespmem:$0x5540] =	vst v40  }
0xda: {  	v17 =	vld [tilespmem:$0x5270];
	[tilespmem:$0x5550] =	vst v41;
	v2 =	vadd.f32 v2, v3  }
0xdb: {  	[tilespmem:$0x5560] =	vst v42;
	v54 =	vld [tilespmem:$0x1FFD0]  }
0xdc: {  	[tilespmem:$0x55F0] =	vst v2;
	v2 =	vld [tilespmem:$0x1FFC0]  }
0xdd: {  	v19 =	vld [tilespmem:$0x5280];
	[tilespmem:$0x5570] =	vst v43  }
0xde: {  	v21 =	vld [tilespmem:$0x5290];
	[tilespmem:$0x5580] =	vst v44  }
0xdf: {  	v23 =	vld [tilespmem:$0x52A0];
	[tilespmem:$0x5590] =	vst v45  }
0xe0: {  	v25 =	vld [tilespmem:$0x5400];
	[tilespmem:$0x55A0] =	vst v46  }
0xe1: {  	v27 =	vld [tilespmem:$0x52C0];
	[tilespmem:$0x55B0] =	vst v47;
	v2 =	vadd.f32 v54, v2  }
0xe2: {  	v29 =	vld [tilespmem:$0x52D0];
	[tilespmem:$0x55C0] =	vst v48  }
0xe3: {  	v31 =	vld [tilespmem:$0x52E0];
	[tilespmem:$0x5610] =	vst v2;
	v2 =	vadd.f32 v9, v8  }
0xe4: {  	v33 =	vld [tilespmem:$0x52F0];
	[tilespmem:$0x55D0] =	vst v49  }
0xe5: {  	v35 =	vld [tilespmem:$0x5300];
	[tilespmem:$0x5630] =	vst v2;
	v2 =	vadd.f32 v13, v12  }
0xe6: {  	[tilespmem:$0x55E0] =	vst v50;
	v37 =	vld [tilespmem:$0x5750]  }
0xe7: {  	v39 =	vld [tilespmem:$0x5350];
	[tilespmem:$0x5650] =	vst v2;
	v2 =	vadd.f32 v17, v16  }
0xe8: {  	v40 =	vld [tilespmem:$0x5760];
	[tilespmem:$0x5430] =	vst v4  }
0xe9: {  	v42 =	vld [tilespmem:$0x5360];
	[tilespmem:$0x5670] =	vst v2;
	v2 =	vadd.f32 v21, v20  }
0xea: {  	v43 =	vld [tilespmem:$0x5770];
	[tilespmem:$0x5440] =	vst v6;
	v6 =	vadd.f32 v15, v14  }
0xeb: {  	v56 =	vadd.f32 v7, v5;
	[tilespmem:$0x5690] =	vst v2;
	v2 =	vld [tilespmem:$0x1FFE0]  }
0xec: {  	v45 =	vld [tilespmem:$0x5370];
	[tilespmem:$0x5460] =	vst v6;
	v59 =	vadd.f32 v11, v10  }
0xed: {  	v14 =	vld [tilespmem:$0x5660];
	[tilespmem:$0x5620] =	vst v56;
	v38 =	vadd.f32 v19, v18  }
0xee: {  	v15 =	vld [tilespmem:$0x5260];
	v41 =	vadd.f32 v23, v22;
	[tilespmem:$0x5640] =	vst v59  }
0xef: {  	v46 =	vld [tilespmem:$0x5780];
	v47 =	vadd.f32 v29, v28;
	[tilespmem:$0x5680] =	vst v38  }
0xf0: {  	v52 =	vld [tilespmem:$0x1FFB0];
	[tilespmem:$0x56A0] =	vst v41;
	v2 =	vadd.f32 v2, v24  }
0xf1: {  	v48 =	vld [tilespmem:$0x5380];
	v50 =	vadd.f32 v33, v32;
	[tilespmem:$0x56D0] =	vst v47  }
0xf2: {  	v3 =	vld [tilespmem:$0x5710];
	[tilespmem:$0x56B0] =	vst v2;
	v2 =	vadd.f32 v27, v26  }
0xf3: {  	v49 =	vld [tilespmem:$0x5790];
	v62 =	vadd.f32 v15, v14;
	[tilespmem:$0x56F0] =	vst v50  }
0xf4: {  	v44 =	vld [tilespmem:$0x1FFF0];
	[tilespmem:$0x56C0] =	vst v2;
	v2 =	vadd.f32 v31, v30  }
0xf5: {  	v56 =	vld [tilespmem:$0x57C0];
	v4 =	vadd.f32 v52, v51;
	[tilespmem:$0x5660] =	vst v62  }
0xf6: {  	v59 =	vld [tilespmem:$0x53D0];
	[tilespmem:$0x56E0] =	vst v2;
	v2 =	vadd.f32 v35, v34  }
0xf7: {  	v51 =	vld [tilespmem:$0x5390];
	[tilespmem:$0x5600] =	vst v4;
	v3 =	vadd.f32 v53, v3  }
0xf8: {  	v52 =	vld [tilespmem:$0x57A0];
	[tilespmem:$0x5700] =	vst v2;
	v2 =	vadd.f32 v57, v55  }
0xf9: {  	v62 =	vld [tilespmem:$0x57F0];
	[tilespmem:$0x5710] =	vst v3;
	v3 =	vadd.f32 v60, v58  }
0xfa: {  	v53 =	vld [tilespmem:$0x53A0];
	[tilespmem:$0x5720] =	vst v2;
	v2 =	vadd.f32 v63, v61  }
0xfb: {  	v54 =	vld [tilespmem:$0x57B0];
	[tilespmem:$0x5730] =	vst v3;
	v3 =	vadd.f32 v39, v37  }
0xfc: {  	v60 =	vld [tilespmem:$0x57E0];
	[tilespmem:$0x5740] =	vst v2;
	v2 =	vadd.f32 v42, v40  }
0xfd: {  	[tilespmem:$0x5750] =	vst v3;
	v3 =	vadd.f32 v45, v43;
	v57 =	vld [tilespmem:$0x53C0]  }
0xfe: {  	v55 =	vld [tilespmem:$0x53B0];
	[tilespmem:$0x5760] =	vst v2;
	v2 =	vadd.f32 v48, v46  }
0xff: {  	v16 =	vadd.f32 v44, v25;
	[tilespmem:$0x5770] =	vst v3;
	v61 =	vld [tilespmem:$0x53E0]  }
0x100: {  	v58 =	vld [tilespmem:$0x57D0];
	[tilespmem:$0x5780] =	vst v2;
	v2 =	vadd.f32 v53, v52  }
0x101: {  	v3 =	vadd.f32 v51, v49;
	[tilespmem:$0x5400] =	vst v16;
	v63 =	vld [tilespmem:$0x53F0]  }
0x102: {  	[tilespmem:$0x57A0] =	vst v2;
	v2 =	vadd.f32 v57, v56  }
0x103: {  	[tilespmem:$0x5790] =	vst v3;
	v3 =	vadd.f32 v55, v54  }
0x104: {  	[tilespmem:$0x57C0] =	vst v2;
	v2 =	vadd.f32 v61, v60  }
0x105: {  	[tilespmem:$0x57B0] =	vst v3;
	v3 =	vadd.f32 v59, v58  }
0x106: {  	[tilespmem:$0x57E0] =	vst v2;
	v2 =	vadd.f32 v63, v62  }
0x107: {  	s13 =	simm.s32 $0xA000;
	[tilespmem:$0x57D0] =	vst v3  }
.LBB2_7:
0x108: {  	s14 =	sshra.s32 s13, $0x2;
	p1 =	sne.s32 s13, $0x96000;
	s13 =	sadd.s32 $0xA000, s13;
	[tilespmem:$0x57F0] =	vst v2  }
0x109: {  	s14 =	sadd.s32 s14, s5  }
0x10a: {  	[tilespmem:s10], [sflag:$0x1] =	stream.linear.gather [spmem:s14], $0x400, $0x38;
	[tilespmem:$0x8000] =	vst v63  }
0x10b: {  	_ =	swait.ge [sflag:s8], $0x400  }
0x10c: {  	[sflag:s8] =	ssyncset.done $0x0  }
0x10d: {  	[sflag:s8] =	ssyncadd.s32 $0xFFFFFC00  }
0x10e: {  	v3 =	vld [tilespmem:$0x52B0]  }
0x10f: {  	v2 =	vld [tilespmem:$0x5000]  }
0x110: {  	v4 =	vld [tilespmem:$0x5410]  }
0x111: {  	v5 =	vld [tilespmem:$0x5010]  }
0x112: {  	v6 =	vld [tilespmem:$0x5420]  }
0x113: {  	v7 =	vld [tilespmem:$0x5020]  }
0x114: {  	v8 =	vld [tilespmem:$0x5430]  }
0x115: {  	v9 =	vld [tilespmem:$0x5030]  }
0x116: {  	v4 =	vadd.f32 v5, v4;
	v5 =	vld [tilespmem:$0x5440]  }
0x117: {  	v10 =	vld [tilespmem:$0x5040]  }
0x118: {  	[tilespmem:$0x5410] =	vst v4;
	v4 =	vadd.f32 v7, v6;
	v6 =	vld [tilespmem:$0x5450]  }
0x119: {  	v7 =	vld [tilespmem:$0x5050]  }
0x11a: {  	[tilespmem:$0x5420] =	vst v4;
	v4 =	vadd.f32 v9, v8;
	v8 =	vld [tilespmem:$0x5460]  }
0x11b: {  	v9 =	vld [tilespmem:$0x5060]  }
0x11c: {  	[tilespmem:$0x5430] =	vst v4;
	v4 =	vadd.f32 v10, v5;
	v5 =	vld [tilespmem:$0x5470]  }
0x11d: {  	v10 =	vld [tilespmem:$0x5070]  }
0x11e: {  	[tilespmem:$0x5440] =	vst v4;
	v4 =	vadd.f32 v7, v6;
	v6 =	vld [tilespmem:$0x5480]  }
0x11f: {  	v7 =	vld [tilespmem:$0x5080]  }
0x120: {  	[tilespmem:$0x5450] =	vst v4;
	v4 =	vadd.f32 v9, v8;
	v8 =	vld [tilespmem:$0x5490]  }
0x121: {  	v9 =	vld [tilespmem:$0x5090]  }
0x122: {  	[tilespmem:$0x5460] =	vst v4;
	v4 =	vadd.f32 v10, v5;
	v5 =	vld [tilespmem:$0x54A0]  }
0x123: {  	v10 =	vld [tilespmem:$0x50A0]  }
0x124: {  	[tilespmem:$0x5470] =	vst v4;
	v4 =	vadd.f32 v7, v6;
	v6 =	vld [tilespmem:$0x54B0]  }
0x125: {  	v7 =	vld [tilespmem:$0x50B0]  }
0x126: {  	[tilespmem:$0x5480] =	vst v4;
	v4 =	vadd.f32 v9, v8;
	v8 =	vld [tilespmem:$0x54C0]  }
0x127: {  	v9 =	vld [tilespmem:$0x50C0]  }
0x128: {  	[tilespmem:$0x5490] =	vst v4;
	v4 =	vadd.f32 v10, v5;
	v5 =	vld [tilespmem:$0x54D0]  }
0x129: {  	v10 =	vld [tilespmem:$0x50D0]  }
0x12a: {  	[tilespmem:$0x54A0] =	vst v4;
	v4 =	vadd.f32 v7, v6;
	v6 =	vld [tilespmem:$0x54E0]  }
0x12b: {  	v7 =	vld [tilespmem:$0x50E0]  }
0x12c: {  	[tilespmem:$0x54B0] =	vst v4;
	v4 =	vadd.f32 v9, v8;
	v8 =	vld [tilespmem:$0x54F0]  }
0x12d: {  	v9 =	vld [tilespmem:$0x50F0]  }
0x12e: {  	[tilespmem:$0x54C0] =	vst v4;
	v4 =	vadd.f32 v10, v5;
	v5 =	vld [tilespmem:$0x5500]  }
0x12f: {  	v10 =	vld [tilespmem:$0x5100]  }
0x130: {  	[tilespmem:$0x54D0] =	vst v4;
	v4 =	vadd.f32 v7, v6;
	v6 =	vld [tilespmem:$0x5510]  }
0x131: {  	v7 =	vld [tilespmem:$0x5110]  }
0x132: {  	[tilespmem:$0x54E0] =	vst v4;
	v4 =	vadd.f32 v9, v8;
	v8 =	vld [tilespmem:$0x5520]  }
0x133: {  	v9 =	vld [tilespmem:$0x5120]  }
0x134: {  	[tilespmem:$0x54F0] =	vst v4;
	v4 =	vadd.f32 v10, v5;
	v5 =	vld [tilespmem:$0x5530]  }
0x135: {  	v10 =	vld [tilespmem:$0x5130]  }
0x136: {  	[tilespmem:$0x5500] =	vst v4;
	v4 =	vadd.f32 v7, v6;
	v6 =	vld [tilespmem:$0x5540]  }
0x137: {  	v7 =	vld [tilespmem:$0x5140]  }
0x138: {  	[tilespmem:$0x5510] =	vst v4;
	v4 =	vadd.f32 v9, v8;
	v8 =	vld [tilespmem:$0x5550]  }
0x139: {  	v9 =	vld [tilespmem:$0x5150]  }
0x13a: {  	[tilespmem:$0x5520] =	vst v4;
	v4 =	vadd.f32 v10, v5;
	v5 =	vld [tilespmem:$0x5560]  }
0x13b: {  	v10 =	vld [tilespmem:$0x5160]  }
0x13c: {  	[tilespmem:$0x5530] =	vst v4;
	v4 =	vadd.f32 v7, v6;
	v6 =	vld [tilespmem:$0x5570]  }
0x13d: {  	v7 =	vld [tilespmem:$0x5170]  }
0x13e: {  	[tilespmem:$0x5540] =	vst v4;
	v4 =	vadd.f32 v9, v8;
	v8 =	vld [tilespmem:$0x5580]  }
0x13f: {  	v9 =	vld [tilespmem:$0x5180]  }
0x140: {  	[tilespmem:$0x5550] =	vst v4;
	v4 =	vadd.f32 v10, v5;
	v5 =	vld [tilespmem:$0x5590]  }
0x141: {  	v10 =	vld [tilespmem:$0x5190]  }
0x142: {  	[tilespmem:$0x5560] =	vst v4;
	v4 =	vadd.f32 v7, v6;
	v6 =	vld [tilespmem:$0x55A0]  }
0x143: {  	v7 =	vld [tilespmem:$0x51A0]  }
0x144: {  	[tilespmem:$0x5570] =	vst v4;
	v4 =	vadd.f32 v9, v8;
	v8 =	vld [tilespmem:$0x55B0]  }
0x145: {  	v9 =	vld [tilespmem:$0x51B0]  }
0x146: {  	[tilespmem:$0x5580] =	vst v4;
	v4 =	vadd.f32 v10, v5;
	v5 =	vld [tilespmem:$0x55C0]  }
0x147: {  	v10 =	vld [tilespmem:$0x51C0]  }
0x148: {  	[tilespmem:$0x5590] =	vst v4;
	v4 =	vadd.f32 v7, v6;
	v6 =	vld [tilespmem:$0x55D0]  }
0x149: {  	v7 =	vld [tilespmem:$0x51D0]  }
0x14a: {  	[tilespmem:$0x55A0] =	vst v4;
	v4 =	vadd.f32 v9, v8;
	v8 =	vld [tilespmem:$0x55E0]  }
0x14b: {  	v9 =	vld [tilespmem:$0x51E0]  }
0x14c: {  	[tilespmem:$0x55B0] =	vst v4;
	v4 =	vadd.f32 v10, v5;
	v5 =	vld [tilespmem:$0x55F0]  }
0x14d: {  	v10 =	vld [tilespmem:$0x51F0]  }
0x14e: {  	[tilespmem:$0x55C0] =	vst v4;
	v4 =	vadd.f32 v7, v6;
	v6 =	vld [tilespmem:$0x5600]  }
0x14f: {  	v7 =	vld [tilespmem:$0x5200]  }
0x150: {  	[tilespmem:$0x55D0] =	vst v4;
	v4 =	vadd.f32 v9, v8;
	v8 =	vld [tilespmem:$0x5610]  }
0x151: {  	v9 =	vld [tilespmem:$0x5210]  }
0x152: {  	[tilespmem:$0x55E0] =	vst v4;
	v4 =	vadd.f32 v10, v5;
	v5 =	vld [tilespmem:$0x5620]  }
0x153: {  	v10 =	vld [tilespmem:$0x5220]  }
0x154: {  	[tilespmem:$0x55F0] =	vst v4;
	v4 =	vadd.f32 v7, v6;
	v6 =	vld [tilespmem:$0x5630]  }
0x155: {  	v7 =	vld [tilespmem:$0x5230]  }
0x156: {  	[tilespmem:$0x5600] =	vst v4;
	v4 =	vadd.f32 v9, v8;
	v8 =	vld [tilespmem:$0x5640]  }
0x157: {  	v9 =	vld [tilespmem:$0x5240]  }
0x158: {  	[tilespmem:$0x5610] =	vst v4;
	v4 =	vadd.f32 v10, v5;
	v5 =	vld [tilespmem:$0x5650]  }
0x159: {  	v10 =	vld [tilespmem:$0x5250]  }
0x15a: {  	[tilespmem:$0x5620] =	vst v4;
	v4 =	vadd.f32 v7, v6;
	v6 =	vld [tilespmem:$0x5660]  }
0x15b: {  	v7 =	vld [tilespmem:$0x5260]  }
0x15c: {  	[tilespmem:$0x5630] =	vst v4;
	v4 =	vadd.f32 v9, v8;
	v8 =	vld [tilespmem:$0x5670]  }
0x15d: {  	v9 =	vld [tilespmem:$0x5270]  }
0x15e: {  	[tilespmem:$0x5640] =	vst v4;
	v4 =	vadd.f32 v10, v5;
	v5 =	vld [tilespmem:$0x5680]  }
0x15f: {  	v10 =	vld [tilespmem:$0x5280]  }
0x160: {  	[tilespmem:$0x5650] =	vst v4;
	v4 =	vadd.f32 v7, v6;
	v6 =	vld [tilespmem:$0x5690]  }
0x161: {  	v7 =	vld [tilespmem:$0x5290]  }
0x162: {  	[tilespmem:$0x5660] =	vst v4;
	v4 =	vadd.f32 v9, v8;
	v8 =	vld [tilespmem:$0x56A0]  }
0x163: {  	v9 =	vld [tilespmem:$0x52A0]  }
0x164: {  	[tilespmem:$0x5670] =	vst v4;
	v4 =	vadd.f32 v10, v5;
	v5 =	vld [tilespmem:$0x56B0]  }
0x165: {  	v10 =	vld [tilespmem:$0x5400]  }
0x166: {  	[tilespmem:$0x5680] =	vst v4;
	v4 =	vadd.f32 v7, v6;
	v6 =	vld [tilespmem:$0x56C0]  }
0x167: {  	v7 =	vld [tilespmem:$0x52C0]  }
0x168: {  	[tilespmem:$0x5690] =	vst v4;
	v4 =	vadd.f32 v9, v8;
	v8 =	vld [tilespmem:$0x56D0]  }
0x169: {  	v3 =	vadd.f32 v3, v5;
	v5 =	vld [tilespmem:$0x52D0]  }
0x16a: {  	v2 =	vadd.f32 v2, v10;
	[tilespmem:$0x56A0] =	vst v4;
	v4 =	vld [tilespmem:$0x56E0]  }
0x16b: {  	[tilespmem:$0x56B0] =	vst v3;
	v3 =	vld [tilespmem:$0x52E0]  }
0x16c: {  	[tilespmem:$0x5400] =	vst v2;
	v2 =	vadd.f32 v7, v6;
	v6 =	vld [tilespmem:$0x56F0]  }
0x16d: {  	v7 =	vld [tilespmem:$0x52F0]  }
0x16e: {  	[tilespmem:$0x56C0] =	vst v2;
	v2 =	vadd.f32 v5, v8;
	v5 =	vld [tilespmem:$0x5700]  }
0x16f: {  	v8 =	vld [tilespmem:$0x5300]  }
0x170: {  	[tilespmem:$0x56D0] =	vst v2;
	v2 =	vadd.f32 v3, v4;
	v3 =	vld [tilespmem:$0x5710]  }
0x171: {  	v4 =	vld [tilespmem:$0x5310]  }
0x172: {  	[tilespmem:$0x56E0] =	vst v2;
	v2 =	vadd.f32 v7, v6;
	v6 =	vld [tilespmem:$0x5720]  }
0x173: {  	v7 =	vld [tilespmem:$0x5320]  }
0x174: {  	[tilespmem:$0x56F0] =	vst v2;
	v2 =	vadd.f32 v8, v5;
	v5 =	vld [tilespmem:$0x5730]  }
0x175: {  	v8 =	vld [tilespmem:$0x5330]  }
0x176: {  	[tilespmem:$0x5700] =	vst v2;
	v2 =	vadd.f32 v4, v3;
	v3 =	vld [tilespmem:$0x5740]  }
0x177: {  	v4 =	vld [tilespmem:$0x5340]  }
0x178: {  	[tilespmem:$0x5710] =	vst v2;
	v2 =	vadd.f32 v7, v6;
	v6 =	vld [tilespmem:$0x5750]  }
0x179: {  	v7 =	vld [tilespmem:$0x5350]  }
0x17a: {  	[tilespmem:$0x5720] =	vst v2;
	v2 =	vadd.f32 v8, v5;
	v5 =	vld [tilespmem:$0x5760]  }
0x17b: {  	v8 =	vld [tilespmem:$0x5360]  }
0x17c: {  	[tilespmem:$0x5730] =	vst v2;
	v2 =	vadd.f32 v4, v3;
	v3 =	vld [tilespmem:$0x5770]  }
0x17d: {  	v4 =	vld [tilespmem:$0x5370]  }
0x17e: {  	[tilespmem:$0x5740] =	vst v2;
	v2 =	vadd.f32 v7, v6;
	v6 =	vld [tilespmem:$0x5780]  }
0x17f: {  	v7 =	vld [tilespmem:$0x5380]  }
0x180: {  	[tilespmem:$0x5750] =	vst v2;
	v2 =	vadd.f32 v8, v5;
	v5 =	vld [tilespmem:$0x5790]  }
0x181: {  	v8 =	vld [tilespmem:$0x5390]  }
0x182: {  	[tilespmem:$0x5760] =	vst v2;
	v2 =	vadd.f32 v4, v3;
	v3 =	vld [tilespmem:$0x57A0]  }
0x183: {  	v4 =	vld [tilespmem:$0x53A0]  }
0x184: {  	[tilespmem:$0x5770] =	vst v2;
	v2 =	vadd.f32 v7, v6;
	v6 =	vld [tilespmem:$0x57B0]  }
0x185: {  	v7 =	vld [tilespmem:$0x53B0]  }
0x186: {  	[tilespmem:$0x5780] =	vst v2;
	v2 =	vadd.f32 v8, v5;
	v5 =	vld [tilespmem:$0x57C0]  }
0x187: {  	v8 =	vld [tilespmem:$0x53C0]  }
0x188: {  	[tilespmem:$0x5790] =	vst v2;
	v2 =	vadd.f32 v4, v3;
	v3 =	vld [tilespmem:$0x57D0]  }
0x189: {  	v4 =	vld [tilespmem:$0x53D0]  }
0x18a: {  	[tilespmem:$0x57A0] =	vst v2;
	v2 =	vadd.f32 v7, v6;
	v6 =	vld [tilespmem:$0x57E0]  }
0x18b: {  	v7 =	vld [tilespmem:$0x53E0]  }
0x18c: {  	[tilespmem:$0x57B0] =	vst v2;
	v2 =	vadd.f32 v8, v5;
	v5 =	vld [tilespmem:$0x57F0]  }
0x18d: {  	v8 =	vld [tilespmem:$0x53F0]  }
.Ltmp5:
0x18e: {  	[tilespmem:$0x57C0] =	vst v2;
	v2 =	vadd.f32 v4, v3;
	(pc) =	sbr.rel @p1 .LBB2_7-.Ltmp5, $3  }
0x18f: {  	_ = 	snop  }
0x190: {  	[tilespmem:$0x57D0] =	vst v2;
	v2 =	vadd.f32 v7, v6;
	_ =	sdelay $0x1  }
0x191: {  	[tilespmem:$0x57E0] =	vst v2;
	v2 =	vadd.f32 v8, v5  }
.Ltmp6:
0x192: {  	_ = 	snop;
	(pc) =	sbr.rel .LBB2_8-.Ltmp6, $1  }
0x193: {  	_ =	sdelay $0x3  }
.LBB2_10:
0x194: {  	_ =	sfence.sel $0x180000  }
0x195: {  	[bflag:$0x0] =	sbarrier.arrive $0xFFFF  }
0x196: {  	p0 =	sne.s32 s1, $0x0;
	_ =	strace $0x90000047  }
0x197: {  	s0 =	sadd.s32 @!p0 $0x100000, s0;
	[bflag:$0x2] =	sbarrier.arrive $0xFFFF  }
0x198: {  	[sflag:s0] =	ssyncadd.tile.s32 @!p0 $0x1;
	_ =	shalt  }
.Lfunc_end2:
_tile_overlayer_lowered:
.L_overlay_start_2:
0x199: {  	(tag) =	ssettag $0x2  }
0x19a: {  	s0 =	rddreg [dreg:$0x0];
	s2 =	stileid.u32  }
0x19b: {  	s1 =	rddreg [dreg:$0x1];
	p0 =	sne.s32 s2, $0x0  }
0x19c: {  	s3 =	rddreg [dreg:$0x2];
	[bflag:$0x3] =	sbarrier.arrive $0xFFFF;
	s2 =	simm.s32 @!p0 $0x1C01  }
0x19d: {  	[timem:s3], [sflag:s2] =	dma.local @!p0 [hbm:s0], s1  }
0x19e: {  	s0 =	simm.s32 @!p0 $0x1  }
0x19f: {  	_ =	swait.ge @!p0 [sflag:s0], s1  }
0x1a0: {  	s1 =	ssub.s32 @!p0 $0x0, s1;
	[sflag:s0] =	ssyncset.done @!p0 $0x0  }
0x1a1: {  	[sflag:s0] =	ssyncadd.s32 @!p0 s1  }
0x1a2: {  	[bflag:$0x3] =	sbarrier.arrive $0xFFFF  }
0x1a3: {  	_ =	shalt  }

// kernel: kernel.13.cloned.1.call-start
scs
__scs_entry_jumppad:
0x0: {  	(pc) =	sbr.rel $0x88, $3  }
0x1: {  	(tag) =	ssettag $0x0;
	lr =	simm.s32 $0x1  }
0x2: {  	[smem:$0x3F9B] =	sst lr;
	_ =	strace $0xD0000000  }
0x3: {  	_ = 	snop  }
0x4: {  	_ = 	snop  }
0x5: {  	_ = 	snop  }
0x6: {  	_ = 	snop  }
0x7: {  	_ = 	snop  }
__scs_overlays_trampoline_lowered:
0x8: {  	[smem:$0x3FAA] =	sst s0  }
0x9: {  	[smem:$0x3FAB] =	sst s1  }
0xa: {  	[smem:$0x3FAC] =	sst s2  }
0xb: {  	[smem:$0x3FAD] =	sst s3  }
0xc: {  	[smem:$0x3FAE] =	sst s4  }
0xd: {  	[smem:$0x3FAF] =	sst s5  }
0xe: {  	[smem:$0x3FB0] =	sst s6  }
0xf: {  	[smem:$0x3FB1] =	sst s7  }
0x10: {  	[smem:$0x3FB2] =	sst s8  }
0x11: {  	[smem:$0x3FB3] =	sst s9;
	s0 =	simm.s32 @!p0 $0x0  }
0x12: {  	s1 =	sld [smem:$0x3F99];
	s0 =	simm.s32 @p0 $0x1  }
0x13: {  	[smem:$0x3FB4] =	sst s0;
	s0 =	simm.s32 @!p1 $0x0  }
0x14: {  	s2 =	sld [smem:$0x3F98];
	s0 =	simm.s32 @p1 $0x1  }
0x15: {  	[smem:$0x3FB5] =	sst s0;
	s0 =	simm.s32 @!p2 $0x0  }
0x16: {  	s3 =	sld [smem:$0x3FDB];
	s0 =	simm.s32 @p2 $0x1  }
0x17: {  	s4 =	simm.s32 $0x1BF5;
	[smem:$0x3FB7] =	sst s0  }
0x18: {  	s0 =	sld [smem:$0x3F9A];
	_ =	swait.ge [sflag:s4], $0x0  }
0x19: {  	s7 =	sld [smem:$0x3F9B]  }
0x1a: {  	s8 =	sadd.s32 $0xFFFFE003, lr  }
0x1b: {  	s9 =	sadd.s32 $0xFFFFFEF7, lr;
	s5 =	simm.s32 $0xFFFFFFFF;
	p2 =	slt.u32 s8, $0xFFFFF086  }
0x1c: {  	p1 =	slt.u32 s9, $0xF7A;
	s5 =	simm.s32 @!p2 $0x0  }
0x1d: {  	s5 =	simm.s32 @p1 $0x1;
	p0 =	seq.s32 s7, s2  }
0x1e: {  	s7 =	smul.u32 @!p0 $0xF7A, s2;
	p2 =	seq.s32 @!p0 s5, $0x0  }
0x1f: {  	s9 =	smul.u32 $0xF7A, s1;
	s8 =	simm.s32 @!p0 $0x1BF5;
	p2 =	por !p2, p0  }
0x20: {  	[sflag:s8] =	ssyncset.s32 @!p0 $0xFFFFF086;
	s6 =	sadd.s32 @!p0 s3, s7;
	s7 =	simm.s32 @!p0 $0x108  }
0x21: {  	s3 =	sadd.s32 s3, s9;
	s6 =	sadd.s32 @!p0 $0x88, s6;
	s7 =	simm.s32 @p2 $0x1082  }
0x22: {  	[simem:s7], [sflag:s8] =	dma.local @!p0 [hbm:s6], $0xF7A  }
0x23: {  	s9 =	sor.u32 $0xD0000000, s2;
	s6 =	simm.s32 $0x108;
	_ =	swait.ge @!p0 [sflag:s8], $0x0  }
0x24: {  	s3 =	sadd.s32 $0x88, s3;
	s6 =	simm.s32 @!p1 $0x1082;
	[sflag:s4] =	ssyncset.s32 $0xFFFFF086  }
0x25: {  	[simem:s6], [sflag:s4] =	dma.local [hbm:s3], $0xF7A  }
0x26: {  	[smem:$0x3F9B] =	sst s1;
	(tag) =	ssettag s2;
	_ =	strace s9  }
0x27: {  	s1 =	sld [smem:$0x3FAB]  }
0x28: {  	s2 =	sld [smem:$0x3FAC]  }
0x29: {  	s4 =	sld [smem:$0x3FAE]  }
0x2a: {  	p0 =	seq.s32 s5, $0x0;
	s5 =	sld [smem:$0x3FAF]  }
0x2b: {  	s6 =	sld [smem:$0x3FB0]  }
0x2c: {  	s7 =	sld [smem:$0x3FB1]  }
0x2d: {  	s3 =	simm.s32 $0x108;
	s8 =	sld [smem:$0x3FB2]  }
0x2e: {  	s3 =	simm.s32 @!p0 $0x1082;
	s9 =	sld [smem:$0x3FB3]  }
0x2f: {  	lr =	sadd.s32 s0, s3;
	s0 =	sld [smem:$0x3FAA]  }
0x30: {  	s3 =	sld [smem:$0x3FAD]  }
0x31: {  	[smem:$0x3FB6] =	sst s10  }
0x32: {  	s10 =	sld [smem:$0x3FB4];
	_ =	sdelay $0x3  }
0x33: {  	p0 =	seq.s32 s10, $0x1;
	s10 =	sld [smem:$0x3FB6];
	_ =	sdelay $0x3  }
0x34: {  	[smem:$0x3FB6] =	sst s10  }
0x35: {  	s10 =	sld [smem:$0x3FB5];
	_ =	sdelay $0x3  }
0x36: {  	p1 =	seq.s32 s10, $0x1;
	s10 =	sld [smem:$0x3FB6];
	_ =	sdelay $0x3  }
0x37: {  	[smem:$0x3FB6] =	sst s10  }
0x38: {  	s10 =	sld [smem:$0x3FB7]  }
0x39: {  	_ = 	snop;
	(pc) =	sbr.ind lr, $3  }
0x3a: {  	_ = 	snop  }
0x3b: {  	_ = 	snop  }
0x3c: {  	p2 =	seq.s32 s10, $0x1;
	s10 =	sld [smem:$0x3FB6]  }
0x3d: {  	_ =	shalt  }
0x3e: {  	_ =	shalt  }
0x3f: {  	_ =	shalt  }
0x40: {  	_ =	shalt  }
0x41: {  	_ =	shalt  }
0x42: {  	_ =	shalt  }
0x43: {  	_ =	shalt  }
0x44: {  	_ =	shalt  }
0x45: {  	_ =	shalt  }
0x46: {  	_ =	shalt  }
0x47: {  	_ =	shalt  }
0x48: {  	_ =	shalt  }
0x49: {  	_ =	shalt  }
0x4a: {  	_ =	shalt  }
0x4b: {  	_ =	shalt  }
0x4c: {  	_ =	shalt  }
0x4d: {  	_ =	shalt  }
0x4e: {  	_ =	shalt  }
0x4f: {  	_ =	shalt  }
0x50: {  	_ =	shalt  }
0x51: {  	_ =	shalt  }
0x52: {  	_ =	shalt  }
0x53: {  	_ =	shalt  }
0x54: {  	_ =	shalt  }
0x55: {  	_ =	shalt  }
0x56: {  	_ =	shalt  }
0x57: {  	_ =	shalt  }
0x58: {  	_ =	shalt  }
0x59: {  	_ =	shalt  }
0x5a: {  	_ =	shalt  }
0x5b: {  	_ =	shalt  }
0x5c: {  	_ =	shalt  }
0x5d: {  	_ =	shalt  }
0x5e: {  	_ =	shalt  }
0x5f: {  	_ =	shalt  }
0x60: {  	_ =	shalt  }
0x61: {  	_ =	shalt  }
0x62: {  	_ =	shalt  }
0x63: {  	_ =	shalt  }
0x64: {  	_ =	shalt  }
0x65: {  	_ =	shalt  }
0x66: {  	_ =	shalt  }
0x67: {  	_ =	shalt  }
0x68: {  	_ =	shalt  }
0x69: {  	_ =	shalt  }
0x6a: {  	_ =	shalt  }
0x6b: {  	_ =	shalt  }
0x6c: {  	_ =	shalt  }
0x6d: {  	_ =	shalt  }
0x6e: {  	_ =	shalt  }
0x6f: {  	_ =	shalt  }
0x70: {  	_ =	shalt  }
0x71: {  	_ =	shalt  }
0x72: {  	_ =	shalt  }
0x73: {  	_ =	shalt  }
0x74: {  	_ =	shalt  }
0x75: {  	_ =	shalt  }
0x76: {  	_ =	shalt  }
0x77: {  	_ =	shalt  }
0x78: {  	_ =	shalt  }
0x79: {  	_ =	shalt  }
0x7a: {  	_ =	shalt  }
0x7b: {  	_ =	shalt  }
0x7c: {  	_ =	shalt  }
0x7d: {  	_ =	shalt  }
0x7e: {  	_ =	shalt  }
0x7f: {  	_ =	shalt  }
0x80: {  	_ =	shalt  }
0x81: {  	_ =	shalt  }
0x82: {  	_ =	shalt  }
0x83: {  	_ =	shalt  }
0x84: {  	_ =	shalt  }
0x85: {  	_ =	shalt  }
0x86: {  	_ =	shalt  }
0x87: {  	_ =	shalt  }
.Lfunc_end0:
.L_simem_size_0:
called_computation.1_lowered:
.L_overlay_start_0:
0x88: {  	s2 =	sld [smem:$0x3FD9]  }
0x89: {  	s3 =	sld [smem:$0x3FFE];
	_ =	sdelay $0x1  }
0x8a: {  	s1 =	srdreg.scid  }
0x8b: {  	s0 =	sand.u32 $0x1, s1  }
0x8c: {  	s17 =	sshll.u32 s0, $0xA;
	s2 =	sadd.s32 s3, s2  }
0x8d: {  	s2 =	sadd.s32 s2, s17  }
0x8e: {  	[smem:$0x3FC2] =	sst s2  }
0x8f: {  	_ = 	snop  }
0x90: {  	s2 =	sld [smem:$0x3FD0];
	(tm) =	ssettm $0x1  }
0x91: {  	s18 =	sld [smem:$0x3FFB];
	_ =	sdelay $0x3  }
0x92: {  	_ =	strace s18  }
0x93: {  	s3 =	sld [smem:$0x3FFC];
	_ =	sdelay $0x3  }
0x94: {  	_ =	strace s3  }
0x95: {  	s3 =	sld [smem:$0x3FFD];
	_ =	sdelay $0x3  }
0x96: {  	_ =	strace s3  }
0x97: {  	_ =	strace $0x8FFFFFFF  }
0x98: {  	s19 =	sld [smem:$0x3FDB];
	_ =	sdelay $0x1  }
0x99: {  	s4 =	simm.s32 $_scs_section_size  }
0x9a: {  	s5 =	simm.s32 $_size__tile_overlayer_lowered;
	s6 =	simm.s32 $_tile_overlayer_lowered  }
0x9b: {  	s22 =	simm.s32 $0x1BFF;
	s21 =	sshll.u32 s6, $0x1;
	s3 =	sadd.s32 s4, s19  }
0x9c: {  	s7 =	simm.s32 $0x0;
	s20 =	sshll.u32 s5, $0x1;
	s5 =	sadd.s32 s21, s3  }
0x9d: {  	[timem:s7], [sflag:s22] =	dma.local [hbm:s5], s20  }
0x9e: {  	_ =	swait.ge [sflag:s22], s20  }
0x9f: {  	s4 =	ssub.s32 $0x0, s20;
	[sflag:s22] =	ssyncset.done $0x0  }
0xa0: {  	[sflag:s22] =	ssyncadd.s32 s4;
	_ =	sdelay $0x1  }
0xa1: {  	s23 =	simm.s32 $0x1B8B  }
0xa2: {  	_ =	swait.ge [sflag:s23], $0x1  }
0xa3: {  	[sflag:s23] =	ssyncset.done $0x0  }
0xa4: {  	s25 =	simm.s32 $0x1B8E;
	s24 =	sld [smem:$0x3FFE];
	[sflag:s23] =	ssyncadd.s32 $0xFFFFFFFF  }
0xa5: {  	s26 =	simm.s32 $execute0_lowered;
	[smem:$0x3FD2] =	sst s25  }
0xa6: {  	s5 =	sshll.u32 s26, $0x1;
	_ =	strace $0x80000049;
	[dreg:$0x1] =	wrdreg $0xFFFFFFFF  }
0xa7: {  	s28 =	simm.s32 $_size_execute0_lowered;
	s3 =	sadd.s32 s3, s5;
	[dreg:$0x0] =	wrdreg $0x0  }
0xa8: {  	s5 =	sshll.u32 s28, $0x1;
	[dreg:$0x2] =	wrdreg s3  }
0xa9: {  	[dreg:$0x3] =	wrdreg s5  }
0xaa: {  	[dreg:$0x4] =	wrdreg $0xC0  }
0xab: {  	_ =	task [dreg:s7], $0x5FFFF  }
0xac: {  	[dreg:$0x1] =	wrdreg $0xFFFFFFFF  }
0xad: {  	[dreg:$0x0] =	wrdreg $0x60  }
0xae: {  	[dreg:$0x2] =	wrdreg s2  }
0xaf: {  	[dreg:$0x3] =	wrdreg s24  }
0xb0: {  	[dreg:$0x4] =	wrdreg $0xA8000  }
0xb1: {  	[dreg:$0x5] =	wrdreg $0x9  }
0xb2: {  	_ =	task.clear_ibuf [dreg:s7], $0x6FFFF;
	_ =	strace $0x90000049  }
0xb3: {  	s29 =	simm.s32 $0x9;
	_ =	strace $0x8000004B  }
0xb4: {  	_ =	swait.ge [sflag:s29], $0x1  }
0xb5: {  	[sflag:s29] =	ssyncadd.s32 $0xFFFFFFFF  }
0xb6: {  	_ =	strace $0x9000004B  }
0xb7: {  	_ =	sfence  }
0xb8: {  	s30 =	sld [smem:$0x0];
	_ =	sdelay $0x2  }
0xb9: {  	s31 =	sshll.u32 s1, $0xD;
	s1 =	sshrl.u32 s1, $0x2  }
0xba: {  	s3 =	sand.u32 $0x4000, s31;
	s1 =	sadd.s32 s1, s30  }
0xbb: {  	s0 =	sor.u32 s3, s0;
	s1 =	sshll.u32 s1, $0x11  }
0xbc: {  	s0 =	sor.u32 s1, s0  }
0xbd: {  	s0 =	sadd.s32 $0x8F2B, s0  }
0xbe: {  	[sflag:s0] =	ssyncadd.remote.s32 $0x1  }
0xbf: {  	_ =	sfence.sel $0xFFFF  }
0xc0: {  	[dreg:$0x0] =	wrdreg $0xFFFFFFFF;
	(pc) =	sbr.abs _section_cstart, $3  }
0xc1: {  	[dreg:$0x1] =	wrdreg $0xFFFFFFFF  }
0xc2: {  	_ =	task.clear_ibuf [dreg:s7], $0x2FFFF;
	_ =	strace $0x9FFFFFFF  }
0xc3: {  	(tm) =	ssettm $0x7FFFFFFF  }
tec
execute0_lowered:
.L_overlay_start_1:
0x0: {  	(tag) =	ssettag $0x1  }
0x1: {  	s6 =	rddreg [dreg:$0x0]  }
0x2: {  	s4 =	rddreg [dreg:$0x1]  }
0x3: {  	s0 =	srdreg.scid;
	s2 =	rddreg [dreg:$0x2]  }
0x4: {  	s1 =	stileid.u32;
	s3 =	simm.s32 $0x0;
	s18 =	simm.s32 $0x80  }
0x5: {  	s19 =	simm.s32 $0x2800;
	s20 =	simm.s32 $0x1;
	s21 =	simm.s32 $0x6800  }
0x6: {  	s22 =	simm.s32 $0x2;
	s23 =	simm.s32 $0x3;
	s11 =	smul.u32 $0x4F000, s1  }
0x7: {  	s28 =	simm.s32 $0x0;
	s9 =	sand.u32 $0x1, s0;
	s24 =	smul.u32 $0x2780, s1  }
0x8: {  	[smem:$0x7FF] =	sst s3;
	s12 =	sadd.s32 $0x3EA00, s4;
	s13 =	smul.u32 $0x50, s1  }
0x9: {  	s15 =	sadd.s32 $0x128400, s2;
	s14 =	smul.u32 $0x28000, s1;
	p0 =	seq.s32 s1, $0xF  }
0xa: {  	s5 =	sshll.u32 s9, $0x4;
	_ =	strace $0x8000004A;
	s29 =	smul.u32 $0x500, s9  }
0xb: {  	s8 =	ssub.s32 $0x2, s9;
	s30 =	smul.u32 $0x280000, s9;
	s5 =	sor.u32 s1, s5  }
0xc: {  	s15 =	sshrl.u32 @p0 s15, $0x3;
	s10 =	sshrl.u32 s8, $0x1;
	s7 =	smul.u32 $0x500, s5  }
0xd: {  	s25 =	sshrl.u32 s11, $0x2;
	s8 =	ssub.s32 s8, s10;
	s26 =	smul.u32 $0x28000, s5  }
0xe: {  	s17 =	sadd.s32 s25, s2;
	s5 =	sadd.s32 s6, s24;
	s6 =	sadd.s32 $0x25080, s6  }
0xf: {  	s13 =	sadd.s32 s13, s29;
	s16 =	sadd.s32 s30, s12;
	s24 =	simm.s32 $0x100  }
0x10: {  	s25 =	simm.s32 $0x4;
	s13 =	sshll.u32 s13, $0xB;
	s31 =	sadd.s32 s14, s16  }
0x11: {  	s14 =	simm.s32 $0x5;
	s16 =	sshll.u32 @!p0 s1, $0x6;
	s7 =	sadd.s32 s7, s4  }
0x12: {  	s17 =	sshrl.u32 @!p0 s17, $0x3;
	s16 =	sor.u32 @!p0 $0x1C05, s16;
	s4 =	sadd.s32 $0xD800, s7  }
0x13: {  	s7 =	smax.u32 s8, $0x1;
	s8 =	sadd.s32 s12, s26;
	s12 =	sadd.s32 s13, s12  }
0x14: {  	s13 =	sadd.s32 $0x1000, s31;
	s26 =	simm.s32 $0x2780;
	s9 =	sadd.s32 $0x800, s8  }
0x15: {  	s10 =	sadd.s32 $0x27000, s8;
	s11 =	sadd.s32 $0x27800, s8;
	s12 =	sadd.s32 $0x1800, s12  }
.LBB2_1:
0x16: {  	[tilespmem:s3], [sflag:$0x5] =	stream.linear.gather [hbm4b:s4+s3], $0x2800, $0x38;
	[tilespmem:$0x1E080] =	vst v63  }
0x17: {  	_ =	swait.ge [sflag:s14], $0x2800  }
0x18: {  	[sflag:s14] =	ssyncset.done $0x0  }
0x19: {  	s29 =	simm.s32 @p0 $0x1FC5;
	[sflag:s14] =	ssyncadd.s32 $0xFFFFD800  }
0x1a: {  	[spmem:s15], [sflag:s29] =	dma.local @p0 [hbm:s6], $0x2080  }
0x1b: {  	s29 =	simm.s32 @p0 $0x5  }
0x1c: {  	_ =	swait.ge @p0 [sflag:s29], $0x2080  }
0x1d: {  	[sflag:s29] =	ssyncset.done @p0 $0x0  }
0x1e: {  	[sflag:s29] =	ssyncadd.s32 @p0 $0xFFFFDF80;
	s29 =	simm.s32 @!p0 $0x5  }
0x1f: {  	[spmem:s17], [sflag:s16] =	dma.local @!p0 [hbm:s5], $0x2780  }
0x20: {  	_ =	swait.ge @!p0 [sflag:s29], $0x2780  }
0x21: {  	[sflag:s29] =	ssyncset.done @!p0 $0x0  }
0x22: {  	[sflag:s29] =	ssyncadd.s32 @!p0 $0xFFFFD880  }
0x23: {  	[bflag:$0x0] =	sbarrier.arrive $0xFFFF  }
0x24: {  	[tilespmem:s19], [sflag:$0x1] =	stream.indirect.gather [spmem:s2], $0x80, s3, s18, $0xb8;
	[tilespmem:$0x1E080] =	vst v63  }
0x25: {  	_ =	swait.ge [sflag:s20], $0x4000  }
0x26: {  	[sflag:s20] =	ssyncset.done $0x0  }
0x27: {  	[sflag:s20] =	ssyncadd.s32 $0xFFFFC000  }
0x28: {  	[tilespmem:s21], [sflag:$0x2] =	stream.indirect.gather [spmem:s2], $0x80, s18, s18, $0xb8;
	[tilespmem:$0x1E080] =	vst v63  }
0x29: {  	_ = 	snop  }
0x2a: {  	[hbm4b:s8+s3] =	stream.linear.scatter [tilespmem:s19], [sflag:$0x3], $0x4000, $0x38;
	[tilespmem:$0x1E080] =	vst v63  }
0x2b: {  	_ =	swait.ge [sflag:s22], $0x4000  }
0x2c: {  	[sflag:s22] =	ssyncset.done $0x0  }
0x2d: {  	[sflag:s22] =	ssyncadd.s32 $0xFFFFC000  }
0x2e: {  	_ =	swait.ge [sflag:s23], $0x4000  }
0x2f: {  	[sflag:s23] =	ssyncset.done $0x0  }
0x30: {  	[sflag:s23] =	ssyncadd.s32 $0xFFFFC000  }
0x31: {  	[tilespmem:s19], [sflag:$0x1] =	stream.indirect.gather [spmem:s2], $0x80, s24, s18, $0xb8;
	[tilespmem:$0x1E080] =	vst v63  }
0x32: {  	_ = 	snop  }
0x33: {  	[hbm4b:s9+s3] =	stream.linear.scatter [tilespmem:s21], [sflag:$0x4], $0x4000, $0x38;
	[tilespmem:$0x1E080] =	vst v63  }
0x34: {  	_ =	swait.ge [sflag:s20], $0x4000  }
0x35: {  	[sflag:s20] =	ssyncset.done $0x0  }
0x36: {  	[sflag:s20] =	ssyncadd.s32 $0xFFFFC000  }
0x37: {  	_ =	swait.ge [sflag:s25], $0x4000  }
0x38: {  	[sflag:s25] =	ssyncset.done $0x0  }
0x39: {  	s29 =	simm.s32 $0x180;
	[sflag:s25] =	ssyncadd.s32 $0xFFFFC000  }
0x3a: {  	[tilespmem:s21], [sflag:$0x2] =	stream.indirect.gather [spmem:s2], $0x80, s29, s18, $0xb8;
	[tilespmem:$0x1E080] =	vst v63  }
0x3b: {  	s29 =	sadd.s32 $0x0, s13  }
0x3c: {  	[hbm4b:s29+s3] =	stream.linear.scatter [tilespmem:s19], [sflag:$0x3], $0x4000, $0x38;
	[tilespmem:$0x1E080] =	vst v63  }
0x3d: {  	_ =	swait.ge [sflag:s22], $0x4000  }
0x3e: {  	[sflag:s22] =	ssyncset.done $0x0  }
0x3f: {  	[sflag:s22] =	ssyncadd.s32 $0xFFFFC000  }
0x40: {  	_ =	swait.ge [sflag:s23], $0x4000  }
0x41: {  	[sflag:s23] =	ssyncset.done $0x0  }
0x42: {  	s29 =	simm.s32 $0x200;
	[sflag:s23] =	ssyncadd.s32 $0xFFFFC000  }
0x43: {  	[tilespmem:s19], [sflag:$0x1] =	stream.indirect.gather [spmem:s2], $0x80, s29, s18, $0xb8;
	[tilespmem:$0x1E080] =	vst v63  }
0x44: {  	s31 =	sadd.s32 $0x0, s12;
	s30 =	simm.s32 $0x300;
	s29 =	simm.s32 $0x1000  }
.LBB2_2:
0x45: {  	[hbm4b:s31+s3] =	stream.linear.scatter [tilespmem:s21], [sflag:$0x4], $0x4000, $0x38;
	[tilespmem:$0x1E080] =	vst v63  }
0x46: {  	s31 =	smov.u32 s29  }
0x47: {  	p1 =	sne.s32 s29, $0x25000;
	s29 =	sadd.s32 $0x1000, s29;
	_ =	swait.ge [sflag:s20], $0x4000  }
0x48: {  	[sflag:s20] =	ssyncset.done $0x0  }
0x49: {  	[sflag:s20] =	ssyncadd.s32 $0xFFFFC000  }
0x4a: {  	_ =	swait.ge [sflag:s25], $0x4000  }
0x4b: {  	[sflag:s25] =	ssyncset.done $0x0  }
0x4c: {  	s0 =	sadd.s32 $0xFFFFFF80, s30;
	[sflag:s25] =	ssyncadd.s32 $0xFFFFC000  }
0x4d: {  	[tilespmem:s21], [sflag:$0x2] =	stream.indirect.gather [spmem:s2], $0x80, s0, s18, $0xb8;
	[tilespmem:$0x1E080] =	vst v63  }
0x4e: {  	s0 =	sadd.s32 s31, s13  }
0x4f: {  	[hbm4b:s0+s3] =	stream.linear.scatter [tilespmem:s19], [sflag:$0x3], $0x4000, $0x38;
	[tilespmem:$0x1E080] =	vst v63  }
0x50: {  	_ =	swait.ge [sflag:s22], $0x4000  }
0x51: {  	[sflag:s22] =	ssyncset.done $0x0  }
0x52: {  	[sflag:s22] =	ssyncadd.s32 $0xFFFFC000  }
.Ltmp0:
0x53: {  	_ =	swait.ge [sflag:s23], $0x4000;
	(pc) =	sbr.rel @p1 .LBB2_2-.Ltmp0, $4  }
0x54: {  	[sflag:s23] =	ssyncset.done $0x0  }
0x55: {  	[sflag:s23] =	ssyncadd.s32 $0xFFFFC000  }
0x56: {  	[tilespmem:s19], [sflag:$0x1] =	stream.indirect.gather [spmem:s2], $0x80, s30, s18, $0xb8;
	[tilespmem:$0x1E080] =	vst v63  }
0x57: {  	s31 =	sadd.s32 s31, s12;
	s30 =	sadd.s32 $0x100, s30  }
0x58: {  	[hbm4b:s31+s3] =	stream.linear.scatter [tilespmem:s21], [sflag:$0x4], $0x4000, $0x38;
	[tilespmem:$0x1E080] =	vst v63  }
0x59: {  	_ =	swait.ge [sflag:s20], $0x4000  }
0x5a: {  	[sflag:s20] =	ssyncset.done $0x0  }
0x5b: {  	[sflag:s20] =	ssyncadd.s32 $0xFFFFC000  }
0x5c: {  	_ =	swait.ge [sflag:s25], $0x4000  }
0x5d: {  	[sflag:s25] =	ssyncset.done $0x0  }
0x5e: {  	[sflag:s25] =	ssyncadd.s32 $0xFFFFC000  }
0x5f: {  	[tilespmem:s21], [sflag:$0x2] =	stream.indirect.gather [spmem:s2], $0x80, s26, s18, $0xb8;
	[tilespmem:$0x1E080] =	vst v63  }
0x60: {  	_ = 	snop  }
0x61: {  	[hbm4b:s10+s3] =	stream.linear.scatter [tilespmem:s19], [sflag:$0x3], $0x4000, $0x38;
	[tilespmem:$0x1E080] =	vst v63  }
0x62: {  	_ =	swait.ge [sflag:s22], $0x4000  }
0x63: {  	[sflag:s22] =	ssyncset.done $0x0  }
0x64: {  	[sflag:s22] =	ssyncadd.s32 $0xFFFFC000  }
0x65: {  	s28 =	sadd.s32 $0x1, s28;
	_ =	swait.ge [sflag:s23], $0x4000  }
0x66: {  	p1 =	sne.s32 s28, s7;
	[sflag:s23] =	ssyncset.done $0x0  }
.Ltmp1:
0x67: {  	[sflag:s23] =	ssyncadd.s32 $0xFFFFC000;
	(pc) =	sbr.rel @p1 .LBB2_1-.Ltmp1, $4  }
0x68: {  	[hbm4b:s11+s3] =	stream.linear.scatter [tilespmem:s21], [sflag:$0x4], $0x4000, $0x38;
	[tilespmem:$0x1E080] =	vst v63  }
0x69: {  	_ =	swait.ge [sflag:s25], $0x4000  }
0x6a: {  	[sflag:s25] =	ssyncset.done $0x0  }
0x6b: {  	[sflag:s25] =	ssyncadd.s32 $0xFFFFC000  }
0x6c: {  	_ =	sfence.sel $0x180000  }
0x6d: {  	[bflag:$0x0] =	sbarrier.arrive $0xFFFF  }
0x6e: {  	_ =	strace $0x9000004A  }
0x6f: {  	[bflag:$0x2] =	sbarrier.arrive $0xFFFF  }
0x70: {  	p0 =	sne.s32 s1, $0x0;
	s0 =	rddreg [dreg:$0x3]  }
0x71: {  	s0 =	sadd.s32 @!p0 $0x100000, s0  }
0x72: {  	[sflag:s0] =	ssyncadd.tile.s32 @!p0 $0x1;
	_ =	shalt  }
.Lfunc_end2:
_tile_overlayer_lowered:
.L_overlay_start_2:
0x73: {  	(tag) =	ssettag $0x2  }
0x74: {  	s0 =	rddreg [dreg:$0x0];
	s2 =	stileid.u32  }
0x75: {  	s1 =	rddreg [dreg:$0x1];
	p0 =	sne.s32 s2, $0x0  }
0x76: {  	s3 =	rddreg [dreg:$0x2];
	[bflag:$0x3] =	sbarrier.arrive $0xFFFF;
	s2 =	simm.s32 @!p0 $0x1C05  }
0x77: {  	[timem:s3], [sflag:s2] =	dma.local @!p0 [hbm:s0], s1  }
0x78: {  	s0 =	simm.s32 @!p0 $0x5  }
0x79: {  	_ =	swait.ge @!p0 [sflag:s0], s1  }
0x7a: {  	s1 =	ssub.s32 @!p0 $0x0, s1;
	[sflag:s0] =	ssyncset.done @!p0 $0x0  }
0x7b: {  	[sflag:s0] =	ssyncadd.s32 @!p0 s1  }
0x7c: {  	[bflag:$0x3] =	sbarrier.arrive $0xFFFF  }
0x7d: {  	_ =	shalt  }

// kernel: kernel.16.cloned.1.call-start
scs
__scs_entry_jumppad:
0x0: {  	(pc) =	sbr.rel $0x88, $3  }
0x1: {  	(tag) =	ssettag $0x0;
	lr =	simm.s32 $0x1  }
0x2: {  	[smem:$0x3F9B] =	sst lr;
	_ =	strace $0xD0000000  }
0x3: {  	_ = 	snop  }
0x4: {  	_ = 	snop  }
0x5: {  	_ = 	snop  }
0x6: {  	_ = 	snop  }
0x7: {  	_ = 	snop  }
__scs_overlays_trampoline_lowered:
0x8: {  	[smem:$0x3FAA] =	sst s0  }
0x9: {  	[smem:$0x3FAB] =	sst s1  }
0xa: {  	[smem:$0x3FAC] =	sst s2  }
0xb: {  	[smem:$0x3FAD] =	sst s3  }
0xc: {  	[smem:$0x3FAE] =	sst s4  }
0xd: {  	[smem:$0x3FAF] =	sst s5  }
0xe: {  	[smem:$0x3FB0] =	sst s6  }
0xf: {  	[smem:$0x3FB1] =	sst s7  }
0x10: {  	[smem:$0x3FB2] =	sst s8  }
0x11: {  	[smem:$0x3FB3] =	sst s9;
	s0 =	simm.s32 @!p0 $0x0  }
0x12: {  	s1 =	sld [smem:$0x3F99];
	s0 =	simm.s32 @p0 $0x1  }
0x13: {  	[smem:$0x3FB4] =	sst s0;
	s0 =	simm.s32 @!p1 $0x0  }
0x14: {  	s2 =	sld [smem:$0x3F98];
	s0 =	simm.s32 @p1 $0x1  }
0x15: {  	[smem:$0x3FB5] =	sst s0;
	s0 =	simm.s32 @!p2 $0x0  }
0x16: {  	s3 =	sld [smem:$0x3FDB];
	s0 =	simm.s32 @p2 $0x1  }
0x17: {  	s4 =	simm.s32 $0x1BF5;
	[smem:$0x3FB7] =	sst s0  }
0x18: {  	s0 =	sld [smem:$0x3F9A];
	_ =	swait.ge [sflag:s4], $0x0  }
0x19: {  	s7 =	sld [smem:$0x3F9B]  }
0x1a: {  	s8 =	sadd.s32 $0xFFFFE003, lr  }
0x1b: {  	s9 =	sadd.s32 $0xFFFFFEF7, lr;
	s5 =	simm.s32 $0xFFFFFFFF;
	p2 =	slt.u32 s8, $0xFFFFF086  }
0x1c: {  	p1 =	slt.u32 s9, $0xF7A;
	s5 =	simm.s32 @!p2 $0x0  }
0x1d: {  	s5 =	simm.s32 @p1 $0x1;
	p0 =	seq.s32 s7, s2  }
0x1e: {  	s7 =	smul.u32 @!p0 $0xF7A, s2;
	p2 =	seq.s32 @!p0 s5, $0x0  }
0x1f: {  	s9 =	smul.u32 $0xF7A, s1;
	s8 =	simm.s32 @!p0 $0x1BF5;
	p2 =	por !p2, p0  }
0x20: {  	[sflag:s8] =	ssyncset.s32 @!p0 $0xFFFFF086;
	s6 =	sadd.s32 @!p0 s3, s7;
	s7 =	simm.s32 @!p0 $0x108  }
0x21: {  	s3 =	sadd.s32 s3, s9;
	s6 =	sadd.s32 @!p0 $0x88, s6;
	s7 =	simm.s32 @p2 $0x1082  }
0x22: {  	[simem:s7], [sflag:s8] =	dma.local @!p0 [hbm:s6], $0xF7A  }
0x23: {  	s9 =	sor.u32 $0xD0000000, s2;
	s6 =	simm.s32 $0x108;
	_ =	swait.ge @!p0 [sflag:s8], $0x0  }
0x24: {  	s3 =	sadd.s32 $0x88, s3;
	s6 =	simm.s32 @!p1 $0x1082;
	[sflag:s4] =	ssyncset.s32 $0xFFFFF086  }
0x25: {  	[simem:s6], [sflag:s4] =	dma.local [hbm:s3], $0xF7A  }
0x26: {  	[smem:$0x3F9B] =	sst s1;
	(tag) =	ssettag s2;
	_ =	strace s9  }
0x27: {  	s1 =	sld [smem:$0x3FAB]  }
0x28: {  	s2 =	sld [smem:$0x3FAC]  }
0x29: {  	s4 =	sld [smem:$0x3FAE]  }
0x2a: {  	p0 =	seq.s32 s5, $0x0;
	s5 =	sld [smem:$0x3FAF]  }
0x2b: {  	s6 =	sld [smem:$0x3FB0]  }
0x2c: {  	s7 =	sld [smem:$0x3FB1]  }
0x2d: {  	s3 =	simm.s32 $0x108;
	s8 =	sld [smem:$0x3FB2]  }
0x2e: {  	s3 =	simm.s32 @!p0 $0x1082;
	s9 =	sld [smem:$0x3FB3]  }
0x2f: {  	lr =	sadd.s32 s0, s3;
	s0 =	sld [smem:$0x3FAA]  }
0x30: {  	s3 =	sld [smem:$0x3FAD]  }
0x31: {  	[smem:$0x3FB6] =	sst s10  }
0x32: {  	s10 =	sld [smem:$0x3FB4];
	_ =	sdelay $0x3  }
0x33: {  	p0 =	seq.s32 s10, $0x1;
	s10 =	sld [smem:$0x3FB6];
	_ =	sdelay $0x3  }
0x34: {  	[smem:$0x3FB6] =	sst s10  }
0x35: {  	s10 =	sld [smem:$0x3FB5];
	_ =	sdelay $0x3  }
0x36: {  	p1 =	seq.s32 s10, $0x1;
	s10 =	sld [smem:$0x3FB6];
	_ =	sdelay $0x3  }
0x37: {  	[smem:$0x3FB6] =	sst s10  }
0x38: {  	s10 =	sld [smem:$0x3FB7]  }
0x39: {  	_ = 	snop;
	(pc) =	sbr.ind lr, $3  }
0x3a: {  	_ = 	snop  }
0x3b: {  	_ = 	snop  }
0x3c: {  	p2 =	seq.s32 s10, $0x1;
	s10 =	sld [smem:$0x3FB6]  }
0x3d: {  	_ =	shalt  }
0x3e: {  	_ =	shalt  }
0x3f: {  	_ =	shalt  }
0x40: {  	_ =	shalt  }
0x41: {  	_ =	shalt  }
0x42: {  	_ =	shalt  }
0x43: {  	_ =	shalt  }
0x44: {  	_ =	shalt  }
0x45: {  	_ =	shalt  }
0x46: {  	_ =	shalt  }
0x47: {  	_ =	shalt  }
0x48: {  	_ =	shalt  }
0x49: {  	_ =	shalt  }
0x4a: {  	_ =	shalt  }
0x4b: {  	_ =	shalt  }
0x4c: {  	_ =	shalt  }
0x4d: {  	_ =	shalt  }
0x4e: {  	_ =	shalt  }
0x4f: {  	_ =	shalt  }
0x50: {  	_ =	shalt  }
0x51: {  	_ =	shalt  }
0x52: {  	_ =	shalt  }
0x53: {  	_ =	shalt  }
0x54: {  	_ =	shalt  }
0x55: {  	_ =	shalt  }
0x56: {  	_ =	shalt  }
0x57: {  	_ =	shalt  }
0x58: {  	_ =	shalt  }
0x59: {  	_ =	shalt  }
0x5a: {  	_ =	shalt  }
0x5b: {  	_ =	shalt  }
0x5c: {  	_ =	shalt  }
0x5d: {  	_ =	shalt  }
0x5e: {  	_ =	shalt  }
0x5f: {  	_ =	shalt  }
0x60: {  	_ =	shalt  }
0x61: {  	_ =	shalt  }
0x62: {  	_ =	shalt  }
0x63: {  	_ =	shalt  }
0x64: {  	_ =	shalt  }
0x65: {  	_ =	shalt  }
0x66: {  	_ =	shalt  }
0x67: {  	_ =	shalt  }
0x68: {  	_ =	shalt  }
0x69: {  	_ =	shalt  }
0x6a: {  	_ =	shalt  }
0x6b: {  	_ =	shalt  }
0x6c: {  	_ =	shalt  }
0x6d: {  	_ =	shalt  }
0x6e: {  	_ =	shalt  }
0x6f: {  	_ =	shalt  }
0x70: {  	_ =	shalt  }
0x71: {  	_ =	shalt  }
0x72: {  	_ =	shalt  }
0x73: {  	_ =	shalt  }
0x74: {  	_ =	shalt  }
0x75: {  	_ =	shalt  }
0x76: {  	_ =	shalt  }
0x77: {  	_ =	shalt  }
0x78: {  	_ =	shalt  }
0x79: {  	_ =	shalt  }
0x7a: {  	_ =	shalt  }
0x7b: {  	_ =	shalt  }
0x7c: {  	_ =	shalt  }
0x7d: {  	_ =	shalt  }
0x7e: {  	_ =	shalt  }
0x7f: {  	_ =	shalt  }
0x80: {  	_ =	shalt  }
0x81: {  	_ =	shalt  }
0x82: {  	_ =	shalt  }
0x83: {  	_ =	shalt  }
0x84: {  	_ =	shalt  }
0x85: {  	_ =	shalt  }
0x86: {  	_ =	shalt  }
0x87: {  	_ =	shalt  }
.Lfunc_end0:
.L_simem_size_0:
called_computation.2_lowered:
.L_overlay_start_0:
0x88: {  	s2 =	sld [smem:$0x3FD9]  }
0x89: {  	s3 =	sld [smem:$0x3FFE];
	_ =	sdelay $0x1  }
0x8a: {  	s1 =	srdreg.scid  }
0x8b: {  	s0 =	sand.u32 $0x1, s1  }
0x8c: {  	s16 =	sshll.u32 s0, $0xA;
	s2 =	sadd.s32 s3, s2  }
0x8d: {  	s2 =	sadd.s32 s2, s16  }
0x8e: {  	[smem:$0x3FC2] =	sst s2  }
0x8f: {  	_ = 	snop  }
0x90: {  	(tm) =	ssettm $0x1  }
0x91: {  	s17 =	sld [smem:$0x3FFB];
	_ =	sdelay $0x3  }
0x92: {  	_ =	strace s17  }
0x93: {  	s2 =	sld [smem:$0x3FFC];
	_ =	sdelay $0x3  }
0x94: {  	_ =	strace s2  }
0x95: {  	s2 =	sld [smem:$0x3FFD];
	_ =	sdelay $0x3  }
0x96: {  	_ =	strace s2  }
0x97: {  	_ =	strace $0x8FFFFFFF  }
0x98: {  	s18 =	sld [smem:$0x3FDB];
	_ =	sdelay $0x1  }
0x99: {  	s19 =	simm.s32 $_scs_section_size  }
0x9a: {  	s4 =	simm.s32 $_size__tile_overlayer_lowered;
	s5 =	simm.s32 $_tile_overlayer_lowered  }
0x9b: {  	s22 =	simm.s32 $0x1BFF;
	s21 =	sshll.u32 s5, $0x1;
	s2 =	sadd.s32 s19, s18  }
0x9c: {  	s6 =	simm.s32 $0x0;
	s20 =	sshll.u32 s4, $0x1;
	s4 =	sadd.s32 s21, s2  }
0x9d: {  	[timem:s6], [sflag:s22] =	dma.local [hbm:s4], s20  }
0x9e: {  	_ =	swait.ge [sflag:s22], s20  }
0x9f: {  	s3 =	ssub.s32 $0x0, s20;
	[sflag:s22] =	ssyncset.done $0x0  }
0xa0: {  	[sflag:s22] =	ssyncadd.s32 s3;
	_ =	sdelay $0x1  }
0xa1: {  	s23 =	simm.s32 $0x1B8B  }
0xa2: {  	_ =	swait.ge [sflag:s23], $0x1  }
0xa3: {  	[sflag:s23] =	ssyncset.done $0x0  }
0xa4: {  	s25 =	simm.s32 $0x1B8E;
	s24 =	sld [smem:$0x3FFE];
	[sflag:s23] =	ssyncadd.s32 $0xFFFFFFFF  }
0xa5: {  	s26 =	simm.s32 $execute0_lowered;
	[smem:$0x3FD2] =	sst s25  }
0xa6: {  	s4 =	sshll.u32 s26, $0x1;
	_ =	strace $0x8000004C;
	[dreg:$0x1] =	wrdreg $0xFFFFFFFF  }
0xa7: {  	s28 =	simm.s32 $_size_execute0_lowered;
	s2 =	sadd.s32 s2, s4;
	[dreg:$0x0] =	wrdreg $0x0  }
0xa8: {  	s4 =	sshll.u32 s28, $0x1;
	[dreg:$0x2] =	wrdreg s2  }
0xa9: {  	[dreg:$0x3] =	wrdreg s4  }
0xaa: {  	[dreg:$0x4] =	wrdreg $0xC0  }
0xab: {  	_ =	task [dreg:s6], $0x5FFFF  }
0xac: {  	[dreg:$0x1] =	wrdreg $0xFFFFFFFF  }
0xad: {  	[dreg:$0x0] =	wrdreg $0x60  }
0xae: {  	[dreg:$0x2] =	wrdreg s24  }
0xaf: {  	[dreg:$0x3] =	wrdreg $0xA8000  }
0xb0: {  	[dreg:$0x4] =	wrdreg $0x9  }
0xb1: {  	_ =	task.clear_ibuf [dreg:s6], $0x5FFFF;
	_ =	strace $0x9000004C  }
0xb2: {  	s29 =	simm.s32 $0x9;
	_ =	strace $0x8000004E  }
0xb3: {  	_ =	swait.ge [sflag:s29], $0x1  }
0xb4: {  	[sflag:s29] =	ssyncadd.s32 $0xFFFFFFFF  }
0xb5: {  	_ =	strace $0x9000004E  }
0xb6: {  	_ =	sfence  }
0xb7: {  	s30 =	sld [smem:$0x0];
	_ =	sdelay $0x2  }
0xb8: {  	s31 =	sshll.u32 s1, $0xD;
	s1 =	sshrl.u32 s1, $0x2  }
0xb9: {  	s3 =	sand.u32 $0x4000, s31;
	s1 =	sadd.s32 s1, s30  }
0xba: {  	s0 =	sor.u32 s3, s0;
	s1 =	sshll.u32 s1, $0x11  }
0xbb: {  	s0 =	sor.u32 s1, s0  }
0xbc: {  	s0 =	sadd.s32 $0x8F2B, s0  }
0xbd: {  	[sflag:s0] =	ssyncadd.remote.s32 $0x1  }
0xbe: {  	_ =	sfence.sel $0xFFFF  }
0xbf: {  	[dreg:$0x0] =	wrdreg $0xFFFFFFFF;
	(pc) =	sbr.abs _section_cstart, $3  }
0xc0: {  	[dreg:$0x1] =	wrdreg $0xFFFFFFFF  }
0xc1: {  	_ =	task.clear_ibuf [dreg:s6], $0x2FFFF;
	_ =	strace $0x9FFFFFFF  }
0xc2: {  	(tm) =	ssettm $0x7FFFFFFF  }
0xc3: {  	_ =	shalt  }
tec
execute0_lowered:
.L_overlay_start_1:
0x0: {  	(tag) =	ssettag $0x1  }
0x1: {  	s5 =	rddreg [dreg:$0x0]  }
0x2: {  	s0 =	srdreg.scid;
	s2 =	rddreg [dreg:$0x1]  }
0x3: {  	s1 =	stileid.u32;
	s3 =	simm.s32 $0x0;
	s18 =	simm.s32 $0x1  }
0x4: {  	s19 =	simm.s32 $0x6800;
	s20 =	simm.s32 $0x80;
	s21 =	simm.s32 $0x2  }
0x5: {  	s22 =	simm.s32 $0x2700;
	s6 =	sand.u32 $0x1, s0;
	s0 =	rddreg [dreg:$0x2]  }
0x6: {  	s23 =	simm.s32 $0x2780;
	[smem:$0x7FF] =	sst s3;
	s9 =	smul.u32 $0x4F000, s1  }
0x7: {  	s11 =	sadd.s32 $0x3EA00, s5;
	s12 =	sadd.s32 $0x541200, s5;
	s14 =	smul.u32 $0x13C00, s1  }
0x8: {  	s15 =	sadd.s32 $0x128400, s2;
	s28 =	smul.u32 $0x50, s1;
	p0 =	seq.s32 s1, $0xF  }
0x9: {  	s4 =	sshll.u32 s6, $0x4;
	_ =	strace $0x8000004D;
	s13 =	smul.u32 $0x138800, s6  }
0xa: {  	s10 =	ssub.s32 $0x2, s6;
	s25 =	smul.u32 $0x500, s6;
	s7 =	sor.u32 s1, s4  }
0xb: {  	s17 =	sshll.u32 @!p0 s1, $0x6;
	s24 =	sshrl.u32 s10, $0x1;
	s4 =	smul.u32 $0x500, s7  }
0xc: {  	s9 =	sshrl.u32 s9, $0x2;
	s7 =	smul.u32 $0x28000, s7;
	s10 =	ssub.s32 s10, s24  }
0xd: {  	s16 =	sadd.s32 s9, s2;
	s26 =	sadd.s32 s14, s13;
	s30 =	sshrl.u32 s13, $0x3  }
0xe: {  	s31 =	sadd.s32 s28, s25;
	s13 =	simm.s32 $0x3;
	s14 =	sshrl.u32 @p0 s15, $0x3  }
0xf: {  	s15 =	sor.u32 @!p0 $0x1C03, s17;
	s17 =	simm.s32 $0x2800;
	s24 =	simm.s32 $0x0  }
0x10: {  	s29 =	sshrl.u32 s26, $0x3;
	s9 =	sadd.s32 s12, s30;
	s16 =	sshrl.u32 @!p0 s16, $0x3  }
0x11: {  	s8 =	sadd.s32 s4, s5;
	s4 =	sadd.s32 $0x53EA00, s5;
	s6 =	sadd.s32 s11, s7  }
0x12: {  	s7 =	sadd.s32 s12, s29;
	s12 =	sshll.u32 s31, $0xB;
	s5 =	sadd.s32 $0x2E00, s8  }
0x13: {  	s8 =	sadd.s32 $0x25080, s9;
	s9 =	smax.u32 s10, $0x1;
	s12 =	sadd.s32 s12, s11  }
0x14: {  	s10 =	sadd.s32 $0x27800, s6;
	s11 =	sadd.s32 $0x1000, s12;
	s12 =	sadd.s32 $0x800, s12  }
.LBB2_1:
0x15: {  	[tilespmem:s3], [sflag:$0x3] =	stream.linear.gather [hbm4b:s5+s3], $0x2800, $0x38;
	[tilespmem:$0x1E400] =	vst v63  }
0x16: {  	_ =	swait.ge [sflag:s13], $0x2800  }
0x17: {  	[sflag:s13] =	ssyncset.done $0x0  }
0x18: {  	s25 =	simm.s32 @p0 $0x1FC3;
	[sflag:s13] =	ssyncadd.s32 $0xFFFFD800  }
0x19: {  	[spmem:s14], [sflag:s25] =	dma.local @p0 [hbm:s4], $0x2080  }
0x1a: {  	s25 =	simm.s32 @p0 $0x3  }
0x1b: {  	_ =	swait.ge @p0 [sflag:s25], $0x2080  }
0x1c: {  	[sflag:s25] =	ssyncset.done @p0 $0x0  }
0x1d: {  	[sflag:s25] =	ssyncadd.s32 @p0 $0xFFFFDF80;
	s25 =	simm.s32 @!p0 $0x3  }
0x1e: {  	[spmem:s16], [sflag:s15] =	dma.local @!p0 [hbm:s4], $0x2780  }
0x1f: {  	_ =	swait.ge @!p0 [sflag:s25], $0x2780  }
0x20: {  	[sflag:s25] =	ssyncset.done @!p0 $0x0  }
0x21: {  	[sflag:s25] =	ssyncadd.s32 @!p0 $0xFFFFD880  }
0x22: {  	[bflag:$0x0] =	sbarrier.arrive $0xFFFF  }
0x23: {  	[tilespmem:s17], [sflag:$0x1] =	stream.linear.gather [hbm4b:s6+s3], $0x4000, $0x38;
	[tilespmem:$0x1E400] =	vst v63  }
0x24: {  	_ =	swait.ge [sflag:s18], $0x4000  }
0x25: {  	[sflag:s18] =	ssyncset.done $0x0  }
0x26: {  	s29 =	sadd.s32 $0x0, s12;
	[sflag:s18] =	ssyncadd.s32 $0xFFFFC000  }
0x27: {  	[tilespmem:s19], [sflag:$0x2] =	stream.linear.gather [hbm4b:s29+s3], $0x4000, $0x38;
	[tilespmem:$0x1E400] =	vst v63  }
0x28: {  	_ = 	snop  }
0x29: {  	[spmem:s2] =	stream.indirect.scatter.add.f32 [tilespmem:s17], [sflag:$0x3], $0x80, s3, s20, $0xb8;
	[tilespmem:$0x1E400] =	vst v63  }
0x2a: {  	_ =	swait.ge [sflag:s13], $0x4000  }
0x2b: {  	[sflag:s13] =	ssyncset.done $0x0  }
0x2c: {  	[sflag:s13] =	ssyncadd.s32 $0xFFFFC000  }
0x2d: {  	_ =	swait.ge [sflag:s21], $0x4000  }
0x2e: {  	[sflag:s21] =	ssyncset.done $0x0  }
0x2f: {  	s30 =	sadd.s32 $0x0, s11;
	[sflag:s21] =	ssyncadd.s32 $0xFFFFC000  }
0x30: {  	[tilespmem:s17], [sflag:$0x1] =	stream.linear.gather [hbm4b:s30+s3], $0x4000, $0x38;
	[tilespmem:$0x1E400] =	vst v63  }
0x31: {  	s31 =	simm.s32 $0x80  }
0x32: {  	[spmem:s2] =	stream.indirect.scatter.add.f32 [tilespmem:s19], [sflag:$0x3], $0x80, s31, s20, $0xb8;
	[tilespmem:$0x1E400] =	vst v63  }
0x33: {  	_ =	swait.ge [sflag:s13], $0x4000  }
0x34: {  	s26 =	simm.s32 $0x0;
	s25 =	simm.s32 $0x1000;
	[sflag:s13] =	ssyncset.done $0x0  }
.LBB2_2:
0x35: {  	p1 =	sne.s32 s25, $0x26000;
	[sflag:s13] =	ssyncadd.s32 $0xFFFFC000;
	s26 =	sadd.s32 $0x100, s26  }
0x36: {  	s28 =	smov.u32 s25;
	s25 =	sadd.s32 $0x1000, s25  }
0x37: {  	_ =	swait.ge [sflag:s18], $0x4000  }
0x38: {  	[sflag:s18] =	ssyncset.done $0x0  }
0x39: {  	s29 =	sadd.s32 s28, s12;
	[sflag:s18] =	ssyncadd.s32 $0xFFFFC000  }
0x3a: {  	[tilespmem:s19], [sflag:$0x2] =	stream.linear.gather [hbm4b:s29+s3], $0x4000, $0x38;
	[tilespmem:$0x1E400] =	vst v63  }
0x3b: {  	_ = 	snop  }
0x3c: {  	[spmem:s2] =	stream.indirect.scatter.add.f32 [tilespmem:s17], [sflag:$0x3], $0x80, s26, s20, $0xb8;
	[tilespmem:$0x1E400] =	vst v63  }
0x3d: {  	_ =	swait.ge [sflag:s13], $0x4000  }
0x3e: {  	[sflag:s13] =	ssyncset.done $0x0  }
0x3f: {  	[sflag:s13] =	ssyncadd.s32 $0xFFFFC000  }
0x40: {  	_ =	swait.ge [sflag:s21], $0x4000  }
0x41: {  	[sflag:s21] =	ssyncset.done $0x0  }
0x42: {  	s28 =	sadd.s32 s28, s11;
	[sflag:s21] =	ssyncadd.s32 $0xFFFFC000  }
0x43: {  	[tilespmem:s17], [sflag:$0x1] =	stream.linear.gather [hbm4b:s28+s3], $0x4000, $0x38;
	[tilespmem:$0x1E400] =	vst v63  }
.Ltmp0:
0x44: {  	_ = 	snop;
	(pc) =	sbr.rel @p1 .LBB2_2-.Ltmp0, $4  }
0x45: {  	s28 =	sadd.s32 $0x80, s26  }
0x46: {  	[spmem:s2] =	stream.indirect.scatter.add.f32 [tilespmem:s19], [sflag:$0x3], $0x80, s28, s20, $0xb8;
	[tilespmem:$0x1E400] =	vst v63  }
0x47: {  	_ =	swait.ge [sflag:s13], $0x4000  }
0x48: {  	[sflag:s13] =	ssyncset.done $0x0  }
0x49: {  	[sflag:s13] =	ssyncadd.s32 $0xFFFFC000  }
0x4a: {  	_ =	swait.ge [sflag:s18], $0x4000  }
0x4b: {  	[sflag:s18] =	ssyncset.done $0x0  }
0x4c: {  	[sflag:s18] =	ssyncadd.s32 $0xFFFFC000  }
0x4d: {  	[tilespmem:s19], [sflag:$0x2] =	stream.linear.gather [hbm4b:s10+s3], $0x4000, $0x38;
	[tilespmem:$0x1E400] =	vst v63  }
0x4e: {  	_ = 	snop  }
0x4f: {  	[spmem:s2] =	stream.indirect.scatter.add.f32 [tilespmem:s17], [sflag:$0x3], $0x80, s22, s20, $0xb8;
	[tilespmem:$0x1E400] =	vst v63  }
0x50: {  	_ =	swait.ge [sflag:s13], $0x4000  }
0x51: {  	[sflag:s13] =	ssyncset.done $0x0  }
0x52: {  	[sflag:s13] =	ssyncadd.s32 $0xFFFFC000  }
0x53: {  	_ =	swait.ge [sflag:s21], $0x4000  }
0x54: {  	[sflag:s21] =	ssyncset.done $0x0  }
0x55: {  	[sflag:s21] =	ssyncadd.s32 $0xFFFFC000  }
0x56: {  	[spmem:s2] =	stream.indirect.scatter.add.f32 [tilespmem:s19], [sflag:$0x3], $0x80, s23, s20, $0xb8;
	[tilespmem:$0x1E400] =	vst v63  }
0x57: {  	_ =	swait.ge [sflag:s13], $0x4000  }
0x58: {  	[sflag:s13] =	ssyncset.done $0x0  }
0x59: {  	[sflag:s13] =	ssyncadd.s32 $0xFFFFC000  }
0x5a: {  	s25 =	simm.s32 @p0 $0x1FC3;
	[bflag:$0x0] =	sbarrier.arrive $0xFFFF  }
0x5b: {  	[hbm:s8], [sflag:s25] =	dma.local @p0 [spmem:s14], $0x2080  }
0x5c: {  	s25 =	simm.s32 @p0 $0x3  }
0x5d: {  	s24 =	sadd.s32 $0x1, s24;
	_ =	swait.ge @p0 [sflag:s25], $0x2080  }
0x5e: {  	p1 =	sne.s32 s24, s9;
	[sflag:s25] =	ssyncset.done @p0 $0x0  }
.Ltmp1:
0x5f: {  	[sflag:s25] =	ssyncadd.s32 @p0 $0xFFFFDF80;
	s25 =	simm.s32 @!p0 $0x3;
	(pc) =	sbr.rel @p1 .LBB2_1-.Ltmp1, $4  }
0x60: {  	[hbm:s7], [sflag:s15] =	dma.local @!p0 [spmem:s16], $0x2780  }
0x61: {  	_ =	swait.ge @!p0 [sflag:s25], $0x2780  }
0x62: {  	[sflag:s25] =	ssyncset.done @!p0 $0x0  }
0x63: {  	[sflag:s25] =	ssyncadd.s32 @!p0 $0xFFFFD880  }
0x64: {  	_ =	sfence.sel $0x180000  }
0x65: {  	[bflag:$0x0] =	sbarrier.arrive $0xFFFF  }
0x66: {  	p0 =	sne.s32 s1, $0x0;
	_ =	strace $0x9000004D  }
0x67: {  	s0 =	sadd.s32 @!p0 $0x100000, s0;
	[bflag:$0x2] =	sbarrier.arrive $0xFFFF  }
0x68: {  	[sflag:s0] =	ssyncadd.tile.s32 @!p0 $0x1;
	_ =	shalt  }
.Lfunc_end2:
_tile_overlayer_lowered:
.L_overlay_start_2:
0x69: {  	(tag) =	ssettag $0x2  }
0x6a: {  	s0 =	rddreg [dreg:$0x0];
	s2 =	stileid.u32  }
0x6b: {  	s1 =	rddreg [dreg:$0x1];
	p0 =	sne.s32 s2, $0x0  }
0x6c: {  	s3 =	rddreg [dreg:$0x2];
	[bflag:$0x3] =	sbarrier.arrive $0xFFFF;
	s2 =	simm.s32 @!p0 $0x1C03  }
0x6d: {  	[timem:s3], [sflag:s2] =	dma.local @!p0 [hbm:s0], s1  }
0x6e: {  	s0 =	simm.s32 @!p0 $0x3  }
0x6f: {  	_ =	swait.ge @!p0 [sflag:s0], s1  }
0x70: {  	s1 =	ssub.s32 @!p0 $0x0, s1;
	[sflag:s0] =	ssyncset.done @!p0 $0x0  }
0x71: {  	[sflag:s0] =	ssyncadd.s32 @!p0 s1  }
0x72: {  	[bflag:$0x3] =	sbarrier.arrive $0xFFFF  }
0x73: {  	_ =	shalt  }

// kernel: kernel.19.cloned.1.call-start
scs
__scs_entry_jumppad:
0x0: {  	(pc) =	sbr.rel $0x88, $3  }
0x1: {  	(tag) =	ssettag $0x0;
	lr =	simm.s32 $0x1  }
0x2: {  	[smem:$0x3F9B] =	sst lr;
	_ =	strace $0xD0000000  }
0x3: {  	_ = 	snop  }
0x4: {  	_ = 	snop  }
0x5: {  	_ = 	snop  }
0x6: {  	_ = 	snop  }
0x7: {  	_ = 	snop  }
__scs_overlays_trampoline_lowered:
0x8: {  	[smem:$0x3FAA] =	sst s0  }
0x9: {  	[smem:$0x3FAB] =	sst s1  }
0xa: {  	[smem:$0x3FAC] =	sst s2  }
0xb: {  	[smem:$0x3FAD] =	sst s3  }
0xc: {  	[smem:$0x3FAE] =	sst s4  }
0xd: {  	[smem:$0x3FAF] =	sst s5  }
0xe: {  	[smem:$0x3FB0] =	sst s6  }
0xf: {  	[smem:$0x3FB1] =	sst s7  }
0x10: {  	[smem:$0x3FB2] =	sst s8  }
0x11: {  	[smem:$0x3FB3] =	sst s9;
	s0 =	simm.s32 @!p0 $0x0  }
0x12: {  	s1 =	sld [smem:$0x3F99];
	s0 =	simm.s32 @p0 $0x1  }
0x13: {  	[smem:$0x3FB4] =	sst s0;
	s0 =	simm.s32 @!p1 $0x0  }
0x14: {  	s2 =	sld [smem:$0x3F98];
	s0 =	simm.s32 @p1 $0x1  }
0x15: {  	[smem:$0x3FB5] =	sst s0;
	s0 =	simm.s32 @!p2 $0x0  }
0x16: {  	s3 =	sld [smem:$0x3FDB];
	s0 =	simm.s32 @p2 $0x1  }
0x17: {  	s4 =	simm.s32 $0x1BF5;
	[smem:$0x3FB7] =	sst s0  }
0x18: {  	s0 =	sld [smem:$0x3F9A];
	_ =	swait.ge [sflag:s4], $0x0  }
0x19: {  	s7 =	sld [smem:$0x3F9B]  }
0x1a: {  	s8 =	sadd.s32 $0xFFFFE003, lr  }
0x1b: {  	s9 =	sadd.s32 $0xFFFFFEF7, lr;
	s5 =	simm.s32 $0xFFFFFFFF;
	p2 =	slt.u32 s8, $0xFFFFF086  }
0x1c: {  	p1 =	slt.u32 s9, $0xF7A;
	s5 =	simm.s32 @!p2 $0x0  }
0x1d: {  	s5 =	simm.s32 @p1 $0x1;
	p0 =	seq.s32 s7, s2  }
0x1e: {  	s7 =	smul.u32 @!p0 $0xF7A, s2;
	p2 =	seq.s32 @!p0 s5, $0x0  }
0x1f: {  	s9 =	smul.u32 $0xF7A, s1;
	s8 =	simm.s32 @!p0 $0x1BF5;
	p2 =	por !p2, p0  }
0x20: {  	[sflag:s8] =	ssyncset.s32 @!p0 $0xFFFFF086;
	s6 =	sadd.s32 @!p0 s3, s7;
	s7 =	simm.s32 @!p0 $0x108  }
0x21: {  	s3 =	sadd.s32 s3, s9;
	s6 =	sadd.s32 @!p0 $0x88, s6;
	s7 =	simm.s32 @p2 $0x1082  }
0x22: {  	[simem:s7], [sflag:s8] =	dma.local @!p0 [hbm:s6], $0xF7A  }
0x23: {  	s9 =	sor.u32 $0xD0000000, s2;
	s6 =	simm.s32 $0x108;
	_ =	swait.ge @!p0 [sflag:s8], $0x0  }
0x24: {  	s3 =	sadd.s32 $0x88, s3;
	s6 =	simm.s32 @!p1 $0x1082;
	[sflag:s4] =	ssyncset.s32 $0xFFFFF086  }
0x25: {  	[simem:s6], [sflag:s4] =	dma.local [hbm:s3], $0xF7A  }
0x26: {  	[smem:$0x3F9B] =	sst s1;
	(tag) =	ssettag s2;
	_ =	strace s9  }
0x27: {  	s1 =	sld [smem:$0x3FAB]  }
0x28: {  	s2 =	sld [smem:$0x3FAC]  }
0x29: {  	s4 =	sld [smem:$0x3FAE]  }
0x2a: {  	p0 =	seq.s32 s5, $0x0;
	s5 =	sld [smem:$0x3FAF]  }
0x2b: {  	s6 =	sld [smem:$0x3FB0]  }
0x2c: {  	s7 =	sld [smem:$0x3FB1]  }
0x2d: {  	s3 =	simm.s32 $0x108;
	s8 =	sld [smem:$0x3FB2]  }
0x2e: {  	s3 =	simm.s32 @!p0 $0x1082;
	s9 =	sld [smem:$0x3FB3]  }
0x2f: {  	lr =	sadd.s32 s0, s3;
	s0 =	sld [smem:$0x3FAA]  }
0x30: {  	s3 =	sld [smem:$0x3FAD]  }
0x31: {  	[smem:$0x3FB6] =	sst s10  }
0x32: {  	s10 =	sld [smem:$0x3FB4];
	_ =	sdelay $0x3  }
0x33: {  	p0 =	seq.s32 s10, $0x1;
	s10 =	sld [smem:$0x3FB6];
	_ =	sdelay $0x3  }
0x34: {  	[smem:$0x3FB6] =	sst s10  }
0x35: {  	s10 =	sld [smem:$0x3FB5];
	_ =	sdelay $0x3  }
0x36: {  	p1 =	seq.s32 s10, $0x1;
	s10 =	sld [smem:$0x3FB6];
	_ =	sdelay $0x3  }
0x37: {  	[smem:$0x3FB6] =	sst s10  }
0x38: {  	s10 =	sld [smem:$0x3FB7]  }
0x39: {  	_ = 	snop;
	(pc) =	sbr.ind lr, $3  }
0x3a: {  	_ = 	snop  }
0x3b: {  	_ = 	snop  }
0x3c: {  	p2 =	seq.s32 s10, $0x1;
	s10 =	sld [smem:$0x3FB6]  }
0x3d: {  	_ =	shalt  }
0x3e: {  	_ =	shalt  }
0x3f: {  	_ =	shalt  }
0x40: {  	_ =	shalt  }
0x41: {  	_ =	shalt  }
0x42: {  	_ =	shalt  }
0x43: {  	_ =	shalt  }
0x44: {  	_ =	shalt  }
0x45: {  	_ =	shalt  }
0x46: {  	_ =	shalt  }
0x47: {  	_ =	shalt  }
0x48: {  	_ =	shalt  }
0x49: {  	_ =	shalt  }
0x4a: {  	_ =	shalt  }
0x4b: {  	_ =	shalt  }
0x4c: {  	_ =	shalt  }
0x4d: {  	_ =	shalt  }
0x4e: {  	_ =	shalt  }
0x4f: {  	_ =	shalt  }
0x50: {  	_ =	shalt  }
0x51: {  	_ =	shalt  }
0x52: {  	_ =	shalt  }
0x53: {  	_ =	shalt  }
0x54: {  	_ =	shalt  }
0x55: {  	_ =	shalt  }
0x56: {  	_ =	shalt  }
0x57: {  	_ =	shalt  }
0x58: {  	_ =	shalt  }
0x59: {  	_ =	shalt  }
0x5a: {  	_ =	shalt  }
0x5b: {  	_ =	shalt  }
0x5c: {  	_ =	shalt  }
0x5d: {  	_ =	shalt  }
0x5e: {  	_ =	shalt  }
0x5f: {  	_ =	shalt  }
0x60: {  	_ =	shalt  }
0x61: {  	_ =	shalt  }
0x62: {  	_ =	shalt  }
0x63: {  	_ =	shalt  }
0x64: {  	_ =	shalt  }
0x65: {  	_ =	shalt  }
0x66: {  	_ =	shalt  }
0x67: {  	_ =	shalt  }
0x68: {  	_ =	shalt  }
0x69: {  	_ =	shalt  }
0x6a: {  	_ =	shalt  }
0x6b: {  	_ =	shalt  }
0x6c: {  	_ =	shalt  }
0x6d: {  	_ =	shalt  }
0x6e: {  	_ =	shalt  }
0x6f: {  	_ =	shalt  }
0x70: {  	_ =	shalt  }
0x71: {  	_ =	shalt  }
0x72: {  	_ =	shalt  }
0x73: {  	_ =	shalt  }
0x74: {  	_ =	shalt  }
0x75: {  	_ =	shalt  }
0x76: {  	_ =	shalt  }
0x77: {  	_ =	shalt  }
0x78: {  	_ =	shalt  }
0x79: {  	_ =	shalt  }
0x7a: {  	_ =	shalt  }
0x7b: {  	_ =	shalt  }
0x7c: {  	_ =	shalt  }
0x7d: {  	_ =	shalt  }
0x7e: {  	_ =	shalt  }
0x7f: {  	_ =	shalt  }
0x80: {  	_ =	shalt  }
0x81: {  	_ =	shalt  }
0x82: {  	_ =	shalt  }
0x83: {  	_ =	shalt  }
0x84: {  	_ =	shalt  }
0x85: {  	_ =	shalt  }
0x86: {  	_ =	shalt  }
0x87: {  	_ =	shalt  }
.Lfunc_end0:
.L_simem_size_0:
called_computation.3_lowered:
.L_overlay_start_0:
0x88: {  	s2 =	sld [smem:$0x3FD9]  }
0x89: {  	s3 =	sld [smem:$0x3FFE];
	_ =	sdelay $0x1  }
0x8a: {  	s1 =	srdreg.scid  }
0x8b: {  	s0 =	sand.u32 $0x1, s1  }
0x8c: {  	s17 =	sshll.u32 s0, $0xA;
	s2 =	sadd.s32 s3, s2  }
0x8d: {  	s2 =	sadd.s32 s2, s17  }
0x8e: {  	[smem:$0x3FC2] =	sst s2  }
0x8f: {  	_ = 	snop  }
0x90: {  	s2 =	sld [smem:$0x3FD0];
	(tm) =	ssettm $0x1  }
0x91: {  	s18 =	sld [smem:$0x3FFB];
	_ =	sdelay $0x3  }
0x92: {  	_ =	strace s18  }
0x93: {  	s3 =	sld [smem:$0x3FFC];
	_ =	sdelay $0x3  }
0x94: {  	_ =	strace s3  }
0x95: {  	s3 =	sld [smem:$0x3FFD];
	_ =	sdelay $0x3  }
0x96: {  	_ =	strace s3  }
0x97: {  	_ =	strace $0x8FFFFFFF  }
0x98: {  	s19 =	sld [smem:$0x3FDB];
	_ =	sdelay $0x1  }
0x99: {  	s4 =	simm.s32 $_scs_section_size  }
0x9a: {  	s5 =	simm.s32 $_size__tile_overlayer_lowered;
	s6 =	simm.s32 $_tile_overlayer_lowered  }
0x9b: {  	s22 =	simm.s32 $0x1BFF;
	s21 =	sshll.u32 s6, $0x1;
	s3 =	sadd.s32 s4, s19  }
0x9c: {  	s7 =	simm.s32 $0x0;
	s20 =	sshll.u32 s5, $0x1;
	s5 =	sadd.s32 s21, s3  }
0x9d: {  	[timem:s7], [sflag:s22] =	dma.local [hbm:s5], s20  }
0x9e: {  	_ =	swait.ge [sflag:s22], s20  }
0x9f: {  	s4 =	ssub.s32 $0x0, s20;
	[sflag:s22] =	ssyncset.done $0x0  }
0xa0: {  	[sflag:s22] =	ssyncadd.s32 s4;
	_ =	sdelay $0x1  }
0xa1: {  	s23 =	simm.s32 $0x1B8B  }
0xa2: {  	_ =	swait.ge [sflag:s23], $0x1  }
0xa3: {  	[sflag:s23] =	ssyncset.done $0x0  }
0xa4: {  	s25 =	simm.s32 $0x1B8E;
	s24 =	sld [smem:$0x3FFE];
	[sflag:s23] =	ssyncadd.s32 $0xFFFFFFFF  }
0xa5: {  	s26 =	simm.s32 $execute0_lowered;
	[smem:$0x3FD2] =	sst s25  }
0xa6: {  	s5 =	sshll.u32 s26, $0x1;
	_ =	strace $0x8000004F;
	[dreg:$0x1] =	wrdreg $0xFFFFFFFF  }
0xa7: {  	s28 =	simm.s32 $_size_execute0_lowered;
	s3 =	sadd.s32 s3, s5;
	[dreg:$0x0] =	wrdreg $0x0  }
0xa8: {  	s5 =	sshll.u32 s28, $0x1;
	[dreg:$0x2] =	wrdreg s3  }
0xa9: {  	[dreg:$0x3] =	wrdreg s5  }
0xaa: {  	[dreg:$0x4] =	wrdreg $0xC0  }
0xab: {  	_ =	task [dreg:s7], $0x5FFFF  }
0xac: {  	[dreg:$0x1] =	wrdreg $0xFFFFFFFF  }
0xad: {  	[dreg:$0x0] =	wrdreg $0x60  }
0xae: {  	[dreg:$0x2] =	wrdreg s2  }
0xaf: {  	[dreg:$0x3] =	wrdreg s24  }
0xb0: {  	[dreg:$0x4] =	wrdreg $0xA8000  }
0xb1: {  	[dreg:$0x5] =	wrdreg $0x9  }
0xb2: {  	_ =	task.clear_ibuf [dreg:s7], $0x6FFFF;
	_ =	strace $0x9000004F  }
0xb3: {  	s29 =	simm.s32 $0x9;
	_ =	strace $0x80000051  }
0xb4: {  	_ =	swait.ge [sflag:s29], $0x1  }
0xb5: {  	[sflag:s29] =	ssyncadd.s32 $0xFFFFFFFF  }
0xb6: {  	_ =	strace $0x90000051  }
0xb7: {  	_ =	sfence  }
0xb8: {  	s30 =	sld [smem:$0x0];
	_ =	sdelay $0x2  }
0xb9: {  	s31 =	sshll.u32 s1, $0xD;
	s1 =	sshrl.u32 s1, $0x2  }
0xba: {  	s3 =	sand.u32 $0x4000, s31;
	s1 =	sadd.s32 s1, s30  }
0xbb: {  	s0 =	sor.u32 s3, s0;
	s1 =	sshll.u32 s1, $0x11  }
0xbc: {  	s0 =	sor.u32 s1, s0  }
0xbd: {  	s0 =	sadd.s32 $0x8F2B, s0  }
0xbe: {  	[sflag:s0] =	ssyncadd.remote.s32 $0x1  }
0xbf: {  	_ =	sfence.sel $0xFFFF  }
0xc0: {  	[dreg:$0x0] =	wrdreg $0xFFFFFFFF;
	(pc) =	sbr.abs _section_cstart, $3  }
0xc1: {  	[dreg:$0x1] =	wrdreg $0xFFFFFFFF  }
0xc2: {  	_ =	task.clear_ibuf [dreg:s7], $0x2FFFF;
	_ =	strace $0x9FFFFFFF  }
0xc3: {  	(tm) =	ssettm $0x7FFFFFFF  }
tec
execute0_lowered:
.L_overlay_start_1:
0x0: {  	(tag) =	ssettag $0x1  }
0x1: {  	s6 =	rddreg [dreg:$0x0]  }
0x2: {  	s4 =	rddreg [dreg:$0x1]  }
0x3: {  	s0 =	srdreg.scid;
	s2 =	rddreg [dreg:$0x2]  }
0x4: {  	s1 =	stileid.u32;
	s3 =	simm.s32 $0x0;
	s18 =	simm.s32 $0x80  }
0x5: {  	s19 =	simm.s32 $0x2800;
	s20 =	simm.s32 $0x1;
	s21 =	simm.s32 $0x6800  }
0x6: {  	s22 =	simm.s32 $0x2;
	s23 =	simm.s32 $0x3;
	s11 =	smul.u32 $0x4F000, s1  }
0x7: {  	s28 =	simm.s32 $0x0;
	s9 =	sand.u32 $0x1, s0;
	s24 =	smul.u32 $0x2780, s1  }
0x8: {  	[smem:$0x7FF] =	sst s3;
	s12 =	sadd.s32 $0x3EA00, s4;
	s13 =	smul.u32 $0x50, s1  }
0x9: {  	s15 =	sadd.s32 $0x128400, s2;
	s14 =	smul.u32 $0x28000, s1;
	p0 =	seq.s32 s1, $0xF  }
0xa: {  	s5 =	sshll.u32 s9, $0x4;
	_ =	strace $0x80000050;
	s29 =	smul.u32 $0x500, s9  }
0xb: {  	s8 =	ssub.s32 $0x2, s9;
	s30 =	smul.u32 $0x280000, s9;
	s5 =	sor.u32 s1, s5  }
0xc: {  	s15 =	sshrl.u32 @p0 s15, $0x3;
	s10 =	sshrl.u32 s8, $0x1;
	s7 =	smul.u32 $0x500, s5  }
0xd: {  	s25 =	sshrl.u32 s11, $0x2;
	s8 =	ssub.s32 s8, s10;
	s26 =	smul.u32 $0x28000, s5  }
0xe: {  	s17 =	sadd.s32 s25, s2;
	s5 =	sadd.s32 s6, s24;
	s6 =	sadd.s32 $0x25080, s6  }
0xf: {  	s13 =	sadd.s32 s13, s29;
	s16 =	sadd.s32 s30, s12;
	s24 =	simm.s32 $0x100  }
0x10: {  	s25 =	simm.s32 $0x4;
	s13 =	sshll.u32 s13, $0xB;
	s31 =	sadd.s32 s14, s16  }
0x11: {  	s14 =	simm.s32 $0x5;
	s16 =	sshll.u32 @!p0 s1, $0x6;
	s7 =	sadd.s32 s7, s4  }
0x12: {  	s17 =	sshrl.u32 @!p0 s17, $0x3;
	s16 =	sor.u32 @!p0 $0x1C05, s16;
	s4 =	sadd.s32 $0xD800, s7  }
0x13: {  	s7 =	smax.u32 s8, $0x1;
	s8 =	sadd.s32 s12, s26;
	s12 =	sadd.s32 s13, s12  }
0x14: {  	s13 =	sadd.s32 $0x1000, s31;
	s26 =	simm.s32 $0x2780;
	s9 =	sadd.s32 $0x800, s8  }
0x15: {  	s10 =	sadd.s32 $0x27000, s8;
	s11 =	sadd.s32 $0x27800, s8;
	s12 =	sadd.s32 $0x1800, s12  }
.LBB2_1:
0x16: {  	[tilespmem:s3], [sflag:$0x5] =	stream.linear.gather [hbm4b:s4+s3], $0x2800, $0x38;
	[tilespmem:$0x1E080] =	vst v63  }
0x17: {  	_ =	swait.ge [sflag:s14], $0x2800  }
0x18: {  	[sflag:s14] =	ssyncset.done $0x0  }
0x19: {  	s29 =	simm.s32 @p0 $0x1FC5;
	[sflag:s14] =	ssyncadd.s32 $0xFFFFD800  }
0x1a: {  	[spmem:s15], [sflag:s29] =	dma.local @p0 [hbm:s6], $0x2080  }
0x1b: {  	s29 =	simm.s32 @p0 $0x5  }
0x1c: {  	_ =	swait.ge @p0 [sflag:s29], $0x2080  }
0x1d: {  	[sflag:s29] =	ssyncset.done @p0 $0x0  }
0x1e: {  	[sflag:s29] =	ssyncadd.s32 @p0 $0xFFFFDF80;
	s29 =	simm.s32 @!p0 $0x5  }
0x1f: {  	[spmem:s17], [sflag:s16] =	dma.local @!p0 [hbm:s5], $0x2780  }
0x20: {  	_ =	swait.ge @!p0 [sflag:s29], $0x2780  }
0x21: {  	[sflag:s29] =	ssyncset.done @!p0 $0x0  }
0x22: {  	[sflag:s29] =	ssyncadd.s32 @!p0 $0xFFFFD880  }
0x23: {  	[bflag:$0x0] =	sbarrier.arrive $0xFFFF  }
0x24: {  	[tilespmem:s19], [sflag:$0x1] =	stream.indirect.gather [spmem:s2], $0x80, s3, s18, $0xb8;
	[tilespmem:$0x1E080] =	vst v63  }
0x25: {  	_ =	swait.ge [sflag:s20], $0x4000  }
0x26: {  	[sflag:s20] =	ssyncset.done $0x0  }
0x27: {  	[sflag:s20] =	ssyncadd.s32 $0xFFFFC000  }
0x28: {  	[tilespmem:s21], [sflag:$0x2] =	stream.indirect.gather [spmem:s2], $0x80, s18, s18, $0xb8;
	[tilespmem:$0x1E080] =	vst v63  }
0x29: {  	_ = 	snop  }
0x2a: {  	[hbm4b:s8+s3] =	stream.linear.scatter [tilespmem:s19], [sflag:$0x3], $0x4000, $0x38;
	[tilespmem:$0x1E080] =	vst v63  }
0x2b: {  	_ =	swait.ge [sflag:s22], $0x4000  }
0x2c: {  	[sflag:s22] =	ssyncset.done $0x0  }
0x2d: {  	[sflag:s22] =	ssyncadd.s32 $0xFFFFC000  }
0x2e: {  	_ =	swait.ge [sflag:s23], $0x4000  }
0x2f: {  	[sflag:s23] =	ssyncset.done $0x0  }
0x30: {  	[sflag:s23] =	ssyncadd.s32 $0xFFFFC000  }
0x31: {  	[tilespmem:s19], [sflag:$0x1] =	stream.indirect.gather [spmem:s2], $0x80, s24, s18, $0xb8;
	[tilespmem:$0x1E080] =	vst v63  }
0x32: {  	_ = 	snop  }
0x33: {  	[hbm4b:s9+s3] =	stream.linear.scatter [tilespmem:s21], [sflag:$0x4], $0x4000, $0x38;
	[tilespmem:$0x1E080] =	vst v63  }
0x34: {  	_ =	swait.ge [sflag:s20], $0x4000  }
0x35: {  	[sflag:s20] =	ssyncset.done $0x0  }
0x36: {  	[sflag:s20] =	ssyncadd.s32 $0xFFFFC000  }
0x37: {  	_ =	swait.ge [sflag:s25], $0x4000  }
0x38: {  	[sflag:s25] =	ssyncset.done $0x0  }
0x39: {  	s29 =	simm.s32 $0x180;
	[sflag:s25] =	ssyncadd.s32 $0xFFFFC000  }
0x3a: {  	[tilespmem:s21], [sflag:$0x2] =	stream.indirect.gather [spmem:s2], $0x80, s29, s18, $0xb8;
	[tilespmem:$0x1E080] =	vst v63  }
0x3b: {  	s29 =	sadd.s32 $0x0, s13  }
0x3c: {  	[hbm4b:s29+s3] =	stream.linear.scatter [tilespmem:s19], [sflag:$0x3], $0x4000, $0x38;
	[tilespmem:$0x1E080] =	vst v63  }
0x3d: {  	_ =	swait.ge [sflag:s22], $0x4000  }
0x3e: {  	[sflag:s22] =	ssyncset.done $0x0  }
0x3f: {  	[sflag:s22] =	ssyncadd.s32 $0xFFFFC000  }
0x40: {  	_ =	swait.ge [sflag:s23], $0x4000  }
0x41: {  	[sflag:s23] =	ssyncset.done $0x0  }
0x42: {  	s29 =	simm.s32 $0x200;
	[sflag:s23] =	ssyncadd.s32 $0xFFFFC000  }
0x43: {  	[tilespmem:s19], [sflag:$0x1] =	stream.indirect.gather [spmem:s2], $0x80, s29, s18, $0xb8;
	[tilespmem:$0x1E080] =	vst v63  }
0x44: {  	s31 =	sadd.s32 $0x0, s12;
	s30 =	simm.s32 $0x300;
	s29 =	simm.s32 $0x1000  }
.LBB2_2:
0x45: {  	[hbm4b:s31+s3] =	stream.linear.scatter [tilespmem:s21], [sflag:$0x4], $0x4000, $0x38;
	[tilespmem:$0x1E080] =	vst v63  }
0x46: {  	s31 =	smov.u32 s29  }
0x47: {  	p1 =	sne.s32 s29, $0x25000;
	s29 =	sadd.s32 $0x1000, s29;
	_ =	swait.ge [sflag:s20], $0x4000  }
0x48: {  	[sflag:s20] =	ssyncset.done $0x0  }
0x49: {  	[sflag:s20] =	ssyncadd.s32 $0xFFFFC000  }
0x4a: {  	_ =	swait.ge [sflag:s25], $0x4000  }
0x4b: {  	[sflag:s25] =	ssyncset.done $0x0  }
0x4c: {  	s0 =	sadd.s32 $0xFFFFFF80, s30;
	[sflag:s25] =	ssyncadd.s32 $0xFFFFC000  }
0x4d: {  	[tilespmem:s21], [sflag:$0x2] =	stream.indirect.gather [spmem:s2], $0x80, s0, s18, $0xb8;
	[tilespmem:$0x1E080] =	vst v63  }
0x4e: {  	s0 =	sadd.s32 s31, s13  }
0x4f: {  	[hbm4b:s0+s3] =	stream.linear.scatter [tilespmem:s19], [sflag:$0x3], $0x4000, $0x38;
	[tilespmem:$0x1E080] =	vst v63  }
0x50: {  	_ =	swait.ge [sflag:s22], $0x4000  }
0x51: {  	[sflag:s22] =	ssyncset.done $0x0  }
0x52: {  	[sflag:s22] =	ssyncadd.s32 $0xFFFFC000  }
.Ltmp0:
0x53: {  	_ =	swait.ge [sflag:s23], $0x4000;
	(pc) =	sbr.rel @p1 .LBB2_2-.Ltmp0, $4  }
0x54: {  	[sflag:s23] =	ssyncset.done $0x0  }
0x55: {  	[sflag:s23] =	ssyncadd.s32 $0xFFFFC000  }
0x56: {  	[tilespmem:s19], [sflag:$0x1] =	stream.indirect.gather [spmem:s2], $0x80, s30, s18, $0xb8;
	[tilespmem:$0x1E080] =	vst v63  }
0x57: {  	s31 =	sadd.s32 s31, s12;
	s30 =	sadd.s32 $0x100, s30  }
0x58: {  	[hbm4b:s31+s3] =	stream.linear.scatter [tilespmem:s21], [sflag:$0x4], $0x4000, $0x38;
	[tilespmem:$0x1E080] =	vst v63  }
0x59: {  	_ =	swait.ge [sflag:s20], $0x4000  }
0x5a: {  	[sflag:s20] =	ssyncset.done $0x0  }
0x5b: {  	[sflag:s20] =	ssyncadd.s32 $0xFFFFC000  }
0x5c: {  	_ =	swait.ge [sflag:s25], $0x4000  }
0x5d: {  	[sflag:s25] =	ssyncset.done $0x0  }
0x5e: {  	[sflag:s25] =	ssyncadd.s32 $0xFFFFC000  }
0x5f: {  	[tilespmem:s21], [sflag:$0x2] =	stream.indirect.gather [spmem:s2], $0x80, s26, s18, $0xb8;
	[tilespmem:$0x1E080] =	vst v63  }
0x60: {  	_ = 	snop  }
0x61: {  	[hbm4b:s10+s3] =	stream.linear.scatter [tilespmem:s19], [sflag:$0x3], $0x4000, $0x38;
	[tilespmem:$0x1E080] =	vst v63  }
0x62: {  	_ =	swait.ge [sflag:s22], $0x4000  }
0x63: {  	[sflag:s22] =	ssyncset.done $0x0  }
0x64: {  	[sflag:s22] =	ssyncadd.s32 $0xFFFFC000  }
0x65: {  	s28 =	sadd.s32 $0x1, s28;
	_ =	swait.ge [sflag:s23], $0x4000  }
0x66: {  	p1 =	sne.s32 s28, s7;
	[sflag:s23] =	ssyncset.done $0x0  }
.Ltmp1:
0x67: {  	[sflag:s23] =	ssyncadd.s32 $0xFFFFC000;
	(pc) =	sbr.rel @p1 .LBB2_1-.Ltmp1, $4  }
0x68: {  	[hbm4b:s11+s3] =	stream.linear.scatter [tilespmem:s21], [sflag:$0x4], $0x4000, $0x38;
	[tilespmem:$0x1E080] =	vst v63  }
0x69: {  	_ =	swait.ge [sflag:s25], $0x4000  }
0x6a: {  	[sflag:s25] =	ssyncset.done $0x0  }
0x6b: {  	[sflag:s25] =	ssyncadd.s32 $0xFFFFC000  }
0x6c: {  	_ =	sfence.sel $0x180000  }
0x6d: {  	[bflag:$0x0] =	sbarrier.arrive $0xFFFF  }
0x6e: {  	_ =	strace $0x90000050  }
0x6f: {  	[bflag:$0x2] =	sbarrier.arrive $0xFFFF  }
0x70: {  	p0 =	sne.s32 s1, $0x0;
	s0 =	rddreg [dreg:$0x3]  }
0x71: {  	s0 =	sadd.s32 @!p0 $0x100000, s0  }
0x72: {  	[sflag:s0] =	ssyncadd.tile.s32 @!p0 $0x1;
	_ =	shalt  }
.Lfunc_end2:
_tile_overlayer_lowered:
.L_overlay_start_2:
0x73: {  	(tag) =	ssettag $0x2  }
0x74: {  	s0 =	rddreg [dreg:$0x0];
	s2 =	stileid.u32  }
0x75: {  	s1 =	rddreg [dreg:$0x1];
	p0 =	sne.s32 s2, $0x0  }
0x76: {  	s3 =	rddreg [dreg:$0x2];
	[bflag:$0x3] =	sbarrier.arrive $0xFFFF;
	s2 =	simm.s32 @!p0 $0x1C05  }
0x77: {  	[timem:s3], [sflag:s2] =	dma.local @!p0 [hbm:s0], s1  }
0x78: {  	s0 =	simm.s32 @!p0 $0x5  }
0x79: {  	_ =	swait.ge @!p0 [sflag:s0], s1  }
0x7a: {  	s1 =	ssub.s32 @!p0 $0x0, s1;
	[sflag:s0] =	ssyncset.done @!p0 $0x0  }
0x7b: {  	[sflag:s0] =	ssyncadd.s32 @!p0 s1  }
0x7c: {  	[bflag:$0x3] =	sbarrier.arrive $0xFFFF  }
0x7d: {  	_ =	shalt  }

// kernel: kernel.22.cloned.1.call-start
scs
__scs_entry_jumppad:
0x0: {  	(pc) =	sbr.rel $0x88, $3  }
0x1: {  	(tag) =	ssettag $0x0;
	lr =	simm.s32 $0x1  }
0x2: {  	[smem:$0x3F9B] =	sst lr;
	_ =	strace $0xD0000000  }
0x3: {  	_ = 	snop  }
0x4: {  	_ = 	snop  }
0x5: {  	_ = 	snop  }
0x6: {  	_ = 	snop  }
0x7: {  	_ = 	snop  }
__scs_overlays_trampoline_lowered:
0x8: {  	[smem:$0x3FAA] =	sst s0  }
0x9: {  	[smem:$0x3FAB] =	sst s1  }
0xa: {  	[smem:$0x3FAC] =	sst s2  }
0xb: {  	[smem:$0x3FAD] =	sst s3  }
0xc: {  	[smem:$0x3FAE] =	sst s4  }
0xd: {  	[smem:$0x3FAF] =	sst s5  }
0xe: {  	[smem:$0x3FB0] =	sst s6  }
0xf: {  	[smem:$0x3FB1] =	sst s7  }
0x10: {  	[smem:$0x3FB2] =	sst s8  }
0x11: {  	[smem:$0x3FB3] =	sst s9;
	s0 =	simm.s32 @!p0 $0x0  }
0x12: {  	s1 =	sld [smem:$0x3F99];
	s0 =	simm.s32 @p0 $0x1  }
0x13: {  	[smem:$0x3FB4] =	sst s0;
	s0 =	simm.s32 @!p1 $0x0  }
0x14: {  	s2 =	sld [smem:$0x3F98];
	s0 =	simm.s32 @p1 $0x1  }
0x15: {  	[smem:$0x3FB5] =	sst s0;
	s0 =	simm.s32 @!p2 $0x0  }
0x16: {  	s3 =	sld [smem:$0x3FDB];
	s0 =	simm.s32 @p2 $0x1  }
0x17: {  	s4 =	simm.s32 $0x1BF5;
	[smem:$0x3FB7] =	sst s0  }
0x18: {  	s0 =	sld [smem:$0x3F9A];
	_ =	swait.ge [sflag:s4], $0x0  }
0x19: {  	s7 =	sld [smem:$0x3F9B]  }
0x1a: {  	s8 =	sadd.s32 $0xFFFFE003, lr  }
0x1b: {  	s9 =	sadd.s32 $0xFFFFFEF7, lr;
	s5 =	simm.s32 $0xFFFFFFFF;
	p2 =	slt.u32 s8, $0xFFFFF086  }
0x1c: {  	p1 =	slt.u32 s9, $0xF7A;
	s5 =	simm.s32 @!p2 $0x0  }
0x1d: {  	s5 =	simm.s32 @p1 $0x1;
	p0 =	seq.s32 s7, s2  }
0x1e: {  	s7 =	smul.u32 @!p0 $0xF7A, s2;
	p2 =	seq.s32 @!p0 s5, $0x0  }
0x1f: {  	s9 =	smul.u32 $0xF7A, s1;
	s8 =	simm.s32 @!p0 $0x1BF5;
	p2 =	por !p2, p0  }
0x20: {  	[sflag:s8] =	ssyncset.s32 @!p0 $0xFFFFF086;
	s6 =	sadd.s32 @!p0 s3, s7;
	s7 =	simm.s32 @!p0 $0x108  }
0x21: {  	s3 =	sadd.s32 s3, s9;
	s6 =	sadd.s32 @!p0 $0x88, s6;
	s7 =	simm.s32 @p2 $0x1082  }
0x22: {  	[simem:s7], [sflag:s8] =	dma.local @!p0 [hbm:s6], $0xF7A  }
0x23: {  	s9 =	sor.u32 $0xD0000000, s2;
	s6 =	simm.s32 $0x108;
	_ =	swait.ge @!p0 [sflag:s8], $0x0  }
0x24: {  	s3 =	sadd.s32 $0x88, s3;
	s6 =	simm.s32 @!p1 $0x1082;
	[sflag:s4] =	ssyncset.s32 $0xFFFFF086  }
0x25: {  	[simem:s6], [sflag:s4] =	dma.local [hbm:s3], $0xF7A  }
0x26: {  	[smem:$0x3F9B] =	sst s1;
	(tag) =	ssettag s2;
	_ =	strace s9  }
0x27: {  	s1 =	sld [smem:$0x3FAB]  }
0x28: {  	s2 =	sld [smem:$0x3FAC]  }
0x29: {  	s4 =	sld [smem:$0x3FAE]  }
0x2a: {  	p0 =	seq.s32 s5, $0x0;
	s5 =	sld [smem:$0x3FAF]  }
0x2b: {  	s6 =	sld [smem:$0x3FB0]  }
0x2c: {  	s7 =	sld [smem:$0x3FB1]  }
0x2d: {  	s3 =	simm.s32 $0x108;
	s8 =	sld [smem:$0x3FB2]  }
0x2e: {  	s3 =	simm.s32 @!p0 $0x1082;
	s9 =	sld [smem:$0x3FB3]  }
0x2f: {  	lr =	sadd.s32 s0, s3;
	s0 =	sld [smem:$0x3FAA]  }
0x30: {  	s3 =	sld [smem:$0x3FAD]  }
0x31: {  	[smem:$0x3FB6] =	sst s10  }
0x32: {  	s10 =	sld [smem:$0x3FB4];
	_ =	sdelay $0x3  }
0x33: {  	p0 =	seq.s32 s10, $0x1;
	s10 =	sld [smem:$0x3FB6];
	_ =	sdelay $0x3  }
0x34: {  	[smem:$0x3FB6] =	sst s10  }
0x35: {  	s10 =	sld [smem:$0x3FB5];
	_ =	sdelay $0x3  }
0x36: {  	p1 =	seq.s32 s10, $0x1;
	s10 =	sld [smem:$0x3FB6];
	_ =	sdelay $0x3  }
0x37: {  	[smem:$0x3FB6] =	sst s10  }
0x38: {  	s10 =	sld [smem:$0x3FB7]  }
0x39: {  	_ = 	snop;
	(pc) =	sbr.ind lr, $3  }
0x3a: {  	_ = 	snop  }
0x3b: {  	_ = 	snop  }
0x3c: {  	p2 =	seq.s32 s10, $0x1;
	s10 =	sld [smem:$0x3FB6]  }
0x3d: {  	_ =	shalt  }
0x3e: {  	_ =	shalt  }
0x3f: {  	_ =	shalt  }
0x40: {  	_ =	shalt  }
0x41: {  	_ =	shalt  }
0x42: {  	_ =	shalt  }
0x43: {  	_ =	shalt  }
0x44: {  	_ =	shalt  }
0x45: {  	_ =	shalt  }
0x46: {  	_ =	shalt  }
0x47: {  	_ =	shalt  }
0x48: {  	_ =	shalt  }
0x49: {  	_ =	shalt  }
0x4a: {  	_ =	shalt  }
0x4b: {  	_ =	shalt  }
0x4c: {  	_ =	shalt  }
0x4d: {  	_ =	shalt  }
0x4e: {  	_ =	shalt  }
0x4f: {  	_ =	shalt  }
0x50: {  	_ =	shalt  }
0x51: {  	_ =	shalt  }
0x52: {  	_ =	shalt  }
0x53: {  	_ =	shalt  }
0x54: {  	_ =	shalt  }
0x55: {  	_ =	shalt  }
0x56: {  	_ =	shalt  }
0x57: {  	_ =	shalt  }
0x58: {  	_ =	shalt  }
0x59: {  	_ =	shalt  }
0x5a: {  	_ =	shalt  }
0x5b: {  	_ =	shalt  }
0x5c: {  	_ =	shalt  }
0x5d: {  	_ =	shalt  }
0x5e: {  	_ =	shalt  }
0x5f: {  	_ =	shalt  }
0x60: {  	_ =	shalt  }
0x61: {  	_ =	shalt  }
0x62: {  	_ =	shalt  }
0x63: {  	_ =	shalt  }
0x64: {  	_ =	shalt  }
0x65: {  	_ =	shalt  }
0x66: {  	_ =	shalt  }
0x67: {  	_ =	shalt  }
0x68: {  	_ =	shalt  }
0x69: {  	_ =	shalt  }
0x6a: {  	_ =	shalt  }
0x6b: {  	_ =	shalt  }
0x6c: {  	_ =	shalt  }
0x6d: {  	_ =	shalt  }
0x6e: {  	_ =	shalt  }
0x6f: {  	_ =	shalt  }
0x70: {  	_ =	shalt  }
0x71: {  	_ =	shalt  }
0x72: {  	_ =	shalt  }
0x73: {  	_ =	shalt  }
0x74: {  	_ =	shalt  }
0x75: {  	_ =	shalt  }
0x76: {  	_ =	shalt  }
0x77: {  	_ =	shalt  }
0x78: {  	_ =	shalt  }
0x79: {  	_ =	shalt  }
0x7a: {  	_ =	shalt  }
0x7b: {  	_ =	shalt  }
0x7c: {  	_ =	shalt  }
0x7d: {  	_ =	shalt  }
0x7e: {  	_ =	shalt  }
0x7f: {  	_ =	shalt  }
0x80: {  	_ =	shalt  }
0x81: {  	_ =	shalt  }
0x82: {  	_ =	shalt  }
0x83: {  	_ =	shalt  }
0x84: {  	_ =	shalt  }
0x85: {  	_ =	shalt  }
0x86: {  	_ =	shalt  }
0x87: {  	_ =	shalt  }
.Lfunc_end0:
.L_simem_size_0:
called_computation.4_lowered:
.L_overlay_start_0:
0x88: {  	s2 =	sld [smem:$0x3FD9]  }
0x89: {  	s3 =	sld [smem:$0x3FFE];
	_ =	sdelay $0x1  }
0x8a: {  	s1 =	srdreg.scid  }
0x8b: {  	s0 =	sand.u32 $0x1, s1  }
0x8c: {  	s16 =	sshll.u32 s0, $0xA;
	s2 =	sadd.s32 s3, s2  }
0x8d: {  	s2 =	sadd.s32 s2, s16  }
0x8e: {  	[smem:$0x3FC2] =	sst s2  }
0x8f: {  	_ = 	snop  }
0x90: {  	(tm) =	ssettm $0x1  }
0x91: {  	s17 =	sld [smem:$0x3FFB];
	_ =	sdelay $0x3  }
0x92: {  	_ =	strace s17  }
0x93: {  	s2 =	sld [smem:$0x3FFC];
	_ =	sdelay $0x3  }
0x94: {  	_ =	strace s2  }
0x95: {  	s2 =	sld [smem:$0x3FFD];
	_ =	sdelay $0x3  }
0x96: {  	_ =	strace s2  }
0x97: {  	_ =	strace $0x8FFFFFFF  }
0x98: {  	s18 =	sld [smem:$0x3FDB];
	_ =	sdelay $0x1  }
0x99: {  	s19 =	simm.s32 $_scs_section_size  }
0x9a: {  	s4 =	simm.s32 $_size__tile_overlayer_lowered;
	s5 =	simm.s32 $_tile_overlayer_lowered  }
0x9b: {  	s22 =	simm.s32 $0x1BFF;
	s21 =	sshll.u32 s5, $0x1;
	s2 =	sadd.s32 s19, s18  }
0x9c: {  	s6 =	simm.s32 $0x0;
	s20 =	sshll.u32 s4, $0x1;
	s4 =	sadd.s32 s21, s2  }
0x9d: {  	[timem:s6], [sflag:s22] =	dma.local [hbm:s4], s20  }
0x9e: {  	_ =	swait.ge [sflag:s22], s20  }
0x9f: {  	s3 =	ssub.s32 $0x0, s20;
	[sflag:s22] =	ssyncset.done $0x0  }
0xa0: {  	[sflag:s22] =	ssyncadd.s32 s3;
	_ =	sdelay $0x1  }
0xa1: {  	s23 =	simm.s32 $0x1B8B  }
0xa2: {  	_ =	swait.ge [sflag:s23], $0x1  }
0xa3: {  	[sflag:s23] =	ssyncset.done $0x0  }
0xa4: {  	s25 =	simm.s32 $0x1B8E;
	s24 =	sld [smem:$0x3FFE];
	[sflag:s23] =	ssyncadd.s32 $0xFFFFFFFF  }
0xa5: {  	s26 =	simm.s32 $execute0_lowered;
	[smem:$0x3FD2] =	sst s25  }
0xa6: {  	s4 =	sshll.u32 s26, $0x1;
	_ =	strace $0x80000052;
	[dreg:$0x1] =	wrdreg $0xFFFFFFFF  }
0xa7: {  	s28 =	simm.s32 $_size_execute0_lowered;
	s2 =	sadd.s32 s2, s4;
	[dreg:$0x0] =	wrdreg $0x0  }
0xa8: {  	s4 =	sshll.u32 s28, $0x1;
	[dreg:$0x2] =	wrdreg s2  }
0xa9: {  	[dreg:$0x3] =	wrdreg s4  }
0xaa: {  	[dreg:$0x4] =	wrdreg $0xC0  }
0xab: {  	_ =	task [dreg:s6], $0x5FFFF  }
0xac: {  	[dreg:$0x1] =	wrdreg $0xFFFFFFFF  }
0xad: {  	[dreg:$0x0] =	wrdreg $0x60  }
0xae: {  	[dreg:$0x2] =	wrdreg s24  }
0xaf: {  	[dreg:$0x3] =	wrdreg $0xA8000  }
0xb0: {  	[dreg:$0x4] =	wrdreg $0x9  }
0xb1: {  	_ =	task.clear_ibuf [dreg:s6], $0x5FFFF;
	_ =	strace $0x90000052  }
0xb2: {  	s29 =	simm.s32 $0x9;
	_ =	strace $0x80000054  }
0xb3: {  	_ =	swait.ge [sflag:s29], $0x1  }
0xb4: {  	[sflag:s29] =	ssyncadd.s32 $0xFFFFFFFF  }
0xb5: {  	_ =	strace $0x90000054  }
0xb6: {  	_ =	sfence  }
0xb7: {  	s30 =	sld [smem:$0x0];
	_ =	sdelay $0x2  }
0xb8: {  	s31 =	sshll.u32 s1, $0xD;
	s1 =	sshrl.u32 s1, $0x2  }
0xb9: {  	s3 =	sand.u32 $0x4000, s31;
	s1 =	sadd.s32 s1, s30  }
0xba: {  	s0 =	sor.u32 s3, s0;
	s1 =	sshll.u32 s1, $0x11  }
0xbb: {  	s0 =	sor.u32 s1, s0  }
0xbc: {  	s0 =	sadd.s32 $0x8F2B, s0  }
0xbd: {  	[sflag:s0] =	ssyncadd.remote.s32 $0x1  }
0xbe: {  	_ =	sfence.sel $0xFFFF  }
0xbf: {  	[dreg:$0x0] =	wrdreg $0xFFFFFFFF;
	(pc) =	sbr.abs _section_cstart, $3  }
0xc0: {  	[dreg:$0x1] =	wrdreg $0xFFFFFFFF  }
0xc1: {  	_ =	task.clear_ibuf [dreg:s6], $0x2FFFF;
	_ =	strace $0x9FFFFFFF  }
0xc2: {  	(tm) =	ssettm $0x7FFFFFFF  }
0xc3: {  	_ =	shalt  }
tec
execute0_lowered:
.L_overlay_start_1:
0x0: {  	(tag) =	ssettag $0x1  }
0x1: {  	s5 =	rddreg [dreg:$0x0]  }
0x2: {  	s0 =	srdreg.scid;
	s2 =	rddreg [dreg:$0x1]  }
0x3: {  	s1 =	stileid.u32;
	s3 =	simm.s32 $0x0;
	s18 =	simm.s32 $0x1  }
0x4: {  	s19 =	simm.s32 $0x6800;
	s20 =	simm.s32 $0x80;
	s21 =	simm.s32 $0x2  }
0x5: {  	s22 =	simm.s32 $0x2700;
	s6 =	sand.u32 $0x1, s0;
	s0 =	rddreg [dreg:$0x2]  }
0x6: {  	s23 =	simm.s32 $0x2780;
	[smem:$0x7FF] =	sst s3;
	s9 =	smul.u32 $0x4F000, s1  }
0x7: {  	s11 =	sadd.s32 $0x3EA00, s5;
	s12 =	sadd.s32 $0x541200, s5;
	s14 =	smul.u32 $0x13C00, s1  }
0x8: {  	s15 =	sadd.s32 $0x128400, s2;
	s28 =	smul.u32 $0x50, s1;
	p0 =	seq.s32 s1, $0xF  }
0x9: {  	s4 =	sshll.u32 s6, $0x4;
	_ =	strace $0x80000053;
	s13 =	smul.u32 $0x138800, s6  }
0xa: {  	s10 =	ssub.s32 $0x2, s6;
	s25 =	smul.u32 $0x500, s6;
	s7 =	sor.u32 s1, s4  }
0xb: {  	s17 =	sshll.u32 @!p0 s1, $0x6;
	s24 =	sshrl.u32 s10, $0x1;
	s4 =	smul.u32 $0x500, s7  }
0xc: {  	s9 =	sshrl.u32 s9, $0x2;
	s7 =	smul.u32 $0x28000, s7;
	s10 =	ssub.s32 s10, s24  }
0xd: {  	s16 =	sadd.s32 s9, s2;
	s26 =	sadd.s32 s14, s13;
	s30 =	sshrl.u32 s13, $0x3  }
0xe: {  	s31 =	sadd.s32 s28, s25;
	s13 =	simm.s32 $0x3;
	s14 =	sshrl.u32 @p0 s15, $0x3  }
0xf: {  	s15 =	sor.u32 @!p0 $0x1C03, s17;
	s17 =	simm.s32 $0x2800;
	s24 =	simm.s32 $0x0  }
0x10: {  	s29 =	sshrl.u32 s26, $0x3;
	s9 =	sadd.s32 s12, s30;
	s16 =	sshrl.u32 @!p0 s16, $0x3  }
0x11: {  	s8 =	sadd.s32 s4, s5;
	s4 =	sadd.s32 $0x53EA00, s5;
	s6 =	sadd.s32 s11, s7  }
0x12: {  	s7 =	sadd.s32 s12, s29;
	s12 =	sshll.u32 s31, $0xB;
	s5 =	sadd.s32 $0x2E00, s8  }
0x13: {  	s8 =	sadd.s32 $0x25080, s9;
	s9 =	smax.u32 s10, $0x1;
	s12 =	sadd.s32 s12, s11  }
0x14: {  	s10 =	sadd.s32 $0x27800, s6;
	s11 =	sadd.s32 $0x1000, s12;
	s12 =	sadd.s32 $0x800, s12  }
.LBB2_1:
0x15: {  	[tilespmem:s3], [sflag:$0x3] =	stream.linear.gather [hbm4b:s5+s3], $0x2800, $0x38;
	[tilespmem:$0x1E400] =	vst v63  }
0x16: {  	_ =	swait.ge [sflag:s13], $0x2800  }
0x17: {  	[sflag:s13] =	ssyncset.done $0x0  }
0x18: {  	s25 =	simm.s32 @p0 $0x1FC3;
	[sflag:s13] =	ssyncadd.s32 $0xFFFFD800  }
0x19: {  	[spmem:s14], [sflag:s25] =	dma.local @p0 [hbm:s4], $0x2080  }
0x1a: {  	s25 =	simm.s32 @p0 $0x3  }
0x1b: {  	_ =	swait.ge @p0 [sflag:s25], $0x2080  }
0x1c: {  	[sflag:s25] =	ssyncset.done @p0 $0x0  }
0x1d: {  	[sflag:s25] =	ssyncadd.s32 @p0 $0xFFFFDF80;
	s25 =	simm.s32 @!p0 $0x3  }
0x1e: {  	[spmem:s16], [sflag:s15] =	dma.local @!p0 [hbm:s4], $0x2780  }
0x1f: {  	_ =	swait.ge @!p0 [sflag:s25], $0x2780  }
0x20: {  	[sflag:s25] =	ssyncset.done @!p0 $0x0  }
0x21: {  	[sflag:s25] =	ssyncadd.s32 @!p0 $0xFFFFD880  }
0x22: {  	[bflag:$0x0] =	sbarrier.arrive $0xFFFF  }
0x23: {  	[tilespmem:s17], [sflag:$0x1] =	stream.linear.gather [hbm4b:s6+s3], $0x4000, $0x38;
	[tilespmem:$0x1E400] =	vst v63  }
0x24: {  	_ =	swait.ge [sflag:s18], $0x4000  }
0x25: {  	[sflag:s18] =	ssyncset.done $0x0  }
0x26: {  	s29 =	sadd.s32 $0x0, s12;
	[sflag:s18] =	ssyncadd.s32 $0xFFFFC000  }
0x27: {  	[tilespmem:s19], [sflag:$0x2] =	stream.linear.gather [hbm4b:s29+s3], $0x4000, $0x38;
	[tilespmem:$0x1E400] =	vst v63  }
0x28: {  	_ = 	snop  }
0x29: {  	[spmem:s2] =	stream.indirect.scatter.add.f32 [tilespmem:s17], [sflag:$0x3], $0x80, s3, s20, $0xb8;
	[tilespmem:$0x1E400] =	vst v63  }
0x2a: {  	_ =	swait.ge [sflag:s13], $0x4000  }
0x2b: {  	[sflag:s13] =	ssyncset.done $0x0  }
0x2c: {  	[sflag:s13] =	ssyncadd.s32 $0xFFFFC000  }
0x2d: {  	_ =	swait.ge [sflag:s21], $0x4000  }
0x2e: {  	[sflag:s21] =	ssyncset.done $0x0  }
0x2f: {  	s30 =	sadd.s32 $0x0, s11;
	[sflag:s21] =	ssyncadd.s32 $0xFFFFC000  }
0x30: {  	[tilespmem:s17], [sflag:$0x1] =	stream.linear.gather [hbm4b:s30+s3], $0x4000, $0x38;
	[tilespmem:$0x1E400] =	vst v63  }
0x31: {  	s31 =	simm.s32 $0x80  }
0x32: {  	[spmem:s2] =	stream.indirect.scatter.add.f32 [tilespmem:s19], [sflag:$0x3], $0x80, s31, s20, $0xb8;
	[tilespmem:$0x1E400] =	vst v63  }
0x33: {  	_ =	swait.ge [sflag:s13], $0x4000  }
0x34: {  	s26 =	simm.s32 $0x0;
	s25 =	simm.s32 $0x1000;
	[sflag:s13] =	ssyncset.done $0x0  }
.LBB2_2:
0x35: {  	p1 =	sne.s32 s25, $0x26000;
	[sflag:s13] =	ssyncadd.s32 $0xFFFFC000;
	s26 =	sadd.s32 $0x100, s26  }
0x36: {  	s28 =	smov.u32 s25;
	s25 =	sadd.s32 $0x1000, s25  }
0x37: {  	_ =	swait.ge [sflag:s18], $0x4000  }
0x38: {  	[sflag:s18] =	ssyncset.done $0x0  }
0x39: {  	s29 =	sadd.s32 s28, s12;
	[sflag:s18] =	ssyncadd.s32 $0xFFFFC000  }
0x3a: {  	[tilespmem:s19], [sflag:$0x2] =	stream.linear.gather [hbm4b:s29+s3], $0x4000, $0x38;
	[tilespmem:$0x1E400] =	vst v63  }
0x3b: {  	_ = 	snop  }
0x3c: {  	[spmem:s2] =	stream.indirect.scatter.add.f32 [tilespmem:s17], [sflag:$0x3], $0x80, s26, s20, $0xb8;
	[tilespmem:$0x1E400] =	vst v63  }
0x3d: {  	_ =	swait.ge [sflag:s13], $0x4000  }
0x3e: {  	[sflag:s13] =	ssyncset.done $0x0  }
0x3f: {  	[sflag:s13] =	ssyncadd.s32 $0xFFFFC000  }
0x40: {  	_ =	swait.ge [sflag:s21], $0x4000  }
0x41: {  	[sflag:s21] =	ssyncset.done $0x0  }
0x42: {  	s28 =	sadd.s32 s28, s11;
	[sflag:s21] =	ssyncadd.s32 $0xFFFFC000  }
0x43: {  	[tilespmem:s17], [sflag:$0x1] =	stream.linear.gather [hbm4b:s28+s3], $0x4000, $0x38;
	[tilespmem:$0x1E400] =	vst v63  }
.Ltmp0:
0x44: {  	_ = 	snop;
	(pc) =	sbr.rel @p1 .LBB2_2-.Ltmp0, $4  }
0x45: {  	s28 =	sadd.s32 $0x80, s26  }
0x46: {  	[spmem:s2] =	stream.indirect.scatter.add.f32 [tilespmem:s19], [sflag:$0x3], $0x80, s28, s20, $0xb8;
	[tilespmem:$0x1E400] =	vst v63  }
0x47: {  	_ =	swait.ge [sflag:s13], $0x4000  }
0x48: {  	[sflag:s13] =	ssyncset.done $0x0  }
0x49: {  	[sflag:s13] =	ssyncadd.s32 $0xFFFFC000  }
0x4a: {  	_ =	swait.ge [sflag:s18], $0x4000  }
0x4b: {  	[sflag:s18] =	ssyncset.done $0x0  }
0x4c: {  	[sflag:s18] =	ssyncadd.s32 $0xFFFFC000  }
0x4d: {  	[tilespmem:s19], [sflag:$0x2] =	stream.linear.gather [hbm4b:s10+s3], $0x4000, $0x38;
	[tilespmem:$0x1E400] =	vst v63  }
0x4e: {  	_ = 	snop  }
0x4f: {  	[spmem:s2] =	stream.indirect.scatter.add.f32 [tilespmem:s17], [sflag:$0x3], $0x80, s22, s20, $0xb8;
	[tilespmem:$0x1E400] =	vst v63  }
0x50: {  	_ =	swait.ge [sflag:s13], $0x4000  }
0x51: {  	[sflag:s13] =	ssyncset.done $0x0  }
0x52: {  	[sflag:s13] =	ssyncadd.s32 $0xFFFFC000  }
0x53: {  	_ =	swait.ge [sflag:s21], $0x4000  }
0x54: {  	[sflag:s21] =	ssyncset.done $0x0  }
0x55: {  	[sflag:s21] =	ssyncadd.s32 $0xFFFFC000  }
0x56: {  	[spmem:s2] =	stream.indirect.scatter.add.f32 [tilespmem:s19], [sflag:$0x3], $0x80, s23, s20, $0xb8;
	[tilespmem:$0x1E400] =	vst v63  }
0x57: {  	_ =	swait.ge [sflag:s13], $0x4000  }
0x58: {  	[sflag:s13] =	ssyncset.done $0x0  }
0x59: {  	[sflag:s13] =	ssyncadd.s32 $0xFFFFC000  }
0x5a: {  	s25 =	simm.s32 @p0 $0x1FC3;
	[bflag:$0x0] =	sbarrier.arrive $0xFFFF  }
0x5b: {  	[hbm:s8], [sflag:s25] =	dma.local @p0 [spmem:s14], $0x2080  }
0x5c: {  	s25 =	simm.s32 @p0 $0x3  }
0x5d: {  	s24 =	sadd.s32 $0x1, s24;
	_ =	swait.ge @p0 [sflag:s25], $0x2080  }
0x5e: {  	p1 =	sne.s32 s24, s9;
	[sflag:s25] =	ssyncset.done @p0 $0x0  }
.Ltmp1:
0x5f: {  	[sflag:s25] =	ssyncadd.s32 @p0 $0xFFFFDF80;
	s25 =	simm.s32 @!p0 $0x3;
	(pc) =	sbr.rel @p1 .LBB2_1-.Ltmp1, $4  }
0x60: {  	[hbm:s7], [sflag:s15] =	dma.local @!p0 [spmem:s16], $0x2780  }
0x61: {  	_ =	swait.ge @!p0 [sflag:s25], $0x2780  }
0x62: {  	[sflag:s25] =	ssyncset.done @!p0 $0x0  }
0x63: {  	[sflag:s25] =	ssyncadd.s32 @!p0 $0xFFFFD880  }
0x64: {  	_ =	sfence.sel $0x180000  }
0x65: {  	[bflag:$0x0] =	sbarrier.arrive $0xFFFF  }
0x66: {  	p0 =	sne.s32 s1, $0x0;
	_ =	strace $0x90000053  }
0x67: {  	s0 =	sadd.s32 @!p0 $0x100000, s0;
	[bflag:$0x2] =	sbarrier.arrive $0xFFFF  }
0x68: {  	[sflag:s0] =	ssyncadd.tile.s32 @!p0 $0x1;
	_ =	shalt  }
.Lfunc_end2:
_tile_overlayer_lowered:
.L_overlay_start_2:
0x69: {  	(tag) =	ssettag $0x2  }
0x6a: {  	s0 =	rddreg [dreg:$0x0];
	s2 =	stileid.u32  }
0x6b: {  	s1 =	rddreg [dreg:$0x1];
	p0 =	sne.s32 s2, $0x0  }
0x6c: {  	s3 =	rddreg [dreg:$0x2];
	[bflag:$0x3] =	sbarrier.arrive $0xFFFF;
	s2 =	simm.s32 @!p0 $0x1C03  }
0x6d: {  	[timem:s3], [sflag:s2] =	dma.local @!p0 [hbm:s0], s1  }
0x6e: {  	s0 =	simm.s32 @!p0 $0x3  }
0x6f: {  	_ =	swait.ge @!p0 [sflag:s0], s1  }
0x70: {  	s1 =	ssub.s32 @!p0 $0x0, s1;
	[sflag:s0] =	ssyncset.done @!p0 $0x0  }
0x71: {  	[sflag:s0] =	ssyncadd.s32 @!p0 s1  }
0x72: {  	[bflag:$0x3] =	sbarrier.arrive $0xFFFF  }
0x73: {  	_ =	shalt  }

</sc_bundles>
